<compile_context>
chip_gen: v7x
topology: tpu7x:2x2x1
jax: 0.10.2.dev20260603
libtpu: 0.0.44.dev20260713+nightly
codegen_flags: <defaults>
</compile_context>

<pallas_src>
import functools

import jax
import jax.numpy as jnp
from jax import lax
from jax.experimental import pallas as pl
from jax.experimental.pallas import tpu as pltpu
from jax.experimental.pallas import tpu_sc as plsc

L = 2048
C = 4096
H = 32
K = 64
S = 33
SP = 40
NCH = 4
CHC = C // NCH
HPC = H // NCH
D = C // H
LBLK = 256
MAX_FREQ = 16.0
MIN_FREQ = 1.0
MAX_RECEPTIVE = 16.0 * MAX_FREQ

NW = 32
TPW = L // NW


def _silu(v):
    return v * jax.nn.sigmoid(v)


def _wave_body(x_ref, ww_ref, bw_ref, rel_ref, idx_ref):
    i = pl.program_id(0)
    wv = jnp.dot(x_ref[...], ww_ref[...], preferred_element_type=jnp.float32)
    wave = _silu(wv + bw_ref[...])
    freq = jax.nn.sigmoid(wave[:, :H]) * (MAX_FREQ - MIN_FREQ) + MIN_FREQ
    phase = jnp.tanh(wave[:, H:]) * MAX_FREQ
    freq_avg = jnp.mean(freq, axis=1, keepdims=True)
    phase_avg = jnp.mean(phase, axis=1, keepdims=True)
    offs = lax.broadcasted_iota(jnp.int32, (LBLK, SP), 1).astype(
        jnp.float32) - 16.0
    rel = offs * freq_avg + phase_avg
    rel_ref[...] = rel
    center = (i * LBLK).astype(jnp.float32) + lax.broadcasted_iota(
        jnp.int32, (LBLK, SP), 0).astype(jnp.float32)
    spos = center + rel
    sidx = jnp.clip(spos.astype(jnp.int32), 0, L - 1)
    i4 = sidx * NCH
    for c in range(NCH):
        idx_ref[:, c, :] = i4 + c


def _stage_a(x2, w_wave, b_wave2):
    return pl.pallas_call(
        _wave_body,
        grid=(L // LBLK,),
        in_specs=[
            pl.BlockSpec((LBLK, C), lambda i: (i, 0)),
            pl.BlockSpec((C, 2 * H), lambda i: (0, 0)),
            pl.BlockSpec((1, 2 * H), lambda i: (0, 0)),
        ],
        out_specs=[
            pl.BlockSpec((LBLK, SP), lambda i: (i, 0)),
            pl.BlockSpec((LBLK, NCH, SP), lambda i: (i, 0, 0)),
        ],
        out_shape=[
            jax.ShapeDtypeStruct((L, SP), jnp.float32),
            jax.ShapeDtypeStruct((L, NCH, SP), jnp.int32),
        ],
    )(x2, w_wave, b_wave2)


LBLKB = 128


def _weights_body(x_ref, wk_ref, bk_ref, rel_ref, w_ref):
    i = pl.program_id(1)
    km = _silu(jnp.dot(x_ref[...], wk_ref[...],
                       preferred_element_type=jnp.float32) + bk_ref[...])
    km3 = km.reshape(LBLKB, HPC, K)
    rel = rel_ref[...]
    center = (i * LBLKB).astype(jnp.float32) + lax.broadcasted_iota(
        jnp.int32, (LBLKB, SP), 0).astype(jnp.float32)
    spos = center + rel
    validf = ((spos >= 0.0) & (spos < float(L))).astype(jnp.float32)
    npos = jnp.clip((rel + MAX_RECEPTIVE) / (2.0 * MAX_RECEPTIVE), 0.0, 1.0)
    idxf = npos * (K - 1)
    ifl = jnp.clip(idxf.astype(jnp.int32), 0, K - 2)
    wce = idxf - ifl.astype(jnp.float32)
    wfl = 1.0 - wce
    pad_mask = (lax.broadcasted_iota(jnp.int32, (LBLKB, SP), 1)
                < S).astype(jnp.float32)
    validf = validf * pad_mask
    ifl3 = jnp.broadcast_to(ifl[:, None, :], (LBLKB, HPC, SP))
    kf = jnp.take_along_axis(km3, ifl3, axis=2)
    kc = jnp.take_along_axis(km3, ifl3 + 1, axis=2)
    kern = (wfl[:, None, :] * kf + wce[:, None, :] * kc) * validf[:, None, :]
    den = jnp.sum(kern, axis=2, keepdims=True) + 1e-8
    w_ref[:, 0, 0, :] = (kern / den).reshape(LBLKB, HPC * SP)


def _stage_b(x2, w_kernel, b_kernel2, rel):
    return pl.pallas_call(
        _weights_body,
        grid=(NCH, L // LBLKB),
        in_specs=[
            pl.BlockSpec((LBLKB, C), lambda j, i: (i, 0)),
            pl.BlockSpec((C, H * K // NCH), lambda j, i: (0, j)),
            pl.BlockSpec((1, H * K // NCH), lambda j, i: (0, j)),
            pl.BlockSpec((LBLKB, SP), lambda j, i: (i, 0)),
        ],
        out_specs=pl.BlockSpec((LBLKB, 1, 1, SP * HPC),
                               lambda j, i: (i, j, 0, 0)),
        out_shape=jax.ShapeDtypeStruct((L, NCH, 1, SP * HPC), jnp.float32),
    )(x2, w_kernel, b_kernel2, rel)


NTASK = TPW * NCH
SG = SP


def _sc_compute(rows_v, w_v, acc_v):
    for h in range(HPC):
        def s_body(s, accs):
            wspl = plsc.load_gather(
                w_v, [jnp.full((16,), h * SP, jnp.int32) + s])
            return tuple(
                accs[j] + wspl * rows_v[s, pl.ds(h * D + j * 16, 16)]
                for j in range(8))
        accs = lax.fori_loop(
            0, S, s_body,
            tuple(jnp.zeros((16,), jnp.float32) for _ in range(8)))
        for j in range(8):
            acc_v[pl.ds(h * D + j * 16, 16)] = accs[j]


def _sc_gather(xr, idx4, warr):
    mesh = plsc.VectorSubcoreMesh(core_axis_name="c", subcore_axis_name="s")

    @functools.partial(
        pl.kernel,
        mesh=mesh,
        out_type=jax.ShapeDtypeStruct((L, NCH, CHC), jnp.float32),
        scratch_types=[
            pltpu.VMEM((SG,), jnp.int32),
            pltpu.VMEM((SG,), jnp.int32),
            pltpu.VMEM((SG, CHC), jnp.float32),
            pltpu.VMEM((SG, CHC), jnp.float32),
            pltpu.VMEM((SP * HPC,), jnp.float32),
            pltpu.VMEM((SP * HPC,), jnp.float32),
            pltpu.VMEM((CHC,), jnp.float32),
            pltpu.VMEM((CHC,), jnp.float32),
            pltpu.SemaphoreType.DMA,
            pltpu.SemaphoreType.DMA,
            pltpu.SemaphoreType.DMA,
            pltpu.SemaphoreType.DMA,
            pltpu.SemaphoreType.DMA,
            pltpu.SemaphoreType.DMA,
            pltpu.SemaphoreType.DMA,
            pltpu.SemaphoreType.DMA,
        ],
        compiler_params=pltpu.CompilerParams(needs_layout_passes=False),
    )
    def body(xr_hbm, idx_hbm, w_hbm, out_hbm,
             idx_a, idx_b, rows0, rows1, w0, w1, acc0, acc1,
             s_ia, s_ib, s_r0, s_r1, s_w0, s_w1, s_s0, s_s1):
        wid = lax.axis_index("s") * 2 + lax.axis_index("c")
        base = wid * TPW

        def lc(task):
            return base + (task >> 2), task & 3

        l0, c0 = lc(0)
        pltpu.sync_copy(idx_hbm.at[l0, c0], idx_a)
        pltpu.async_copy(xr_hbm.at[idx_a], rows0, s_r0)
        l1, c1 = lc(1)
        pltpu.async_copy(idx_hbm.at[l1, c1], idx_b, s_ib)
        pltpu.async_copy(w_hbm.at[l0, c0, 0], w0, s_w0)

        def pair_body(p, carry):
            t_a = 2 * p
            t_b = t_a + 1
            t_c = t_a + 2
            la, ca = lc(t_a)
            lb, cb = lc(t_b)
            lcl, ccl = lc(jnp.minimum(t_c, NTASK - 1))
            pltpu.make_async_copy(idx_hbm.at[lb, cb], idx_b, s_ib).wait()
            pltpu.async_copy(xr_hbm.at[idx_b], rows1, s_r1)
            pltpu.async_copy(w_hbm.at[lb, cb, 0], w1, s_w1)
            pltpu.make_async_copy(w_hbm.at[la, ca, 0], w0, s_w0).wait()
            pltpu.make_async_copy(xr_hbm.at[idx_b], rows0, s_r0).wait()
            pltpu.async_copy(idx_hbm.at[lcl, ccl], idx_a, s_ia)

            @pl.when(p > 0)
            def _():
                pltpu.make_async_copy(acc0, out_hbm.at[la, ca], s_s0).wait()
            _sc_compute(rows0, w0, acc0)
            pltpu.async_copy(acc0, out_hbm.at[la, ca], s_s0)
            pltpu.make_async_copy(idx_hbm.at[lcl, ccl], idx_a, s_ia).wait()

            @pl.when(t_c < NTASK)
            def _():
                pltpu.async_copy(xr_hbm.at[idx_a], rows0, s_r0)
                pltpu.async_copy(w_hbm.at[lcl, ccl, 0], w0, s_w0)
            pltpu.make_async_copy(w_hbm.at[lb, cb, 0], w1, s_w1).wait()
            pltpu.make_async_copy(xr_hbm.at[idx_b], rows1, s_r1).wait()

            @pl.when(t_c < NTASK)
            def _():
                ld, cd = lc(jnp.minimum(t_c + 1, NTASK - 1))
                pltpu.async_copy(idx_hbm.at[ld, cd], idx_b, s_ib)

            @pl.when(p > 0)
            def _():
                pltpu.make_async_copy(acc1, out_hbm.at[lb, cb], s_s1).wait()
            _sc_compute(rows1, w1, acc1)
            pltpu.async_copy(acc1, out_hbm.at[lb, cb], s_s1)
            return carry

        lax.fori_loop(0, NTASK // 2, pair_body, 0)
        lf, cf = lc(NTASK - 2)
        pltpu.make_async_copy(acc0, out_hbm.at[lf, cf], s_s0).wait()
        lg, cg = lc(NTASK - 1)
        pltpu.make_async_copy(acc1, out_hbm.at[lg, cg], s_s1).wait()

    return body(xr, idx4, warr)


def _out_body(g_ref, wo_ref, o_ref):
    g = g_ref[...].astype(jnp.bfloat16)
    acc = jnp.dot(g, wo_ref[...], preferred_element_type=jnp.float32)
    o_ref[...] = _silu(acc)


def _stage_d(og, w_out):
    nj = 8
    return pl.pallas_call(
        _out_body,
        grid=(nj, L // LBLK),
        in_specs=[
            pl.BlockSpec((LBLK, C), lambda j, i: (i, 0)),
            pl.BlockSpec((C, C // nj), lambda j, i: (0, j)),
        ],
        out_specs=pl.BlockSpec((LBLK, C // nj), lambda j, i: (i, j)),
        out_shape=jax.ShapeDtypeStruct((L, C), jnp.float32),
    )(og, w_out)


def kernel(x, W_wave, b_wave, W_kernel, b_kernel, W_out):
    x2 = x[0]
    xr = x2.reshape(L * NCH, CHC)
    rel, idx4 = _stage_a(x2, W_wave, b_wave.reshape(1, -1))
    warr = _stage_b(x2, W_kernel, b_kernel.reshape(1, -1), rel)
    og = _sc_gather(xr, idx4, warr).reshape(L, C)
    y = _stage_d(og, W_out.astype(jnp.bfloat16))
    return y[None]

# --- scband reference (transcript-rebuilt; emitter-appended) ---
"""Pipeline reference for scband-gather-conv-nd-29583734735363 (READ-ONLY COPY).

The authoritative reference and input builder live on the scoring server;
editing this copy changes nothing except your own understanding.
"""

import jax, jax.numpy as jnp
import numpy as np

C = 4096
H = 32
K = 64
HALF_S = 16
S = 2 * HALF_S + 1  # 33
MAX_FREQ = 16.0
MIN_FREQ = 1.0
MAX_RECEPTIVE = HALF_S * MAX_FREQ  # 256.0


def silu(v):
    return v * jax.nn.sigmoid(v)


def setup_inputs(seed: int = 0):
    key = jax.random.key(seed)
    ks = jax.random.split(key, 6)
    B, L = 1, 2048
    x = jax.random.normal(ks[0], (B, L, C), dtype=jnp.float32)
    W_wave = jax.random.normal(ks[1], (C, 2 * H), dtype=jnp.float32) * 0.02
    b_wave = jnp.zeros((2 * H,), dtype=jnp.float32)
    W_kernel = jax.random.normal(ks[2], (C, H * K), dtype=jnp.float32) * 0.02
    b_kernel = jnp.zeros((H * K,), dtype=jnp.float32)
    W_out = jax.random.normal(ks[3], (C, C), dtype=jnp.float32) * 0.02
    return {"x": x, "W_wave": W_wave, "b_wave": b_wave,
            "W_kernel": W_kernel, "b_kernel": b_kernel, "W_out": W_out}


def reference(x, W_wave, b_wave, W_kernel, b_kernel, W_out):
    B, L, C_ = x.shape
    D = C_ // H
    offsets = jnp.arange(-HALF_S, HALF_S + 1, dtype=x.dtype)  # [S]
    # wave params -> per-token freq/phase (averaged over heads)
    wave = silu(x @ W_wave + b_wave).reshape(B, L, 2, H)
    freq = jax.nn.sigmoid(wave[:, :, 0, :]) * (MAX_FREQ - MIN_FREQ) + MIN_FREQ
    phase = jnp.tanh(wave[:, :, 1, :]) * MAX_FREQ
    freq_avg = freq.mean(axis=-1)   # [B, L]
    phase_avg = phase.mean(axis=-1)  # [B, L]
    rel_pos = offsets[None, None, :] * freq_avg[:, :, None] + phase_avg[:, :, None]  # [B,L,S]
    centers = jnp.arange(L, dtype=x.dtype)[None, :, None]
    sample_pos = centers + rel_pos  # [B,L,S]
    valid = ((sample_pos >= 0) & (sample_pos < L)).astype(x.dtype)
    # trunc-toward-zero matches torch .long()
    sample_idx = jnp.clip(sample_pos.astype(jnp.int32), 0, L - 1)  # [B,L,S]
    # kernel magnitudes and linear interpolation at sample positions
    kernel_max = silu(x @ W_kernel + b_kernel).reshape(B, L, H, K)
    norm_pos = jnp.clip((rel_pos + MAX_RECEPTIVE) / (2.0 * MAX_RECEPTIVE), 0.0, 1.0)
    idx_float = norm_pos * (K - 1)
    idx_floor = jnp.clip(idx_float.astype(jnp.int32), 0, K - 2)
    w_ceil = idx_float - idx_floor.astype(x.dtype)
    w_floor = 1.0 - w_ceil
    ifl = jnp.broadcast_to(idx_floor[:, :, None, :], (B, L, H, S))
    k_floor = jnp.take_along_axis(kernel_max, ifl, axis=-1)
    k_ceil = jnp.take_along_axis(kernel_max, ifl + 1, axis=-1)
    kernel = k_floor * w_floor[:, :, None, :] + k_ceil * w_ceil[:, :, None, :]  # [B,L,H,S]
    kernel = kernel * valid[:, :, None, :]
    kernel = kernel / (kernel.sum(axis=-1, keepdims=True) + 1e-8)
    # gather samples and apply kernel (loop over S keeps memory bounded;
    # math identical to the chunked torch loop since centers use absolute positions)
    x_heads = x.reshape(B, L, H, D)
    b_idx = jnp.arange(B)[:, None]
    out = jnp.zeros((B, L, H, D), dtype=x.dtype)
    for s in range(S):
        vals = x_heads[b_idx, sample_idx[:, :, s]]  # [B,L,H,D]
        out = out + kernel[:, :, :, s:s + 1] * vals
    out = out.reshape(B, L, C_)
    return silu(out @ W_out)

if __name__ == "__main__":
    import jax
    _d = setup_inputs()
    print(jax.jit(kernel)(*tuple(_d.values())))

</pallas_src>

<mosaic_0001>
#map = affine_map<(d0, d1) -> (0, 0)>
#map1 = affine_map<(d0, d1) -> (0, 0, 0)>
#map2 = affine_map<(d0, d1) -> (0, 0, 0, 0)>
module attributes {stable_mosaic.version = 14 : i64} {
  func.func @body(%arg0: i32, %arg1: i32, %arg2: memref<8192x1024xf32, #tpu.memory_space<hbm>>, %arg3: memref<2048x4x40xi32, #tpu.memory_space<hbm>>, %arg4: memref<2048x4x1x320xf32, #tpu.memory_space<hbm>>, %arg5: memref<2048x4x1024xf32, #tpu.memory_space<hbm>>, %arg6: memref<40xi32, #tpu.memory_space<vmem>>, %arg7: memref<40xi32, #tpu.memory_space<vmem>>, %arg8: memref<40x1024xf32, #tpu.memory_space<vmem>>, %arg9: memref<40x1024xf32, #tpu.memory_space<vmem>>, %arg10: memref<320xf32, #tpu.memory_space<vmem>>, %arg11: memref<320xf32, #tpu.memory_space<vmem>>, %arg12: memref<1024xf32, #tpu.memory_space<vmem>>, %arg13: memref<1024xf32, #tpu.memory_space<vmem>>, %arg14: memref<!tpu.dma_semaphore, #tpu.memory_space<semaphore_mem>>, %arg15: memref<!tpu.dma_semaphore, #tpu.memory_space<semaphore_mem>>, %arg16: memref<!tpu.dma_semaphore, #tpu.memory_space<semaphore_mem>>, %arg17: memref<!tpu.dma_semaphore, #tpu.memory_space<semaphore_mem>>, %arg18: memref<!tpu.dma_semaphore, #tpu.memory_space<semaphore_mem>>, %arg19: memref<!tpu.dma_semaphore, #tpu.memory_space<semaphore_mem>>, %arg20: memref<!tpu.dma_semaphore, #tpu.memory_space<semaphore_mem>>, %arg21: memref<!tpu.dma_semaphore, #tpu.memory_space<semaphore_mem>>) attributes {dimension_semantics = [#tpu.dimension_semantics<core_parallel>, #tpu.dimension_semantics<subcore_parallel>], iteration_bounds = array<i64: 2, 16>, scalar_prefetch = 0 : i64, scratch_operands = 16 : i64, tpu.core_type = #tpu.core_type<sc_vector_subcore>, window_params = [{transform_indices = #map}, {transform_indices = #map1}, {transform_indices = #map2}, {transform_indices = #map1}]} {
    %mul3A = arith.constant 2 : i32
    %mul3A_0 = arith.muli %arg1, %mul3A : i32
    %add3A = arith.addi %mul3A_0, %arg0 : i32
    %mul3A_1 = arith.constant 64 : i32
    %mul3A_2 = arith.muli %add3A, %mul3A_1 : i32
    %add3A_3 = arith.constant 0 : i32
    %add3A_4 = arith.addi %mul3A_2, %add3A_3 : i32
    %run_scoped3A = arith.constant 0 : i32
    "tpu.region"() ({
      %run_scoped3A_46 = tpu.sem_alloc : memref<!tpu.dma_semaphore, #tpu.memory_space<semaphore_mem>>
      %dma_start3A_47 = arith.constant 0 : i32
      %dma_start3A_48 = tpu.memref_slice %arg3[%add3A_4, %run_scoped3A, %dma_start3A_47] : memref<2048x4x40xi32, #tpu.memory_space<hbm>> -> memref<1x1x40xi32, #tpu.memory_space<hbm>>
      %dma_start3A_49 = tpu.memref_squeeze %dma_start3A_48 : memref<1x1x40xi32, #tpu.memory_space<hbm>> -> memref<40xi32, #tpu.memory_space<hbm>>
      %dma_start3A_50 = arith.constant 0 : i32
      %dma_start3A_51 = tpu.memref_slice %arg3[%add3A_4, %run_scoped3A, %dma_start3A_50] : memref<2048x4x40xi32, #tpu.memory_space<hbm>> -> memref<1x1x40xi32, #tpu.memory_space<hbm>>
      %dma_start3A_52 = tpu.memref_squeeze %dma_start3A_51 : memref<1x1x40xi32, #tpu.memory_space<hbm>> -> memref<40xi32, #tpu.memory_space<hbm>>
      tpu.enqueue_dma source(%dma_start3A_52 : memref<40xi32, #tpu.memory_space<hbm>>) target(%arg6 : memref<40xi32, #tpu.memory_space<vmem>>) target_semaphore(%run_scoped3A_46 : memref<!tpu.dma_semaphore, #tpu.memory_space<semaphore_mem>>)
      %dma_wait3A_53 = arith.constant 0 : i32
      %dma_wait3A_54 = tpu.memref_slice %arg3[%add3A_4, %run_scoped3A, %dma_wait3A_53] : memref<2048x4x40xi32, #tpu.memory_space<hbm>> -> memref<1x1x40xi32, #tpu.memory_space<hbm>>
      %dma_wait3A_55 = tpu.memref_squeeze %dma_wait3A_54 : memref<1x1x40xi32, #tpu.memory_space<hbm>> -> memref<40xi32, #tpu.memory_space<hbm>>
      %dma_wait3A_56 = arith.constant 0 : i32
      %dma_wait3A_57 = tpu.memref_slice %arg3[%add3A_4, %run_scoped3A, %dma_wait3A_56] : memref<2048x4x40xi32, #tpu.memory_space<hbm>> -> memref<1x1x40xi32, #tpu.memory_space<hbm>>
      %dma_wait3A_58 = tpu.memref_squeeze %dma_wait3A_57 : memref<1x1x40xi32, #tpu.memory_space<hbm>> -> memref<40xi32, #tpu.memory_space<hbm>>
      tpu.wait_dma2 semaphore(%run_scoped3A_46 : memref<!tpu.dma_semaphore, #tpu.memory_space<semaphore_mem>>) src(%dma_wait3A_58 : memref<40xi32, #tpu.memory_space<hbm>>) dst(%arg6 : memref<40xi32, #tpu.memory_space<vmem>>)
      tpu.yield
    }) : () -> ()
    %dma_start3A = arith.constant 0 : i32
    %dma_start3A_5 = arith.constant 0 : i32
    %dma_start3A_6 = tpu.memref_slice %arg2[%dma_start3A, %dma_start3A_5] : memref<8192x1024xf32, #tpu.memory_space<hbm>> -> memref<8192x1024xf32, #tpu.memory_space<hbm>>
    tpu.enqueue_indirect_dma source(%dma_start3A_6 : memref<8192x1024xf32, #tpu.memory_space<hbm>>) target(%arg8 : memref<40x1024xf32, #tpu.memory_space<vmem>>) offsets(%arg6 : memref<40xi32, #tpu.memory_space<vmem>>) semaphore(%arg16 : memref<!tpu.dma_semaphore, #tpu.memory_space<semaphore_mem>>)
    %add3A_7 = arith.constant 0 : i32
    %add3A_8 = arith.addi %mul3A_2, %add3A_7 : i32
    %dma_start3A_9 = arith.constant 1 : i32
    %dma_start3A_10 = arith.constant 0 : i32
    %dma_start3A_11 = tpu.memref_slice %arg3[%add3A_8, %dma_start3A_9, %dma_start3A_10] : memref<2048x4x40xi32, #tpu.memory_space<hbm>> -> memref<1x1x40xi32, #tpu.memory_space<hbm>>
    %dma_start3A_12 = tpu.memref_squeeze %dma_start3A_11 : memref<1x1x40xi32, #tpu.memory_space<hbm>> -> memref<40xi32, #tpu.memory_space<hbm>>
    %dma_start3A_13 = arith.constant 0 : i32
    %dma_start3A_14 = tpu.memref_slice %arg3[%add3A_8, %dma_start3A_9, %dma_start3A_13] : memref<2048x4x40xi32, #tpu.memory_space<hbm>> -> memref<1x1x40xi32, #tpu.memory_space<hbm>>
    %dma_start3A_15 = tpu.memref_squeeze %dma_start3A_14 : memref<1x1x40xi32, #tpu.memory_space<hbm>> -> memref<40xi32, #tpu.memory_space<hbm>>
    tpu.enqueue_dma source(%dma_start3A_15 : memref<40xi32, #tpu.memory_space<hbm>>) target(%arg7 : memref<40xi32, #tpu.memory_space<vmem>>) target_semaphore(%arg15 : memref<!tpu.dma_semaphore, #tpu.memory_space<semaphore_mem>>)
    %dma_start3A_16 = arith.constant 0 : i32
    %dma_start3A_17 = arith.constant 0 : i32
    %dma_start3A_18 = arith.constant 0 : i32
    %dma_start3A_19 = tpu.memref_slice %arg4[%add3A_4, %dma_start3A_16, %dma_start3A_17, %dma_start3A_18] : memref<2048x4x1x320xf32, #tpu.memory_space<hbm>> -> memref<1x1x1x320xf32, #tpu.memory_space<hbm>>
    %dma_start3A_20 = tpu.memref_squeeze %dma_start3A_19 : memref<1x1x1x320xf32, #tpu.memory_space<hbm>> -> memref<320xf32, #tpu.memory_space<hbm>>
    %dma_start3A_21 = arith.constant 0 : i32
    %dma_start3A_22 = tpu.memref_slice %arg4[%add3A_4, %dma_start3A_16, %dma_start3A_17, %dma_start3A_21] : memref<2048x4x1x320xf32, #tpu.memory_space<hbm>> -> memref<1x1x1x320xf32, #tpu.memory_space<hbm>>
    %dma_start3A_23 = tpu.memref_squeeze %dma_start3A_22 : memref<1x1x1x320xf32, #tpu.memory_space<hbm>> -> memref<320xf32, #tpu.memory_space<hbm>>
    tpu.enqueue_dma source(%dma_start3A_23 : memref<320xf32, #tpu.memory_space<hbm>>) target(%arg10 : memref<320xf32, #tpu.memory_space<vmem>>) target_semaphore(%arg18 : memref<!tpu.dma_semaphore, #tpu.memory_space<semaphore_mem>>)
    %scan3A = arith.constant 0 : i32
    %scan3A_24 = arith.constant 0 : i32
    %scan3A_25 = arith.constant 128 : i32
    %scan3A_26 = arith.addi %scan3A_24, %scan3A_25 : i32
    %scan3A_27 = arith.constant 1 : i32
    scf.for %scan3A_46 = %scan3A_24 to %scan3A_26 step %scan3A_27  : i32 {
      %mul3A_47 = arith.constant 2 : i32
      %mul3A_48 = arith.muli %mul3A_47, %scan3A_46 : i32
      %add3A_49 = arith.constant 1 : i32
      %add3A_50 = arith.addi %mul3A_48, %add3A_49 : i32
      %add3A_51 = arith.constant 2 : i32
      %add3A_52 = arith.addi %mul3A_48, %add3A_51 : i32
      %shift_right_arithmetic3A = arith.constant 2 : i32
      %shift_right_arithmetic3A_53 = arith.shrsi %mul3A_48, %shift_right_arithmetic3A : i32
      %add3A_54 = arith.addi %mul3A_2, %shift_right_arithmetic3A_53 : i32
      %and3A = arith.constant 3 : i32
      %and3A_55 = arith.andi %mul3A_48, %and3A : i32
      %shift_right_arithmetic3A_56 = arith.constant 2 : i32
      %shift_right_arithmetic3A_57 = arith.shrsi %add3A_50, %shift_right_arithmetic3A_56 : i32
      %add3A_58 = arith.addi %mul3A_2, %shift_right_arithmetic3A_57 : i32
      %and3A_59 = arith.constant 3 : i32
      %and3A_60 = arith.andi %add3A_50, %and3A_59 : i32
      %min3A = arith.constant 255 : i32
      %min3A_61 = arith.minsi %add3A_52, %min3A : i32
      %shift_right_arithmetic3A_62 = arith.constant 2 : i32
      %shift_right_arithmetic3A_63 = arith.shrsi %min3A_61, %shift_right_arithmetic3A_62 : i32
      %add3A_64 = arith.addi %mul3A_2, %shift_right_arithmetic3A_63 : i32
      %and3A_65 = arith.constant 3 : i32
      %and3A_66 = arith.andi %min3A_61, %and3A_65 : i32
      %dma_wait3A_67 = arith.constant 0 : i32
      %dma_wait3A_68 = tpu.memref_slice %arg3[%add3A_58, %and3A_60, %dma_wait3A_67] : memref<2048x4x40xi32, #tpu.memory_space<hbm>> -> memref<1x1x40xi32, #tpu.memory_space<hbm>>
      %dma_wait3A_69 = tpu.memref_squeeze %dma_wait3A_68 : memref<1x1x40xi32, #tpu.memory_space<hbm>> -> memref<40xi32, #tpu.memory_space<hbm>>
      %dma_wait3A_70 = arith.constant 0 : i32
      %dma_wait3A_71 = tpu.memref_slice %arg3[%add3A_58, %and3A_60, %dma_wait3A_70] : memref<2048x4x40xi32, #tpu.memory_space<hbm>> -> memref<1x1x40xi32, #tpu.memory_space<hbm>>
      %dma_wait3A_72 = tpu.memref_squeeze %dma_wait3A_71 : memref<1x1x40xi32, #tpu.memory_space<hbm>> -> memref<40xi32, #tpu.memory_space<hbm>>
      tpu.wait_dma2 semaphore(%arg15 : memref<!tpu.dma_semaphore, #tpu.memory_space<semaphore_mem>>) src(%dma_wait3A_72 : memref<40xi32, #tpu.memory_space<hbm>>) dst(%arg7 : memref<40xi32, #tpu.memory_space<vmem>>)
      %dma_start3A_73 = arith.constant 0 : i32
      %dma_start3A_74 = arith.constant 0 : i32
      %dma_start3A_75 = tpu.memref_slice %arg2[%dma_start3A_73, %dma_start3A_74] : memref<8192x1024xf32, #tpu.memory_space<hbm>> -> memref<8192x1024xf32, #tpu.memory_space<hbm>>
      tpu.enqueue_indirect_dma source(%dma_start3A_75 : memref<8192x1024xf32, #tpu.memory_space<hbm>>) target(%arg9 : memref<40x1024xf32, #tpu.memory_space<vmem>>) offsets(%arg7 : memref<40xi32, #tpu.memory_space<vmem>>) semaphore(%arg17 : memref<!tpu.dma_semaphore, #tpu.memory_space<semaphore_mem>>)
      %dma_start3A_76 = arith.constant 0 : i32
      %dma_start3A_77 = arith.constant 0 : i32
      %dma_start3A_78 = tpu.memref_slice %arg4[%add3A_58, %and3A_60, %dma_start3A_76, %dma_start3A_77] : memref<2048x4x1x320xf32, #tpu.memory_space<hbm>> -> memref<1x1x1x320xf32, #tpu.memory_space<hbm>>
      %dma_start3A_79 = tpu.memref_squeeze %dma_start3A_78 : memref<1x1x1x320xf32, #tpu.memory_space<hbm>> -> memref<320xf32, #tpu.memory_space<hbm>>
      %dma_start3A_80 = arith.constant 0 : i32
      %dma_start3A_81 = tpu.memref_slice %arg4[%add3A_58, %and3A_60, %dma_start3A_76, %dma_start3A_80] : memref<2048x4x1x320xf32, #tpu.memory_space<hbm>> -> memref<1x1x1x320xf32, #tpu.memory_space<hbm>>
      %dma_start3A_82 = tpu.memref_squeeze %dma_start3A_81 : memref<1x1x1x320xf32, #tpu.memory_space<hbm>> -> memref<320xf32, #tpu.memory_space<hbm>>
      tpu.enqueue_dma source(%dma_start3A_82 : memref<320xf32, #tpu.memory_space<hbm>>) target(%arg11 : memref<320xf32, #tpu.memory_space<vmem>>) target_semaphore(%arg19 : memref<!tpu.dma_semaphore, #tpu.memory_space<semaphore_mem>>)
      %dma_wait3A_83 = arith.constant 0 : i32
      %dma_wait3A_84 = arith.constant 0 : i32
      %dma_wait3A_85 = tpu.memref_slice %arg4[%add3A_54, %and3A_55, %dma_wait3A_83, %dma_wait3A_84] : memref<2048x4x1x320xf32, #tpu.memory_space<hbm>> -> memref<1x1x1x320xf32, #tpu.memory_space<hbm>>
      %dma_wait3A_86 = tpu.memref_squeeze %dma_wait3A_85 : memref<1x1x1x320xf32, #tpu.memory_space<hbm>> -> memref<320xf32, #tpu.memory_space<hbm>>
      %dma_wait3A_87 = arith.constant 0 : i32
      %dma_wait3A_88 = tpu.memref_slice %arg4[%add3A_54, %and3A_55, %dma_wait3A_83, %dma_wait3A_87] : memref<2048x4x1x320xf32, #tpu.memory_space<hbm>> -> memref<1x1x1x320xf32, #tpu.memory_space<hbm>>
      %dma_wait3A_89 = tpu.memref_squeeze %dma_wait3A_88 : memref<1x1x1x320xf32, #tpu.memory_space<hbm>> -> memref<320xf32, #tpu.memory_space<hbm>>
      tpu.wait_dma2 semaphore(%arg18 : memref<!tpu.dma_semaphore, #tpu.memory_space<semaphore_mem>>) src(%dma_wait3A_89 : memref<320xf32, #tpu.memory_space<hbm>>) dst(%arg10 : memref<320xf32, #tpu.memory_space<vmem>>)
      %dma_wait3A_90 = arith.constant 0 : i32
      %dma_wait3A_91 = arith.constant 0 : i32
      %dma_wait3A_92 = tpu.memref_slice %arg2[%dma_wait3A_90, %dma_wait3A_91] : memref<8192x1024xf32, #tpu.memory_space<hbm>> -> memref<8192x1024xf32, #tpu.memory_space<hbm>>
      tpu.wait_indirect_dma semaphore(%arg16 : memref<!tpu.dma_semaphore, #tpu.memory_space<semaphore_mem>>) src(%dma_wait3A_92 : memref<8192x1024xf32, #tpu.memory_space<hbm>>) dst(%arg8 : memref<40x1024xf32, #tpu.memory_space<vmem>>)
      %dma_start3A_93 = arith.constant 0 : i32
      %dma_start3A_94 = tpu.memref_slice %arg3[%add3A_64, %and3A_66, %dma_start3A_93] : memref<2048x4x40xi32, #tpu.memory_space<hbm>> -> memref<1x1x40xi32, #tpu.memory_space<hbm>>
      %dma_start3A_95 = tpu.memref_squeeze %dma_start3A_94 : memref<1x1x40xi32, #tpu.memory_space<hbm>> -> memref<40xi32, #tpu.memory_space<hbm>>
      %dma_start3A_96 = arith.constant 0 : i32
      %dma_start3A_97 = tpu.memref_slice %arg3[%add3A_64, %and3A_66, %dma_start3A_96] : memref<2048x4x40xi32, #tpu.memory_space<hbm>> -> memref<1x1x40xi32, #tpu.memory_space<hbm>>
      %dma_start3A_98 = tpu.memref_squeeze %dma_start3A_97 : memref<1x1x40xi32, #tpu.memory_space<hbm>> -> memref<40xi32, #tpu.memory_space<hbm>>
      tpu.enqueue_dma source(%dma_start3A_98 : memref<40xi32, #tpu.memory_space<hbm>>) target(%arg6 : memref<40xi32, #tpu.memory_space<vmem>>) target_semaphore(%arg14 : memref<!tpu.dma_semaphore, #tpu.memory_space<semaphore_mem>>)
      %gt3A = arith.constant 0 : i32
      %gt3A_99 = arith.cmpi sgt, %scan3A_46, %gt3A : i32
      %convert_element_type3A = arith.extui %gt3A_99 : i1 to i32
      %cond3A = arith.constant 0 : i32
      %cond3A_100 = arith.cmpi ne, %convert_element_type3A, %cond3A : i32
      scf.if %cond3A_100 {
        %dma_wait3A_749 = arith.constant 0 : i32
        %dma_wait3A_750 = tpu.memref_slice %arg5[%add3A_54, %and3A_55, %dma_wait3A_749] : memref<2048x4x1024xf32, #tpu.memory_space<hbm>> -> memref<1x1x1024xf32, #tpu.memory_space<hbm>>
        %dma_wait3A_751 = tpu.memref_squeeze %dma_wait3A_750 : memref<1x1x1024xf32, #tpu.memory_space<hbm>> -> memref<1024xf32, #tpu.memory_space<hbm>>
        %dma_wait3A_752 = arith.constant 0 : i32
        %dma_wait3A_753 = tpu.memref_slice %arg5[%add3A_54, %and3A_55, %dma_wait3A_752] : memref<2048x4x1024xf32, #tpu.memory_space<hbm>> -> memref<1x1x1024xf32, #tpu.memory_space<hbm>>
        %dma_wait3A_754 = tpu.memref_squeeze %dma_wait3A_753 : memref<1x1x1024xf32, #tpu.memory_space<hbm>> -> memref<1024xf32, #tpu.memory_space<hbm>>
        tpu.wait_dma2 semaphore(%arg20 : memref<!tpu.dma_semaphore, #tpu.memory_space<semaphore_mem>>) src(%arg12 : memref<1024xf32, #tpu.memory_space<vmem>>) dst(%dma_wait3A_754 : memref<1024xf32, #tpu.memory_space<hbm>>)
      } else {
      }
      %broadcast_in_dim3A = arith.constant 0.000000e+00 : f32
      %broadcast_in_dim3A_101 = vector.broadcast %broadcast_in_dim3A : f32 to vector<16xf32>
      %broadcast_in_dim3A_102 = arith.constant 0.000000e+00 : f32
      %broadcast_in_dim3A_103 = vector.broadcast %broadcast_in_dim3A_102 : f32 to vector<16xf32>
      %broadcast_in_dim3A_104 = arith.constant 0.000000e+00 : f32
      %broadcast_in_dim3A_105 = vector.broadcast %broadcast_in_dim3A_104 : f32 to vector<16xf32>
      %broadcast_in_dim3A_106 = arith.constant 0.000000e+00 : f32
      %broadcast_in_dim3A_107 = vector.broadcast %broadcast_in_dim3A_106 : f32 to vector<16xf32>
      %broadcast_in_dim3A_108 = arith.constant 0.000000e+00 : f32
      %broadcast_in_dim3A_109 = vector.broadcast %broadcast_in_dim3A_108 : f32 to vector<16xf32>
      %broadcast_in_dim3A_110 = arith.constant 0.000000e+00 : f32
      %broadcast_in_dim3A_111 = vector.broadcast %broadcast_in_dim3A_110 : f32 to vector<16xf32>
      %broadcast_in_dim3A_112 = arith.constant 0.000000e+00 : f32
      %broadcast_in_dim3A_113 = vector.broadcast %broadcast_in_dim3A_112 : f32 to vector<16xf32>
      %broadcast_in_dim3A_114 = arith.constant 0.000000e+00 : f32
      %broadcast_in_dim3A_115 = vector.broadcast %broadcast_in_dim3A_114 : f32 to vector<16xf32>
      %scan3A_116 = arith.constant 0 : i32
      %scan3A_117 = arith.constant 33 : i32
      %scan3A_118 = arith.addi %scan3A_116, %scan3A_117 : i32
      %scan3A_119 = arith.constant 1 : i32
      %scan3A_120:8 = scf.for %scan3A_749 = %scan3A_116 to %scan3A_118 step %scan3A_119 iter_args(%scan3A_750 = %broadcast_in_dim3A_101, %scan3A_751 = %broadcast_in_dim3A_103, %scan3A_752 = %broadcast_in_dim3A_105, %scan3A_753 = %broadcast_in_dim3A_107, %scan3A_754 = %broadcast_in_dim3A_109, %scan3A_755 = %broadcast_in_dim3A_111, %scan3A_756 = %broadcast_in_dim3A_113, %scan3A_757 = %broadcast_in_dim3A_115) -> (vector<16xf32>, vector<16xf32>, vector<16xf32>, vector<16xf32>, vector<16xf32>, vector<16xf32>, vector<16xf32>, vector<16xf32>)  : i32 {
        %broadcast_in_dim3A_758 = arith.constant 0 : i32
        %broadcast_in_dim3A_759 = vector.broadcast %broadcast_in_dim3A_758 : i32 to vector<16xi32>
        %add3A_760 = vector.broadcast %scan3A_749 : i32 to vector<16xi32>
        %add3A_761 = arith.addi %broadcast_in_dim3A_759, %add3A_760 : vector<16xi32>
        %gather3A = tpu.vector_load_idx %arg10[%add3A_761] : memref<320xf32, #tpu.memory_space<vmem>>[vector<16xi32>], vector<16xf32>,
        %get3A = arith.index_cast %scan3A_749 : i32 to index
        %get3A_762 = arith.constant 0 : index
        %get3A_763 = tpu.vector_load %arg8[%get3A, %get3A_762] {strides = array<i32>} : memref<40x1024xf32, #tpu.memory_space<vmem>>, vector<16xf32>,
        %mul3A_764 = arith.mulf %gather3A, %get3A_763 : vector<16xf32>
        %add3A_765 = arith.addf %scan3A_750, %mul3A_764 : vector<16xf32>
        %get3A_766 = arith.index_cast %scan3A_749 : i32 to index
        %get3A_767 = arith.constant 16 : index
        %get3A_768 = tpu.vector_load %arg8[%get3A_766, %get3A_767] {strides = array<i32>} : memref<40x1024xf32, #tpu.memory_space<vmem>>, vector<16xf32>,
        %mul3A_769 = arith.mulf %gather3A, %get3A_768 : vector<16xf32>
        %add3A_770 = arith.addf %scan3A_751, %mul3A_769 : vector<16xf32>
        %get3A_771 = arith.index_cast %scan3A_749 : i32 to index
        %get3A_772 = arith.constant 32 : index
        %get3A_773 = tpu.vector_load %arg8[%get3A_771, %get3A_772] {strides = array<i32>} : memref<40x1024xf32, #tpu.memory_space<vmem>>, vector<16xf32>,
        %mul3A_774 = arith.mulf %gather3A, %get3A_773 : vector<16xf32>
        %add3A_775 = arith.addf %scan3A_752, %mul3A_774 : vector<16xf32>
        %get3A_776 = arith.index_cast %scan3A_749 : i32 to index
        %get3A_777 = arith.constant 48 : index
        %get3A_778 = tpu.vector_load %arg8[%get3A_776, %get3A_777] {strides = array<i32>} : memref<40x1024xf32, #tpu.memory_space<vmem>>, vector<16xf32>,
        %mul3A_779 = arith.mulf %gather3A, %get3A_778 : vector<16xf32>
        %add3A_780 = arith.addf %scan3A_753, %mul3A_779 : vector<16xf32>
        %get3A_781 = arith.index_cast %scan3A_749 : i32 to index
        %get3A_782 = arith.constant 64 : index
        %get3A_783 = tpu.vector_load %arg8[%get3A_781, %get3A_782] {strides = array<i32>} : memref<40x1024xf32, #tpu.memory_space<vmem>>, vector<16xf32>,
        %mul3A_784 = arith.mulf %gather3A, %get3A_783 : vector<16xf32>
        %add3A_785 = arith.addf %scan3A_754, %mul3A_784 : vector<16xf32>
        %get3A_786 = arith.index_cast %scan3A_749 : i32 to index
        %get3A_787 = arith.constant 80 : index
        %get3A_788 = tpu.vector_load %arg8[%get3A_786, %get3A_787] {strides = array<i32>} : memref<40x1024xf32, #tpu.memory_space<vmem>>, vector<16xf32>,
        %mul3A_789 = arith.mulf %gather3A, %get3A_788 : vector<16xf32>
        %add3A_790 = arith.addf %scan3A_755, %mul3A_789 : vector<16xf32>
        %get3A_791 = arith.index_cast %scan3A_749 : i32 to index
        %get3A_792 = arith.constant 96 : index
        %get3A_793 = tpu.vector_load %arg8[%get3A_791, %get3A_792] {strides = array<i32>} : memref<40x1024xf32, #tpu.memory_space<vmem>>, vector<16xf32>,
        %mul3A_794 = arith.mulf %gather3A, %get3A_793 : vector<16xf32>
        %add3A_795 = arith.addf %scan3A_756, %mul3A_794 : vector<16xf32>
        %get3A_796 = arith.index_cast %scan3A_749 : i32 to index
        %get3A_797 = arith.constant 112 : index
        %get3A_798 = tpu.vector_load %arg8[%get3A_796, %get3A_797] {strides = array<i32>} : memref<40x1024xf32, #tpu.memory_space<vmem>>, vector<16xf32>,
        %mul3A_799 = arith.mulf %gather3A, %get3A_798 : vector<16xf32>
        %add3A_800 = arith.addf %scan3A_757, %mul3A_799 : vector<16xf32>
        scf.yield %add3A_765, %add3A_770, %add3A_775, %add3A_780, %add3A_785, %add3A_790, %add3A_795, %add3A_800 : vector<16xf32>, vector<16xf32>, vector<16xf32>, vector<16xf32>, vector<16xf32>, vector<16xf32>, vector<16xf32>, vector<16xf32>
      }
      %scan3A_121 = arith.constant 33 : i32
      %swap3A = arith.constant 0 : index
      %swap3A_122 = tpu.vector_load %arg12[%swap3A] {strides = array<i32>} : memref<1024xf32, #tpu.memory_space<vmem>>, vector<16xf32>,
      tpu.vector_store %arg12[%swap3A], %scan3A_120#0 {strides = array<i32>} : memref<1024xf32, #tpu.memory_space<vmem>>, vector<16xf32>,
      %swap3A_123 = arith.constant 16 : index
      %swap3A_124 = tpu.vector_load %arg12[%swap3A_123] {strides = array<i32>} : memref<1024xf32, #tpu.memory_space<vmem>>, vector<16xf32>,
      tpu.vector_store %arg12[%swap3A_123], %scan3A_120#1 {strides = array<i32>} : memref<1024xf32, #tpu.memory_space<vmem>>, vector<16xf32>,
      %swap3A_125 = arith.constant 32 : index
      %swap3A_126 = tpu.vector_load %arg12[%swap3A_125] {strides = array<i32>} : memref<1024xf32, #tpu.memory_space<vmem>>, vector<16xf32>,
      tpu.vector_store %arg12[%swap3A_125], %scan3A_120#2 {strides = array<i32>} : memref<1024xf32, #tpu.memory_space<vmem>>, vector<16xf32>,
      %swap3A_127 = arith.constant 48 : index
      %swap3A_128 = tpu.vector_load %arg12[%swap3A_127] {strides = array<i32>} : memref<1024xf32, #tpu.memory_space<vmem>>, vector<16xf32>,
      tpu.vector_store %arg12[%swap3A_127], %scan3A_120#3 {strides = array<i32>} : memref<1024xf32, #tpu.memory_space<vmem>>, vector<16xf32>,
      %swap3A_129 = arith.constant 64 : index
      %swap3A_130 = tpu.vector_load %arg12[%swap3A_129] {strides = array<i32>} : memref<1024xf32, #tpu.memory_space<vmem>>, vector<16xf32>,
      tpu.vector_store %arg12[%swap3A_129], %scan3A_120#4 {strides = array<i32>} : memref<1024xf32, #tpu.memory_space<vmem>>, vector<16xf32>,
      %swap3A_131 = arith.constant 80 : index
      %swap3A_132 = tpu.vector_load %arg12[%swap3A_131] {strides = array<i32>} : memref<1024xf32, #tpu.memory_space<vmem>>, vector<16xf32>,
      tpu.vector_store %arg12[%swap3A_131], %scan3A_120#5 {strides = array<i32>} : memref<1024xf32, #tpu.memory_space<vmem>>, vector<16xf32>,
      %swap3A_133 = arith.constant 96 : index
      %swap3A_134 = tpu.vector_load %arg12[%swap3A_133] {strides = array<i32>} : memref<1024xf32, #tpu.memory_space<vmem>>, vector<16xf32>,
      tpu.vector_store %arg12[%swap3A_133], %scan3A_120#6 {strides = array<i32>} : memref<1024xf32, #tpu.memory_space<vmem>>, vector<16xf32>,
      %swap3A_135 = arith.constant 112 : index
      %swap3A_136 = tpu.vector_load %arg12[%swap3A_135] {strides = array<i32>} : memref<1024xf32, #tpu.memory_space<vmem>>, vector<16xf32>,
      tpu.vector_store %arg12[%swap3A_135], %scan3A_120#7 {strides = array<i32>} : memref<1024xf32, #tpu.memory_space<vmem>>, vector<16xf32>,
      %broadcast_in_dim3A_137 = arith.constant 0.000000e+00 : f32
      %broadcast_in_dim3A_138 = vector.broadcast %broadcast_in_dim3A_137 : f32 to vector<16xf32>
      %broadcast_in_dim3A_139 = arith.constant 0.000000e+00 : f32
      %broadcast_in_dim3A_140 = vector.broadcast %broadcast_in_dim3A_139 : f32 to vector<16xf32>
      %broadcast_in_dim3A_141 = arith.constant 0.000000e+00 : f32
      %broadcast_in_dim3A_142 = vector.broadcast %broadcast_in_dim3A_141 : f32 to vector<16xf32>
      %broadcast_in_dim3A_143 = arith.constant 0.000000e+00 : f32
      %broadcast_in_dim3A_144 = vector.broadcast %broadcast_in_dim3A_143 : f32 to vector<16xf32>
      %broadcast_in_dim3A_145 = arith.constant 0.000000e+00 : f32
      %broadcast_in_dim3A_146 = vector.broadcast %broadcast_in_dim3A_145 : f32 to vector<16xf32>
      %broadcast_in_dim3A_147 = arith.constant 0.000000e+00 : f32
      %broadcast_in_dim3A_148 = vector.broadcast %broadcast_in_dim3A_147 : f32 to vector<16xf32>
      %broadcast_in_dim3A_149 = arith.constant 0.000000e+00 : f32
      %broadcast_in_dim3A_150 = vector.broadcast %broadcast_in_dim3A_149 : f32 to vector<16xf32>
      %broadcast_in_dim3A_151 = arith.constant 0.000000e+00 : f32
      %broadcast_in_dim3A_152 = vector.broadcast %broadcast_in_dim3A_151 : f32 to vector<16xf32>
      %scan3A_153 = arith.constant 0 : i32
      %scan3A_154 = arith.constant 33 : i32
      %scan3A_155 = arith.addi %scan3A_153, %scan3A_154 : i32
      %scan3A_156 = arith.constant 1 : i32
      %scan3A_157:8 = scf.for %scan3A_749 = %scan3A_153 to %scan3A_155 step %scan3A_156 iter_args(%scan3A_750 = %broadcast_in_dim3A_138, %scan3A_751 = %broadcast_in_dim3A_140, %scan3A_752 = %broadcast_in_dim3A_142, %scan3A_753 = %broadcast_in_dim3A_144, %scan3A_754 = %broadcast_in_dim3A_146, %scan3A_755 = %broadcast_in_dim3A_148, %scan3A_756 = %broadcast_in_dim3A_150, %scan3A_757 = %broadcast_in_dim3A_152) -> (vector<16xf32>, vector<16xf32>, vector<16xf32>, vector<16xf32>, vector<16xf32>, vector<16xf32>, vector<16xf32>, vector<16xf32>)  : i32 {
        %broadcast_in_dim3A_758 = arith.constant 40 : i32
        %broadcast_in_dim3A_759 = vector.broadcast %broadcast_in_dim3A_758 : i32 to vector<16xi32>
        %add3A_760 = vector.broadcast %scan3A_749 : i32 to vector<16xi32>
        %add3A_761 = arith.addi %broadcast_in_dim3A_759, %add3A_760 : vector<16xi32>
        %gather3A = tpu.vector_load_idx %arg10[%add3A_761] : memref<320xf32, #tpu.memory_space<vmem>>[vector<16xi32>], vector<16xf32>,
        %get3A = arith.index_cast %scan3A_749 : i32 to index
        %get3A_762 = arith.constant 128 : index
        %get3A_763 = tpu.vector_load %arg8[%get3A, %get3A_762] {strides = array<i32>} : memref<40x1024xf32, #tpu.memory_space<vmem>>, vector<16xf32>,
        %mul3A_764 = arith.mulf %gather3A, %get3A_763 : vector<16xf32>
        %add3A_765 = arith.addf %scan3A_750, %mul3A_764 : vector<16xf32>
        %get3A_766 = arith.index_cast %scan3A_749 : i32 to index
        %get3A_767 = arith.constant 144 : index
        %get3A_768 = tpu.vector_load %arg8[%get3A_766, %get3A_767] {strides = array<i32>} : memref<40x1024xf32, #tpu.memory_space<vmem>>, vector<16xf32>,
        %mul3A_769 = arith.mulf %gather3A, %get3A_768 : vector<16xf32>
        %add3A_770 = arith.addf %scan3A_751, %mul3A_769 : vector<16xf32>
        %get3A_771 = arith.index_cast %scan3A_749 : i32 to index
        %get3A_772 = arith.constant 160 : index
        %get3A_773 = tpu.vector_load %arg8[%get3A_771, %get3A_772] {strides = array<i32>} : memref<40x1024xf32, #tpu.memory_space<vmem>>, vector<16xf32>,
        %mul3A_774 = arith.mulf %gather3A, %get3A_773 : vector<16xf32>
        %add3A_775 = arith.addf %scan3A_752, %mul3A_774 : vector<16xf32>
        %get3A_776 = arith.index_cast %scan3A_749 : i32 to index
        %get3A_777 = arith.constant 176 : index
        %get3A_778 = tpu.vector_load %arg8[%get3A_776, %get3A_777] {strides = array<i32>} : memref<40x1024xf32, #tpu.memory_space<vmem>>, vector<16xf32>,
        %mul3A_779 = arith.mulf %gather3A, %get3A_778 : vector<16xf32>
        %add3A_780 = arith.addf %scan3A_753, %mul3A_779 : vector<16xf32>
        %get3A_781 = arith.index_cast %scan3A_749 : i32 to index
        %get3A_782 = arith.constant 192 : index
        %get3A_783 = tpu.vector_load %arg8[%get3A_781, %get3A_782] {strides = array<i32>} : memref<40x1024xf32, #tpu.memory_space<vmem>>, vector<16xf32>,
        %mul3A_784 = arith.mulf %gather3A, %get3A_783 : vector<16xf32>
        %add3A_785 = arith.addf %scan3A_754, %mul3A_784 : vector<16xf32>
        %get3A_786 = arith.index_cast %scan3A_749 : i32 to index
        %get3A_787 = arith.constant 208 : index
        %get3A_788 = tpu.vector_load %arg8[%get3A_786, %get3A_787] {strides = array<i32>} : memref<40x1024xf32, #tpu.memory_space<vmem>>, vector<16xf32>,
        %mul3A_789 = arith.mulf %gather3A, %get3A_788 : vector<16xf32>
        %add3A_790 = arith.addf %scan3A_755, %mul3A_789 : vector<16xf32>
        %get3A_791 = arith.index_cast %scan3A_749 : i32 to index
        %get3A_792 = arith.constant 224 : index
        %get3A_793 = tpu.vector_load %arg8[%get3A_791, %get3A_792] {strides = array<i32>} : memref<40x1024xf32, #tpu.memory_space<vmem>>, vector<16xf32>,
        %mul3A_794 = arith.mulf %gather3A, %get3A_793 : vector<16xf32>
        %add3A_795 = arith.addf %scan3A_756, %mul3A_794 : vector<16xf32>
        %get3A_796 = arith.index_cast %scan3A_749 : i32 to index
        %get3A_797 = arith.constant 240 : index
        %get3A_798 = tpu.vector_load %arg8[%get3A_796, %get3A_797] {strides = array<i32>} : memref<40x1024xf32, #tpu.memory_space<vmem>>, vector<16xf32>,
        %mul3A_799 = arith.mulf %gather3A, %get3A_798 : vector<16xf32>
        %add3A_800 = arith.addf %scan3A_757, %mul3A_799 : vector<16xf32>
        scf.yield %add3A_765, %add3A_770, %add3A_775, %add3A_780, %add3A_785, %add3A_790, %add3A_795, %add3A_800 : vector<16xf32>, vector<16xf32>, vector<16xf32>, vector<16xf32>, vector<16xf32>, vector<16xf32>, vector<16xf32>, vector<16xf32>
      }
      %scan3A_158 = arith.constant 33 : i32
      %swap3A_159 = arith.constant 128 : index
      %swap3A_160 = tpu.vector_load %arg12[%swap3A_159] {strides = array<i32>} : memref<1024xf32, #tpu.memory_space<vmem>>, vector<16xf32>,
      tpu.vector_store %arg12[%swap3A_159], %scan3A_157#0 {strides = array<i32>} : memref<1024xf32, #tpu.memory_space<vmem>>, vector<16xf32>,
      %swap3A_161 = arith.constant 144 : index
      %swap3A_162 = tpu.vector_load %arg12[%swap3A_161] {strides = array<i32>} : memref<1024xf32, #tpu.memory_space<vmem>>, vector<16xf32>,
      tpu.vector_store %arg12[%swap3A_161], %scan3A_157#1 {strides = array<i32>} : memref<1024xf32, #tpu.memory_space<vmem>>, vector<16xf32>,
      %swap3A_163 = arith.constant 160 : index
      %swap3A_164 = tpu.vector_load %arg12[%swap3A_163] {strides = array<i32>} : memref<1024xf32, #tpu.memory_space<vmem>>, vector<16xf32>,
      tpu.vector_store %arg12[%swap3A_163], %scan3A_157#2 {strides = array<i32>} : memref<1024xf32, #tpu.memory_space<vmem>>, vector<16xf32>,
      %swap3A_165 = arith.constant 176 : index
      %swap3A_166 = tpu.vector_load %arg12[%swap3A_165] {strides = array<i32>} : memref<1024xf32, #tpu.memory_space<vmem>>, vector<16xf32>,
      tpu.vector_store %arg12[%swap3A_165], %scan3A_157#3 {strides = array<i32>} : memref<1024xf32, #tpu.memory_space<vmem>>, vector<16xf32>,
      %swap3A_167 = arith.constant 192 : index
      %swap3A_168 = tpu.vector_load %arg12[%swap3A_167] {strides = array<i32>} : memref<1024xf32, #tpu.memory_space<vmem>>, vector<16xf32>,
      tpu.vector_store %arg12[%swap3A_167], %scan3A_157#4 {strides = array<i32>} : memref<1024xf32, #tpu.memory_space<vmem>>, vector<16xf32>,
      %swap3A_169 = arith.constant 208 : index
      %swap3A_170 = tpu.vector_load %arg12[%swap3A_169] {strides = array<i32>} : memref<1024xf32, #tpu.memory_space<vmem>>, vector<16xf32>,
      tpu.vector_store %arg12[%swap3A_169], %scan3A_157#5 {strides = array<i32>} : memref<1024xf32, #tpu.memory_space<vmem>>, vector<16xf32>,
      %swap3A_171 = arith.constant 224 : index
      %swap3A_172 = tpu.vector_load %arg12[%swap3A_171] {strides = array<i32>} : memref<1024xf32, #tpu.memory_space<vmem>>, vector<16xf32>,
      tpu.vector_store %arg12[%swap3A_171], %scan3A_157#6 {strides = array<i32>} : memref<1024xf32, #tpu.memory_space<vmem>>, vector<16xf32>,
      %swap3A_173 = arith.constant 240 : index
      %swap3A_174 = tpu.vector_load %arg12[%swap3A_173] {strides = array<i32>} : memref<1024xf32, #tpu.memory_space<vmem>>, vector<16xf32>,
      tpu.vector_store %arg12[%swap3A_173], %scan3A_157#7 {strides = array<i32>} : memref<1024xf32, #tpu.memory_space<vmem>>, vector<16xf32>,
      %broadcast_in_dim3A_175 = arith.constant 0.000000e+00 : f32
      %broadcast_in_dim3A_176 = vector.broadcast %broadcast_in_dim3A_175 : f32 to vector<16xf32>
      %broadcast_in_dim3A_177 = arith.constant 0.000000e+00 : f32
      %broadcast_in_dim3A_178 = vector.broadcast %broadcast_in_dim3A_177 : f32 to vector<16xf32>
      %broadcast_in_dim3A_179 = arith.constant 0.000000e+00 : f32
      %broadcast_in_dim3A_180 = vector.broadcast %broadcast_in_dim3A_179 : f32 to vector<16xf32>
      %broadcast_in_dim3A_181 = arith.constant 0.000000e+00 : f32
      %broadcast_in_dim3A_182 = vector.broadcast %broadcast_in_dim3A_181 : f32 to vector<16xf32>
      %broadcast_in_dim3A_183 = arith.constant 0.000000e+00 : f32
      %broadcast_in_dim3A_184 = vector.broadcast %broadcast_in_dim3A_183 : f32 to vector<16xf32>
      %broadcast_in_dim3A_185 = arith.constant 0.000000e+00 : f32
      %broadcast_in_dim3A_186 = vector.broadcast %broadcast_in_dim3A_185 : f32 to vector<16xf32>
      %broadcast_in_dim3A_187 = arith.constant 0.000000e+00 : f32
      %broadcast_in_dim3A_188 = vector.broadcast %broadcast_in_dim3A_187 : f32 to vector<16xf32>
      %broadcast_in_dim3A_189 = arith.constant 0.000000e+00 : f32
      %broadcast_in_dim3A_190 = vector.broadcast %broadcast_in_dim3A_189 : f32 to vector<16xf32>
      %scan3A_191 = arith.constant 0 : i32
      %scan3A_192 = arith.constant 33 : i32
      %scan3A_193 = arith.addi %scan3A_191, %scan3A_192 : i32
      %scan3A_194 = arith.constant 1 : i32
      %scan3A_195:8 = scf.for %scan3A_749 = %scan3A_191 to %scan3A_193 step %scan3A_194 iter_args(%scan3A_750 = %broadcast_in_dim3A_176, %scan3A_751 = %broadcast_in_dim3A_178, %scan3A_752 = %broadcast_in_dim3A_180, %scan3A_753 = %broadcast_in_dim3A_182, %scan3A_754 = %broadcast_in_dim3A_184, %scan3A_755 = %broadcast_in_dim3A_186, %scan3A_756 = %broadcast_in_dim3A_188, %scan3A_757 = %broadcast_in_dim3A_190) -> (vector<16xf32>, vector<16xf32>, vector<16xf32>, vector<16xf32>, vector<16xf32>, vector<16xf32>, vector<16xf32>, vector<16xf32>)  : i32 {
        %broadcast_in_dim3A_758 = arith.constant 80 : i32
        %broadcast_in_dim3A_759 = vector.broadcast %broadcast_in_dim3A_758 : i32 to vector<16xi32>
        %add3A_760 = vector.broadcast %scan3A_749 : i32 to vector<16xi32>
        %add3A_761 = arith.addi %broadcast_in_dim3A_759, %add3A_760 : vector<16xi32>
        %gather3A = tpu.vector_load_idx %arg10[%add3A_761] : memref<320xf32, #tpu.memory_space<vmem>>[vector<16xi32>], vector<16xf32>,
        %get3A = arith.index_cast %scan3A_749 : i32 to index
        %get3A_762 = arith.constant 256 : index
        %get3A_763 = tpu.vector_load %arg8[%get3A, %get3A_762] {strides = array<i32>} : memref<40x1024xf32, #tpu.memory_space<vmem>>, vector<16xf32>,
        %mul3A_764 = arith.mulf %gather3A, %get3A_763 : vector<16xf32>
        %add3A_765 = arith.addf %scan3A_750, %mul3A_764 : vector<16xf32>
        %get3A_766 = arith.index_cast %scan3A_749 : i32 to index
        %get3A_767 = arith.constant 272 : index
        %get3A_768 = tpu.vector_load %arg8[%get3A_766, %get3A_767] {strides = array<i32>} : memref<40x1024xf32, #tpu.memory_space<vmem>>, vector<16xf32>,
        %mul3A_769 = arith.mulf %gather3A, %get3A_768 : vector<16xf32>
        %add3A_770 = arith.addf %scan3A_751, %mul3A_769 : vector<16xf32>
        %get3A_771 = arith.index_cast %scan3A_749 : i32 to index
        %get3A_772 = arith.constant 288 : index
        %get3A_773 = tpu.vector_load %arg8[%get3A_771, %get3A_772] {strides = array<i32>} : memref<40x1024xf32, #tpu.memory_space<vmem>>, vector<16xf32>,
        %mul3A_774 = arith.mulf %gather3A, %get3A_773 : vector<16xf32>
        %add3A_775 = arith.addf %scan3A_752, %mul3A_774 : vector<16xf32>
        %get3A_776 = arith.index_cast %scan3A_749 : i32 to index
        %get3A_777 = arith.constant 304 : index
        %get3A_778 = tpu.vector_load %arg8[%get3A_776, %get3A_777] {strides = array<i32>} : memref<40x1024xf32, #tpu.memory_space<vmem>>, vector<16xf32>,
        %mul3A_779 = arith.mulf %gather3A, %get3A_778 : vector<16xf32>
        %add3A_780 = arith.addf %scan3A_753, %mul3A_779 : vector<16xf32>
        %get3A_781 = arith.index_cast %scan3A_749 : i32 to index
        %get3A_782 = arith.constant 320 : index
        %get3A_783 = tpu.vector_load %arg8[%get3A_781, %get3A_782] {strides = array<i32>} : memref<40x1024xf32, #tpu.memory_space<vmem>>, vector<16xf32>,
        %mul3A_784 = arith.mulf %gather3A, %get3A_783 : vector<16xf32>
        %add3A_785 = arith.addf %scan3A_754, %mul3A_784 : vector<16xf32>
        %get3A_786 = arith.index_cast %scan3A_749 : i32 to index
        %get3A_787 = arith.constant 336 : index
        %get3A_788 = tpu.vector_load %arg8[%get3A_786, %get3A_787] {strides = array<i32>} : memref<40x1024xf32, #tpu.memory_space<vmem>>, vector<16xf32>,
        %mul3A_789 = arith.mulf %gather3A, %get3A_788 : vector<16xf32>
        %add3A_790 = arith.addf %scan3A_755, %mul3A_789 : vector<16xf32>
        %get3A_791 = arith.index_cast %scan3A_749 : i32 to index
        %get3A_792 = arith.constant 352 : index
        %get3A_793 = tpu.vector_load %arg8[%get3A_791, %get3A_792] {strides = array<i32>} : memref<40x1024xf32, #tpu.memory_space<vmem>>, vector<16xf32>,
        %mul3A_794 = arith.mulf %gather3A, %get3A_793 : vector<16xf32>
        %add3A_795 = arith.addf %scan3A_756, %mul3A_794 : vector<16xf32>
        %get3A_796 = arith.index_cast %scan3A_749 : i32 to index
        %get3A_797 = arith.constant 368 : index
        %get3A_798 = tpu.vector_load %arg8[%get3A_796, %get3A_797] {strides = array<i32>} : memref<40x1024xf32, #tpu.memory_space<vmem>>, vector<16xf32>,
        %mul3A_799 = arith.mulf %gather3A, %get3A_798 : vector<16xf32>
        %add3A_800 = arith.addf %scan3A_757, %mul3A_799 : vector<16xf32>
        scf.yield %add3A_765, %add3A_770, %add3A_775, %add3A_780, %add3A_785, %add3A_790, %add3A_795, %add3A_800 : vector<16xf32>, vector<16xf32>, vector<16xf32>, vector<16xf32>, vector<16xf32>, vector<16xf32>, vector<16xf32>, vector<16xf32>
      }
      %scan3A_196 = arith.constant 33 : i32
      %swap3A_197 = arith.constant 256 : index
      %swap3A_198 = tpu.vector_load %arg12[%swap3A_197] {strides = array<i32>} : memref<1024xf32, #tpu.memory_space<vmem>>, vector<16xf32>,
      tpu.vector_store %arg12[%swap3A_197], %scan3A_195#0 {strides = array<i32>} : memref<1024xf32, #tpu.memory_space<vmem>>, vector<16xf32>,
      %swap3A_199 = arith.constant 272 : index
      %swap3A_200 = tpu.vector_load %arg12[%swap3A_199] {strides = array<i32>} : memref<1024xf32, #tpu.memory_space<vmem>>, vector<16xf32>,
      tpu.vector_store %arg12[%swap3A_199], %scan3A_195#1 {strides = array<i32>} : memref<1024xf32, #tpu.memory_space<vmem>>, vector<16xf32>,
      %swap3A_201 = arith.constant 288 : index
      %swap3A_202 = tpu.vector_load %arg12[%swap3A_201] {strides = array<i32>} : memref<1024xf32, #tpu.memory_space<vmem>>, vector<16xf32>,
      tpu.vector_store %arg12[%swap3A_201], %scan3A_195#2 {strides = array<i32>} : memref<1024xf32, #tpu.memory_space<vmem>>, vector<16xf32>,
      %swap3A_203 = arith.constant 304 : index
      %swap3A_204 = tpu.vector_load %arg12[%swap3A_203] {strides = array<i32>} : memref<1024xf32, #tpu.memory_space<vmem>>, vector<16xf32>,
      tpu.vector_store %arg12[%swap3A_203], %scan3A_195#3 {strides = array<i32>} : memref<1024xf32, #tpu.memory_space<vmem>>, vector<16xf32>,
      %swap3A_205 = arith.constant 320 : index
      %swap3A_206 = tpu.vector_load %arg12[%swap3A_205] {strides = array<i32>} : memref<1024xf32, #tpu.memory_space<vmem>>, vector<16xf32>,
      tpu.vector_store %arg12[%swap3A_205], %scan3A_195#4 {strides = array<i32>} : memref<1024xf32, #tpu.memory_space<vmem>>, vector<16xf32>,
      %swap3A_207 = arith.constant 336 : index
      %swap3A_208 = tpu.vector_load %arg12[%swap3A_207] {strides = array<i32>} : memref<1024xf32, #tpu.memory_space<vmem>>, vector<16xf32>,
      tpu.vector_store %arg12[%swap3A_207], %scan3A_195#5 {strides = array<i32>} : memref<1024xf32, #tpu.memory_space<vmem>>, vector<16xf32>,
      %swap3A_209 = arith.constant 352 : index
      %swap3A_210 = tpu.vector_load %arg12[%swap3A_209] {strides = array<i32>} : memref<1024xf32, #tpu.memory_space<vmem>>, vector<16xf32>,
      tpu.vector_store %arg12[%swap3A_209], %scan3A_195#6 {strides = array<i32>} : memref<1024xf32, #tpu.memory_space<vmem>>, vector<16xf32>,
      %swap3A_211 = arith.constant 368 : index
      %swap3A_212 = tpu.vector_load %arg12[%swap3A_211] {strides = array<i32>} : memref<1024xf32, #tpu.memory_space<vmem>>, vector<16xf32>,
      tpu.vector_store %arg12[%swap3A_211], %scan3A_195#7 {strides = array<i32>} : memref<1024xf32, #tpu.memory_space<vmem>>, vector<16xf32>,
      %broadcast_in_dim3A_213 = arith.constant 0.000000e+00 : f32
      %broadcast_in_dim3A_214 = vector.broadcast %broadcast_in_dim3A_213 : f32 to vector<16xf32>
      %broadcast_in_dim3A_215 = arith.constant 0.000000e+00 : f32
      %broadcast_in_dim3A_216 = vector.broadcast %broadcast_in_dim3A_215 : f32 to vector<16xf32>
      %broadcast_in_dim3A_217 = arith.constant 0.000000e+00 : f32
      %broadcast_in_dim3A_218 = vector.broadcast %broadcast_in_dim3A_217 : f32 to vector<16xf32>
      %broadcast_in_dim3A_219 = arith.constant 0.000000e+00 : f32
      %broadcast_in_dim3A_220 = vector.broadcast %broadcast_in_dim3A_219 : f32 to vector<16xf32>
      %broadcast_in_dim3A_221 = arith.constant 0.000000e+00 : f32
      %broadcast_in_dim3A_222 = vector.broadcast %broadcast_in_dim3A_221 : f32 to vector<16xf32>
      %broadcast_in_dim3A_223 = arith.constant 0.000000e+00 : f32
      %broadcast_in_dim3A_224 = vector.broadcast %broadcast_in_dim3A_223 : f32 to vector<16xf32>
      %broadcast_in_dim3A_225 = arith.constant 0.000000e+00 : f32
      %broadcast_in_dim3A_226 = vector.broadcast %broadcast_in_dim3A_225 : f32 to vector<16xf32>
      %broadcast_in_dim3A_227 = arith.constant 0.000000e+00 : f32
      %broadcast_in_dim3A_228 = vector.broadcast %broadcast_in_dim3A_227 : f32 to vector<16xf32>
      %scan3A_229 = arith.constant 0 : i32
      %scan3A_230 = arith.constant 33 : i32
      %scan3A_231 = arith.addi %scan3A_229, %scan3A_230 : i32
      %scan3A_232 = arith.constant 1 : i32
      %scan3A_233:8 = scf.for %scan3A_749 = %scan3A_229 to %scan3A_231 step %scan3A_232 iter_args(%scan3A_750 = %broadcast_in_dim3A_214, %scan3A_751 = %broadcast_in_dim3A_216, %scan3A_752 = %broadcast_in_dim3A_218, %scan3A_753 = %broadcast_in_dim3A_220, %scan3A_754 = %broadcast_in_dim3A_222, %scan3A_755 = %broadcast_in_dim3A_224, %scan3A_756 = %broadcast_in_dim3A_226, %scan3A_757 = %broadcast_in_dim3A_228) -> (vector<16xf32>, vector<16xf32>, vector<16xf32>, vector<16xf32>, vector<16xf32>, vector<16xf32>, vector<16xf32>, vector<16xf32>)  : i32 {
        %broadcast_in_dim3A_758 = arith.constant 120 : i32
        %broadcast_in_dim3A_759 = vector.broadcast %broadcast_in_dim3A_758 : i32 to vector<16xi32>
        %add3A_760 = vector.broadcast %scan3A_749 : i32 to vector<16xi32>
        %add3A_761 = arith.addi %broadcast_in_dim3A_759, %add3A_760 : vector<16xi32>
        %gather3A = tpu.vector_load_idx %arg10[%add3A_761] : memref<320xf32, #tpu.memory_space<vmem>>[vector<16xi32>], vector<16xf32>,
        %get3A = arith.index_cast %scan3A_749 : i32 to index
        %get3A_762 = arith.constant 384 : index
        %get3A_763 = tpu.vector_load %arg8[%get3A, %get3A_762] {strides = array<i32>} : memref<40x1024xf32, #tpu.memory_space<vmem>>, vector<16xf32>,
        %mul3A_764 = arith.mulf %gather3A, %get3A_763 : vector<16xf32>
        %add3A_765 = arith.addf %scan3A_750, %mul3A_764 : vector<16xf32>
        %get3A_766 = arith.index_cast %scan3A_749 : i32 to index
        %get3A_767 = arith.constant 400 : index
        %get3A_768 = tpu.vector_load %arg8[%get3A_766, %get3A_767] {strides = array<i32>} : memref<40x1024xf32, #tpu.memory_space<vmem>>, vector<16xf32>,
        %mul3A_769 = arith.mulf %gather3A, %get3A_768 : vector<16xf32>
        %add3A_770 = arith.addf %scan3A_751, %mul3A_769 : vector<16xf32>
        %get3A_771 = arith.index_cast %scan3A_749 : i32 to index
        %get3A_772 = arith.constant 416 : index
        %get3A_773 = tpu.vector_load %arg8[%get3A_771, %get3A_772] {strides = array<i32>} : memref<40x1024xf32, #tpu.memory_space<vmem>>, vector<16xf32>,
        %mul3A_774 = arith.mulf %gather3A, %get3A_773 : vector<16xf32>
        %add3A_775 = arith.addf %scan3A_752, %mul3A_774 : vector<16xf32>
        %get3A_776 = arith.index_cast %scan3A_749 : i32 to index
        %get3A_777 = arith.constant 432 : index
        %get3A_778 = tpu.vector_load %arg8[%get3A_776, %get3A_777] {strides = array<i32>} : memref<40x1024xf32, #tpu.memory_space<vmem>>, vector<16xf32>,
        %mul3A_779 = arith.mulf %gather3A, %get3A_778 : vector<16xf32>
        %add3A_780 = arith.addf %scan3A_753, %mul3A_779 : vector<16xf32>
        %get3A_781 = arith.index_cast %scan3A_749 : i32 to index
        %get3A_782 = arith.constant 448 : index
        %get3A_783 = tpu.vector_load %arg8[%get3A_781, %get3A_782] {strides = array<i32>} : memref<40x1024xf32, #tpu.memory_space<vmem>>, vector<16xf32>,
        %mul3A_784 = arith.mulf %gather3A, %get3A_783 : vector<16xf32>
        %add3A_785 = arith.addf %scan3A_754, %mul3A_784 : vector<16xf32>
        %get3A_786 = arith.index_cast %scan3A_749 : i32 to index
        %get3A_787 = arith.constant 464 : index
        %get3A_788 = tpu.vector_load %arg8[%get3A_786, %get3A_787] {strides = array<i32>} : memref<40x1024xf32, #tpu.memory_space<vmem>>, vector<16xf32>,
        %mul3A_789 = arith.mulf %gather3A, %get3A_788 : vector<16xf32>
        %add3A_790 = arith.addf %scan3A_755, %mul3A_789 : vector<16xf32>
        %get3A_791 = arith.index_cast %scan3A_749 : i32 to index
        %get3A_792 = arith.constant 480 : index
        %get3A_793 = tpu.vector_load %arg8[%get3A_791, %get3A_792] {strides = array<i32>} : memref<40x1024xf32, #tpu.memory_space<vmem>>, vector<16xf32>,
        %mul3A_794 = arith.mulf %gather3A, %get3A_793 : vector<16xf32>
        %add3A_795 = arith.addf %scan3A_756, %mul3A_794 : vector<16xf32>
        %get3A_796 = arith.index_cast %scan3A_749 : i32 to index
        %get3A_797 = arith.constant 496 : index
        %get3A_798 = tpu.vector_load %arg8[%get3A_796, %get3A_797] {strides = array<i32>} : memref<40x1024xf32, #tpu.memory_space<vmem>>, vector<16xf32>,
        %mul3A_799 = arith.mulf %gather3A, %get3A_798 : vector<16xf32>
        %add3A_800 = arith.addf %scan3A_757, %mul3A_799 : vector<16xf32>
        scf.yield %add3A_765, %add3A_770, %add3A_775, %add3A_780, %add3A_785, %add3A_790, %add3A_795, %add3A_800 : vector<16xf32>, vector<16xf32>, vector<16xf32>, vector<16xf32>, vector<16xf32>, vector<16xf32>, vector<16xf32>, vector<16xf32>
      }
      %scan3A_234 = arith.constant 33 : i32
      %swap3A_235 = arith.constant 384 : index
      %swap3A_236 = tpu.vector_load %arg12[%swap3A_235] {strides = array<i32>} : memref<1024xf32, #tpu.memory_space<vmem>>, vector<16xf32>,
      tpu.vector_store %arg12[%swap3A_235], %scan3A_233#0 {strides = array<i32>} : memref<1024xf32, #tpu.memory_space<vmem>>, vector<16xf32>,
      %swap3A_237 = arith.constant 400 : index
      %swap3A_238 = tpu.vector_load %arg12[%swap3A_237] {strides = array<i32>} : memref<1024xf32, #tpu.memory_space<vmem>>, vector<16xf32>,
      tpu.vector_store %arg12[%swap3A_237], %scan3A_233#1 {strides = array<i32>} : memref<1024xf32, #tpu.memory_space<vmem>>, vector<16xf32>,
      %swap3A_239 = arith.constant 416 : index
      %swap3A_240 = tpu.vector_load %arg12[%swap3A_239] {strides = array<i32>} : memref<1024xf32, #tpu.memory_space<vmem>>, vector<16xf32>,
      tpu.vector_store %arg12[%swap3A_239], %scan3A_233#2 {strides = array<i32>} : memref<1024xf32, #tpu.memory_space<vmem>>, vector<16xf32>,
      %swap3A_241 = arith.constant 432 : index
      %swap3A_242 = tpu.vector_load %arg12[%swap3A_241] {strides = array<i32>} : memref<1024xf32, #tpu.memory_space<vmem>>, vector<16xf32>,
      tpu.vector_store %arg12[%swap3A_241], %scan3A_233#3 {strides = array<i32>} : memref<1024xf32, #tpu.memory_space<vmem>>, vector<16xf32>,
      %swap3A_243 = arith.constant 448 : index
      %swap3A_244 = tpu.vector_load %arg12[%swap3A_243] {strides = array<i32>} : memref<1024xf32, #tpu.memory_space<vmem>>, vector<16xf32>,
      tpu.vector_store %arg12[%swap3A_243], %scan3A_233#4 {strides = array<i32>} : memref<1024xf32, #tpu.memory_space<vmem>>, vector<16xf32>,
      %swap3A_245 = arith.constant 464 : index
      %swap3A_246 = tpu.vector_load %arg12[%swap3A_245] {strides = array<i32>} : memref<1024xf32, #tpu.memory_space<vmem>>, vector<16xf32>,
      tpu.vector_store %arg12[%swap3A_245], %scan3A_233#5 {strides = array<i32>} : memref<1024xf32, #tpu.memory_space<vmem>>, vector<16xf32>,
      %swap3A_247 = arith.constant 480 : index
      %swap3A_248 = tpu.vector_load %arg12[%swap3A_247] {strides = array<i32>} : memref<1024xf32, #tpu.memory_space<vmem>>, vector<16xf32>,
      tpu.vector_store %arg12[%swap3A_247], %scan3A_233#6 {strides = array<i32>} : memref<1024xf32, #tpu.memory_space<vmem>>, vector<16xf32>,
      %swap3A_249 = arith.constant 496 : index
      %swap3A_250 = tpu.vector_load %arg12[%swap3A_249] {strides = array<i32>} : memref<1024xf32, #tpu.memory_space<vmem>>, vector<16xf32>,
      tpu.vector_store %arg12[%swap3A_249], %scan3A_233#7 {strides = array<i32>} : memref<1024xf32, #tpu.memory_space<vmem>>, vector<16xf32>,
      %broadcast_in_dim3A_251 = arith.constant 0.000000e+00 : f32
      %broadcast_in_dim3A_252 = vector.broadcast %broadcast_in_dim3A_251 : f32 to vector<16xf32>
      %broadcast_in_dim3A_253 = arith.constant 0.000000e+00 : f32
      %broadcast_in_dim3A_254 = vector.broadcast %broadcast_in_dim3A_253 : f32 to vector<16xf32>
      %broadcast_in_dim3A_255 = arith.constant 0.000000e+00 : f32
      %broadcast_in_dim3A_256 = vector.broadcast %broadcast_in_dim3A_255 : f32 to vector<16xf32>
      %broadcast_in_dim3A_257 = arith.constant 0.000000e+00 : f32
      %broadcast_in_dim3A_258 = vector.broadcast %broadcast_in_dim3A_257 : f32 to vector<16xf32>
      %broadcast_in_dim3A_259 = arith.constant 0.000000e+00 : f32
      %broadcast_in_dim3A_260 = vector.broadcast %broadcast_in_dim3A_259 : f32 to vector<16xf32>
      %broadcast_in_dim3A_261 = arith.constant 0.000000e+00 : f32
      %broadcast_in_dim3A_262 = vector.broadcast %broadcast_in_dim3A_261 : f32 to vector<16xf32>
      %broadcast_in_dim3A_263 = arith.constant 0.000000e+00 : f32
      %broadcast_in_dim3A_264 = vector.broadcast %broadcast_in_dim3A_263 : f32 to vector<16xf32>
      %broadcast_in_dim3A_265 = arith.constant 0.000000e+00 : f32
      %broadcast_in_dim3A_266 = vector.broadcast %broadcast_in_dim3A_265 : f32 to vector<16xf32>
      %scan3A_267 = arith.constant 0 : i32
      %scan3A_268 = arith.constant 33 : i32
      %scan3A_269 = arith.addi %scan3A_267, %scan3A_268 : i32
      %scan3A_270 = arith.constant 1 : i32
      %scan3A_271:8 = scf.for %scan3A_749 = %scan3A_267 to %scan3A_269 step %scan3A_270 iter_args(%scan3A_750 = %broadcast_in_dim3A_252, %scan3A_751 = %broadcast_in_dim3A_254, %scan3A_752 = %broadcast_in_dim3A_256, %scan3A_753 = %broadcast_in_dim3A_258, %scan3A_754 = %broadcast_in_dim3A_260, %scan3A_755 = %broadcast_in_dim3A_262, %scan3A_756 = %broadcast_in_dim3A_264, %scan3A_757 = %broadcast_in_dim3A_266) -> (vector<16xf32>, vector<16xf32>, vector<16xf32>, vector<16xf32>, vector<16xf32>, vector<16xf32>, vector<16xf32>, vector<16xf32>)  : i32 {
        %broadcast_in_dim3A_758 = arith.constant 160 : i32
        %broadcast_in_dim3A_759 = vector.broadcast %broadcast_in_dim3A_758 : i32 to vector<16xi32>
        %add3A_760 = vector.broadcast %scan3A_749 : i32 to vector<16xi32>
        %add3A_761 = arith.addi %broadcast_in_dim3A_759, %add3A_760 : vector<16xi32>
        %gather3A = tpu.vector_load_idx %arg10[%add3A_761] : memref<320xf32, #tpu.memory_space<vmem>>[vector<16xi32>], vector<16xf32>,
        %get3A = arith.index_cast %scan3A_749 : i32 to index
        %get3A_762 = arith.constant 512 : index
        %get3A_763 = tpu.vector_load %arg8[%get3A, %get3A_762] {strides = array<i32>} : memref<40x1024xf32, #tpu.memory_space<vmem>>, vector<16xf32>,
        %mul3A_764 = arith.mulf %gather3A, %get3A_763 : vector<16xf32>
        %add3A_765 = arith.addf %scan3A_750, %mul3A_764 : vector<16xf32>
        %get3A_766 = arith.index_cast %scan3A_749 : i32 to index
        %get3A_767 = arith.constant 528 : index
        %get3A_768 = tpu.vector_load %arg8[%get3A_766, %get3A_767] {strides = array<i32>} : memref<40x1024xf32, #tpu.memory_space<vmem>>, vector<16xf32>,
        %mul3A_769 = arith.mulf %gather3A, %get3A_768 : vector<16xf32>
        %add3A_770 = arith.addf %scan3A_751, %mul3A_769 : vector<16xf32>
        %get3A_771 = arith.index_cast %scan3A_749 : i32 to index
        %get3A_772 = arith.constant 544 : index
        %get3A_773 = tpu.vector_load %arg8[%get3A_771, %get3A_772] {strides = array<i32>} : memref<40x1024xf32, #tpu.memory_space<vmem>>, vector<16xf32>,
        %mul3A_774 = arith.mulf %gather3A, %get3A_773 : vector<16xf32>
        %add3A_775 = arith.addf %scan3A_752, %mul3A_774 : vector<16xf32>
        %get3A_776 = arith.index_cast %scan3A_749 : i32 to index
        %get3A_777 = arith.constant 560 : index
        %get3A_778 = tpu.vector_load %arg8[%get3A_776, %get3A_777] {strides = array<i32>} : memref<40x1024xf32, #tpu.memory_space<vmem>>, vector<16xf32>,
        %mul3A_779 = arith.mulf %gather3A, %get3A_778 : vector<16xf32>
        %add3A_780 = arith.addf %scan3A_753, %mul3A_779 : vector<16xf32>
        %get3A_781 = arith.index_cast %scan3A_749 : i32 to index
        %get3A_782 = arith.constant 576 : index
        %get3A_783 = tpu.vector_load %arg8[%get3A_781, %get3A_782] {strides = array<i32>} : memref<40x1024xf32, #tpu.memory_space<vmem>>, vector<16xf32>,
        %mul3A_784 = arith.mulf %gather3A, %get3A_783 : vector<16xf32>
        %add3A_785 = arith.addf %scan3A_754, %mul3A_784 : vector<16xf32>
        %get3A_786 = arith.index_cast %scan3A_749 : i32 to index
        %get3A_787 = arith.constant 592 : index
        %get3A_788 = tpu.vector_load %arg8[%get3A_786, %get3A_787] {strides = array<i32>} : memref<40x1024xf32, #tpu.memory_space<vmem>>, vector<16xf32>,
        %mul3A_789 = arith.mulf %gather3A, %get3A_788 : vector<16xf32>
        %add3A_790 = arith.addf %scan3A_755, %mul3A_789 : vector<16xf32>
        %get3A_791 = arith.index_cast %scan3A_749 : i32 to index
        %get3A_792 = arith.constant 608 : index
        %get3A_793 = tpu.vector_load %arg8[%get3A_791, %get3A_792] {strides = array<i32>} : memref<40x1024xf32, #tpu.memory_space<vmem>>, vector<16xf32>,
        %mul3A_794 = arith.mulf %gather3A, %get3A_793 : vector<16xf32>
        %add3A_795 = arith.addf %scan3A_756, %mul3A_794 : vector<16xf32>
        %get3A_796 = arith.index_cast %scan3A_749 : i32 to index
        %get3A_797 = arith.constant 624 : index
        %get3A_798 = tpu.vector_load %arg8[%get3A_796, %get3A_797] {strides = array<i32>} : memref<40x1024xf32, #tpu.memory_space<vmem>>, vector<16xf32>,
        %mul3A_799 = arith.mulf %gather3A, %get3A_798 : vector<16xf32>
        %add3A_800 = arith.addf %scan3A_757, %mul3A_799 : vector<16xf32>
        scf.yield %add3A_765, %add3A_770, %add3A_775, %add3A_780, %add3A_785, %add3A_790, %add3A_795, %add3A_800 : vector<16xf32>, vector<16xf32>, vector<16xf32>, vector<16xf32>, vector<16xf32>, vector<16xf32>, vector<16xf32>, vector<16xf32>
      }
      %scan3A_272 = arith.constant 33 : i32
      %swap3A_273 = arith.constant 512 : index
      %swap3A_274 = tpu.vector_load %arg12[%swap3A_273] {strides = array<i32>} : memref<1024xf32, #tpu.memory_space<vmem>>, vector<16xf32>,
      tpu.vector_store %arg12[%swap3A_273], %scan3A_271#0 {strides = array<i32>} : memref<1024xf32, #tpu.memory_space<vmem>>, vector<16xf32>,
      %swap3A_275 = arith.constant 528 : index
      %swap3A_276 = tpu.vector_load %arg12[%swap3A_275] {strides = array<i32>} : memref<1024xf32, #tpu.memory_space<vmem>>, vector<16xf32>,
      tpu.vector_store %arg12[%swap3A_275], %scan3A_271#1 {strides = array<i32>} : memref<1024xf32, #tpu.memory_space<vmem>>, vector<16xf32>,
      %swap3A_277 = arith.constant 544 : index
      %swap3A_278 = tpu.vector_load %arg12[%swap3A_277] {strides = array<i32>} : memref<1024xf32, #tpu.memory_space<vmem>>, vector<16xf32>,
      tpu.vector_store %arg12[%swap3A_277], %scan3A_271#2 {strides = array<i32>} : memref<1024xf32, #tpu.memory_space<vmem>>, vector<16xf32>,
      %swap3A_279 = arith.constant 560 : index
      %swap3A_280 = tpu.vector_load %arg12[%swap3A_279] {strides = array<i32>} : memref<1024xf32, #tpu.memory_space<vmem>>, vector<16xf32>,
      tpu.vector_store %arg12[%swap3A_279], %scan3A_271#3 {strides = array<i32>} : memref<1024xf32, #tpu.memory_space<vmem>>, vector<16xf32>,
      %swap3A_281 = arith.constant 576 : index
      %swap3A_282 = tpu.vector_load %arg12[%swap3A_281] {strides = array<i32>} : memref<1024xf32, #tpu.memory_space<vmem>>, vector<16xf32>,
      tpu.vector_store %arg12[%swap3A_281], %scan3A_271#4 {strides = array<i32>} : memref<1024xf32, #tpu.memory_space<vmem>>, vector<16xf32>,
      %swap3A_283 = arith.constant 592 : index
      %swap3A_284 = tpu.vector_load %arg12[%swap3A_283] {strides = array<i32>} : memref<1024xf32, #tpu.memory_space<vmem>>, vector<16xf32>,
      tpu.vector_store %arg12[%swap3A_283], %scan3A_271#5 {strides = array<i32>} : memref<1024xf32, #tpu.memory_space<vmem>>, vector<16xf32>,
      %swap3A_285 = arith.constant 608 : index
      %swap3A_286 = tpu.vector_load %arg12[%swap3A_285] {strides = array<i32>} : memref<1024xf32, #tpu.memory_space<vmem>>, vector<16xf32>,
      tpu.vector_store %arg12[%swap3A_285], %scan3A_271#6 {strides = array<i32>} : memref<1024xf32, #tpu.memory_space<vmem>>, vector<16xf32>,
      %swap3A_287 = arith.constant 624 : index
      %swap3A_288 = tpu.vector_load %arg12[%swap3A_287] {strides = array<i32>} : memref<1024xf32, #tpu.memory_space<vmem>>, vector<16xf32>,
      tpu.vector_store %arg12[%swap3A_287], %scan3A_271#7 {strides = array<i32>} : memref<1024xf32, #tpu.memory_space<vmem>>, vector<16xf32>,
      %broadcast_in_dim3A_289 = arith.constant 0.000000e+00 : f32
      %broadcast_in_dim3A_290 = vector.broadcast %broadcast_in_dim3A_289 : f32 to vector<16xf32>
      %broadcast_in_dim3A_291 = arith.constant 0.000000e+00 : f32
      %broadcast_in_dim3A_292 = vector.broadcast %broadcast_in_dim3A_291 : f32 to vector<16xf32>
      %broadcast_in_dim3A_293 = arith.constant 0.000000e+00 : f32
      %broadcast_in_dim3A_294 = vector.broadcast %broadcast_in_dim3A_293 : f32 to vector<16xf32>
      %broadcast_in_dim3A_295 = arith.constant 0.000000e+00 : f32
      %broadcast_in_dim3A_296 = vector.broadcast %broadcast_in_dim3A_295 : f32 to vector<16xf32>
      %broadcast_in_dim3A_297 = arith.constant 0.000000e+00 : f32
      %broadcast_in_dim3A_298 = vector.broadcast %broadcast_in_dim3A_297 : f32 to vector<16xf32>
      %broadcast_in_dim3A_299 = arith.constant 0.000000e+00 : f32
      %broadcast_in_dim3A_300 = vector.broadcast %broadcast_in_dim3A_299 : f32 to vector<16xf32>
      %broadcast_in_dim3A_301 = arith.constant 0.000000e+00 : f32
      %broadcast_in_dim3A_302 = vector.broadcast %broadcast_in_dim3A_301 : f32 to vector<16xf32>
      %broadcast_in_dim3A_303 = arith.constant 0.000000e+00 : f32
      %broadcast_in_dim3A_304 = vector.broadcast %broadcast_in_dim3A_303 : f32 to vector<16xf32>
      %scan3A_305 = arith.constant 0 : i32
      %scan3A_306 = arith.constant 33 : i32
      %scan3A_307 = arith.addi %scan3A_305, %scan3A_306 : i32
      %scan3A_308 = arith.constant 1 : i32
      %scan3A_309:8 = scf.for %scan3A_749 = %scan3A_305 to %scan3A_307 step %scan3A_308 iter_args(%scan3A_750 = %broadcast_in_dim3A_290, %scan3A_751 = %broadcast_in_dim3A_292, %scan3A_752 = %broadcast_in_dim3A_294, %scan3A_753 = %broadcast_in_dim3A_296, %scan3A_754 = %broadcast_in_dim3A_298, %scan3A_755 = %broadcast_in_dim3A_300, %scan3A_756 = %broadcast_in_dim3A_302, %scan3A_757 = %broadcast_in_dim3A_304) -> (vector<16xf32>, vector<16xf32>, vector<16xf32>, vector<16xf32>, vector<16xf32>, vector<16xf32>, vector<16xf32>, vector<16xf32>)  : i32 {
        %broadcast_in_dim3A_758 = arith.constant 200 : i32
        %broadcast_in_dim3A_759 = vector.broadcast %broadcast_in_dim3A_758 : i32 to vector<16xi32>
        %add3A_760 = vector.broadcast %scan3A_749 : i32 to vector<16xi32>
        %add3A_761 = arith.addi %broadcast_in_dim3A_759, %add3A_760 : vector<16xi32>
        %gather3A = tpu.vector_load_idx %arg10[%add3A_761] : memref<320xf32, #tpu.memory_space<vmem>>[vector<16xi32>], vector<16xf32>,
        %get3A = arith.index_cast %scan3A_749 : i32 to index
        %get3A_762 = arith.constant 640 : index
        %get3A_763 = tpu.vector_load %arg8[%get3A, %get3A_762] {strides = array<i32>} : memref<40x1024xf32, #tpu.memory_space<vmem>>, vector<16xf32>,
        %mul3A_764 = arith.mulf %gather3A, %get3A_763 : vector<16xf32>
        %add3A_765 = arith.addf %scan3A_750, %mul3A_764 : vector<16xf32>
        %get3A_766 = arith.index_cast %scan3A_749 : i32 to index
        %get3A_767 = arith.constant 656 : index
        %get3A_768 = tpu.vector_load %arg8[%get3A_766, %get3A_767] {strides = array<i32>} : memref<40x1024xf32, #tpu.memory_space<vmem>>, vector<16xf32>,
        %mul3A_769 = arith.mulf %gather3A, %get3A_768 : vector<16xf32>
        %add3A_770 = arith.addf %scan3A_751, %mul3A_769 : vector<16xf32>
        %get3A_771 = arith.index_cast %scan3A_749 : i32 to index
        %get3A_772 = arith.constant 672 : index
        %get3A_773 = tpu.vector_load %arg8[%get3A_771, %get3A_772] {strides = array<i32>} : memref<40x1024xf32, #tpu.memory_space<vmem>>, vector<16xf32>,
        %mul3A_774 = arith.mulf %gather3A, %get3A_773 : vector<16xf32>
        %add3A_775 = arith.addf %scan3A_752, %mul3A_774 : vector<16xf32>
        %get3A_776 = arith.index_cast %scan3A_749 : i32 to index
        %get3A_777 = arith.constant 688 : index
        %get3A_778 = tpu.vector_load %arg8[%get3A_776, %get3A_777] {strides = array<i32>} : memref<40x1024xf32, #tpu.memory_space<vmem>>, vector<16xf32>,
        %mul3A_779 = arith.mulf %gather3A, %get3A_778 : vector<16xf32>
        %add3A_780 = arith.addf %scan3A_753, %mul3A_779 : vector<16xf32>
        %get3A_781 = arith.index_cast %scan3A_749 : i32 to index
        %get3A_782 = arith.constant 704 : index
        %get3A_783 = tpu.vector_load %arg8[%get3A_781, %get3A_782] {strides = array<i32>} : memref<40x1024xf32, #tpu.memory_space<vmem>>, vector<16xf32>,
        %mul3A_784 = arith.mulf %gather3A, %get3A_783 : vector<16xf32>
        %add3A_785 = arith.addf %scan3A_754, %mul3A_784 : vector<16xf32>
        %get3A_786 = arith.index_cast %scan3A_749 : i32 to index
        %get3A_787 = arith.constant 720 : index
        %get3A_788 = tpu.vector_load %arg8[%get3A_786, %get3A_787] {strides = array<i32>} : memref<40x1024xf32, #tpu.memory_space<vmem>>, vector<16xf32>,
        %mul3A_789 = arith.mulf %gather3A, %get3A_788 : vector<16xf32>
        %add3A_790 = arith.addf %scan3A_755, %mul3A_789 : vector<16xf32>
        %get3A_791 = arith.index_cast %scan3A_749 : i32 to index
        %get3A_792 = arith.constant 736 : index
        %get3A_793 = tpu.vector_load %arg8[%get3A_791, %get3A_792] {strides = array<i32>} : memref<40x1024xf32, #tpu.memory_space<vmem>>, vector<16xf32>,
        %mul3A_794 = arith.mulf %gather3A, %get3A_793 : vector<16xf32>
        %add3A_795 = arith.addf %scan3A_756, %mul3A_794 : vector<16xf32>
        %get3A_796 = arith.index_cast %scan3A_749 : i32 to index
        %get3A_797 = arith.constant 752 : index
        %get3A_798 = tpu.vector_load %arg8[%get3A_796, %get3A_797] {strides = array<i32>} : memref<40x1024xf32, #tpu.memory_space<vmem>>, vector<16xf32>,
        %mul3A_799 = arith.mulf %gather3A, %get3A_798 : vector<16xf32>
        %add3A_800 = arith.addf %scan3A_757, %mul3A_799 : vector<16xf32>
        scf.yield %add3A_765, %add3A_770, %add3A_775, %add3A_780, %add3A_785, %add3A_790, %add3A_795, %add3A_800 : vector<16xf32>, vector<16xf32>, vector<16xf32>, vector<16xf32>, vector<16xf32>, vector<16xf32>, vector<16xf32>, vector<16xf32>
      }
      %scan3A_310 = arith.constant 33 : i32
      %swap3A_311 = arith.constant 640 : index
      %swap3A_312 = tpu.vector_load %arg12[%swap3A_311] {strides = array<i32>} : memref<1024xf32, #tpu.memory_space<vmem>>, vector<16xf32>,
      tpu.vector_store %arg12[%swap3A_311], %scan3A_309#0 {strides = array<i32>} : memref<1024xf32, #tpu.memory_space<vmem>>, vector<16xf32>,
      %swap3A_313 = arith.constant 656 : index
      %swap3A_314 = tpu.vector_load %arg12[%swap3A_313] {strides = array<i32>} : memref<1024xf32, #tpu.memory_space<vmem>>, vector<16xf32>,
      tpu.vector_store %arg12[%swap3A_313], %scan3A_309#1 {strides = array<i32>} : memref<1024xf32, #tpu.memory_space<vmem>>, vector<16xf32>,
      %swap3A_315 = arith.constant 672 : index
      %swap3A_316 = tpu.vector_load %arg12[%swap3A_315] {strides = array<i32>} : memref<1024xf32, #tpu.memory_space<vmem>>, vector<16xf32>,
      tpu.vector_store %arg12[%swap3A_315], %scan3A_309#2 {strides = array<i32>} : memref<1024xf32, #tpu.memory_space<vmem>>, vector<16xf32>,
      %swap3A_317 = arith.constant 688 : index
      %swap3A_318 = tpu.vector_load %arg12[%swap3A_317] {strides = array<i32>} : memref<1024xf32, #tpu.memory_space<vmem>>, vector<16xf32>,
      tpu.vector_store %arg12[%swap3A_317], %scan3A_309#3 {strides = array<i32>} : memref<1024xf32, #tpu.memory_space<vmem>>, vector<16xf32>,
      %swap3A_319 = arith.constant 704 : index
      %swap3A_320 = tpu.vector_load %arg12[%swap3A_319] {strides = array<i32>} : memref<1024xf32, #tpu.memory_space<vmem>>, vector<16xf32>,
      tpu.vector_store %arg12[%swap3A_319], %scan3A_309#4 {strides = array<i32>} : memref<1024xf32, #tpu.memory_space<vmem>>, vector<16xf32>,
      %swap3A_321 = arith.constant 720 : index
      %swap3A_322 = tpu.vector_load %arg12[%swap3A_321] {strides = array<i32>} : memref<1024xf32, #tpu.memory_space<vmem>>, vector<16xf32>,
      tpu.vector_store %arg12[%swap3A_321], %scan3A_309#5 {strides = array<i32>} : memref<1024xf32, #tpu.memory_space<vmem>>, vector<16xf32>,
      %swap3A_323 = arith.constant 736 : index
      %swap3A_324 = tpu.vector_load %arg12[%swap3A_323] {strides = array<i32>} : memref<1024xf32, #tpu.memory_space<vmem>>, vector<16xf32>,
      tpu.vector_store %arg12[%swap3A_323], %scan3A_309#6 {strides = array<i32>} : memref<1024xf32, #tpu.memory_space<vmem>>, vector<16xf32>,
      %swap3A_325 = arith.constant 752 : index
      %swap3A_326 = tpu.vector_load %arg12[%swap3A_325] {strides = array<i32>} : memref<1024xf32, #tpu.memory_space<vmem>>, vector<16xf32>,
      tpu.vector_store %arg12[%swap3A_325], %scan3A_309#7 {strides = array<i32>} : memref<1024xf32, #tpu.memory_space<vmem>>, vector<16xf32>,
      %broadcast_in_dim3A_327 = arith.constant 0.000000e+00 : f32
      %broadcast_in_dim3A_328 = vector.broadcast %broadcast_in_dim3A_327 : f32 to vector<16xf32>
      %broadcast_in_dim3A_329 = arith.constant 0.000000e+00 : f32
      %broadcast_in_dim3A_330 = vector.broadcast %broadcast_in_dim3A_329 : f32 to vector<16xf32>
      %broadcast_in_dim3A_331 = arith.constant 0.000000e+00 : f32
      %broadcast_in_dim3A_332 = vector.broadcast %broadcast_in_dim3A_331 : f32 to vector<16xf32>
      %broadcast_in_dim3A_333 = arith.constant 0.000000e+00 : f32
      %broadcast_in_dim3A_334 = vector.broadcast %broadcast_in_dim3A_333 : f32 to vector<16xf32>
      %broadcast_in_dim3A_335 = arith.constant 0.000000e+00 : f32
      %broadcast_in_dim3A_336 = vector.broadcast %broadcast_in_dim3A_335 : f32 to vector<16xf32>
      %broadcast_in_dim3A_337 = arith.constant 0.000000e+00 : f32
      %broadcast_in_dim3A_338 = vector.broadcast %broadcast_in_dim3A_337 : f32 to vector<16xf32>
      %broadcast_in_dim3A_339 = arith.constant 0.000000e+00 : f32
      %broadcast_in_dim3A_340 = vector.broadcast %broadcast_in_dim3A_339 : f32 to vector<16xf32>
      %broadcast_in_dim3A_341 = arith.constant 0.000000e+00 : f32
      %broadcast_in_dim3A_342 = vector.broadcast %broadcast_in_dim3A_341 : f32 to vector<16xf32>
      %scan3A_343 = arith.constant 0 : i32
      %scan3A_344 = arith.constant 33 : i32
      %scan3A_345 = arith.addi %scan3A_343, %scan3A_344 : i32
      %scan3A_346 = arith.constant 1 : i32
      %scan3A_347:8 = scf.for %scan3A_749 = %scan3A_343 to %scan3A_345 step %scan3A_346 iter_args(%scan3A_750 = %broadcast_in_dim3A_328, %scan3A_751 = %broadcast_in_dim3A_330, %scan3A_752 = %broadcast_in_dim3A_332, %scan3A_753 = %broadcast_in_dim3A_334, %scan3A_754 = %broadcast_in_dim3A_336, %scan3A_755 = %broadcast_in_dim3A_338, %scan3A_756 = %broadcast_in_dim3A_340, %scan3A_757 = %broadcast_in_dim3A_342) -> (vector<16xf32>, vector<16xf32>, vector<16xf32>, vector<16xf32>, vector<16xf32>, vector<16xf32>, vector<16xf32>, vector<16xf32>)  : i32 {
        %broadcast_in_dim3A_758 = arith.constant 240 : i32
        %broadcast_in_dim3A_759 = vector.broadcast %broadcast_in_dim3A_758 : i32 to vector<16xi32>
        %add3A_760 = vector.broadcast %scan3A_749 : i32 to vector<16xi32>
        %add3A_761 = arith.addi %broadcast_in_dim3A_759, %add3A_760 : vector<16xi32>
        %gather3A = tpu.vector_load_idx %arg10[%add3A_761] : memref<320xf32, #tpu.memory_space<vmem>>[vector<16xi32>], vector<16xf32>,
        %get3A = arith.index_cast %scan3A_749 : i32 to index
        %get3A_762 = arith.constant 768 : index
        %get3A_763 = tpu.vector_load %arg8[%get3A, %get3A_762] {strides = array<i32>} : memref<40x1024xf32, #tpu.memory_space<vmem>>, vector<16xf32>,
        %mul3A_764 = arith.mulf %gather3A, %get3A_763 : vector<16xf32>
        %add3A_765 = arith.addf %scan3A_750, %mul3A_764 : vector<16xf32>
        %get3A_766 = arith.index_cast %scan3A_749 : i32 to index
        %get3A_767 = arith.constant 784 : index
        %get3A_768 = tpu.vector_load %arg8[%get3A_766, %get3A_767] {strides = array<i32>} : memref<40x1024xf32, #tpu.memory_space<vmem>>, vector<16xf32>,
        %mul3A_769 = arith.mulf %gather3A, %get3A_768 : vector<16xf32>
        %add3A_770 = arith.addf %scan3A_751, %mul3A_769 : vector<16xf32>
        %get3A_771 = arith.index_cast %scan3A_749 : i32 to index
        %get3A_772 = arith.constant 800 : index
        %get3A_773 = tpu.vector_load %arg8[%get3A_771, %get3A_772] {strides = array<i32>} : memref<40x1024xf32, #tpu.memory_space<vmem>>, vector<16xf32>,
        %mul3A_774 = arith.mulf %gather3A, %get3A_773 : vector<16xf32>
        %add3A_775 = arith.addf %scan3A_752, %mul3A_774 : vector<16xf32>
        %get3A_776 = arith.index_cast %scan3A_749 : i32 to index
        %get3A_777 = arith.constant 816 : index
        %get3A_778 = tpu.vector_load %arg8[%get3A_776, %get3A_777] {strides = array<i32>} : memref<40x1024xf32, #tpu.memory_space<vmem>>, vector<16xf32>,
        %mul3A_779 = arith.mulf %gather3A, %get3A_778 : vector<16xf32>
        %add3A_780 = arith.addf %scan3A_753, %mul3A_779 : vector<16xf32>
        %get3A_781 = arith.index_cast %scan3A_749 : i32 to index
        %get3A_782 = arith.constant 832 : index
        %get3A_783 = tpu.vector_load %arg8[%get3A_781, %get3A_782] {strides = array<i32>} : memref<40x1024xf32, #tpu.memory_space<vmem>>, vector<16xf32>,
        %mul3A_784 = arith.mulf %gather3A, %get3A_783 : vector<16xf32>
        %add3A_785 = arith.addf %scan3A_754, %mul3A_784 : vector<16xf32>
        %get3A_786 = arith.index_cast %scan3A_749 : i32 to index
        %get3A_787 = arith.constant 848 : index
        %get3A_788 = tpu.vector_load %arg8[%get3A_786, %get3A_787] {strides = array<i32>} : memref<40x1024xf32, #tpu.memory_space<vmem>>, vector<16xf32>,
        %mul3A_789 = arith.mulf %gather3A, %get3A_788 : vector<16xf32>
        %add3A_790 = arith.addf %scan3A_755, %mul3A_789 : vector<16xf32>
        %get3A_791 = arith.index_cast %scan3A_749 : i32 to index
        %get3A_792 = arith.constant 864 : index
        %get3A_793 = tpu.vector_load %arg8[%get3A_791, %get3A_792] {strides = array<i32>} : memref<40x1024xf32, #tpu.memory_space<vmem>>, vector<16xf32>,
        %mul3A_794 = arith.mulf %gather3A, %get3A_793 : vector<16xf32>
        %add3A_795 = arith.addf %scan3A_756, %mul3A_794 : vector<16xf32>
        %get3A_796 = arith.index_cast %scan3A_749 : i32 to index
        %get3A_797 = arith.constant 880 : index
        %get3A_798 = tpu.vector_load %arg8[%get3A_796, %get3A_797] {strides = array<i32>} : memref<40x1024xf32, #tpu.memory_space<vmem>>, vector<16xf32>,
        %mul3A_799 = arith.mulf %gather3A, %get3A_798 : vector<16xf32>
        %add3A_800 = arith.addf %scan3A_757, %mul3A_799 : vector<16xf32>
        scf.yield %add3A_765, %add3A_770, %add3A_775, %add3A_780, %add3A_785, %add3A_790, %add3A_795, %add3A_800 : vector<16xf32>, vector<16xf32>, vector<16xf32>, vector<16xf32>, vector<16xf32>, vector<16xf32>, vector<16xf32>, vector<16xf32>
      }
      %scan3A_348 = arith.constant 33 : i32
      %swap3A_349 = arith.constant 768 : index
      %swap3A_350 = tpu.vector_load %arg12[%swap3A_349] {strides = array<i32>} : memref<1024xf32, #tpu.memory_space<vmem>>, vector<16xf32>,
      tpu.vector_store %arg12[%swap3A_349], %scan3A_347#0 {strides = array<i32>} : memref<1024xf32, #tpu.memory_space<vmem>>, vector<16xf32>,
      %swap3A_351 = arith.constant 784 : index
      %swap3A_352 = tpu.vector_load %arg12[%swap3A_351] {strides = array<i32>} : memref<1024xf32, #tpu.memory_space<vmem>>, vector<16xf32>,
      tpu.vector_store %arg12[%swap3A_351], %scan3A_347#1 {strides = array<i32>} : memref<1024xf32, #tpu.memory_space<vmem>>, vector<16xf32>,
      %swap3A_353 = arith.constant 800 : index
      %swap3A_354 = tpu.vector_load %arg12[%swap3A_353] {strides = array<i32>} : memref<1024xf32, #tpu.memory_space<vmem>>, vector<16xf32>,
      tpu.vector_store %arg12[%swap3A_353], %scan3A_347#2 {strides = array<i32>} : memref<1024xf32, #tpu.memory_space<vmem>>, vector<16xf32>,
      %swap3A_355 = arith.constant 816 : index
      %swap3A_356 = tpu.vector_load %arg12[%swap3A_355] {strides = array<i32>} : memref<1024xf32, #tpu.memory_space<vmem>>, vector<16xf32>,
      tpu.vector_store %arg12[%swap3A_355], %scan3A_347#3 {strides = array<i32>} : memref<1024xf32, #tpu.memory_space<vmem>>, vector<16xf32>,
      %swap3A_357 = arith.constant 832 : index
      %swap3A_358 = tpu.vector_load %arg12[%swap3A_357] {strides = array<i32>} : memref<1024xf32, #tpu.memory_space<vmem>>, vector<16xf32>,
      tpu.vector_store %arg12[%swap3A_357], %scan3A_347#4 {strides = array<i32>} : memref<1024xf32, #tpu.memory_space<vmem>>, vector<16xf32>,
      %swap3A_359 = arith.constant 848 : index
      %swap3A_360 = tpu.vector_load %arg12[%swap3A_359] {strides = array<i32>} : memref<1024xf32, #tpu.memory_space<vmem>>, vector<16xf32>,
      tpu.vector_store %arg12[%swap3A_359], %scan3A_347#5 {strides = array<i32>} : memref<1024xf32, #tpu.memory_space<vmem>>, vector<16xf32>,
      %swap3A_361 = arith.constant 864 : index
      %swap3A_362 = tpu.vector_load %arg12[%swap3A_361] {strides = array<i32>} : memref<1024xf32, #tpu.memory_space<vmem>>, vector<16xf32>,
      tpu.vector_store %arg12[%swap3A_361], %scan3A_347#6 {strides = array<i32>} : memref<1024xf32, #tpu.memory_space<vmem>>, vector<16xf32>,
      %swap3A_363 = arith.constant 880 : index
      %swap3A_364 = tpu.vector_load %arg12[%swap3A_363] {strides = array<i32>} : memref<1024xf32, #tpu.memory_space<vmem>>, vector<16xf32>,
      tpu.vector_store %arg12[%swap3A_363], %scan3A_347#7 {strides = array<i32>} : memref<1024xf32, #tpu.memory_space<vmem>>, vector<16xf32>,
      %broadcast_in_dim3A_365 = arith.constant 0.000000e+00 : f32
      %broadcast_in_dim3A_366 = vector.broadcast %broadcast_in_dim3A_365 : f32 to vector<16xf32>
      %broadcast_in_dim3A_367 = arith.constant 0.000000e+00 : f32
      %broadcast_in_dim3A_368 = vector.broadcast %broadcast_in_dim3A_367 : f32 to vector<16xf32>
      %broadcast_in_dim3A_369 = arith.constant 0.000000e+00 : f32
      %broadcast_in_dim3A_370 = vector.broadcast %broadcast_in_dim3A_369 : f32 to vector<16xf32>
      %broadcast_in_dim3A_371 = arith.constant 0.000000e+00 : f32
      %broadcast_in_dim3A_372 = vector.broadcast %broadcast_in_dim3A_371 : f32 to vector<16xf32>
      %broadcast_in_dim3A_373 = arith.constant 0.000000e+00 : f32
      %broadcast_in_dim3A_374 = vector.broadcast %broadcast_in_dim3A_373 : f32 to vector<16xf32>
      %broadcast_in_dim3A_375 = arith.constant 0.000000e+00 : f32
      %broadcast_in_dim3A_376 = vector.broadcast %broadcast_in_dim3A_375 : f32 to vector<16xf32>
      %broadcast_in_dim3A_377 = arith.constant 0.000000e+00 : f32
      %broadcast_in_dim3A_378 = vector.broadcast %broadcast_in_dim3A_377 : f32 to vector<16xf32>
      %broadcast_in_dim3A_379 = arith.constant 0.000000e+00 : f32
      %broadcast_in_dim3A_380 = vector.broadcast %broadcast_in_dim3A_379 : f32 to vector<16xf32>
      %scan3A_381 = arith.constant 0 : i32
      %scan3A_382 = arith.constant 33 : i32
      %scan3A_383 = arith.addi %scan3A_381, %scan3A_382 : i32
      %scan3A_384 = arith.constant 1 : i32
      %scan3A_385:8 = scf.for %scan3A_749 = %scan3A_381 to %scan3A_383 step %scan3A_384 iter_args(%scan3A_750 = %broadcast_in_dim3A_366, %scan3A_751 = %broadcast_in_dim3A_368, %scan3A_752 = %broadcast_in_dim3A_370, %scan3A_753 = %broadcast_in_dim3A_372, %scan3A_754 = %broadcast_in_dim3A_374, %scan3A_755 = %broadcast_in_dim3A_376, %scan3A_756 = %broadcast_in_dim3A_378, %scan3A_757 = %broadcast_in_dim3A_380) -> (vector<16xf32>, vector<16xf32>, vector<16xf32>, vector<16xf32>, vector<16xf32>, vector<16xf32>, vector<16xf32>, vector<16xf32>)  : i32 {
        %broadcast_in_dim3A_758 = arith.constant 280 : i32
        %broadcast_in_dim3A_759 = vector.broadcast %broadcast_in_dim3A_758 : i32 to vector<16xi32>
        %add3A_760 = vector.broadcast %scan3A_749 : i32 to vector<16xi32>
        %add3A_761 = arith.addi %broadcast_in_dim3A_759, %add3A_760 : vector<16xi32>
        %gather3A = tpu.vector_load_idx %arg10[%add3A_761] : memref<320xf32, #tpu.memory_space<vmem>>[vector<16xi32>], vector<16xf32>,
        %get3A = arith.index_cast %scan3A_749 : i32 to index
        %get3A_762 = arith.constant 896 : index
        %get3A_763 = tpu.vector_load %arg8[%get3A, %get3A_762] {strides = array<i32>} : memref<40x1024xf32, #tpu.memory_space<vmem>>, vector<16xf32>,
        %mul3A_764 = arith.mulf %gather3A, %get3A_763 : vector<16xf32>
        %add3A_765 = arith.addf %scan3A_750, %mul3A_764 : vector<16xf32>
        %get3A_766 = arith.index_cast %scan3A_749 : i32 to index
        %get3A_767 = arith.constant 912 : index
        %get3A_768 = tpu.vector_load %arg8[%get3A_766, %get3A_767] {strides = array<i32>} : memref<40x1024xf32, #tpu.memory_space<vmem>>, vector<16xf32>,
        %mul3A_769 = arith.mulf %gather3A, %get3A_768 : vector<16xf32>
        %add3A_770 = arith.addf %scan3A_751, %mul3A_769 : vector<16xf32>
        %get3A_771 = arith.index_cast %scan3A_749 : i32 to index
        %get3A_772 = arith.constant 928 : index
        %get3A_773 = tpu.vector_load %arg8[%get3A_771, %get3A_772] {strides = array<i32>} : memref<40x1024xf32, #tpu.memory_space<vmem>>, vector<16xf32>,
        %mul3A_774 = arith.mulf %gather3A, %get3A_773 : vector<16xf32>
        %add3A_775 = arith.addf %scan3A_752, %mul3A_774 : vector<16xf32>
        %get3A_776 = arith.index_cast %scan3A_749 : i32 to index
        %get3A_777 = arith.constant 944 : index
        %get3A_778 = tpu.vector_load %arg8[%get3A_776, %get3A_777] {strides = array<i32>} : memref<40x1024xf32, #tpu.memory_space<vmem>>, vector<16xf32>,
        %mul3A_779 = arith.mulf %gather3A, %get3A_778 : vector<16xf32>
        %add3A_780 = arith.addf %scan3A_753, %mul3A_779 : vector<16xf32>
        %get3A_781 = arith.index_cast %scan3A_749 : i32 to index
        %get3A_782 = arith.constant 960 : index
        %get3A_783 = tpu.vector_load %arg8[%get3A_781, %get3A_782] {strides = array<i32>} : memref<40x1024xf32, #tpu.memory_space<vmem>>, vector<16xf32>,
        %mul3A_784 = arith.mulf %gather3A, %get3A_783 : vector<16xf32>
        %add3A_785 = arith.addf %scan3A_754, %mul3A_784 : vector<16xf32>
        %get3A_786 = arith.index_cast %scan3A_749 : i32 to index
        %get3A_787 = arith.constant 976 : index
        %get3A_788 = tpu.vector_load %arg8[%get3A_786, %get3A_787] {strides = array<i32>} : memref<40x1024xf32, #tpu.memory_space<vmem>>, vector<16xf32>,
        %mul3A_789 = arith.mulf %gather3A, %get3A_788 : vector<16xf32>
        %add3A_790 = arith.addf %scan3A_755, %mul3A_789 : vector<16xf32>
        %get3A_791 = arith.index_cast %scan3A_749 : i32 to index
        %get3A_792 = arith.constant 992 : index
        %get3A_793 = tpu.vector_load %arg8[%get3A_791, %get3A_792] {strides = array<i32>} : memref<40x1024xf32, #tpu.memory_space<vmem>>, vector<16xf32>,
        %mul3A_794 = arith.mulf %gather3A, %get3A_793 : vector<16xf32>
        %add3A_795 = arith.addf %scan3A_756, %mul3A_794 : vector<16xf32>
        %get3A_796 = arith.index_cast %scan3A_749 : i32 to index
        %get3A_797 = arith.constant 1008 : index
        %get3A_798 = tpu.vector_load %arg8[%get3A_796, %get3A_797] {strides = array<i32>} : memref<40x1024xf32, #tpu.memory_space<vmem>>, vector<16xf32>,
        %mul3A_799 = arith.mulf %gather3A, %get3A_798 : vector<16xf32>
        %add3A_800 = arith.addf %scan3A_757, %mul3A_799 : vector<16xf32>
        scf.yield %add3A_765, %add3A_770, %add3A_775, %add3A_780, %add3A_785, %add3A_790, %add3A_795, %add3A_800 : vector<16xf32>, vector<16xf32>, vector<16xf32>, vector<16xf32>, vector<16xf32>, vector<16xf32>, vector<16xf32>, vector<16xf32>
      }
      %scan3A_386 = arith.constant 33 : i32
      %swap3A_387 = arith.constant 896 : index
      %swap3A_388 = tpu.vector_load %arg12[%swap3A_387] {strides = array<i32>} : memref<1024xf32, #tpu.memory_space<vmem>>, vector<16xf32>,
      tpu.vector_store %arg12[%swap3A_387], %scan3A_385#0 {strides = array<i32>} : memref<1024xf32, #tpu.memory_space<vmem>>, vector<16xf32>,
      %swap3A_389 = arith.constant 912 : index
      %swap3A_390 = tpu.vector_load %arg12[%swap3A_389] {strides = array<i32>} : memref<1024xf32, #tpu.memory_space<vmem>>, vector<16xf32>,
      tpu.vector_store %arg12[%swap3A_389], %scan3A_385#1 {strides = array<i32>} : memref<1024xf32, #tpu.memory_space<vmem>>, vector<16xf32>,
      %swap3A_391 = arith.constant 928 : index
      %swap3A_392 = tpu.vector_load %arg12[%swap3A_391] {strides = array<i32>} : memref<1024xf32, #tpu.memory_space<vmem>>, vector<16xf32>,
      tpu.vector_store %arg12[%swap3A_391], %scan3A_385#2 {strides = array<i32>} : memref<1024xf32, #tpu.memory_space<vmem>>, vector<16xf32>,
      %swap3A_393 = arith.constant 944 : index
      %swap3A_394 = tpu.vector_load %arg12[%swap3A_393] {strides = array<i32>} : memref<1024xf32, #tpu.memory_space<vmem>>, vector<16xf32>,
      tpu.vector_store %arg12[%swap3A_393], %scan3A_385#3 {strides = array<i32>} : memref<1024xf32, #tpu.memory_space<vmem>>, vector<16xf32>,
      %swap3A_395 = arith.constant 960 : index
      %swap3A_396 = tpu.vector_load %arg12[%swap3A_395] {strides = array<i32>} : memref<1024xf32, #tpu.memory_space<vmem>>, vector<16xf32>,
      tpu.vector_store %arg12[%swap3A_395], %scan3A_385#4 {strides = array<i32>} : memref<1024xf32, #tpu.memory_space<vmem>>, vector<16xf32>,
      %swap3A_397 = arith.constant 976 : index
      %swap3A_398 = tpu.vector_load %arg12[%swap3A_397] {strides = array<i32>} : memref<1024xf32, #tpu.memory_space<vmem>>, vector<16xf32>,
      tpu.vector_store %arg12[%swap3A_397], %scan3A_385#5 {strides = array<i32>} : memref<1024xf32, #tpu.memory_space<vmem>>, vector<16xf32>,
      %swap3A_399 = arith.constant 992 : index
      %swap3A_400 = tpu.vector_load %arg12[%swap3A_399] {strides = array<i32>} : memref<1024xf32, #tpu.memory_space<vmem>>, vector<16xf32>,
      tpu.vector_store %arg12[%swap3A_399], %scan3A_385#6 {strides = array<i32>} : memref<1024xf32, #tpu.memory_space<vmem>>, vector<16xf32>,
      %swap3A_401 = arith.constant 1008 : index
      %swap3A_402 = tpu.vector_load %arg12[%swap3A_401] {strides = array<i32>} : memref<1024xf32, #tpu.memory_space<vmem>>, vector<16xf32>,
      tpu.vector_store %arg12[%swap3A_401], %scan3A_385#7 {strides = array<i32>} : memref<1024xf32, #tpu.memory_space<vmem>>, vector<16xf32>,
      %dma_start3A_403 = arith.constant 0 : i32
      %dma_start3A_404 = tpu.memref_slice %arg5[%add3A_54, %and3A_55, %dma_start3A_403] : memref<2048x4x1024xf32, #tpu.memory_space<hbm>> -> memref<1x1x1024xf32, #tpu.memory_space<hbm>>
      %dma_start3A_405 = tpu.memref_squeeze %dma_start3A_404 : memref<1x1x1024xf32, #tpu.memory_space<hbm>> -> memref<1024xf32, #tpu.memory_space<hbm>>
      %dma_start3A_406 = arith.constant 0 : i32
      %dma_start3A_407 = tpu.memref_slice %arg5[%add3A_54, %and3A_55, %dma_start3A_406] : memref<2048x4x1024xf32, #tpu.memory_space<hbm>> -> memref<1x1x1024xf32, #tpu.memory_space<hbm>>
      %dma_start3A_408 = tpu.memref_squeeze %dma_start3A_407 : memref<1x1x1024xf32, #tpu.memory_space<hbm>> -> memref<1024xf32, #tpu.memory_space<hbm>>
      tpu.enqueue_dma source(%arg12 : memref<1024xf32, #tpu.memory_space<vmem>>) target(%dma_start3A_408 : memref<1024xf32, #tpu.memory_space<hbm>>) target_semaphore(%arg20 : memref<!tpu.dma_semaphore, #tpu.memory_space<semaphore_mem>>)
      %dma_wait3A_409 = arith.constant 0 : i32
      %dma_wait3A_410 = tpu.memref_slice %arg3[%add3A_64, %and3A_66, %dma_wait3A_409] : memref<2048x4x40xi32, #tpu.memory_space<hbm>> -> memref<1x1x40xi32, #tpu.memory_space<hbm>>
      %dma_wait3A_411 = tpu.memref_squeeze %dma_wait3A_410 : memref<1x1x40xi32, #tpu.memory_space<hbm>> -> memref<40xi32, #tpu.memory_space<hbm>>
      %dma_wait3A_412 = arith.constant 0 : i32
      %dma_wait3A_413 = tpu.memref_slice %arg3[%add3A_64, %and3A_66, %dma_wait3A_412] : memref<2048x4x40xi32, #tpu.memory_space<hbm>> -> memref<1x1x40xi32, #tpu.memory_space<hbm>>
      %dma_wait3A_414 = tpu.memref_squeeze %dma_wait3A_413 : memref<1x1x40xi32, #tpu.memory_space<hbm>> -> memref<40xi32, #tpu.memory_space<hbm>>
      tpu.wait_dma2 semaphore(%arg14 : memref<!tpu.dma_semaphore, #tpu.memory_space<semaphore_mem>>) src(%dma_wait3A_414 : memref<40xi32, #tpu.memory_space<hbm>>) dst(%arg6 : memref<40xi32, #tpu.memory_space<vmem>>)
      %lt3A = arith.constant 256 : i32
      %lt3A_415 = arith.cmpi slt, %add3A_52, %lt3A : i32
      %convert_element_type3A_416 = arith.extui %lt3A_415 : i1 to i32
      %cond3A_417 = arith.constant 0 : i32
      %cond3A_418 = arith.cmpi ne, %convert_element_type3A_416, %cond3A_417 : i32
      scf.if %cond3A_418 {
        %dma_start3A_749 = arith.constant 0 : i32
        %dma_start3A_750 = arith.constant 0 : i32
        %dma_start3A_751 = tpu.memref_slice %arg2[%dma_start3A_749, %dma_start3A_750] : memref<8192x1024xf32, #tpu.memory_space<hbm>> -> memref<8192x1024xf32, #tpu.memory_space<hbm>>
        tpu.enqueue_indirect_dma source(%dma_start3A_751 : memref<8192x1024xf32, #tpu.memory_space<hbm>>) target(%arg8 : memref<40x1024xf32, #tpu.memory_space<vmem>>) offsets(%arg6 : memref<40xi32, #tpu.memory_space<vmem>>) semaphore(%arg16 : memref<!tpu.dma_semaphore, #tpu.memory_space<semaphore_mem>>)
        %dma_start3A_752 = arith.constant 0 : i32
        %dma_start3A_753 = arith.constant 0 : i32
        %dma_start3A_754 = tpu.memref_slice %arg4[%add3A_64, %and3A_66, %dma_start3A_752, %dma_start3A_753] : memref<2048x4x1x320xf32, #tpu.memory_space<hbm>> -> memref<1x1x1x320xf32, #tpu.memory_space<hbm>>
        %dma_start3A_755 = tpu.memref_squeeze %dma_start3A_754 : memref<1x1x1x320xf32, #tpu.memory_space<hbm>> -> memref<320xf32, #tpu.memory_space<hbm>>
        %dma_start3A_756 = arith.constant 0 : i32
        %dma_start3A_757 = tpu.memref_slice %arg4[%add3A_64, %and3A_66, %dma_start3A_752, %dma_start3A_756] : memref<2048x4x1x320xf32, #tpu.memory_space<hbm>> -> memref<1x1x1x320xf32, #tpu.memory_space<hbm>>
        %dma_start3A_758 = tpu.memref_squeeze %dma_start3A_757 : memref<1x1x1x320xf32, #tpu.memory_space<hbm>> -> memref<320xf32, #tpu.memory_space<hbm>>
        tpu.enqueue_dma source(%dma_start3A_758 : memref<320xf32, #tpu.memory_space<hbm>>) target(%arg10 : memref<320xf32, #tpu.memory_space<vmem>>) target_semaphore(%arg18 : memref<!tpu.dma_semaphore, #tpu.memory_space<semaphore_mem>>)
      } else {
      }
      %dma_wait3A_419 = arith.constant 0 : i32
      %dma_wait3A_420 = arith.constant 0 : i32
      %dma_wait3A_421 = tpu.memref_slice %arg4[%add3A_58, %and3A_60, %dma_wait3A_419, %dma_wait3A_420] : memref<2048x4x1x320xf32, #tpu.memory_space<hbm>> -> memref<1x1x1x320xf32, #tpu.memory_space<hbm>>
      %dma_wait3A_422 = tpu.memref_squeeze %dma_wait3A_421 : memref<1x1x1x320xf32, #tpu.memory_space<hbm>> -> memref<320xf32, #tpu.memory_space<hbm>>
      %dma_wait3A_423 = arith.constant 0 : i32
      %dma_wait3A_424 = tpu.memref_slice %arg4[%add3A_58, %and3A_60, %dma_wait3A_419, %dma_wait3A_423] : memref<2048x4x1x320xf32, #tpu.memory_space<hbm>> -> memref<1x1x1x320xf32, #tpu.memory_space<hbm>>
      %dma_wait3A_425 = tpu.memref_squeeze %dma_wait3A_424 : memref<1x1x1x320xf32, #tpu.memory_space<hbm>> -> memref<320xf32, #tpu.memory_space<hbm>>
      tpu.wait_dma2 semaphore(%arg19 : memref<!tpu.dma_semaphore, #tpu.memory_space<semaphore_mem>>) src(%dma_wait3A_425 : memref<320xf32, #tpu.memory_space<hbm>>) dst(%arg11 : memref<320xf32, #tpu.memory_space<vmem>>)
      %dma_wait3A_426 = arith.constant 0 : i32
      %dma_wait3A_427 = arith.constant 0 : i32
      %dma_wait3A_428 = tpu.memref_slice %arg2[%dma_wait3A_426, %dma_wait3A_427] : memref<8192x1024xf32, #tpu.memory_space<hbm>> -> memref<8192x1024xf32, #tpu.memory_space<hbm>>
      tpu.wait_indirect_dma semaphore(%arg17 : memref<!tpu.dma_semaphore, #tpu.memory_space<semaphore_mem>>) src(%dma_wait3A_428 : memref<8192x1024xf32, #tpu.memory_space<hbm>>) dst(%arg9 : memref<40x1024xf32, #tpu.memory_space<vmem>>)
      %lt3A_429 = arith.constant 256 : i32
      %lt3A_430 = arith.cmpi slt, %add3A_52, %lt3A_429 : i32
      %convert_element_type3A_431 = arith.extui %lt3A_430 : i1 to i32
      %cond3A_432 = arith.constant 0 : i32
      %cond3A_433 = arith.cmpi ne, %convert_element_type3A_431, %cond3A_432 : i32
      scf.if %cond3A_433 {
        %add3A_749 = arith.constant 1 : i32
        %add3A_750 = arith.addi %add3A_52, %add3A_749 : i32
        %min3A_751 = arith.constant 255 : i32
        %min3A_752 = arith.minsi %add3A_750, %min3A_751 : i32
        %shift_right_arithmetic3A_753 = arith.constant 2 : i32
        %shift_right_arithmetic3A_754 = arith.shrsi %min3A_752, %shift_right_arithmetic3A_753 : i32
        %add3A_755 = arith.addi %mul3A_2, %shift_right_arithmetic3A_754 : i32
        %and3A_756 = arith.constant 3 : i32
        %and3A_757 = arith.andi %min3A_752, %and3A_756 : i32
        %dma_start3A_758 = arith.constant 0 : i32
        %dma_start3A_759 = tpu.memref_slice %arg3[%add3A_755, %and3A_757, %dma_start3A_758] : memref<2048x4x40xi32, #tpu.memory_space<hbm>> -> memref<1x1x40xi32, #tpu.memory_space<hbm>>
        %dma_start3A_760 = tpu.memref_squeeze %dma_start3A_759 : memref<1x1x40xi32, #tpu.memory_space<hbm>> -> memref<40xi32, #tpu.memory_space<hbm>>
        %dma_start3A_761 = arith.constant 0 : i32
        %dma_start3A_762 = tpu.memref_slice %arg3[%add3A_755, %and3A_757, %dma_start3A_761] : memref<2048x4x40xi32, #tpu.memory_space<hbm>> -> memref<1x1x40xi32, #tpu.memory_space<hbm>>
        %dma_start3A_763 = tpu.memref_squeeze %dma_start3A_762 : memref<1x1x40xi32, #tpu.memory_space<hbm>> -> memref<40xi32, #tpu.memory_space<hbm>>
        tpu.enqueue_dma source(%dma_start3A_763 : memref<40xi32, #tpu.memory_space<hbm>>) target(%arg7 : memref<40xi32, #tpu.memory_space<vmem>>) target_semaphore(%arg15 : memref<!tpu.dma_semaphore, #tpu.memory_space<semaphore_mem>>)
      } else {
      }
      %gt3A_434 = arith.constant 0 : i32
      %gt3A_435 = arith.cmpi sgt, %scan3A_46, %gt3A_434 : i32
      %convert_element_type3A_436 = arith.extui %gt3A_435 : i1 to i32
      %cond3A_437 = arith.constant 0 : i32
      %cond3A_438 = arith.cmpi ne, %convert_element_type3A_436, %cond3A_437 : i32
      scf.if %cond3A_438 {
        %dma_wait3A_749 = arith.constant 0 : i32
        %dma_wait3A_750 = tpu.memref_slice %arg5[%add3A_58, %and3A_60, %dma_wait3A_749] : memref<2048x4x1024xf32, #tpu.memory_space<hbm>> -> memref<1x1x1024xf32, #tpu.memory_space<hbm>>
        %dma_wait3A_751 = tpu.memref_squeeze %dma_wait3A_750 : memref<1x1x1024xf32, #tpu.memory_space<hbm>> -> memref<1024xf32, #tpu.memory_space<hbm>>
        %dma_wait3A_752 = arith.constant 0 : i32
        %dma_wait3A_753 = tpu.memref_slice %arg5[%add3A_58, %and3A_60, %dma_wait3A_752] : memref<2048x4x1024xf32, #tpu.memory_space<hbm>> -> memref<1x1x1024xf32, #tpu.memory_space<hbm>>
        %dma_wait3A_754 = tpu.memref_squeeze %dma_wait3A_753 : memref<1x1x1024xf32, #tpu.memory_space<hbm>> -> memref<1024xf32, #tpu.memory_space<hbm>>
        tpu.wait_dma2 semaphore(%arg21 : memref<!tpu.dma_semaphore, #tpu.memory_space<semaphore_mem>>) src(%arg13 : memref<1024xf32, #tpu.memory_space<vmem>>) dst(%dma_wait3A_754 : memref<1024xf32, #tpu.memory_space<hbm>>)
      } else {
      }
      %broadcast_in_dim3A_439 = arith.constant 0.000000e+00 : f32
      %broadcast_in_dim3A_440 = vector.broadcast %broadcast_in_dim3A_439 : f32 to vector<16xf32>
      %broadcast_in_dim3A_441 = arith.constant 0.000000e+00 : f32
      %broadcast_in_dim3A_442 = vector.broadcast %broadcast_in_dim3A_441 : f32 to vector<16xf32>
      %broadcast_in_dim3A_443 = arith.constant 0.000000e+00 : f32
      %broadcast_in_dim3A_444 = vector.broadcast %broadcast_in_dim3A_443 : f32 to vector<16xf32>
      %broadcast_in_dim3A_445 = arith.constant 0.000000e+00 : f32
      %broadcast_in_dim3A_446 = vector.broadcast %broadcast_in_dim3A_445 : f32 to vector<16xf32>
      %broadcast_in_dim3A_447 = arith.constant 0.000000e+00 : f32
      %broadcast_in_dim3A_448 = vector.broadcast %broadcast_in_dim3A_447 : f32 to vector<16xf32>
      %broadcast_in_dim3A_449 = arith.constant 0.000000e+00 : f32
      %broadcast_in_dim3A_450 = vector.broadcast %broadcast_in_dim3A_449 : f32 to vector<16xf32>
      %broadcast_in_dim3A_451 = arith.constant 0.000000e+00 : f32
      %broadcast_in_dim3A_452 = vector.broadcast %broadcast_in_dim3A_451 : f32 to vector<16xf32>
      %broadcast_in_dim3A_453 = arith.constant 0.000000e+00 : f32
      %broadcast_in_dim3A_454 = vector.broadcast %broadcast_in_dim3A_453 : f32 to vector<16xf32>
      %scan3A_455 = arith.constant 0 : i32
      %scan3A_456 = arith.constant 33 : i32
      %scan3A_457 = arith.addi %scan3A_455, %scan3A_456 : i32
      %scan3A_458 = arith.constant 1 : i32
      %scan3A_459:8 = scf.for %scan3A_749 = %scan3A_455 to %scan3A_457 step %scan3A_458 iter_args(%scan3A_750 = %broadcast_in_dim3A_440, %scan3A_751 = %broadcast_in_dim3A_442, %scan3A_752 = %broadcast_in_dim3A_444, %scan3A_753 = %broadcast_in_dim3A_446, %scan3A_754 = %broadcast_in_dim3A_448, %scan3A_755 = %broadcast_in_dim3A_450, %scan3A_756 = %broadcast_in_dim3A_452, %scan3A_757 = %broadcast_in_dim3A_454) -> (vector<16xf32>, vector<16xf32>, vector<16xf32>, vector<16xf32>, vector<16xf32>, vector<16xf32>, vector<16xf32>, vector<16xf32>)  : i32 {
        %broadcast_in_dim3A_758 = arith.constant 0 : i32
        %broadcast_in_dim3A_759 = vector.broadcast %broadcast_in_dim3A_758 : i32 to vector<16xi32>
        %add3A_760 = vector.broadcast %scan3A_749 : i32 to vector<16xi32>
        %add3A_761 = arith.addi %broadcast_in_dim3A_759, %add3A_760 : vector<16xi32>
        %gather3A = tpu.vector_load_idx %arg11[%add3A_761] : memref<320xf32, #tpu.memory_space<vmem>>[vector<16xi32>], vector<16xf32>,
        %get3A = arith.index_cast %scan3A_749 : i32 to index
        %get3A_762 = arith.constant 0 : index
        %get3A_763 = tpu.vector_load %arg9[%get3A, %get3A_762] {strides = array<i32>} : memref<40x1024xf32, #tpu.memory_space<vmem>>, vector<16xf32>,
        %mul3A_764 = arith.mulf %gather3A, %get3A_763 : vector<16xf32>
        %add3A_765 = arith.addf %scan3A_750, %mul3A_764 : vector<16xf32>
        %get3A_766 = arith.index_cast %scan3A_749 : i32 to index
        %get3A_767 = arith.constant 16 : index
        %get3A_768 = tpu.vector_load %arg9[%get3A_766, %get3A_767] {strides = array<i32>} : memref<40x1024xf32, #tpu.memory_space<vmem>>, vector<16xf32>,
        %mul3A_769 = arith.mulf %gather3A, %get3A_768 : vector<16xf32>
        %add3A_770 = arith.addf %scan3A_751, %mul3A_769 : vector<16xf32>
        %get3A_771 = arith.index_cast %scan3A_749 : i32 to index
        %get3A_772 = arith.constant 32 : index
        %get3A_773 = tpu.vector_load %arg9[%get3A_771, %get3A_772] {strides = array<i32>} : memref<40x1024xf32, #tpu.memory_space<vmem>>, vector<16xf32>,
        %mul3A_774 = arith.mulf %gather3A, %get3A_773 : vector<16xf32>
        %add3A_775 = arith.addf %scan3A_752, %mul3A_774 : vector<16xf32>
        %get3A_776 = arith.index_cast %scan3A_749 : i32 to index
        %get3A_777 = arith.constant 48 : index
        %get3A_778 = tpu.vector_load %arg9[%get3A_776, %get3A_777] {strides = array<i32>} : memref<40x1024xf32, #tpu.memory_space<vmem>>, vector<16xf32>,
        %mul3A_779 = arith.mulf %gather3A, %get3A_778 : vector<16xf32>
        %add3A_780 = arith.addf %scan3A_753, %mul3A_779 : vector<16xf32>
        %get3A_781 = arith.index_cast %scan3A_749 : i32 to index
        %get3A_782 = arith.constant 64 : index
        %get3A_783 = tpu.vector_load %arg9[%get3A_781, %get3A_782] {strides = array<i32>} : memref<40x1024xf32, #tpu.memory_space<vmem>>, vector<16xf32>,
        %mul3A_784 = arith.mulf %gather3A, %get3A_783 : vector<16xf32>
        %add3A_785 = arith.addf %scan3A_754, %mul3A_784 : vector<16xf32>
        %get3A_786 = arith.index_cast %scan3A_749 : i32 to index
        %get3A_787 = arith.constant 80 : index
        %get3A_788 = tpu.vector_load %arg9[%get3A_786, %get3A_787] {strides = array<i32>} : memref<40x1024xf32, #tpu.memory_space<vmem>>, vector<16xf32>,
        %mul3A_789 = arith.mulf %gather3A, %get3A_788 : vector<16xf32>
        %add3A_790 = arith.addf %scan3A_755, %mul3A_789 : vector<16xf32>
        %get3A_791 = arith.index_cast %scan3A_749 : i32 to index
        %get3A_792 = arith.constant 96 : index
        %get3A_793 = tpu.vector_load %arg9[%get3A_791, %get3A_792] {strides = array<i32>} : memref<40x1024xf32, #tpu.memory_space<vmem>>, vector<16xf32>,
        %mul3A_794 = arith.mulf %gather3A, %get3A_793 : vector<16xf32>
        %add3A_795 = arith.addf %scan3A_756, %mul3A_794 : vector<16xf32>
        %get3A_796 = arith.index_cast %scan3A_749 : i32 to index
        %get3A_797 = arith.constant 112 : index
        %get3A_798 = tpu.vector_load %arg9[%get3A_796, %get3A_797] {strides = array<i32>} : memref<40x1024xf32, #tpu.memory_space<vmem>>, vector<16xf32>,
        %mul3A_799 = arith.mulf %gather3A, %get3A_798 : vector<16xf32>
        %add3A_800 = arith.addf %scan3A_757, %mul3A_799 : vector<16xf32>
        scf.yield %add3A_765, %add3A_770, %add3A_775, %add3A_780, %add3A_785, %add3A_790, %add3A_795, %add3A_800 : vector<16xf32>, vector<16xf32>, vector<16xf32>, vector<16xf32>, vector<16xf32>, vector<16xf32>, vector<16xf32>, vector<16xf32>
      }
      %scan3A_460 = arith.constant 33 : i32
      %swap3A_461 = arith.constant 0 : index
      %swap3A_462 = tpu.vector_load %arg13[%swap3A_461] {strides = array<i32>} : memref<1024xf32, #tpu.memory_space<vmem>>, vector<16xf32>,
      tpu.vector_store %arg13[%swap3A_461], %scan3A_459#0 {strides = array<i32>} : memref<1024xf32, #tpu.memory_space<vmem>>, vector<16xf32>,
      %swap3A_463 = arith.constant 16 : index
      %swap3A_464 = tpu.vector_load %arg13[%swap3A_463] {strides = array<i32>} : memref<1024xf32, #tpu.memory_space<vmem>>, vector<16xf32>,
      tpu.vector_store %arg13[%swap3A_463], %scan3A_459#1 {strides = array<i32>} : memref<1024xf32, #tpu.memory_space<vmem>>, vector<16xf32>,
      %swap3A_465 = arith.constant 32 : index
      %swap3A_466 = tpu.vector_load %arg13[%swap3A_465] {strides = array<i32>} : memref<1024xf32, #tpu.memory_space<vmem>>, vector<16xf32>,
      tpu.vector_store %arg13[%swap3A_465], %scan3A_459#2 {strides = array<i32>} : memref<1024xf32, #tpu.memory_space<vmem>>, vector<16xf32>,
      %swap3A_467 = arith.constant 48 : index
      %swap3A_468 = tpu.vector_load %arg13[%swap3A_467] {strides = array<i32>} : memref<1024xf32, #tpu.memory_space<vmem>>, vector<16xf32>,
      tpu.vector_store %arg13[%swap3A_467], %scan3A_459#3 {strides = array<i32>} : memref<1024xf32, #tpu.memory_space<vmem>>, vector<16xf32>,
      %swap3A_469 = arith.constant 64 : index
      %swap3A_470 = tpu.vector_load %arg13[%swap3A_469] {strides = array<i32>} : memref<1024xf32, #tpu.memory_space<vmem>>, vector<16xf32>,
      tpu.vector_store %arg13[%swap3A_469], %scan3A_459#4 {strides = array<i32>} : memref<1024xf32, #tpu.memory_space<vmem>>, vector<16xf32>,
      %swap3A_471 = arith.constant 80 : index
      %swap3A_472 = tpu.vector_load %arg13[%swap3A_471] {strides = array<i32>} : memref<1024xf32, #tpu.memory_space<vmem>>, vector<16xf32>,
      tpu.vector_store %arg13[%swap3A_471], %scan3A_459#5 {strides = array<i32>} : memref<1024xf32, #tpu.memory_space<vmem>>, vector<16xf32>,
      %swap3A_473 = arith.constant 96 : index
      %swap3A_474 = tpu.vector_load %arg13[%swap3A_473] {strides = array<i32>} : memref<1024xf32, #tpu.memory_space<vmem>>, vector<16xf32>,
      tpu.vector_store %arg13[%swap3A_473], %scan3A_459#6 {strides = array<i32>} : memref<1024xf32, #tpu.memory_space<vmem>>, vector<16xf32>,
      %swap3A_475 = arith.constant 112 : index
      %swap3A_476 = tpu.vector_load %arg13[%swap3A_475] {strides = array<i32>} : memref<1024xf32, #tpu.memory_space<vmem>>, vector<16xf32>,
      tpu.vector_store %arg13[%swap3A_475], %scan3A_459#7 {strides = array<i32>} : memref<1024xf32, #tpu.memory_space<vmem>>, vector<16xf32>,
      %broadcast_in_dim3A_477 = arith.constant 0.000000e+00 : f32
      %broadcast_in_dim3A_478 = vector.broadcast %broadcast_in_dim3A_477 : f32 to vector<16xf32>
      %broadcast_in_dim3A_479 = arith.constant 0.000000e+00 : f32
      %broadcast_in_dim3A_480 = vector.broadcast %broadcast_in_dim3A_479 : f32 to vector<16xf32>
      %broadcast_in_dim3A_481 = arith.constant 0.000000e+00 : f32
      %broadcast_in_dim3A_482 = vector.broadcast %broadcast_in_dim3A_481 : f32 to vector<16xf32>
      %broadcast_in_dim3A_483 = arith.constant 0.000000e+00 : f32
      %broadcast_in_dim3A_484 = vector.broadcast %broadcast_in_dim3A_483 : f32 to vector<16xf32>
      %broadcast_in_dim3A_485 = arith.constant 0.000000e+00 : f32
      %broadcast_in_dim3A_486 = vector.broadcast %broadcast_in_dim3A_485 : f32 to vector<16xf32>
      %broadcast_in_dim3A_487 = arith.constant 0.000000e+00 : f32
      %broadcast_in_dim3A_488 = vector.broadcast %broadcast_in_dim3A_487 : f32 to vector<16xf32>
      %broadcast_in_dim3A_489 = arith.constant 0.000000e+00 : f32
      %broadcast_in_dim3A_490 = vector.broadcast %broadcast_in_dim3A_489 : f32 to vector<16xf32>
      %broadcast_in_dim3A_491 = arith.constant 0.000000e+00 : f32
      %broadcast_in_dim3A_492 = vector.broadcast %broadcast_in_dim3A_491 : f32 to vector<16xf32>
      %scan3A_493 = arith.constant 0 : i32
      %scan3A_494 = arith.constant 33 : i32
      %scan3A_495 = arith.addi %scan3A_493, %scan3A_494 : i32
      %scan3A_496 = arith.constant 1 : i32
      %scan3A_497:8 = scf.for %scan3A_749 = %scan3A_493 to %scan3A_495 step %scan3A_496 iter_args(%scan3A_750 = %broadcast_in_dim3A_478, %scan3A_751 = %broadcast_in_dim3A_480, %scan3A_752 = %broadcast_in_dim3A_482, %scan3A_753 = %broadcast_in_dim3A_484, %scan3A_754 = %broadcast_in_dim3A_486, %scan3A_755 = %broadcast_in_dim3A_488, %scan3A_756 = %broadcast_in_dim3A_490, %scan3A_757 = %broadcast_in_dim3A_492) -> (vector<16xf32>, vector<16xf32>, vector<16xf32>, vector<16xf32>, vector<16xf32>, vector<16xf32>, vector<16xf32>, vector<16xf32>)  : i32 {
        %broadcast_in_dim3A_758 = arith.constant 40 : i32
        %broadcast_in_dim3A_759 = vector.broadcast %broadcast_in_dim3A_758 : i32 to vector<16xi32>
        %add3A_760 = vector.broadcast %scan3A_749 : i32 to vector<16xi32>
        %add3A_761 = arith.addi %broadcast_in_dim3A_759, %add3A_760 : vector<16xi32>
        %gather3A = tpu.vector_load_idx %arg11[%add3A_761] : memref<320xf32, #tpu.memory_space<vmem>>[vector<16xi32>], vector<16xf32>,
        %get3A = arith.index_cast %scan3A_749 : i32 to index
        %get3A_762 = arith.constant 128 : index
        %get3A_763 = tpu.vector_load %arg9[%get3A, %get3A_762] {strides = array<i32>} : memref<40x1024xf32, #tpu.memory_space<vmem>>, vector<16xf32>,
        %mul3A_764 = arith.mulf %gather3A, %get3A_763 : vector<16xf32>
        %add3A_765 = arith.addf %scan3A_750, %mul3A_764 : vector<16xf32>
        %get3A_766 = arith.index_cast %scan3A_749 : i32 to index
        %get3A_767 = arith.constant 144 : index
        %get3A_768 = tpu.vector_load %arg9[%get3A_766, %get3A_767] {strides = array<i32>} : memref<40x1024xf32, #tpu.memory_space<vmem>>, vector<16xf32>,
        %mul3A_769 = arith.mulf %gather3A, %get3A_768 : vector<16xf32>
        %add3A_770 = arith.addf %scan3A_751, %mul3A_769 : vector<16xf32>
        %get3A_771 = arith.index_cast %scan3A_749 : i32 to index
        %get3A_772 = arith.constant 160 : index
        %get3A_773 = tpu.vector_load %arg9[%get3A_771, %get3A_772] {strides = array<i32>} : memref<40x1024xf32, #tpu.memory_space<vmem>>, vector<16xf32>,
        %mul3A_774 = arith.mulf %gather3A, %get3A_773 : vector<16xf32>
        %add3A_775 = arith.addf %scan3A_752, %mul3A_774 : vector<16xf32>
        %get3A_776 = arith.index_cast %scan3A_749 : i32 to index
        %get3A_777 = arith.constant 176 : index
        %get3A_778 = tpu.vector_load %arg9[%get3A_776, %get3A_777] {strides = array<i32>} : memref<40x1024xf32, #tpu.memory_space<vmem>>, vector<16xf32>,
        %mul3A_779 = arith.mulf %gather3A, %get3A_778 : vector<16xf32>
        %add3A_780 = arith.addf %scan3A_753, %mul3A_779 : vector<16xf32>
        %get3A_781 = arith.index_cast %scan3A_749 : i32 to index
        %get3A_782 = arith.constant 192 : index
        %get3A_783 = tpu.vector_load %arg9[%get3A_781, %get3A_782] {strides = array<i32>} : memref<40x1024xf32, #tpu.memory_space<vmem>>, vector<16xf32>,
        %mul3A_784 = arith.mulf %gather3A, %get3A_783 : vector<16xf32>
        %add3A_785 = arith.addf %scan3A_754, %mul3A_784 : vector<16xf32>
        %get3A_786 = arith.index_cast %scan3A_749 : i32 to index
        %get3A_787 = arith.constant 208 : index
        %get3A_788 = tpu.vector_load %arg9[%get3A_786, %get3A_787] {strides = array<i32>} : memref<40x1024xf32, #tpu.memory_space<vmem>>, vector<16xf32>,
        %mul3A_789 = arith.mulf %gather3A, %get3A_788 : vector<16xf32>
        %add3A_790 = arith.addf %scan3A_755, %mul3A_789 : vector<16xf32>
        %get3A_791 = arith.index_cast %scan3A_749 : i32 to index
        %get3A_792 = arith.constant 224 : index
        %get3A_793 = tpu.vector_load %arg9[%get3A_791, %get3A_792] {strides = array<i32>} : memref<40x1024xf32, #tpu.memory_space<vmem>>, vector<16xf32>,
        %mul3A_794 = arith.mulf %gather3A, %get3A_793 : vector<16xf32>
        %add3A_795 = arith.addf %scan3A_756, %mul3A_794 : vector<16xf32>
        %get3A_796 = arith.index_cast %scan3A_749 : i32 to index
        %get3A_797 = arith.constant 240 : index
        %get3A_798 = tpu.vector_load %arg9[%get3A_796, %get3A_797] {strides = array<i32>} : memref<40x1024xf32, #tpu.memory_space<vmem>>, vector<16xf32>,
        %mul3A_799 = arith.mulf %gather3A, %get3A_798 : vector<16xf32>
        %add3A_800 = arith.addf %scan3A_757, %mul3A_799 : vector<16xf32>
        scf.yield %add3A_765, %add3A_770, %add3A_775, %add3A_780, %add3A_785, %add3A_790, %add3A_795, %add3A_800 : vector<16xf32>, vector<16xf32>, vector<16xf32>, vector<16xf32>, vector<16xf32>, vector<16xf32>, vector<16xf32>, vector<16xf32>
      }
      %scan3A_498 = arith.constant 33 : i32
      %swap3A_499 = arith.constant 128 : index
      %swap3A_500 = tpu.vector_load %arg13[%swap3A_499] {strides = array<i32>} : memref<1024xf32, #tpu.memory_space<vmem>>, vector<16xf32>,
      tpu.vector_store %arg13[%swap3A_499], %scan3A_497#0 {strides = array<i32>} : memref<1024xf32, #tpu.memory_space<vmem>>, vector<16xf32>,
      %swap3A_501 = arith.constant 144 : index
      %swap3A_502 = tpu.vector_load %arg13[%swap3A_501] {strides = array<i32>} : memref<1024xf32, #tpu.memory_space<vmem>>, vector<16xf32>,
      tpu.vector_store %arg13[%swap3A_501], %scan3A_497#1 {strides = array<i32>} : memref<1024xf32, #tpu.memory_space<vmem>>, vector<16xf32>,
      %swap3A_503 = arith.constant 160 : index
      %swap3A_504 = tpu.vector_load %arg13[%swap3A_503] {strides = array<i32>} : memref<1024xf32, #tpu.memory_space<vmem>>, vector<16xf32>,
      tpu.vector_store %arg13[%swap3A_503], %scan3A_497#2 {strides = array<i32>} : memref<1024xf32, #tpu.memory_space<vmem>>, vector<16xf32>,
      %swap3A_505 = arith.constant 176 : index
      %swap3A_506 = tpu.vector_load %arg13[%swap3A_505] {strides = array<i32>} : memref<1024xf32, #tpu.memory_space<vmem>>, vector<16xf32>,
      tpu.vector_store %arg13[%swap3A_505], %scan3A_497#3 {strides = array<i32>} : memref<1024xf32, #tpu.memory_space<vmem>>, vector<16xf32>,
      %swap3A_507 = arith.constant 192 : index
      %swap3A_508 = tpu.vector_load %arg13[%swap3A_507] {strides = array<i32>} : memref<1024xf32, #tpu.memory_space<vmem>>, vector<16xf32>,
      tpu.vector_store %arg13[%swap3A_507], %scan3A_497#4 {strides = array<i32>} : memref<1024xf32, #tpu.memory_space<vmem>>, vector<16xf32>,
      %swap3A_509 = arith.constant 208 : index
      %swap3A_510 = tpu.vector_load %arg13[%swap3A_509] {strides = array<i32>} : memref<1024xf32, #tpu.memory_space<vmem>>, vector<16xf32>,
      tpu.vector_store %arg13[%swap3A_509], %scan3A_497#5 {strides = array<i32>} : memref<1024xf32, #tpu.memory_space<vmem>>, vector<16xf32>,
      %swap3A_511 = arith.constant 224 : index
      %swap3A_512 = tpu.vector_load %arg13[%swap3A_511] {strides = array<i32>} : memref<1024xf32, #tpu.memory_space<vmem>>, vector<16xf32>,
      tpu.vector_store %arg13[%swap3A_511], %scan3A_497#6 {strides = array<i32>} : memref<1024xf32, #tpu.memory_space<vmem>>, vector<16xf32>,
      %swap3A_513 = arith.constant 240 : index
      %swap3A_514 = tpu.vector_load %arg13[%swap3A_513] {strides = array<i32>} : memref<1024xf32, #tpu.memory_space<vmem>>, vector<16xf32>,
      tpu.vector_store %arg13[%swap3A_513], %scan3A_497#7 {strides = array<i32>} : memref<1024xf32, #tpu.memory_space<vmem>>, vector<16xf32>,
      %broadcast_in_dim3A_515 = arith.constant 0.000000e+00 : f32
      %broadcast_in_dim3A_516 = vector.broadcast %broadcast_in_dim3A_515 : f32 to vector<16xf32>
      %broadcast_in_dim3A_517 = arith.constant 0.000000e+00 : f32
      %broadcast_in_dim3A_518 = vector.broadcast %broadcast_in_dim3A_517 : f32 to vector<16xf32>
      %broadcast_in_dim3A_519 = arith.constant 0.000000e+00 : f32
      %broadcast_in_dim3A_520 = vector.broadcast %broadcast_in_dim3A_519 : f32 to vector<16xf32>
      %broadcast_in_dim3A_521 = arith.constant 0.000000e+00 : f32
      %broadcast_in_dim3A_522 = vector.broadcast %broadcast_in_dim3A_521 : f32 to vector<16xf32>
      %broadcast_in_dim3A_523 = arith.constant 0.000000e+00 : f32
      %broadcast_in_dim3A_524 = vector.broadcast %broadcast_in_dim3A_523 : f32 to vector<16xf32>
      %broadcast_in_dim3A_525 = arith.constant 0.000000e+00 : f32
      %broadcast_in_dim3A_526 = vector.broadcast %broadcast_in_dim3A_525 : f32 to vector<16xf32>
      %broadcast_in_dim3A_527 = arith.constant 0.000000e+00 : f32
      %broadcast_in_dim3A_528 = vector.broadcast %broadcast_in_dim3A_527 : f32 to vector<16xf32>
      %broadcast_in_dim3A_529 = arith.constant 0.000000e+00 : f32
      %broadcast_in_dim3A_530 = vector.broadcast %broadcast_in_dim3A_529 : f32 to vector<16xf32>
      %scan3A_531 = arith.constant 0 : i32
      %scan3A_532 = arith.constant 33 : i32
      %scan3A_533 = arith.addi %scan3A_531, %scan3A_532 : i32
      %scan3A_534 = arith.constant 1 : i32
      %scan3A_535:8 = scf.for %scan3A_749 = %scan3A_531 to %scan3A_533 step %scan3A_534 iter_args(%scan3A_750 = %broadcast_in_dim3A_516, %scan3A_751 = %broadcast_in_dim3A_518, %scan3A_752 = %broadcast_in_dim3A_520, %scan3A_753 = %broadcast_in_dim3A_522, %scan3A_754 = %broadcast_in_dim3A_524, %scan3A_755 = %broadcast_in_dim3A_526, %scan3A_756 = %broadcast_in_dim3A_528, %scan3A_757 = %broadcast_in_dim3A_530) -> (vector<16xf32>, vector<16xf32>, vector<16xf32>, vector<16xf32>, vector<16xf32>, vector<16xf32>, vector<16xf32>, vector<16xf32>)  : i32 {
        %broadcast_in_dim3A_758 = arith.constant 80 : i32
        %broadcast_in_dim3A_759 = vector.broadcast %broadcast_in_dim3A_758 : i32 to vector<16xi32>
        %add3A_760 = vector.broadcast %scan3A_749 : i32 to vector<16xi32>
        %add3A_761 = arith.addi %broadcast_in_dim3A_759, %add3A_760 : vector<16xi32>
        %gather3A = tpu.vector_load_idx %arg11[%add3A_761] : memref<320xf32, #tpu.memory_space<vmem>>[vector<16xi32>], vector<16xf32>,
        %get3A = arith.index_cast %scan3A_749 : i32 to index
        %get3A_762 = arith.constant 256 : index
        %get3A_763 = tpu.vector_load %arg9[%get3A, %get3A_762] {strides = array<i32>} : memref<40x1024xf32, #tpu.memory_space<vmem>>, vector<16xf32>,
        %mul3A_764 = arith.mulf %gather3A, %get3A_763 : vector<16xf32>
        %add3A_765 = arith.addf %scan3A_750, %mul3A_764 : vector<16xf32>
        %get3A_766 = arith.index_cast %scan3A_749 : i32 to index
        %get3A_767 = arith.constant 272 : index
        %get3A_768 = tpu.vector_load %arg9[%get3A_766, %get3A_767] {strides = array<i32>} : memref<40x1024xf32, #tpu.memory_space<vmem>>, vector<16xf32>,
        %mul3A_769 = arith.mulf %gather3A, %get3A_768 : vector<16xf32>
        %add3A_770 = arith.addf %scan3A_751, %mul3A_769 : vector<16xf32>
        %get3A_771 = arith.index_cast %scan3A_749 : i32 to index
        %get3A_772 = arith.constant 288 : index
        %get3A_773 = tpu.vector_load %arg9[%get3A_771, %get3A_772] {strides = array<i32>} : memref<40x1024xf32, #tpu.memory_space<vmem>>, vector<16xf32>,
        %mul3A_774 = arith.mulf %gather3A, %get3A_773 : vector<16xf32>
        %add3A_775 = arith.addf %scan3A_752, %mul3A_774 : vector<16xf32>
        %get3A_776 = arith.index_cast %scan3A_749 : i32 to index
        %get3A_777 = arith.constant 304 : index
        %get3A_778 = tpu.vector_load %arg9[%get3A_776, %get3A_777] {strides = array<i32>} : memref<40x1024xf32, #tpu.memory_space<vmem>>, vector<16xf32>,
        %mul3A_779 = arith.mulf %gather3A, %get3A_778 : vector<16xf32>
        %add3A_780 = arith.addf %scan3A_753, %mul3A_779 : vector<16xf32>
        %get3A_781 = arith.index_cast %scan3A_749 : i32 to index
        %get3A_782 = arith.constant 320 : index
        %get3A_783 = tpu.vector_load %arg9[%get3A_781, %get3A_782] {strides = array<i32>} : memref<40x1024xf32, #tpu.memory_space<vmem>>, vector<16xf32>,
        %mul3A_784 = arith.mulf %gather3A, %get3A_783 : vector<16xf32>
        %add3A_785 = arith.addf %scan3A_754, %mul3A_784 : vector<16xf32>
        %get3A_786 = arith.index_cast %scan3A_749 : i32 to index
        %get3A_787 = arith.constant 336 : index
        %get3A_788 = tpu.vector_load %arg9[%get3A_786, %get3A_787] {strides = array<i32>} : memref<40x1024xf32, #tpu.memory_space<vmem>>, vector<16xf32>,
        %mul3A_789 = arith.mulf %gather3A, %get3A_788 : vector<16xf32>
        %add3A_790 = arith.addf %scan3A_755, %mul3A_789 : vector<16xf32>
        %get3A_791 = arith.index_cast %scan3A_749 : i32 to index
        %get3A_792 = arith.constant 352 : index
        %get3A_793 = tpu.vector_load %arg9[%get3A_791, %get3A_792] {strides = array<i32>} : memref<40x1024xf32, #tpu.memory_space<vmem>>, vector<16xf32>,
        %mul3A_794 = arith.mulf %gather3A, %get3A_793 : vector<16xf32>
        %add3A_795 = arith.addf %scan3A_756, %mul3A_794 : vector<16xf32>
        %get3A_796 = arith.index_cast %scan3A_749 : i32 to index
        %get3A_797 = arith.constant 368 : index
        %get3A_798 = tpu.vector_load %arg9[%get3A_796, %get3A_797] {strides = array<i32>} : memref<40x1024xf32, #tpu.memory_space<vmem>>, vector<16xf32>,
        %mul3A_799 = arith.mulf %gather3A, %get3A_798 : vector<16xf32>
        %add3A_800 = arith.addf %scan3A_757, %mul3A_799 : vector<16xf32>
        scf.yield %add3A_765, %add3A_770, %add3A_775, %add3A_780, %add3A_785, %add3A_790, %add3A_795, %add3A_800 : vector<16xf32>, vector<16xf32>, vector<16xf32>, vector<16xf32>, vector<16xf32>, vector<16xf32>, vector<16xf32>, vector<16xf32>
      }
      %scan3A_536 = arith.constant 33 : i32
      %swap3A_537 = arith.constant 256 : index
      %swap3A_538 = tpu.vector_load %arg13[%swap3A_537] {strides = array<i32>} : memref<1024xf32, #tpu.memory_space<vmem>>, vector<16xf32>,
      tpu.vector_store %arg13[%swap3A_537], %scan3A_535#0 {strides = array<i32>} : memref<1024xf32, #tpu.memory_space<vmem>>, vector<16xf32>,
      %swap3A_539 = arith.constant 272 : index
      %swap3A_540 = tpu.vector_load %arg13[%swap3A_539] {strides = array<i32>} : memref<1024xf32, #tpu.memory_space<vmem>>, vector<16xf32>,
      tpu.vector_store %arg13[%swap3A_539], %scan3A_535#1 {strides = array<i32>} : memref<1024xf32, #tpu.memory_space<vmem>>, vector<16xf32>,
      %swap3A_541 = arith.constant 288 : index
      %swap3A_542 = tpu.vector_load %arg13[%swap3A_541] {strides = array<i32>} : memref<1024xf32, #tpu.memory_space<vmem>>, vector<16xf32>,
      tpu.vector_store %arg13[%swap3A_541], %scan3A_535#2 {strides = array<i32>} : memref<1024xf32, #tpu.memory_space<vmem>>, vector<16xf32>,
      %swap3A_543 = arith.constant 304 : index
      %swap3A_544 = tpu.vector_load %arg13[%swap3A_543] {strides = array<i32>} : memref<1024xf32, #tpu.memory_space<vmem>>, vector<16xf32>,
      tpu.vector_store %arg13[%swap3A_543], %scan3A_535#3 {strides = array<i32>} : memref<1024xf32, #tpu.memory_space<vmem>>, vector<16xf32>,
      %swap3A_545 = arith.constant 320 : index
      %swap3A_546 = tpu.vector_load %arg13[%swap3A_545] {strides = array<i32>} : memref<1024xf32, #tpu.memory_space<vmem>>, vector<16xf32>,
      tpu.vector_store %arg13[%swap3A_545], %scan3A_535#4 {strides = array<i32>} : memref<1024xf32, #tpu.memory_space<vmem>>, vector<16xf32>,
      %swap3A_547 = arith.constant 336 : index
      %swap3A_548 = tpu.vector_load %arg13[%swap3A_547] {strides = array<i32>} : memref<1024xf32, #tpu.memory_space<vmem>>, vector<16xf32>,
      tpu.vector_store %arg13[%swap3A_547], %scan3A_535#5 {strides = array<i32>} : memref<1024xf32, #tpu.memory_space<vmem>>, vector<16xf32>,
      %swap3A_549 = arith.constant 352 : index
      %swap3A_550 = tpu.vector_load %arg13[%swap3A_549] {strides = array<i32>} : memref<1024xf32, #tpu.memory_space<vmem>>, vector<16xf32>,
      tpu.vector_store %arg13[%swap3A_549], %scan3A_535#6 {strides = array<i32>} : memref<1024xf32, #tpu.memory_space<vmem>>, vector<16xf32>,
      %swap3A_551 = arith.constant 368 : index
      %swap3A_552 = tpu.vector_load %arg13[%swap3A_551] {strides = array<i32>} : memref<1024xf32, #tpu.memory_space<vmem>>, vector<16xf32>,
      tpu.vector_store %arg13[%swap3A_551], %scan3A_535#7 {strides = array<i32>} : memref<1024xf32, #tpu.memory_space<vmem>>, vector<16xf32>,
      %broadcast_in_dim3A_553 = arith.constant 0.000000e+00 : f32
      %broadcast_in_dim3A_554 = vector.broadcast %broadcast_in_dim3A_553 : f32 to vector<16xf32>
      %broadcast_in_dim3A_555 = arith.constant 0.000000e+00 : f32
      %broadcast_in_dim3A_556 = vector.broadcast %broadcast_in_dim3A_555 : f32 to vector<16xf32>
      %broadcast_in_dim3A_557 = arith.constant 0.000000e+00 : f32
      %broadcast_in_dim3A_558 = vector.broadcast %broadcast_in_dim3A_557 : f32 to vector<16xf32>
      %broadcast_in_dim3A_559 = arith.constant 0.000000e+00 : f32
      %broadcast_in_dim3A_560 = vector.broadcast %broadcast_in_dim3A_559 : f32 to vector<16xf32>
      %broadcast_in_dim3A_561 = arith.constant 0.000000e+00 : f32
      %broadcast_in_dim3A_562 = vector.broadcast %broadcast_in_dim3A_561 : f32 to vector<16xf32>
      %broadcast_in_dim3A_563 = arith.constant 0.000000e+00 : f32
      %broadcast_in_dim3A_564 = vector.broadcast %broadcast_in_dim3A_563 : f32 to vector<16xf32>
      %broadcast_in_dim3A_565 = arith.constant 0.000000e+00 : f32
      %broadcast_in_dim3A_566 = vector.broadcast %broadcast_in_dim3A_565 : f32 to vector<16xf32>
      %broadcast_in_dim3A_567 = arith.constant 0.000000e+00 : f32
      %broadcast_in_dim3A_568 = vector.broadcast %broadcast_in_dim3A_567 : f32 to vector<16xf32>
      %scan3A_569 = arith.constant 0 : i32
      %scan3A_570 = arith.constant 33 : i32
      %scan3A_571 = arith.addi %scan3A_569, %scan3A_570 : i32
      %scan3A_572 = arith.constant 1 : i32
      %scan3A_573:8 = scf.for %scan3A_749 = %scan3A_569 to %scan3A_571 step %scan3A_572 iter_args(%scan3A_750 = %broadcast_in_dim3A_554, %scan3A_751 = %broadcast_in_dim3A_556, %scan3A_752 = %broadcast_in_dim3A_558, %scan3A_753 = %broadcast_in_dim3A_560, %scan3A_754 = %broadcast_in_dim3A_562, %scan3A_755 = %broadcast_in_dim3A_564, %scan3A_756 = %broadcast_in_dim3A_566, %scan3A_757 = %broadcast_in_dim3A_568) -> (vector<16xf32>, vector<16xf32>, vector<16xf32>, vector<16xf32>, vector<16xf32>, vector<16xf32>, vector<16xf32>, vector<16xf32>)  : i32 {
        %broadcast_in_dim3A_758 = arith.constant 120 : i32
        %broadcast_in_dim3A_759 = vector.broadcast %broadcast_in_dim3A_758 : i32 to vector<16xi32>
        %add3A_760 = vector.broadcast %scan3A_749 : i32 to vector<16xi32>
        %add3A_761 = arith.addi %broadcast_in_dim3A_759, %add3A_760 : vector<16xi32>
        %gather3A = tpu.vector_load_idx %arg11[%add3A_761] : memref<320xf32, #tpu.memory_space<vmem>>[vector<16xi32>], vector<16xf32>,
        %get3A = arith.index_cast %scan3A_749 : i32 to index
        %get3A_762 = arith.constant 384 : index
        %get3A_763 = tpu.vector_load %arg9[%get3A, %get3A_762] {strides = array<i32>} : memref<40x1024xf32, #tpu.memory_space<vmem>>, vector<16xf32>,
        %mul3A_764 = arith.mulf %gather3A, %get3A_763 : vector<16xf32>
        %add3A_765 = arith.addf %scan3A_750, %mul3A_764 : vector<16xf32>
        %get3A_766 = arith.index_cast %scan3A_749 : i32 to index
        %get3A_767 = arith.constant 400 : index
        %get3A_768 = tpu.vector_load %arg9[%get3A_766, %get3A_767] {strides = array<i32>} : memref<40x1024xf32, #tpu.memory_space<vmem>>, vector<16xf32>,
        %mul3A_769 = arith.mulf %gather3A, %get3A_768 : vector<16xf32>
        %add3A_770 = arith.addf %scan3A_751, %mul3A_769 : vector<16xf32>
        %get3A_771 = arith.index_cast %scan3A_749 : i32 to index
        %get3A_772 = arith.constant 416 : index
        %get3A_773 = tpu.vector_load %arg9[%get3A_771, %get3A_772] {strides = array<i32>} : memref<40x1024xf32, #tpu.memory_space<vmem>>, vector<16xf32>,
        %mul3A_774 = arith.mulf %gather3A, %get3A_773 : vector<16xf32>
        %add3A_775 = arith.addf %scan3A_752, %mul3A_774 : vector<16xf32>
        %get3A_776 = arith.index_cast %scan3A_749 : i32 to index
        %get3A_777 = arith.constant 432 : index
        %get3A_778 = tpu.vector_load %arg9[%get3A_776, %get3A_777] {strides = array<i32>} : memref<40x1024xf32, #tpu.memory_space<vmem>>, vector<16xf32>,
        %mul3A_779 = arith.mulf %gather3A, %get3A_778 : vector<16xf32>
        %add3A_780 = arith.addf %scan3A_753, %mul3A_779 : vector<16xf32>
        %get3A_781 = arith.index_cast %scan3A_749 : i32 to index
        %get3A_782 = arith.constant 448 : index
        %get3A_783 = tpu.vector_load %arg9[%get3A_781, %get3A_782] {strides = array<i32>} : memref<40x1024xf32, #tpu.memory_space<vmem>>, vector<16xf32>,
        %mul3A_784 = arith.mulf %gather3A, %get3A_783 : vector<16xf32>
        %add3A_785 = arith.addf %scan3A_754, %mul3A_784 : vector<16xf32>
        %get3A_786 = arith.index_cast %scan3A_749 : i32 to index
        %get3A_787 = arith.constant 464 : index
        %get3A_788 = tpu.vector_load %arg9[%get3A_786, %get3A_787] {strides = array<i32>} : memref<40x1024xf32, #tpu.memory_space<vmem>>, vector<16xf32>,
        %mul3A_789 = arith.mulf %gather3A, %get3A_788 : vector<16xf32>
        %add3A_790 = arith.addf %scan3A_755, %mul3A_789 : vector<16xf32>
        %get3A_791 = arith.index_cast %scan3A_749 : i32 to index
        %get3A_792 = arith.constant 480 : index
        %get3A_793 = tpu.vector_load %arg9[%get3A_791, %get3A_792] {strides = array<i32>} : memref<40x1024xf32, #tpu.memory_space<vmem>>, vector<16xf32>,
        %mul3A_794 = arith.mulf %gather3A, %get3A_793 : vector<16xf32>
        %add3A_795 = arith.addf %scan3A_756, %mul3A_794 : vector<16xf32>
        %get3A_796 = arith.index_cast %scan3A_749 : i32 to index
        %get3A_797 = arith.constant 496 : index
        %get3A_798 = tpu.vector_load %arg9[%get3A_796, %get3A_797] {strides = array<i32>} : memref<40x1024xf32, #tpu.memory_space<vmem>>, vector<16xf32>,
        %mul3A_799 = arith.mulf %gather3A, %get3A_798 : vector<16xf32>
        %add3A_800 = arith.addf %scan3A_757, %mul3A_799 : vector<16xf32>
        scf.yield %add3A_765, %add3A_770, %add3A_775, %add3A_780, %add3A_785, %add3A_790, %add3A_795, %add3A_800 : vector<16xf32>, vector<16xf32>, vector<16xf32>, vector<16xf32>, vector<16xf32>, vector<16xf32>, vector<16xf32>, vector<16xf32>
      }
      %scan3A_574 = arith.constant 33 : i32
      %swap3A_575 = arith.constant 384 : index
      %swap3A_576 = tpu.vector_load %arg13[%swap3A_575] {strides = array<i32>} : memref<1024xf32, #tpu.memory_space<vmem>>, vector<16xf32>,
      tpu.vector_store %arg13[%swap3A_575], %scan3A_573#0 {strides = array<i32>} : memref<1024xf32, #tpu.memory_space<vmem>>, vector<16xf32>,
      %swap3A_577 = arith.constant 400 : index
      %swap3A_578 = tpu.vector_load %arg13[%swap3A_577] {strides = array<i32>} : memref<1024xf32, #tpu.memory_space<vmem>>, vector<16xf32>,
      tpu.vector_store %arg13[%swap3A_577], %scan3A_573#1 {strides = array<i32>} : memref<1024xf32, #tpu.memory_space<vmem>>, vector<16xf32>,
      %swap3A_579 = arith.constant 416 : index
      %swap3A_580 = tpu.vector_load %arg13[%swap3A_579] {strides = array<i32>} : memref<1024xf32, #tpu.memory_space<vmem>>, vector<16xf32>,
      tpu.vector_store %arg13[%swap3A_579], %scan3A_573#2 {strides = array<i32>} : memref<1024xf32, #tpu.memory_space<vmem>>, vector<16xf32>,
      %swap3A_581 = arith.constant 432 : index
      %swap3A_582 = tpu.vector_load %arg13[%swap3A_581] {strides = array<i32>} : memref<1024xf32, #tpu.memory_space<vmem>>, vector<16xf32>,
      tpu.vector_store %arg13[%swap3A_581], %scan3A_573#3 {strides = array<i32>} : memref<1024xf32, #tpu.memory_space<vmem>>, vector<16xf32>,
      %swap3A_583 = arith.constant 448 : index
      %swap3A_584 = tpu.vector_load %arg13[%swap3A_583] {strides = array<i32>} : memref<1024xf32, #tpu.memory_space<vmem>>, vector<16xf32>,
      tpu.vector_store %arg13[%swap3A_583], %scan3A_573#4 {strides = array<i32>} : memref<1024xf32, #tpu.memory_space<vmem>>, vector<16xf32>,
      %swap3A_585 = arith.constant 464 : index
      %swap3A_586 = tpu.vector_load %arg13[%swap3A_585] {strides = array<i32>} : memref<1024xf32, #tpu.memory_space<vmem>>, vector<16xf32>,
      tpu.vector_store %arg13[%swap3A_585], %scan3A_573#5 {strides = array<i32>} : memref<1024xf32, #tpu.memory_space<vmem>>, vector<16xf32>,
      %swap3A_587 = arith.constant 480 : index
      %swap3A_588 = tpu.vector_load %arg13[%swap3A_587] {strides = array<i32>} : memref<1024xf32, #tpu.memory_space<vmem>>, vector<16xf32>,
      tpu.vector_store %arg13[%swap3A_587], %scan3A_573#6 {strides = array<i32>} : memref<1024xf32, #tpu.memory_space<vmem>>, vector<16xf32>,
      %swap3A_589 = arith.constant 496 : index
      %swap3A_590 = tpu.vector_load %arg13[%swap3A_589] {strides = array<i32>} : memref<1024xf32, #tpu.memory_space<vmem>>, vector<16xf32>,
      tpu.vector_store %arg13[%swap3A_589], %scan3A_573#7 {strides = array<i32>} : memref<1024xf32, #tpu.memory_space<vmem>>, vector<16xf32>,
      %broadcast_in_dim3A_591 = arith.constant 0.000000e+00 : f32
      %broadcast_in_dim3A_592 = vector.broadcast %broadcast_in_dim3A_591 : f32 to vector<16xf32>
      %broadcast_in_dim3A_593 = arith.constant 0.000000e+00 : f32
      %broadcast_in_dim3A_594 = vector.broadcast %broadcast_in_dim3A_593 : f32 to vector<16xf32>
      %broadcast_in_dim3A_595 = arith.constant 0.000000e+00 : f32
      %broadcast_in_dim3A_596 = vector.broadcast %broadcast_in_dim3A_595 : f32 to vector<16xf32>
      %broadcast_in_dim3A_597 = arith.constant 0.000000e+00 : f32
      %broadcast_in_dim3A_598 = vector.broadcast %broadcast_in_dim3A_597 : f32 to vector<16xf32>
      %broadcast_in_dim3A_599 = arith.constant 0.000000e+00 : f32
      %broadcast_in_dim3A_600 = vector.broadcast %broadcast_in_dim3A_599 : f32 to vector<16xf32>
      %broadcast_in_dim3A_601 = arith.constant 0.000000e+00 : f32
      %broadcast_in_dim3A_602 = vector.broadcast %broadcast_in_dim3A_601 : f32 to vector<16xf32>
      %broadcast_in_dim3A_603 = arith.constant 0.000000e+00 : f32
      %broadcast_in_dim3A_604 = vector.broadcast %broadcast_in_dim3A_603 : f32 to vector<16xf32>
      %broadcast_in_dim3A_605 = arith.constant 0.000000e+00 : f32
      %broadcast_in_dim3A_606 = vector.broadcast %broadcast_in_dim3A_605 : f32 to vector<16xf32>
      %scan3A_607 = arith.constant 0 : i32
      %scan3A_608 = arith.constant 33 : i32
      %scan3A_609 = arith.addi %scan3A_607, %scan3A_608 : i32
      %scan3A_610 = arith.constant 1 : i32
      %scan3A_611:8 = scf.for %scan3A_749 = %scan3A_607 to %scan3A_609 step %scan3A_610 iter_args(%scan3A_750 = %broadcast_in_dim3A_592, %scan3A_751 = %broadcast_in_dim3A_594, %scan3A_752 = %broadcast_in_dim3A_596, %scan3A_753 = %broadcast_in_dim3A_598, %scan3A_754 = %broadcast_in_dim3A_600, %scan3A_755 = %broadcast_in_dim3A_602, %scan3A_756 = %broadcast_in_dim3A_604, %scan3A_757 = %broadcast_in_dim3A_606) -> (vector<16xf32>, vector<16xf32>, vector<16xf32>, vector<16xf32>, vector<16xf32>, vector<16xf32>, vector<16xf32>, vector<16xf32>)  : i32 {
        %broadcast_in_dim3A_758 = arith.constant 160 : i32
        %broadcast_in_dim3A_759 = vector.broadcast %broadcast_in_dim3A_758 : i32 to vector<16xi32>
        %add3A_760 = vector.broadcast %scan3A_749 : i32 to vector<16xi32>
        %add3A_761 = arith.addi %broadcast_in_dim3A_759, %add3A_760 : vector<16xi32>
        %gather3A = tpu.vector_load_idx %arg11[%add3A_761] : memref<320xf32, #tpu.memory_space<vmem>>[vector<16xi32>], vector<16xf32>,
        %get3A = arith.index_cast %scan3A_749 : i32 to index
        %get3A_762 = arith.constant 512 : index
        %get3A_763 = tpu.vector_load %arg9[%get3A, %get3A_762] {strides = array<i32>} : memref<40x1024xf32, #tpu.memory_space<vmem>>, vector<16xf32>,
        %mul3A_764 = arith.mulf %gather3A, %get3A_763 : vector<16xf32>
        %add3A_765 = arith.addf %scan3A_750, %mul3A_764 : vector<16xf32>
        %get3A_766 = arith.index_cast %scan3A_749 : i32 to index
        %get3A_767 = arith.constant 528 : index
        %get3A_768 = tpu.vector_load %arg9[%get3A_766, %get3A_767] {strides = array<i32>} : memref<40x1024xf32, #tpu.memory_space<vmem>>, vector<16xf32>,
        %mul3A_769 = arith.mulf %gather3A, %get3A_768 : vector<16xf32>
        %add3A_770 = arith.addf %scan3A_751, %mul3A_769 : vector<16xf32>
        %get3A_771 = arith.index_cast %scan3A_749 : i32 to index
        %get3A_772 = arith.constant 544 : index
        %get3A_773 = tpu.vector_load %arg9[%get3A_771, %get3A_772] {strides = array<i32>} : memref<40x1024xf32, #tpu.memory_space<vmem>>, vector<16xf32>,
        %mul3A_774 = arith.mulf %gather3A, %get3A_773 : vector<16xf32>
        %add3A_775 = arith.addf %scan3A_752, %mul3A_774 : vector<16xf32>
        %get3A_776 = arith.index_cast %scan3A_749 : i32 to index
        %get3A_777 = arith.constant 560 : index
        %get3A_778 = tpu.vector_load %arg9[%get3A_776, %get3A_777] {strides = array<i32>} : memref<40x1024xf32, #tpu.memory_space<vmem>>, vector<16xf32>,
        %mul3A_779 = arith.mulf %gather3A, %get3A_778 : vector<16xf32>
        %add3A_780 = arith.addf %scan3A_753, %mul3A_779 : vector<16xf32>
        %get3A_781 = arith.index_cast %scan3A_749 : i32 to index
        %get3A_782 = arith.constant 576 : index
        %get3A_783 = tpu.vector_load %arg9[%get3A_781, %get3A_782] {strides = array<i32>} : memref<40x1024xf32, #tpu.memory_space<vmem>>, vector<16xf32>,
        %mul3A_784 = arith.mulf %gather3A, %get3A_783 : vector<16xf32>
        %add3A_785 = arith.addf %scan3A_754, %mul3A_784 : vector<16xf32>
        %get3A_786 = arith.index_cast %scan3A_749 : i32 to index
        %get3A_787 = arith.constant 592 : index
        %get3A_788 = tpu.vector_load %arg9[%get3A_786, %get3A_787] {strides = array<i32>} : memref<40x1024xf32, #tpu.memory_space<vmem>>, vector<16xf32>,
        %mul3A_789 = arith.mulf %gather3A, %get3A_788 : vector<16xf32>
        %add3A_790 = arith.addf %scan3A_755, %mul3A_789 : vector<16xf32>
        %get3A_791 = arith.index_cast %scan3A_749 : i32 to index
        %get3A_792 = arith.constant 608 : index
        %get3A_793 = tpu.vector_load %arg9[%get3A_791, %get3A_792] {strides = array<i32>} : memref<40x1024xf32, #tpu.memory_space<vmem>>, vector<16xf32>,
        %mul3A_794 = arith.mulf %gather3A, %get3A_793 : vector<16xf32>
        %add3A_795 = arith.addf %scan3A_756, %mul3A_794 : vector<16xf32>
        %get3A_796 = arith.index_cast %scan3A_749 : i32 to index
        %get3A_797 = arith.constant 624 : index
        %get3A_798 = tpu.vector_load %arg9[%get3A_796, %get3A_797] {strides = array<i32>} : memref<40x1024xf32, #tpu.memory_space<vmem>>, vector<16xf32>,
        %mul3A_799 = arith.mulf %gather3A, %get3A_798 : vector<16xf32>
        %add3A_800 = arith.addf %scan3A_757, %mul3A_799 : vector<16xf32>
        scf.yield %add3A_765, %add3A_770, %add3A_775, %add3A_780, %add3A_785, %add3A_790, %add3A_795, %add3A_800 : vector<16xf32>, vector<16xf32>, vector<16xf32>, vector<16xf32>, vector<16xf32>, vector<16xf32>, vector<16xf32>, vector<16xf32>
      }
      %scan3A_612 = arith.constant 33 : i32
      %swap3A_613 = arith.constant 512 : index
      %swap3A_614 = tpu.vector_load %arg13[%swap3A_613] {strides = array<i32>} : memref<1024xf32, #tpu.memory_space<vmem>>, vector<16xf32>,
      tpu.vector_store %arg13[%swap3A_613], %scan3A_611#0 {strides = array<i32>} : memref<1024xf32, #tpu.memory_space<vmem>>, vector<16xf32>,
      %swap3A_615 = arith.constant 528 : index
      %swap3A_616 = tpu.vector_load %arg13[%swap3A_615] {strides = array<i32>} : memref<1024xf32, #tpu.memory_space<vmem>>, vector<16xf32>,
      tpu.vector_store %arg13[%swap3A_615], %scan3A_611#1 {strides = array<i32>} : memref<1024xf32, #tpu.memory_space<vmem>>, vector<16xf32>,
      %swap3A_617 = arith.constant 544 : index
      %swap3A_618 = tpu.vector_load %arg13[%swap3A_617] {strides = array<i32>} : memref<1024xf32, #tpu.memory_space<vmem>>, vector<16xf32>,
      tpu.vector_store %arg13[%swap3A_617], %scan3A_611#2 {strides = array<i32>} : memref<1024xf32, #tpu.memory_space<vmem>>, vector<16xf32>,
      %swap3A_619 = arith.constant 560 : index
      %swap3A_620 = tpu.vector_load %arg13[%swap3A_619] {strides = array<i32>} : memref<1024xf32, #tpu.memory_space<vmem>>, vector<16xf32>,
      tpu.vector_store %arg13[%swap3A_619], %scan3A_611#3 {strides = array<i32>} : memref<1024xf32, #tpu.memory_space<vmem>>, vector<16xf32>,
      %swap3A_621 = arith.constant 576 : index
      %swap3A_622 = tpu.vector_load %arg13[%swap3A_621] {strides = array<i32>} : memref<1024xf32, #tpu.memory_space<vmem>>, vector<16xf32>,
      tpu.vector_store %arg13[%swap3A_621], %scan3A_611#4 {strides = array<i32>} : memref<1024xf32, #tpu.memory_space<vmem>>, vector<16xf32>,
      %swap3A_623 = arith.constant 592 : index
      %swap3A_624 = tpu.vector_load %arg13[%swap3A_623] {strides = array<i32>} : memref<1024xf32, #tpu.memory_space<vmem>>, vector<16xf32>,
      tpu.vector_store %arg13[%swap3A_623], %scan3A_611#5 {strides = array<i32>} : memref<1024xf32, #tpu.memory_space<vmem>>, vector<16xf32>,
      %swap3A_625 = arith.constant 608 : index
      %swap3A_626 = tpu.vector_load %arg13[%swap3A_625] {strides = array<i32>} : memref<1024xf32, #tpu.memory_space<vmem>>, vector<16xf32>,
      tpu.vector_store %arg13[%swap3A_625], %scan3A_611#6 {strides = array<i32>} : memref<1024xf32, #tpu.memory_space<vmem>>, vector<16xf32>,
      %swap3A_627 = arith.constant 624 : index
      %swap3A_628 = tpu.vector_load %arg13[%swap3A_627] {strides = array<i32>} : memref<1024xf32, #tpu.memory_space<vmem>>, vector<16xf32>,
      tpu.vector_store %arg13[%swap3A_627], %scan3A_611#7 {strides = array<i32>} : memref<1024xf32, #tpu.memory_space<vmem>>, vector<16xf32>,
      %broadcast_in_dim3A_629 = arith.constant 0.000000e+00 : f32
      %broadcast_in_dim3A_630 = vector.broadcast %broadcast_in_dim3A_629 : f32 to vector<16xf32>
      %broadcast_in_dim3A_631 = arith.constant 0.000000e+00 : f32
      %broadcast_in_dim3A_632 = vector.broadcast %broadcast_in_dim3A_631 : f32 to vector<16xf32>
      %broadcast_in_dim3A_633 = arith.constant 0.000000e+00 : f32
      %broadcast_in_dim3A_634 = vector.broadcast %broadcast_in_dim3A_633 : f32 to vector<16xf32>
      %broadcast_in_dim3A_635 = arith.constant 0.000000e+00 : f32
      %broadcast_in_dim3A_636 = vector.broadcast %broadcast_in_dim3A_635 : f32 to vector<16xf32>
      %broadcast_in_dim3A_637 = arith.constant 0.000000e+00 : f32
      %broadcast_in_dim3A_638 = vector.broadcast %broadcast_in_dim3A_637 : f32 to vector<16xf32>
      %broadcast_in_dim3A_639 = arith.constant 0.000000e+00 : f32
      %broadcast_in_dim3A_640 = vector.broadcast %broadcast_in_dim3A_639 : f32 to vector<16xf32>
      %broadcast_in_dim3A_641 = arith.constant 0.000000e+00 : f32
      %broadcast_in_dim3A_642 = vector.broadcast %broadcast_in_dim3A_641 : f32 to vector<16xf32>
      %broadcast_in_dim3A_643 = arith.constant 0.000000e+00 : f32
      %broadcast_in_dim3A_644 = vector.broadcast %broadcast_in_dim3A_643 : f32 to vector<16xf32>
      %scan3A_645 = arith.constant 0 : i32
      %scan3A_646 = arith.constant 33 : i32
      %scan3A_647 = arith.addi %scan3A_645, %scan3A_646 : i32
      %scan3A_648 = arith.constant 1 : i32
      %scan3A_649:8 = scf.for %scan3A_749 = %scan3A_645 to %scan3A_647 step %scan3A_648 iter_args(%scan3A_750 = %broadcast_in_dim3A_630, %scan3A_751 = %broadcast_in_dim3A_632, %scan3A_752 = %broadcast_in_dim3A_634, %scan3A_753 = %broadcast_in_dim3A_636, %scan3A_754 = %broadcast_in_dim3A_638, %scan3A_755 = %broadcast_in_dim3A_640, %scan3A_756 = %broadcast_in_dim3A_642, %scan3A_757 = %broadcast_in_dim3A_644) -> (vector<16xf32>, vector<16xf32>, vector<16xf32>, vector<16xf32>, vector<16xf32>, vector<16xf32>, vector<16xf32>, vector<16xf32>)  : i32 {
        %broadcast_in_dim3A_758 = arith.constant 200 : i32
        %broadcast_in_dim3A_759 = vector.broadcast %broadcast_in_dim3A_758 : i32 to vector<16xi32>
        %add3A_760 = vector.broadcast %scan3A_749 : i32 to vector<16xi32>
        %add3A_761 = arith.addi %broadcast_in_dim3A_759, %add3A_760 : vector<16xi32>
        %gather3A = tpu.vector_load_idx %arg11[%add3A_761] : memref<320xf32, #tpu.memory_space<vmem>>[vector<16xi32>], vector<16xf32>,
        %get3A = arith.index_cast %scan3A_749 : i32 to index
        %get3A_762 = arith.constant 640 : index
        %get3A_763 = tpu.vector_load %arg9[%get3A, %get3A_762] {strides = array<i32>} : memref<40x1024xf32, #tpu.memory_space<vmem>>, vector<16xf32>,
        %mul3A_764 = arith.mulf %gather3A, %get3A_763 : vector<16xf32>
        %add3A_765 = arith.addf %scan3A_750, %mul3A_764 : vector<16xf32>
        %get3A_766 = arith.index_cast %scan3A_749 : i32 to index
        %get3A_767 = arith.constant 656 : index
        %get3A_768 = tpu.vector_load %arg9[%get3A_766, %get3A_767] {strides = array<i32>} : memref<40x1024xf32, #tpu.memory_space<vmem>>, vector<16xf32>,
        %mul3A_769 = arith.mulf %gather3A, %get3A_768 : vector<16xf32>
        %add3A_770 = arith.addf %scan3A_751, %mul3A_769 : vector<16xf32>
        %get3A_771 = arith.index_cast %scan3A_749 : i32 to index
        %get3A_772 = arith.constant 672 : index
        %get3A_773 = tpu.vector_load %arg9[%get3A_771, %get3A_772] {strides = array<i32>} : memref<40x1024xf32, #tpu.memory_space<vmem>>, vector<16xf32>,
        %mul3A_774 = arith.mulf %gather3A, %get3A_773 : vector<16xf32>
        %add3A_775 = arith.addf %scan3A_752, %mul3A_774 : vector<16xf32>
        %get3A_776 = arith.index_cast %scan3A_749 : i32 to index
        %get3A_777 = arith.constant 688 : index
        %get3A_778 = tpu.vector_load %arg9[%get3A_776, %get3A_777] {strides = array<i32>} : memref<40x1024xf32, #tpu.memory_space<vmem>>, vector<16xf32>,
        %mul3A_779 = arith.mulf %gather3A, %get3A_778 : vector<16xf32>
        %add3A_780 = arith.addf %scan3A_753, %mul3A_779 : vector<16xf32>
        %get3A_781 = arith.index_cast %scan3A_749 : i32 to index
        %get3A_782 = arith.constant 704 : index
        %get3A_783 = tpu.vector_load %arg9[%get3A_781, %get3A_782] {strides = array<i32>} : memref<40x1024xf32, #tpu.memory_space<vmem>>, vector<16xf32>,
        %mul3A_784 = arith.mulf %gather3A, %get3A_783 : vector<16xf32>
        %add3A_785 = arith.addf %scan3A_754, %mul3A_784 : vector<16xf32>
        %get3A_786 = arith.index_cast %scan3A_749 : i32 to index
        %get3A_787 = arith.constant 720 : index
        %get3A_788 = tpu.vector_load %arg9[%get3A_786, %get3A_787] {strides = array<i32>} : memref<40x1024xf32, #tpu.memory_space<vmem>>, vector<16xf32>,
        %mul3A_789 = arith.mulf %gather3A, %get3A_788 : vector<16xf32>
        %add3A_790 = arith.addf %scan3A_755, %mul3A_789 : vector<16xf32>
        %get3A_791 = arith.index_cast %scan3A_749 : i32 to index
        %get3A_792 = arith.constant 736 : index
        %get3A_793 = tpu.vector_load %arg9[%get3A_791, %get3A_792] {strides = array<i32>} : memref<40x1024xf32, #tpu.memory_space<vmem>>, vector<16xf32>,
        %mul3A_794 = arith.mulf %gather3A, %get3A_793 : vector<16xf32>
        %add3A_795 = arith.addf %scan3A_756, %mul3A_794 : vector<16xf32>
        %get3A_796 = arith.index_cast %scan3A_749 : i32 to index
        %get3A_797 = arith.constant 752 : index
        %get3A_798 = tpu.vector_load %arg9[%get3A_796, %get3A_797] {strides = array<i32>} : memref<40x1024xf32, #tpu.memory_space<vmem>>, vector<16xf32>,
        %mul3A_799 = arith.mulf %gather3A, %get3A_798 : vector<16xf32>
        %add3A_800 = arith.addf %scan3A_757, %mul3A_799 : vector<16xf32>
        scf.yield %add3A_765, %add3A_770, %add3A_775, %add3A_780, %add3A_785, %add3A_790, %add3A_795, %add3A_800 : vector<16xf32>, vector<16xf32>, vector<16xf32>, vector<16xf32>, vector<16xf32>, vector<16xf32>, vector<16xf32>, vector<16xf32>
      }
      %scan3A_650 = arith.constant 33 : i32
      %swap3A_651 = arith.constant 640 : index
      %swap3A_652 = tpu.vector_load %arg13[%swap3A_651] {strides = array<i32>} : memref<1024xf32, #tpu.memory_space<vmem>>, vector<16xf32>,
      tpu.vector_store %arg13[%swap3A_651], %scan3A_649#0 {strides = array<i32>} : memref<1024xf32, #tpu.memory_space<vmem>>, vector<16xf32>,
      %swap3A_653 = arith.constant 656 : index
      %swap3A_654 = tpu.vector_load %arg13[%swap3A_653] {strides = array<i32>} : memref<1024xf32, #tpu.memory_space<vmem>>, vector<16xf32>,
      tpu.vector_store %arg13[%swap3A_653], %scan3A_649#1 {strides = array<i32>} : memref<1024xf32, #tpu.memory_space<vmem>>, vector<16xf32>,
      %swap3A_655 = arith.constant 672 : index
      %swap3A_656 = tpu.vector_load %arg13[%swap3A_655] {strides = array<i32>} : memref<1024xf32, #tpu.memory_space<vmem>>, vector<16xf32>,
      tpu.vector_store %arg13[%swap3A_655], %scan3A_649#2 {strides = array<i32>} : memref<1024xf32, #tpu.memory_space<vmem>>, vector<16xf32>,
      %swap3A_657 = arith.constant 688 : index
      %swap3A_658 = tpu.vector_load %arg13[%swap3A_657] {strides = array<i32>} : memref<1024xf32, #tpu.memory_space<vmem>>, vector<16xf32>,
      tpu.vector_store %arg13[%swap3A_657], %scan3A_649#3 {strides = array<i32>} : memref<1024xf32, #tpu.memory_space<vmem>>, vector<16xf32>,
      %swap3A_659 = arith.constant 704 : index
      %swap3A_660 = tpu.vector_load %arg13[%swap3A_659] {strides = array<i32>} : memref<1024xf32, #tpu.memory_space<vmem>>, vector<16xf32>,
      tpu.vector_store %arg13[%swap3A_659], %scan3A_649#4 {strides = array<i32>} : memref<1024xf32, #tpu.memory_space<vmem>>, vector<16xf32>,
      %swap3A_661 = arith.constant 720 : index
      %swap3A_662 = tpu.vector_load %arg13[%swap3A_661] {strides = array<i32>} : memref<1024xf32, #tpu.memory_space<vmem>>, vector<16xf32>,
      tpu.vector_store %arg13[%swap3A_661], %scan3A_649#5 {strides = array<i32>} : memref<1024xf32, #tpu.memory_space<vmem>>, vector<16xf32>,
      %swap3A_663 = arith.constant 736 : index
      %swap3A_664 = tpu.vector_load %arg13[%swap3A_663] {strides = array<i32>} : memref<1024xf32, #tpu.memory_space<vmem>>, vector<16xf32>,
      tpu.vector_store %arg13[%swap3A_663], %scan3A_649#6 {strides = array<i32>} : memref<1024xf32, #tpu.memory_space<vmem>>, vector<16xf32>,
      %swap3A_665 = arith.constant 752 : index
      %swap3A_666 = tpu.vector_load %arg13[%swap3A_665] {strides = array<i32>} : memref<1024xf32, #tpu.memory_space<vmem>>, vector<16xf32>,
      tpu.vector_store %arg13[%swap3A_665], %scan3A_649#7 {strides = array<i32>} : memref<1024xf32, #tpu.memory_space<vmem>>, vector<16xf32>,
      %broadcast_in_dim3A_667 = arith.constant 0.000000e+00 : f32
      %broadcast_in_dim3A_668 = vector.broadcast %broadcast_in_dim3A_667 : f32 to vector<16xf32>
      %broadcast_in_dim3A_669 = arith.constant 0.000000e+00 : f32
      %broadcast_in_dim3A_670 = vector.broadcast %broadcast_in_dim3A_669 : f32 to vector<16xf32>
      %broadcast_in_dim3A_671 = arith.constant 0.000000e+00 : f32
      %broadcast_in_dim3A_672 = vector.broadcast %broadcast_in_dim3A_671 : f32 to vector<16xf32>
      %broadcast_in_dim3A_673 = arith.constant 0.000000e+00 : f32
      %broadcast_in_dim3A_674 = vector.broadcast %broadcast_in_dim3A_673 : f32 to vector<16xf32>
      %broadcast_in_dim3A_675 = arith.constant 0.000000e+00 : f32
      %broadcast_in_dim3A_676 = vector.broadcast %broadcast_in_dim3A_675 : f32 to vector<16xf32>
      %broadcast_in_dim3A_677 = arith.constant 0.000000e+00 : f32
      %broadcast_in_dim3A_678 = vector.broadcast %broadcast_in_dim3A_677 : f32 to vector<16xf32>
      %broadcast_in_dim3A_679 = arith.constant 0.000000e+00 : f32
      %broadcast_in_dim3A_680 = vector.broadcast %broadcast_in_dim3A_679 : f32 to vector<16xf32>
      %broadcast_in_dim3A_681 = arith.constant 0.000000e+00 : f32
      %broadcast_in_dim3A_682 = vector.broadcast %broadcast_in_dim3A_681 : f32 to vector<16xf32>
      %scan3A_683 = arith.constant 0 : i32
      %scan3A_684 = arith.constant 33 : i32
      %scan3A_685 = arith.addi %scan3A_683, %scan3A_684 : i32
      %scan3A_686 = arith.constant 1 : i32
      %scan3A_687:8 = scf.for %scan3A_749 = %scan3A_683 to %scan3A_685 step %scan3A_686 iter_args(%scan3A_750 = %broadcast_in_dim3A_668, %scan3A_751 = %broadcast_in_dim3A_670, %scan3A_752 = %broadcast_in_dim3A_672, %scan3A_753 = %broadcast_in_dim3A_674, %scan3A_754 = %broadcast_in_dim3A_676, %scan3A_755 = %broadcast_in_dim3A_678, %scan3A_756 = %broadcast_in_dim3A_680, %scan3A_757 = %broadcast_in_dim3A_682) -> (vector<16xf32>, vector<16xf32>, vector<16xf32>, vector<16xf32>, vector<16xf32>, vector<16xf32>, vector<16xf32>, vector<16xf32>)  : i32 {
        %broadcast_in_dim3A_758 = arith.constant 240 : i32
        %broadcast_in_dim3A_759 = vector.broadcast %broadcast_in_dim3A_758 : i32 to vector<16xi32>
        %add3A_760 = vector.broadcast %scan3A_749 : i32 to vector<16xi32>
        %add3A_761 = arith.addi %broadcast_in_dim3A_759, %add3A_760 : vector<16xi32>
        %gather3A = tpu.vector_load_idx %arg11[%add3A_761] : memref<320xf32, #tpu.memory_space<vmem>>[vector<16xi32>], vector<16xf32>,
        %get3A = arith.index_cast %scan3A_749 : i32 to index
        %get3A_762 = arith.constant 768 : index
        %get3A_763 = tpu.vector_load %arg9[%get3A, %get3A_762] {strides = array<i32>} : memref<40x1024xf32, #tpu.memory_space<vmem>>, vector<16xf32>,
        %mul3A_764 = arith.mulf %gather3A, %get3A_763 : vector<16xf32>
        %add3A_765 = arith.addf %scan3A_750, %mul3A_764 : vector<16xf32>
        %get3A_766 = arith.index_cast %scan3A_749 : i32 to index
        %get3A_767 = arith.constant 784 : index
        %get3A_768 = tpu.vector_load %arg9[%get3A_766, %get3A_767] {strides = array<i32>} : memref<40x1024xf32, #tpu.memory_space<vmem>>, vector<16xf32>,
        %mul3A_769 = arith.mulf %gather3A, %get3A_768 : vector<16xf32>
        %add3A_770 = arith.addf %scan3A_751, %mul3A_769 : vector<16xf32>
        %get3A_771 = arith.index_cast %scan3A_749 : i32 to index
        %get3A_772 = arith.constant 800 : index
        %get3A_773 = tpu.vector_load %arg9[%get3A_771, %get3A_772] {strides = array<i32>} : memref<40x1024xf32, #tpu.memory_space<vmem>>, vector<16xf32>,
        %mul3A_774 = arith.mulf %gather3A, %get3A_773 : vector<16xf32>
        %add3A_775 = arith.addf %scan3A_752, %mul3A_774 : vector<16xf32>
        %get3A_776 = arith.index_cast %scan3A_749 : i32 to index
        %get3A_777 = arith.constant 816 : index
        %get3A_778 = tpu.vector_load %arg9[%get3A_776, %get3A_777] {strides = array<i32>} : memref<40x1024xf32, #tpu.memory_space<vmem>>, vector<16xf32>,
        %mul3A_779 = arith.mulf %gather3A, %get3A_778 : vector<16xf32>
        %add3A_780 = arith.addf %scan3A_753, %mul3A_779 : vector<16xf32>
        %get3A_781 = arith.index_cast %scan3A_749 : i32 to index
        %get3A_782 = arith.constant 832 : index
        %get3A_783 = tpu.vector_load %arg9[%get3A_781, %get3A_782] {strides = array<i32>} : memref<40x1024xf32, #tpu.memory_space<vmem>>, vector<16xf32>,
        %mul3A_784 = arith.mulf %gather3A, %get3A_783 : vector<16xf32>
        %add3A_785 = arith.addf %scan3A_754, %mul3A_784 : vector<16xf32>
        %get3A_786 = arith.index_cast %scan3A_749 : i32 to index
        %get3A_787 = arith.constant 848 : index
        %get3A_788 = tpu.vector_load %arg9[%get3A_786, %get3A_787] {strides = array<i32>} : memref<40x1024xf32, #tpu.memory_space<vmem>>, vector<16xf32>,
        %mul3A_789 = arith.mulf %gather3A, %get3A_788 : vector<16xf32>
        %add3A_790 = arith.addf %scan3A_755, %mul3A_789 : vector<16xf32>
        %get3A_791 = arith.index_cast %scan3A_749 : i32 to index
        %get3A_792 = arith.constant 864 : index
        %get3A_793 = tpu.vector_load %arg9[%get3A_791, %get3A_792] {strides = array<i32>} : memref<40x1024xf32, #tpu.memory_space<vmem>>, vector<16xf32>,
        %mul3A_794 = arith.mulf %gather3A, %get3A_793 : vector<16xf32>
        %add3A_795 = arith.addf %scan3A_756, %mul3A_794 : vector<16xf32>
        %get3A_796 = arith.index_cast %scan3A_749 : i32 to index
        %get3A_797 = arith.constant 880 : index
        %get3A_798 = tpu.vector_load %arg9[%get3A_796, %get3A_797] {strides = array<i32>} : memref<40x1024xf32, #tpu.memory_space<vmem>>, vector<16xf32>,
        %mul3A_799 = arith.mulf %gather3A, %get3A_798 : vector<16xf32>
        %add3A_800 = arith.addf %scan3A_757, %mul3A_799 : vector<16xf32>
        scf.yield %add3A_765, %add3A_770, %add3A_775, %add3A_780, %add3A_785, %add3A_790, %add3A_795, %add3A_800 : vector<16xf32>, vector<16xf32>, vector<16xf32>, vector<16xf32>, vector<16xf32>, vector<16xf32>, vector<16xf32>, vector<16xf32>
      }
      %scan3A_688 = arith.constant 33 : i32
      %swap3A_689 = arith.constant 768 : index
      %swap3A_690 = tpu.vector_load %arg13[%swap3A_689] {strides = array<i32>} : memref<1024xf32, #tpu.memory_space<vmem>>, vector<16xf32>,
      tpu.vector_store %arg13[%swap3A_689], %scan3A_687#0 {strides = array<i32>} : memref<1024xf32, #tpu.memory_space<vmem>>, vector<16xf32>,
      %swap3A_691 = arith.constant 784 : index
      %swap3A_692 = tpu.vector_load %arg13[%swap3A_691] {strides = array<i32>} : memref<1024xf32, #tpu.memory_space<vmem>>, vector<16xf32>,
      tpu.vector_store %arg13[%swap3A_691], %scan3A_687#1 {strides = array<i32>} : memref<1024xf32, #tpu.memory_space<vmem>>, vector<16xf32>,
      %swap3A_693 = arith.constant 800 : index
      %swap3A_694 = tpu.vector_load %arg13[%swap3A_693] {strides = array<i32>} : memref<1024xf32, #tpu.memory_space<vmem>>, vector<16xf32>,
      tpu.vector_store %arg13[%swap3A_693], %scan3A_687#2 {strides = array<i32>} : memref<1024xf32, #tpu.memory_space<vmem>>, vector<16xf32>,
      %swap3A_695 = arith.constant 816 : index
      %swap3A_696 = tpu.vector_load %arg13[%swap3A_695] {strides = array<i32>} : memref<1024xf32, #tpu.memory_space<vmem>>, vector<16xf32>,
      tpu.vector_store %arg13[%swap3A_695], %scan3A_687#3 {strides = array<i32>} : memref<1024xf32, #tpu.memory_space<vmem>>, vector<16xf32>,
      %swap3A_697 = arith.constant 832 : index
      %swap3A_698 = tpu.vector_load %arg13[%swap3A_697] {strides = array<i32>} : memref<1024xf32, #tpu.memory_space<vmem>>, vector<16xf32>,
      tpu.vector_store %arg13[%swap3A_697], %scan3A_687#4 {strides = array<i32>} : memref<1024xf32, #tpu.memory_space<vmem>>, vector<16xf32>,
      %swap3A_699 = arith.constant 848 : index
      %swap3A_700 = tpu.vector_load %arg13[%swap3A_699] {strides = array<i32>} : memref<1024xf32, #tpu.memory_space<vmem>>, vector<16xf32>,
      tpu.vector_store %arg13[%swap3A_699], %scan3A_687#5 {strides = array<i32>} : memref<1024xf32, #tpu.memory_space<vmem>>, vector<16xf32>,
      %swap3A_701 = arith.constant 864 : index
      %swap3A_702 = tpu.vector_load %arg13[%swap3A_701] {strides = array<i32>} : memref<1024xf32, #tpu.memory_space<vmem>>, vector<16xf32>,
      tpu.vector_store %arg13[%swap3A_701], %scan3A_687#6 {strides = array<i32>} : memref<1024xf32, #tpu.memory_space<vmem>>, vector<16xf32>,
      %swap3A_703 = arith.constant 880 : index
      %swap3A_704 = tpu.vector_load %arg13[%swap3A_703] {strides = array<i32>} : memref<1024xf32, #tpu.memory_space<vmem>>, vector<16xf32>,
      tpu.vector_store %arg13[%swap3A_703], %scan3A_687#7 {strides = array<i32>} : memref<1024xf32, #tpu.memory_space<vmem>>, vector<16xf32>,
      %broadcast_in_dim3A_705 = arith.constant 0.000000e+00 : f32
      %broadcast_in_dim3A_706 = vector.broadcast %broadcast_in_dim3A_705 : f32 to vector<16xf32>
      %broadcast_in_dim3A_707 = arith.constant 0.000000e+00 : f32
      %broadcast_in_dim3A_708 = vector.broadcast %broadcast_in_dim3A_707 : f32 to vector<16xf32>
      %broadcast_in_dim3A_709 = arith.constant 0.000000e+00 : f32
      %broadcast_in_dim3A_710 = vector.broadcast %broadcast_in_dim3A_709 : f32 to vector<16xf32>
      %broadcast_in_dim3A_711 = arith.constant 0.000000e+00 : f32
      %broadcast_in_dim3A_712 = vector.broadcast %broadcast_in_dim3A_711 : f32 to vector<16xf32>
      %broadcast_in_dim3A_713 = arith.constant 0.000000e+00 : f32
      %broadcast_in_dim3A_714 = vector.broadcast %broadcast_in_dim3A_713 : f32 to vector<16xf32>
      %broadcast_in_dim3A_715 = arith.constant 0.000000e+00 : f32
      %broadcast_in_dim3A_716 = vector.broadcast %broadcast_in_dim3A_715 : f32 to vector<16xf32>
      %broadcast_in_dim3A_717 = arith.constant 0.000000e+00 : f32
      %broadcast_in_dim3A_718 = vector.broadcast %broadcast_in_dim3A_717 : f32 to vector<16xf32>
      %broadcast_in_dim3A_719 = arith.constant 0.000000e+00 : f32
      %broadcast_in_dim3A_720 = vector.broadcast %broadcast_in_dim3A_719 : f32 to vector<16xf32>
      %scan3A_721 = arith.constant 0 : i32
      %scan3A_722 = arith.constant 33 : i32
      %scan3A_723 = arith.addi %scan3A_721, %scan3A_722 : i32
      %scan3A_724 = arith.constant 1 : i32
      %scan3A_725:8 = scf.for %scan3A_749 = %scan3A_721 to %scan3A_723 step %scan3A_724 iter_args(%scan3A_750 = %broadcast_in_dim3A_706, %scan3A_751 = %broadcast_in_dim3A_708, %scan3A_752 = %broadcast_in_dim3A_710, %scan3A_753 = %broadcast_in_dim3A_712, %scan3A_754 = %broadcast_in_dim3A_714, %scan3A_755 = %broadcast_in_dim3A_716, %scan3A_756 = %broadcast_in_dim3A_718, %scan3A_757 = %broadcast_in_dim3A_720) -> (vector<16xf32>, vector<16xf32>, vector<16xf32>, vector<16xf32>, vector<16xf32>, vector<16xf32>, vector<16xf32>, vector<16xf32>)  : i32 {
        %broadcast_in_dim3A_758 = arith.constant 280 : i32
        %broadcast_in_dim3A_759 = vector.broadcast %broadcast_in_dim3A_758 : i32 to vector<16xi32>
        %add3A_760 = vector.broadcast %scan3A_749 : i32 to vector<16xi32>
        %add3A_761 = arith.addi %broadcast_in_dim3A_759, %add3A_760 : vector<16xi32>
        %gather3A = tpu.vector_load_idx %arg11[%add3A_761] : memref<320xf32, #tpu.memory_space<vmem>>[vector<16xi32>], vector<16xf32>,
        %get3A = arith.index_cast %scan3A_749 : i32 to index
        %get3A_762 = arith.constant 896 : index
        %get3A_763 = tpu.vector_load %arg9[%get3A, %get3A_762] {strides = array<i32>} : memref<40x1024xf32, #tpu.memory_space<vmem>>, vector<16xf32>,
        %mul3A_764 = arith.mulf %gather3A, %get3A_763 : vector<16xf32>
        %add3A_765 = arith.addf %scan3A_750, %mul3A_764 : vector<16xf32>
        %get3A_766 = arith.index_cast %scan3A_749 : i32 to index
        %get3A_767 = arith.constant 912 : index
        %get3A_768 = tpu.vector_load %arg9[%get3A_766, %get3A_767] {strides = array<i32>} : memref<40x1024xf32, #tpu.memory_space<vmem>>, vector<16xf32>,
        %mul3A_769 = arith.mulf %gather3A, %get3A_768 : vector<16xf32>
        %add3A_770 = arith.addf %scan3A_751, %mul3A_769 : vector<16xf32>
        %get3A_771 = arith.index_cast %scan3A_749 : i32 to index
        %get3A_772 = arith.constant 928 : index
        %get3A_773 = tpu.vector_load %arg9[%get3A_771, %get3A_772] {strides = array<i32>} : memref<40x1024xf32, #tpu.memory_space<vmem>>, vector<16xf32>,
        %mul3A_774 = arith.mulf %gather3A, %get3A_773 : vector<16xf32>
        %add3A_775 = arith.addf %scan3A_752, %mul3A_774 : vector<16xf32>
        %get3A_776 = arith.index_cast %scan3A_749 : i32 to index
        %get3A_777 = arith.constant 944 : index
        %get3A_778 = tpu.vector_load %arg9[%get3A_776, %get3A_777] {strides = array<i32>} : memref<40x1024xf32, #tpu.memory_space<vmem>>, vector<16xf32>,
        %mul3A_779 = arith.mulf %gather3A, %get3A_778 : vector<16xf32>
        %add3A_780 = arith.addf %scan3A_753, %mul3A_779 : vector<16xf32>
        %get3A_781 = arith.index_cast %scan3A_749 : i32 to index
        %get3A_782 = arith.constant 960 : index
        %get3A_783 = tpu.vector_load %arg9[%get3A_781, %get3A_782] {strides = array<i32>} : memref<40x1024xf32, #tpu.memory_space<vmem>>, vector<16xf32>,
        %mul3A_784 = arith.mulf %gather3A, %get3A_783 : vector<16xf32>
        %add3A_785 = arith.addf %scan3A_754, %mul3A_784 : vector<16xf32>
        %get3A_786 = arith.index_cast %scan3A_749 : i32 to index
        %get3A_787 = arith.constant 976 : index
        %get3A_788 = tpu.vector_load %arg9[%get3A_786, %get3A_787] {strides = array<i32>} : memref<40x1024xf32, #tpu.memory_space<vmem>>, vector<16xf32>,
        %mul3A_789 = arith.mulf %gather3A, %get3A_788 : vector<16xf32>
        %add3A_790 = arith.addf %scan3A_755, %mul3A_789 : vector<16xf32>
        %get3A_791 = arith.index_cast %scan3A_749 : i32 to index
        %get3A_792 = arith.constant 992 : index
        %get3A_793 = tpu.vector_load %arg9[%get3A_791, %get3A_792] {strides = array<i32>} : memref<40x1024xf32, #tpu.memory_space<vmem>>, vector<16xf32>,
        %mul3A_794 = arith.mulf %gather3A, %get3A_793 : vector<16xf32>
        %add3A_795 = arith.addf %scan3A_756, %mul3A_794 : vector<16xf32>
        %get3A_796 = arith.index_cast %scan3A_749 : i32 to index
        %get3A_797 = arith.constant 1008 : index
        %get3A_798 = tpu.vector_load %arg9[%get3A_796, %get3A_797] {strides = array<i32>} : memref<40x1024xf32, #tpu.memory_space<vmem>>, vector<16xf32>,
        %mul3A_799 = arith.mulf %gather3A, %get3A_798 : vector<16xf32>
        %add3A_800 = arith.addf %scan3A_757, %mul3A_799 : vector<16xf32>
        scf.yield %add3A_765, %add3A_770, %add3A_775, %add3A_780, %add3A_785, %add3A_790, %add3A_795, %add3A_800 : vector<16xf32>, vector<16xf32>, vector<16xf32>, vector<16xf32>, vector<16xf32>, vector<16xf32>, vector<16xf32>, vector<16xf32>
      }
      %scan3A_726 = arith.constant 33 : i32
      %swap3A_727 = arith.constant 896 : index
      %swap3A_728 = tpu.vector_load %arg13[%swap3A_727] {strides = array<i32>} : memref<1024xf32, #tpu.memory_space<vmem>>, vector<16xf32>,
      tpu.vector_store %arg13[%swap3A_727], %scan3A_725#0 {strides = array<i32>} : memref<1024xf32, #tpu.memory_space<vmem>>, vector<16xf32>,
      %swap3A_729 = arith.constant 912 : index
      %swap3A_730 = tpu.vector_load %arg13[%swap3A_729] {strides = array<i32>} : memref<1024xf32, #tpu.memory_space<vmem>>, vector<16xf32>,
      tpu.vector_store %arg13[%swap3A_729], %scan3A_725#1 {strides = array<i32>} : memref<1024xf32, #tpu.memory_space<vmem>>, vector<16xf32>,
      %swap3A_731 = arith.constant 928 : index
      %swap3A_732 = tpu.vector_load %arg13[%swap3A_731] {strides = array<i32>} : memref<1024xf32, #tpu.memory_space<vmem>>, vector<16xf32>,
      tpu.vector_store %arg13[%swap3A_731], %scan3A_725#2 {strides = array<i32>} : memref<1024xf32, #tpu.memory_space<vmem>>, vector<16xf32>,
      %swap3A_733 = arith.constant 944 : index
      %swap3A_734 = tpu.vector_load %arg13[%swap3A_733] {strides = array<i32>} : memref<1024xf32, #tpu.memory_space<vmem>>, vector<16xf32>,
      tpu.vector_store %arg13[%swap3A_733], %scan3A_725#3 {strides = array<i32>} : memref<1024xf32, #tpu.memory_space<vmem>>, vector<16xf32>,
      %swap3A_735 = arith.constant 960 : index
      %swap3A_736 = tpu.vector_load %arg13[%swap3A_735] {strides = array<i32>} : memref<1024xf32, #tpu.memory_space<vmem>>, vector<16xf32>,
      tpu.vector_store %arg13[%swap3A_735], %scan3A_725#4 {strides = array<i32>} : memref<1024xf32, #tpu.memory_space<vmem>>, vector<16xf32>,
      %swap3A_737 = arith.constant 976 : index
      %swap3A_738 = tpu.vector_load %arg13[%swap3A_737] {strides = array<i32>} : memref<1024xf32, #tpu.memory_space<vmem>>, vector<16xf32>,
      tpu.vector_store %arg13[%swap3A_737], %scan3A_725#5 {strides = array<i32>} : memref<1024xf32, #tpu.memory_space<vmem>>, vector<16xf32>,
      %swap3A_739 = arith.constant 992 : index
      %swap3A_740 = tpu.vector_load %arg13[%swap3A_739] {strides = array<i32>} : memref<1024xf32, #tpu.memory_space<vmem>>, vector<16xf32>,
      tpu.vector_store %arg13[%swap3A_739], %scan3A_725#6 {strides = array<i32>} : memref<1024xf32, #tpu.memory_space<vmem>>, vector<16xf32>,
      %swap3A_741 = arith.constant 1008 : index
      %swap3A_742 = tpu.vector_load %arg13[%swap3A_741] {strides = array<i32>} : memref<1024xf32, #tpu.memory_space<vmem>>, vector<16xf32>,
      tpu.vector_store %arg13[%swap3A_741], %scan3A_725#7 {strides = array<i32>} : memref<1024xf32, #tpu.memory_space<vmem>>, vector<16xf32>,
      %dma_start3A_743 = arith.constant 0 : i32
      %dma_start3A_744 = tpu.memref_slice %arg5[%add3A_58, %and3A_60, %dma_start3A_743] : memref<2048x4x1024xf32, #tpu.memory_space<hbm>> -> memref<1x1x1024xf32, #tpu.memory_space<hbm>>
      %dma_start3A_745 = tpu.memref_squeeze %dma_start3A_744 : memref<1x1x1024xf32, #tpu.memory_space<hbm>> -> memref<1024xf32, #tpu.memory_space<hbm>>
      %dma_start3A_746 = arith.constant 0 : i32
      %dma_start3A_747 = tpu.memref_slice %arg5[%add3A_58, %and3A_60, %dma_start3A_746] : memref<2048x4x1024xf32, #tpu.memory_space<hbm>> -> memref<1x1x1024xf32, #tpu.memory_space<hbm>>
      %dma_start3A_748 = tpu.memref_squeeze %dma_start3A_747 : memref<1x1x1024xf32, #tpu.memory_space<hbm>> -> memref<1024xf32, #tpu.memory_space<hbm>>
      tpu.enqueue_dma source(%arg13 : memref<1024xf32, #tpu.memory_space<vmem>>) target(%dma_start3A_748 : memref<1024xf32, #tpu.memory_space<hbm>>) target_semaphore(%arg21 : memref<!tpu.dma_semaphore, #tpu.memory_space<semaphore_mem>>)
    }
    %scan3A_28 = arith.constant 128 : i32
    %add3A_29 = arith.constant 63 : i32
    %add3A_30 = arith.addi %mul3A_2, %add3A_29 : i32
    %dma_wait3A = arith.constant 2 : i32
    %dma_wait3A_31 = arith.constant 0 : i32
    %dma_wait3A_32 = tpu.memref_slice %arg5[%add3A_30, %dma_wait3A, %dma_wait3A_31] : memref<2048x4x1024xf32, #tpu.memory_space<hbm>> -> memref<1x1x1024xf32, #tpu.memory_space<hbm>>
    %dma_wait3A_33 = tpu.memref_squeeze %dma_wait3A_32 : memref<1x1x1024xf32, #tpu.memory_space<hbm>> -> memref<1024xf32, #tpu.memory_space<hbm>>
    %dma_wait3A_34 = arith.constant 0 : i32
    %dma_wait3A_35 = tpu.memref_slice %arg5[%add3A_30, %dma_wait3A, %dma_wait3A_34] : memref<2048x4x1024xf32, #tpu.memory_space<hbm>> -> memref<1x1x1024xf32, #tpu.memory_space<hbm>>
    %dma_wait3A_36 = tpu.memref_squeeze %dma_wait3A_35 : memref<1x1x1024xf32, #tpu.memory_space<hbm>> -> memref<1024xf32, #tpu.memory_space<hbm>>
    tpu.wait_dma2 semaphore(%arg20 : memref<!tpu.dma_semaphore, #tpu.memory_space<semaphore_mem>>) src(%arg12 : memref<1024xf32, #tpu.memory_space<vmem>>) dst(%dma_wait3A_36 : memref<1024xf32, #tpu.memory_space<hbm>>)
    %add3A_37 = arith.constant 63 : i32
    %add3A_38 = arith.addi %mul3A_2, %add3A_37 : i32
    %dma_wait3A_39 = arith.constant 3 : i32
    %dma_wait3A_40 = arith.constant 0 : i32
    %dma_wait3A_41 = tpu.memref_slice %arg5[%add3A_38, %dma_wait3A_39, %dma_wait3A_40] : memref<2048x4x1024xf32, #tpu.memory_space<hbm>> -> memref<1x1x1024xf32, #tpu.memory_space<hbm>>
    %dma_wait3A_42 = tpu.memref_squeeze %dma_wait3A_41 : memref<1x1x1024xf32, #tpu.memory_space<hbm>> -> memref<1024xf32, #tpu.memory_space<hbm>>
    %dma_wait3A_43 = arith.constant 0 : i32
    %dma_wait3A_44 = tpu.memref_slice %arg5[%add3A_38, %dma_wait3A_39, %dma_wait3A_43] : memref<2048x4x1024xf32, #tpu.memory_space<hbm>> -> memref<1x1x1024xf32, #tpu.memory_space<hbm>>
    %dma_wait3A_45 = tpu.memref_squeeze %dma_wait3A_44 : memref<1x1x1024xf32, #tpu.memory_space<hbm>> -> memref<1024xf32, #tpu.memory_space<hbm>>
    tpu.wait_dma2 semaphore(%arg21 : memref<!tpu.dma_semaphore, #tpu.memory_space<semaphore_mem>>) src(%arg13 : memref<1024xf32, #tpu.memory_space<vmem>>) dst(%dma_wait3A_45 : memref<1024xf32, #tpu.memory_space<hbm>>)
    return
  }
}

module attributes {stable_mosaic.version = 14 : i64} {
  func.func @_wave_body(%arg0: i32, %arg1: memref<256x4096xf32, #tpu.memory_space<vmem>>, %arg2: memref<4096x64xf32, #tpu.memory_space<vmem>>, %arg3: memref<1x64xf32, #tpu.memory_space<vmem>>, %arg4: memref<256x40xf32, #tpu.memory_space<vmem>>, %arg5: memref<256x4x40xi32, #tpu.memory_space<vmem>>) attributes {dimension_semantics = [#tpu.dimension_semantics<arbitrary>], iteration_bounds = array<i64: 8>, scalar_prefetch = 0 : i64, scratch_operands = 0 : i64, tpu.core_type = #tpu.core_type<tc>, window_params = [{transform_indices = @transform_0, window_bounds = array<i64: 256, 4096>}, {pipeline_mode = #tpu.pipeline_mode<synchronous>, transform_indices = @transform_1, window_bounds = array<i64: 4096, 64>}, {pipeline_mode = #tpu.pipeline_mode<synchronous>, transform_indices = @transform_2, window_bounds = array<i64: 1, 64>}, {transform_indices = @transform_3, window_bounds = array<i64: 256, 40>}, {transform_indices = @transform_4, window_bounds = array<i64: 256, 4, 40>}]} {
    %get3A = arith.constant 0 : index
    %get3A_0 = arith.constant 0 : index
    %get3A_1 = vector.load %arg1[%get3A, %get3A_0] : memref<256x4096xf32, #tpu.memory_space<vmem>>, vector<256x4096xf32>
    %get3A_2 = arith.constant 0 : index
    %get3A_3 = arith.constant 0 : index
    %get3A_4 = vector.load %arg2[%get3A_2, %get3A_3] : memref<4096x64xf32, #tpu.memory_space<vmem>>, vector<4096x64xf32>
    %dot_general3A = arith.constant dense<0.000000e+00> : vector<256x64xf32>
    %dot_general3A_5 = tpu.matmul %get3A_1, %get3A_4, %dot_general3A {dimension_numbers = #tpu.dot_dimension_numbers<[1], [0], [0], [1], [0, 0, 1, 1], [], []>, transpose_lhs_hint = false} : vector<256x4096xf32>, vector<4096x64xf32>, vector<256x64xf32> -> vector<256x64xf32>
    %get3A_6 = arith.constant 0 : index
    %get3A_7 = arith.constant 0 : index
    %get3A_8 = vector.load %arg3[%get3A_6, %get3A_7] : memref<1x64xf32, #tpu.memory_space<vmem>>, vector<1x64xf32>
    %add3A = vector.broadcast %get3A_8 : vector<1x64xf32> to vector<256x64xf32>
    %add3A_9 = arith.addf %dot_general3A_5, %add3A : vector<256x64xf32>
    %logistic3A = arith.negf %add3A_9 : vector<256x64xf32>
    %logistic3A_10 = math.exp %logistic3A : vector<256x64xf32>
    %logistic3A_11 = arith.constant 1.000000e+00 : f32
    %logistic3A_12 = vector.broadcast %logistic3A_11 : f32 to vector<256x64xf32>
    %logistic3A_13 = arith.addf %logistic3A_12, %logistic3A_10 : vector<256x64xf32>
    %logistic3A_14 = arith.divf %logistic3A_12, %logistic3A_13 : vector<256x64xf32>
    %mul3A = arith.mulf %add3A_9, %logistic3A_14 : vector<256x64xf32>
    %slice3A = vector.extract_strided_slice %mul3A {offsets = [0, 0], sizes = [256, 32], strides = [1, 1]} : vector<256x64xf32> to vector<256x32xf32>
    %logistic3A_15 = arith.negf %slice3A : vector<256x32xf32>
    %logistic3A_16 = math.exp %logistic3A_15 : vector<256x32xf32>
    %logistic3A_17 = arith.constant 1.000000e+00 : f32
    %logistic3A_18 = vector.broadcast %logistic3A_17 : f32 to vector<256x32xf32>
    %logistic3A_19 = arith.addf %logistic3A_18, %logistic3A_16 : vector<256x32xf32>
    %logistic3A_20 = arith.divf %logistic3A_18, %logistic3A_19 : vector<256x32xf32>
    %mul3A_21 = arith.constant 1.500000e+01 : f32
    %mul3A_22 = vector.broadcast %mul3A_21 : f32 to vector<256x32xf32>
    %mul3A_23 = arith.mulf %logistic3A_20, %mul3A_22 : vector<256x32xf32>
    %add3A_24 = arith.constant 1.000000e+00 : f32
    %add3A_25 = vector.broadcast %add3A_24 : f32 to vector<256x32xf32>
    %add3A_26 = arith.addf %mul3A_23, %add3A_25 : vector<256x32xf32>
    %slice3A_27 = vector.extract_strided_slice %mul3A {offsets = [0, 32], sizes = [256, 32], strides = [1, 1]} : vector<256x64xf32> to vector<256x32xf32>
    %tanh3A = math.tanh %slice3A_27 : vector<256x32xf32>
    %mul3A_28 = arith.constant 1.600000e+01 : f32
    %mul3A_29 = vector.broadcast %mul3A_28 : f32 to vector<256x32xf32>
    %mul3A_30 = arith.mulf %tanh3A, %mul3A_29 : vector<256x32xf32>
    %reduce_sum3A = arith.constant dense<0.000000e+00> : vector<256xf32>
    %reduce_sum3A_31 = vector.multi_reduction <add>, %add3A_26, %reduce_sum3A [1] : vector<256x32xf32> to vector<256xf32>
    %broadcast_in_dim3A = vector.shape_cast %reduce_sum3A_31 : vector<256xf32> to vector<256x1xf32>
    %div3A = arith.constant 3.200000e+01 : f32
    %div3A_32 = vector.broadcast %div3A : f32 to vector<256x1xf32>
    %div3A_33 = arith.divf %broadcast_in_dim3A, %div3A_32 : vector<256x1xf32>
    %reduce_sum3A_34 = arith.constant dense<0.000000e+00> : vector<256xf32>
    %reduce_sum3A_35 = vector.multi_reduction <add>, %mul3A_30, %reduce_sum3A_34 [1] : vector<256x32xf32> to vector<256xf32>
    %broadcast_in_dim3A_36 = vector.shape_cast %reduce_sum3A_35 : vector<256xf32> to vector<256x1xf32>
    %div3A_37 = arith.constant 3.200000e+01 : f32
    %div3A_38 = vector.broadcast %div3A_37 : f32 to vector<256x1xf32>
    %div3A_39 = arith.divf %broadcast_in_dim3A_36, %div3A_38 : vector<256x1xf32>
    %iota3A = tpu.iota {dimensions = array<i32: 1>} : vector<256x40xi32>
    %convert_element_type3A = arith.sitofp %iota3A : vector<256x40xi32> to vector<256x40xf32>
    %sub3A = arith.constant 1.600000e+01 : f32
    %sub3A_40 = vector.broadcast %sub3A : f32 to vector<256x40xf32>
    %sub3A_41 = arith.subf %convert_element_type3A, %sub3A_40 : vector<256x40xf32>
    %mul3A_42 = vector.broadcast %div3A_33 : vector<256x1xf32> to vector<256x40xf32>
    %mul3A_43 = arith.mulf %sub3A_41, %mul3A_42 : vector<256x40xf32>
    %add3A_44 = vector.broadcast %div3A_39 : vector<256x1xf32> to vector<256x40xf32>
    %add3A_45 = arith.addf %mul3A_43, %add3A_44 : vector<256x40xf32>
    %swap3A = arith.constant 0 : index
    %swap3A_46 = arith.constant 0 : index
    %swap3A_47 = vector.load %arg4[%swap3A, %swap3A_46] : memref<256x40xf32, #tpu.memory_space<vmem>>, vector<256x40xf32>
    tpu.vector_store %arg4[%swap3A, %swap3A_46], %add3A_45 {strides = array<i32>} : memref<256x40xf32, #tpu.memory_space<vmem>>, vector<256x40xf32>,
    %mul3A_48 = arith.constant 256 : i32
    %mul3A_49 = arith.muli %arg0, %mul3A_48 : i32
    %convert_element_type3A_50 = arith.sitofp %mul3A_49 : i32 to f32
    %iota3A_51 = tpu.iota {dimensions = array<i32: 0>} : vector<256x40xi32>
    %convert_element_type3A_52 = arith.sitofp %iota3A_51 : vector<256x40xi32> to vector<256x40xf32>
    %add3A_53 = vector.broadcast %convert_element_type3A_50 : f32 to vector<256x40xf32>
    %add3A_54 = arith.addf %add3A_53, %convert_element_type3A_52 : vector<256x40xf32>
    %add3A_55 = arith.addf %add3A_54, %add3A_45 : vector<256x40xf32>
    %convert_element_type3A_56 = arith.fptosi %add3A_55 : vector<256x40xf32> to vector<256x40xi32>
    %jit3A = arith.constant 0 : i32
    %jit3A_57 = arith.constant 2047 : i32
    %max3A = vector.broadcast %jit3A : i32 to vector<256x40xi32>
    %max3A_58 = arith.maxsi %max3A, %convert_element_type3A_56 : vector<256x40xi32>
    %min3A = vector.broadcast %jit3A_57 : i32 to vector<256x40xi32>
    %min3A_59 = arith.minsi %min3A, %max3A_58 : vector<256x40xi32>
    %mul3A_60 = arith.constant 4 : i32
    %mul3A_61 = vector.broadcast %mul3A_60 : i32 to vector<256x40xi32>
    %mul3A_62 = arith.muli %min3A_59, %mul3A_61 : vector<256x40xi32>
    %add3A_63 = arith.constant 0 : i32
    %add3A_64 = vector.broadcast %add3A_63 : i32 to vector<256x40xi32>
    %add3A_65 = arith.addi %mul3A_62, %add3A_64 : vector<256x40xi32>
    %swap3A_66 = arith.constant 0 : index
    %swap3A_67 = arith.constant 0 : index
    %swap3A_68 = arith.constant 0 : index
    %swap3A_69 = vector.load %arg5[%swap3A_66, %swap3A_67, %swap3A_68] : memref<256x4x40xi32, #tpu.memory_space<vmem>>, vector<256x1x40xi32>
    %swap3A_70 = vector.shape_cast %swap3A_69 : vector<256x1x40xi32> to vector<256x40xi32>
    %swap3A_71 = vector.shape_cast %add3A_65 : vector<256x40xi32> to vector<256x1x40xi32>
    tpu.vector_store %arg5[%swap3A_66, %swap3A_67, %swap3A_68], %swap3A_71 {strides = array<i32>} : memref<256x4x40xi32, #tpu.memory_space<vmem>>, vector<256x1x40xi32>,
    %add3A_72 = arith.constant 1 : i32
    %add3A_73 = vector.broadcast %add3A_72 : i32 to vector<256x40xi32>
    %add3A_74 = arith.addi %mul3A_62, %add3A_73 : vector<256x40xi32>
    %swap3A_75 = arith.constant 0 : index
    %swap3A_76 = arith.constant 1 : index
    %swap3A_77 = arith.constant 0 : index
    %swap3A_78 = vector.load %arg5[%swap3A_75, %swap3A_76, %swap3A_77] : memref<256x4x40xi32, #tpu.memory_space<vmem>>, vector<256x1x40xi32>
    %swap3A_79 = vector.shape_cast %swap3A_78 : vector<256x1x40xi32> to vector<256x40xi32>
    %swap3A_80 = vector.shape_cast %add3A_74 : vector<256x40xi32> to vector<256x1x40xi32>
    tpu.vector_store %arg5[%swap3A_75, %swap3A_76, %swap3A_77], %swap3A_80 {strides = array<i32>} : memref<256x4x40xi32, #tpu.memory_space<vmem>>, vector<256x1x40xi32>,
    %add3A_81 = arith.constant 2 : i32
    %add3A_82 = vector.broadcast %add3A_81 : i32 to vector<256x40xi32>
    %add3A_83 = arith.addi %mul3A_62, %add3A_82 : vector<256x40xi32>
    %swap3A_84 = arith.constant 0 : index
    %swap3A_85 = arith.constant 2 : index
    %swap3A_86 = arith.constant 0 : index
    %swap3A_87 = vector.load %arg5[%swap3A_84, %swap3A_85, %swap3A_86] : memref<256x4x40xi32, #tpu.memory_space<vmem>>, vector<256x1x40xi32>
    %swap3A_88 = vector.shape_cast %swap3A_87 : vector<256x1x40xi32> to vector<256x40xi32>
    %swap3A_89 = vector.shape_cast %add3A_83 : vector<256x40xi32> to vector<256x1x40xi32>
    tpu.vector_store %arg5[%swap3A_84, %swap3A_85, %swap3A_86], %swap3A_89 {strides = array<i32>} : memref<256x4x40xi32, #tpu.memory_space<vmem>>, vector<256x1x40xi32>,
    %add3A_90 = arith.constant 3 : i32
    %add3A_91 = vector.broadcast %add3A_90 : i32 to vector<256x40xi32>
    %add3A_92 = arith.addi %mul3A_62, %add3A_91 : vector<256x40xi32>
    %swap3A_93 = arith.constant 0 : index
    %swap3A_94 = arith.constant 3 : index
    %swap3A_95 = arith.constant 0 : index
    %swap3A_96 = vector.load %arg5[%swap3A_93, %swap3A_94, %swap3A_95] : memref<256x4x40xi32, #tpu.memory_space<vmem>>, vector<256x1x40xi32>
    %swap3A_97 = vector.shape_cast %swap3A_96 : vector<256x1x40xi32> to vector<256x40xi32>
    %swap3A_98 = vector.shape_cast %add3A_92 : vector<256x40xi32> to vector<256x1x40xi32>
    tpu.vector_store %arg5[%swap3A_93, %swap3A_94, %swap3A_95], %swap3A_98 {strides = array<i32>} : memref<256x4x40xi32, #tpu.memory_space<vmem>>, vector<256x1x40xi32>,
    return
  }
  func.func @transform_0(%arg0: i32) -> (i32, i32) {
    %c0_i32 = arith.constant 0 : i32
    %c0_i32_0 = arith.constant 0 : i32
    return %arg0, %c0_i32 : i32, i32
  }
  func.func @transform_1(%arg0: i32) -> (i32, i32) {
    %c0_i32 = arith.constant 0 : i32
    %c0_i32_0 = arith.constant 0 : i32
    %c0_i32_1 = arith.constant 0 : i32
    return %c0_i32, %c0_i32_0 : i32, i32
  }
  func.func @transform_2(%arg0: i32) -> (i32, i32) {
    %c0_i32 = arith.constant 0 : i32
    %c0_i32_0 = arith.constant 0 : i32
    %c0_i32_1 = arith.constant 0 : i32
    return %c0_i32, %c0_i32_0 : i32, i32
  }
  func.func @transform_3(%arg0: i32) -> (i32, i32) {
    %c0_i32 = arith.constant 0 : i32
    %c0_i32_0 = arith.constant 0 : i32
    return %arg0, %c0_i32 : i32, i32
  }
  func.func @transform_4(%arg0: i32) -> (i32, i32, i32) {
    %c0_i32 = arith.constant 0 : i32
    %c0_i32_0 = arith.constant 0 : i32
    %c0_i32_1 = arith.constant 0 : i32
    return %arg0, %c0_i32, %c0_i32_0 : i32, i32, i32
  }
}

module attributes {stable_mosaic.version = 14 : i64} {
  func.func @_weights_body(%arg0: i32, %arg1: i32, %arg2: memref<128x4096xf32, #tpu.memory_space<vmem>>, %arg3: memref<4096x512xf32, #tpu.memory_space<vmem>>, %arg4: memref<1x512xf32, #tpu.memory_space<vmem>>, %arg5: memref<128x40xf32, #tpu.memory_space<vmem>>, %arg6: memref<128x1x1x320xf32, #tpu.memory_space<vmem>>) attributes {dimension_semantics = [#tpu.dimension_semantics<arbitrary>, #tpu.dimension_semantics<arbitrary>], iteration_bounds = array<i64: 4, 16>, scalar_prefetch = 0 : i64, scratch_operands = 0 : i64, tpu.core_type = #tpu.core_type<tc>, window_params = [{transform_indices = @transform_0, window_bounds = array<i64: 128, 4096>}, {transform_indices = @transform_1, window_bounds = array<i64: 4096, 512>}, {transform_indices = @transform_2, window_bounds = array<i64: 1, 512>}, {transform_indices = @transform_3, window_bounds = array<i64: 128, 40>}, {transform_indices = @transform_4, window_bounds = array<i64: 128, 1, 1, 320>}]} {
    %get3A = arith.constant 0 : index
    %get3A_0 = arith.constant 0 : index
    %get3A_1 = vector.load %arg2[%get3A, %get3A_0] : memref<128x4096xf32, #tpu.memory_space<vmem>>, vector<128x4096xf32>
    %get3A_2 = arith.constant 0 : index
    %get3A_3 = arith.constant 0 : index
    %get3A_4 = vector.load %arg3[%get3A_2, %get3A_3] : memref<4096x512xf32, #tpu.memory_space<vmem>>, vector<4096x512xf32>
    %dot_general3A = arith.constant dense<0.000000e+00> : vector<128x512xf32>
    %dot_general3A_5 = tpu.matmul %get3A_1, %get3A_4, %dot_general3A {dimension_numbers = #tpu.dot_dimension_numbers<[1], [0], [0], [1], [0, 0, 1, 1], [], []>, transpose_lhs_hint = false} : vector<128x4096xf32>, vector<4096x512xf32>, vector<128x512xf32> -> vector<128x512xf32>
    %get3A_6 = arith.constant 0 : index
    %get3A_7 = arith.constant 0 : index
    %get3A_8 = vector.load %arg4[%get3A_6, %get3A_7] : memref<1x512xf32, #tpu.memory_space<vmem>>, vector<1x512xf32>
    %add3A = vector.broadcast %get3A_8 : vector<1x512xf32> to vector<128x512xf32>
    %add3A_9 = arith.addf %dot_general3A_5, %add3A : vector<128x512xf32>
    %logistic3A = arith.negf %add3A_9 : vector<128x512xf32>
    %logistic3A_10 = math.exp %logistic3A : vector<128x512xf32>
    %logistic3A_11 = arith.constant 1.000000e+00 : f32
    %logistic3A_12 = vector.broadcast %logistic3A_11 : f32 to vector<128x512xf32>
    %logistic3A_13 = arith.addf %logistic3A_12, %logistic3A_10 : vector<128x512xf32>
    %logistic3A_14 = arith.divf %logistic3A_12, %logistic3A_13 : vector<128x512xf32>
    %mul3A = arith.mulf %add3A_9, %logistic3A_14 : vector<128x512xf32>
    %reshape3A = vector.shape_cast %mul3A : vector<128x512xf32> to vector<128x8x64xf32>
    %get3A_15 = arith.constant 0 : index
    %get3A_16 = arith.constant 0 : index
    %get3A_17 = vector.load %arg5[%get3A_15, %get3A_16] : memref<128x40xf32, #tpu.memory_space<vmem>>, vector<128x40xf32>
    %mul3A_18 = arith.constant 128 : i32
    %mul3A_19 = arith.muli %arg1, %mul3A_18 : i32
    %convert_element_type3A = arith.sitofp %mul3A_19 : i32 to f32
    %iota3A = tpu.iota {dimensions = array<i32: 0>} : vector<128x40xi32>
    %convert_element_type3A_20 = arith.sitofp %iota3A : vector<128x40xi32> to vector<128x40xf32>
    %add3A_21 = vector.broadcast %convert_element_type3A : f32 to vector<128x40xf32>
    %add3A_22 = arith.addf %add3A_21, %convert_element_type3A_20 : vector<128x40xf32>
    %add3A_23 = arith.addf %add3A_22, %get3A_17 : vector<128x40xf32>
    %ge3A = arith.constant 0.000000e+00 : f32
    %ge3A_24 = vector.broadcast %ge3A : f32 to vector<128x40xf32>
    %ge3A_25 = arith.cmpf oge, %add3A_23, %ge3A_24 : vector<128x40xf32>
    %lt3A = arith.constant 2.048000e+03 : f32
    %lt3A_26 = vector.broadcast %lt3A : f32 to vector<128x40xf32>
    %lt3A_27 = arith.cmpf olt, %add3A_23, %lt3A_26 : vector<128x40xf32>
    %and3A = arith.andi %ge3A_25, %lt3A_27 : vector<128x40xi1>
    %convert_element_type3A_28 = arith.extui %and3A : vector<128x40xi1> to vector<128x40xi32>
    %convert_element_type3A_29 = arith.sitofp %convert_element_type3A_28 : vector<128x40xi32> to vector<128x40xf32>
    %add3A_30 = arith.constant 2.560000e+02 : f32
    %add3A_31 = vector.broadcast %add3A_30 : f32 to vector<128x40xf32>
    %add3A_32 = arith.addf %get3A_17, %add3A_31 : vector<128x40xf32>
    %div3A = arith.constant 5.120000e+02 : f32
    %div3A_33 = vector.broadcast %div3A : f32 to vector<128x40xf32>
    %div3A_34 = arith.divf %add3A_32, %div3A_33 : vector<128x40xf32>
    %jit3A = arith.constant 0.000000e+00 : f32
    %jit3A_35 = arith.constant 1.000000e+00 : f32
    %max3A = vector.broadcast %jit3A : f32 to vector<128x40xf32>
    %max3A_36 = arith.maximumf %max3A, %div3A_34 : vector<128x40xf32>
    %min3A = vector.broadcast %jit3A_35 : f32 to vector<128x40xf32>
    %min3A_37 = arith.minimumf %min3A, %max3A_36 : vector<128x40xf32>
    %mul3A_38 = arith.constant 6.300000e+01 : f32
    %mul3A_39 = vector.broadcast %mul3A_38 : f32 to vector<128x40xf32>
    %mul3A_40 = arith.mulf %min3A_37, %mul3A_39 : vector<128x40xf32>
    %convert_element_type3A_41 = arith.fptosi %mul3A_40 : vector<128x40xf32> to vector<128x40xi32>
    %jit3A_42 = arith.constant 0 : i32
    %jit3A_43 = arith.constant 62 : i32
    %max3A_44 = vector.broadcast %jit3A_42 : i32 to vector<128x40xi32>
    %max3A_45 = arith.maxsi %max3A_44, %convert_element_type3A_41 : vector<128x40xi32>
    %min3A_46 = vector.broadcast %jit3A_43 : i32 to vector<128x40xi32>
    %min3A_47 = arith.minsi %min3A_46, %max3A_45 : vector<128x40xi32>
    %convert_element_type3A_48 = arith.sitofp %min3A_47 : vector<128x40xi32> to vector<128x40xf32>
    %sub3A = arith.subf %mul3A_40, %convert_element_type3A_48 : vector<128x40xf32>
    %sub3A_49 = arith.constant 1.000000e+00 : f32
    %sub3A_50 = vector.broadcast %sub3A_49 : f32 to vector<128x40xf32>
    %sub3A_51 = arith.subf %sub3A_50, %sub3A : vector<128x40xf32>
    %iota3A_52 = tpu.iota {dimensions = array<i32: 1>} : vector<128x40xi32>
    %lt3A_53 = arith.constant 33 : i32
    %lt3A_54 = vector.broadcast %lt3A_53 : i32 to vector<128x40xi32>
    %lt3A_55 = arith.cmpi slt, %iota3A_52, %lt3A_54 : vector<128x40xi32>
    %convert_element_type3A_56 = arith.extui %lt3A_55 : vector<128x40xi1> to vector<128x40xi32>
    %convert_element_type3A_57 = arith.sitofp %convert_element_type3A_56 : vector<128x40xi32> to vector<128x40xf32>
    %mul3A_58 = arith.mulf %convert_element_type3A_29, %convert_element_type3A_57 : vector<128x40xf32>
    %broadcast_in_dim3A = vector.shape_cast %min3A_47 : vector<128x40xi32> to vector<128x1x40xi32>
    %broadcast_in_dim3A_59 = vector.shape_cast %broadcast_in_dim3A : vector<128x1x40xi32> to vector<128x1x40xi32>
    %broadcast_in_dim3A_60 = vector.broadcast %broadcast_in_dim3A_59 : vector<128x1x40xi32> to vector<128x8x40xi32>
    %lt3A_61 = arith.constant 0 : i32
    %lt3A_62 = vector.broadcast %lt3A_61 : i32 to vector<128x8x40xi32>
    %lt3A_63 = arith.cmpi slt, %broadcast_in_dim3A_60, %lt3A_62 : vector<128x8x40xi32>
    %add3A_64 = arith.constant 64 : i32
    %add3A_65 = vector.broadcast %add3A_64 : i32 to vector<128x8x40xi32>
    %add3A_66 = arith.addi %broadcast_in_dim3A_60, %add3A_65 : vector<128x8x40xi32>
    %select_n3A = arith.select %lt3A_63, %add3A_66, %broadcast_in_dim3A_60 : vector<128x8x40xi1>, vector<128x8x40xi32>
    %reshape3A_67 = vector.shape_cast %select_n3A : vector<128x8x40xi32> to vector<128x8x40x1xi32>
    %gather3A = vector.shape_cast %reshape3A_67 : vector<128x8x40x1xi32> to vector<128x8x40xi32>
    %gather3A_68 = tpu.dynamic_gather %reshape3A[%gather3A] in [2] : vector<128x8x64xf32>, vector<128x8x40xi32> -> vector<128x8x40xf32>
    %add3A_69 = arith.constant 1 : i32
    %add3A_70 = vector.broadcast %add3A_69 : i32 to vector<128x8x40xi32>
    %add3A_71 = arith.addi %broadcast_in_dim3A_60, %add3A_70 : vector<128x8x40xi32>
    %lt3A_72 = arith.constant 0 : i32
    %lt3A_73 = vector.broadcast %lt3A_72 : i32 to vector<128x8x40xi32>
    %lt3A_74 = arith.cmpi slt, %add3A_71, %lt3A_73 : vector<128x8x40xi32>
    %add3A_75 = arith.constant 64 : i32
    %add3A_76 = vector.broadcast %add3A_75 : i32 to vector<128x8x40xi32>
    %add3A_77 = arith.addi %add3A_71, %add3A_76 : vector<128x8x40xi32>
    %select_n3A_78 = arith.select %lt3A_74, %add3A_77, %add3A_71 : vector<128x8x40xi1>, vector<128x8x40xi32>
    %reshape3A_79 = vector.shape_cast %select_n3A_78 : vector<128x8x40xi32> to vector<128x8x40x1xi32>
    %gather3A_80 = vector.shape_cast %reshape3A_79 : vector<128x8x40x1xi32> to vector<128x8x40xi32>
    %gather3A_81 = tpu.dynamic_gather %reshape3A[%gather3A_80] in [2] : vector<128x8x64xf32>, vector<128x8x40xi32> -> vector<128x8x40xf32>
    %broadcast_in_dim3A_82 = vector.shape_cast %sub3A_51 : vector<128x40xf32> to vector<128x1x40xf32>
    %mul3A_83 = vector.broadcast %broadcast_in_dim3A_82 : vector<128x1x40xf32> to vector<128x8x40xf32>
    %mul3A_84 = arith.mulf %mul3A_83, %gather3A_68 : vector<128x8x40xf32>
    %broadcast_in_dim3A_85 = vector.shape_cast %sub3A : vector<128x40xf32> to vector<128x1x40xf32>
    %mul3A_86 = vector.broadcast %broadcast_in_dim3A_85 : vector<128x1x40xf32> to vector<128x8x40xf32>
    %mul3A_87 = arith.mulf %mul3A_86, %gather3A_81 : vector<128x8x40xf32>
    %add3A_88 = arith.addf %mul3A_84, %mul3A_87 : vector<128x8x40xf32>
    %broadcast_in_dim3A_89 = vector.shape_cast %mul3A_58 : vector<128x40xf32> to vector<128x1x40xf32>
    %mul3A_90 = vector.broadcast %broadcast_in_dim3A_89 : vector<128x1x40xf32> to vector<128x8x40xf32>
    %mul3A_91 = arith.mulf %add3A_88, %mul3A_90 : vector<128x8x40xf32>
    %reduce_sum3A = arith.constant dense<0.000000e+00> : vector<128x8xf32>
    %reduce_sum3A_92 = vector.multi_reduction <add>, %mul3A_91, %reduce_sum3A [2] : vector<128x8x40xf32> to vector<128x8xf32>
    %broadcast_in_dim3A_93 = vector.shape_cast %reduce_sum3A_92 : vector<128x8xf32> to vector<128x8x1xf32>
    %add3A_94 = arith.constant 9.99999993E-9 : f32
    %add3A_95 = vector.broadcast %add3A_94 : f32 to vector<128x8x1xf32>
    %add3A_96 = arith.addf %broadcast_in_dim3A_93, %add3A_95 : vector<128x8x1xf32>
    %div3A_97 = vector.broadcast %add3A_96 : vector<128x8x1xf32> to vector<128x8x40xf32>
    %div3A_98 = arith.divf %mul3A_91, %div3A_97 : vector<128x8x40xf32>
    %reshape3A_99 = vector.shape_cast %div3A_98 : vector<128x8x40xf32> to vector<128x320xf32>
    %swap3A = arith.constant 0 : index
    %swap3A_100 = arith.constant 0 : index
    %swap3A_101 = arith.constant 0 : index
    %swap3A_102 = arith.constant 0 : index
    %swap3A_103 = vector.load %arg6[%swap3A, %swap3A_100, %swap3A_101, %swap3A_102] : memref<128x1x1x320xf32, #tpu.memory_space<vmem>>, vector<128x1x1x320xf32>
    %swap3A_104 = vector.shape_cast %swap3A_103 : vector<128x1x1x320xf32> to vector<128x320xf32>
    %swap3A_105 = vector.shape_cast %reshape3A_99 : vector<128x320xf32> to vector<128x1x1x320xf32>
    tpu.vector_store %arg6[%swap3A, %swap3A_100, %swap3A_101, %swap3A_102], %swap3A_105 {strides = array<i32>} : memref<128x1x1x320xf32, #tpu.memory_space<vmem>>, vector<128x1x1x320xf32>,
    return
  }
  func.func @transform_0(%arg0: i32, %arg1: i32) -> (i32, i32) {
    %c0_i32 = arith.constant 0 : i32
    %c0_i32_0 = arith.constant 0 : i32
    return %arg1, %c0_i32 : i32, i32
  }
  func.func @transform_1(%arg0: i32, %arg1: i32) -> (i32, i32) {
    %c0_i32 = arith.constant 0 : i32
    %c0_i32_0 = arith.constant 0 : i32
    return %c0_i32, %arg0 : i32, i32
  }
  func.func @transform_2(%arg0: i32, %arg1: i32) -> (i32, i32) {
    %c0_i32 = arith.constant 0 : i32
    %c0_i32_0 = arith.constant 0 : i32
    return %c0_i32, %arg0 : i32, i32
  }
  func.func @transform_3(%arg0: i32, %arg1: i32) -> (i32, i32) {
    %c0_i32 = arith.constant 0 : i32
    %c0_i32_0 = arith.constant 0 : i32
    return %arg1, %c0_i32 : i32, i32
  }
  func.func @transform_4(%arg0: i32, %arg1: i32) -> (i32, i32, i32, i32) {
    %c0_i32 = arith.constant 0 : i32
    %c0_i32_0 = arith.constant 0 : i32
    %c0_i32_1 = arith.constant 0 : i32
    return %arg1, %arg0, %c0_i32, %c0_i32_0 : i32, i32, i32, i32
  }
}

module attributes {stable_mosaic.version = 14 : i64} {
  func.func @_out_body(%arg0: i32, %arg1: i32, %arg2: memref<256x4096xf32, #tpu.memory_space<vmem>>, %arg3: memref<4096x512xbf16, #tpu.memory_space<vmem>>, %arg4: memref<256x512xf32, #tpu.memory_space<vmem>>) attributes {dimension_semantics = [#tpu.dimension_semantics<arbitrary>, #tpu.dimension_semantics<arbitrary>], iteration_bounds = array<i64: 8, 8>, scalar_prefetch = 0 : i64, scratch_operands = 0 : i64, tpu.core_type = #tpu.core_type<tc>, window_params = [{transform_indices = @transform_0, window_bounds = array<i64: 256, 4096>}, {transform_indices = @transform_1, window_bounds = array<i64: 4096, 512>}, {transform_indices = @transform_2, window_bounds = array<i64: 256, 512>}]} {
    %get3A = arith.constant 0 : index
    %get3A_0 = arith.constant 0 : index
    %get3A_1 = vector.load %arg2[%get3A, %get3A_0] : memref<256x4096xf32, #tpu.memory_space<vmem>>, vector<256x4096xf32>
    %convert_element_type3A = arith.truncf %get3A_1 : vector<256x4096xf32> to vector<256x4096xbf16>
    %get3A_2 = arith.constant 0 : index
    %get3A_3 = arith.constant 0 : index
    %get3A_4 = vector.load %arg3[%get3A_2, %get3A_3] : memref<4096x512xbf16, #tpu.memory_space<vmem>>, vector<4096x512xbf16>
    %dot_general3A = arith.constant dense<0.000000e+00> : vector<256x512xf32>
    %dot_general3A_5 = tpu.matmul %convert_element_type3A, %get3A_4, %dot_general3A {dimension_numbers = #tpu.dot_dimension_numbers<[1], [0], [0], [1], [0, 0, 1, 1], [], []>, transpose_lhs_hint = false} : vector<256x4096xbf16>, vector<4096x512xbf16>, vector<256x512xf32> -> vector<256x512xf32>
    %logistic3A = arith.negf %dot_general3A_5 : vector<256x512xf32>
    %logistic3A_6 = math.exp %logistic3A : vector<256x512xf32>
    %logistic3A_7 = arith.constant 1.000000e+00 : f32
    %logistic3A_8 = vector.broadcast %logistic3A_7 : f32 to vector<256x512xf32>
    %logistic3A_9 = arith.addf %logistic3A_8, %logistic3A_6 : vector<256x512xf32>
    %logistic3A_10 = arith.divf %logistic3A_8, %logistic3A_9 : vector<256x512xf32>
    %mul3A = arith.mulf %dot_general3A_5, %logistic3A_10 : vector<256x512xf32>
    %swap3A = arith.constant 0 : index
    %swap3A_11 = arith.constant 0 : index
    %swap3A_12 = vector.load %arg4[%swap3A, %swap3A_11] : memref<256x512xf32, #tpu.memory_space<vmem>>, vector<256x512xf32>
    tpu.vector_store %arg4[%swap3A, %swap3A_11], %mul3A {strides = array<i32>} : memref<256x512xf32, #tpu.memory_space<vmem>>, vector<256x512xf32>,
    return
  }
  func.func @transform_0(%arg0: i32, %arg1: i32) -> (i32, i32) {
    %c0_i32 = arith.constant 0 : i32
    %c0_i32_0 = arith.constant 0 : i32
    return %arg1, %c0_i32 : i32, i32
  }
  func.func @transform_1(%arg0: i32, %arg1: i32) -> (i32, i32) {
    %c0_i32 = arith.constant 0 : i32
    %c0_i32_0 = arith.constant 0 : i32
    return %c0_i32, %arg0 : i32, i32
  }
  func.func @transform_2(%arg0: i32, %arg1: i32) -> (i32, i32) {
    %c0_i32 = arith.constant 0 : i32
    return %arg1, %arg0 : i32, i32
  }
}

</mosaic_0001>

<sc_bundles>
// kernel: kernel.6.cloned.1.call-start
scs
__scs_entry_jumppad:
0x0: {  	(pc) =	sbr.rel $0x88, $3  }
0x1: {  	(tag) =	ssettag $0x0;
	lr =	simm.s32 $0x1  }
0x2: {  	[smem:$0x3F9B] =	sst lr;
	_ =	strace $0xD0000000  }
0x3: {  	_ = 	snop  }
0x4: {  	_ = 	snop  }
0x5: {  	_ = 	snop  }
0x6: {  	_ = 	snop  }
0x7: {  	_ = 	snop  }
__scs_overlays_trampoline_lowered:
0x8: {  	[smem:$0x3FAA] =	sst s0  }
0x9: {  	[smem:$0x3FAB] =	sst s1  }
0xa: {  	[smem:$0x3FAC] =	sst s2  }
0xb: {  	[smem:$0x3FAD] =	sst s3  }
0xc: {  	[smem:$0x3FAE] =	sst s4  }
0xd: {  	[smem:$0x3FAF] =	sst s5  }
0xe: {  	[smem:$0x3FB0] =	sst s6  }
0xf: {  	[smem:$0x3FB1] =	sst s7  }
0x10: {  	[smem:$0x3FB2] =	sst s8  }
0x11: {  	[smem:$0x3FB3] =	sst s9;
	s0 =	simm.s32 @!p0 $0x0  }
0x12: {  	s1 =	sld [smem:$0x3F99];
	s0 =	simm.s32 @p0 $0x1  }
0x13: {  	[smem:$0x3FB4] =	sst s0;
	s0 =	simm.s32 @!p1 $0x0  }
0x14: {  	s2 =	sld [smem:$0x3F98];
	s0 =	simm.s32 @p1 $0x1  }
0x15: {  	[smem:$0x3FB5] =	sst s0;
	s0 =	simm.s32 @!p2 $0x0  }
0x16: {  	s3 =	sld [smem:$0x3FDB];
	s0 =	simm.s32 @p2 $0x1  }
0x17: {  	s4 =	simm.s32 $0x1BF5;
	[smem:$0x3FB7] =	sst s0  }
0x18: {  	s0 =	sld [smem:$0x3F9A];
	_ =	swait.ge [sflag:s4], $0x0  }
0x19: {  	s7 =	sld [smem:$0x3F9B]  }
0x1a: {  	s8 =	sadd.s32 $0xFFFFE003, lr  }
0x1b: {  	s9 =	sadd.s32 $0xFFFFFEF7, lr;
	s5 =	simm.s32 $0xFFFFFFFF;
	p2 =	slt.u32 s8, $0xFFFFF086  }
0x1c: {  	p1 =	slt.u32 s9, $0xF7A;
	s5 =	simm.s32 @!p2 $0x0  }
0x1d: {  	s5 =	simm.s32 @p1 $0x1;
	p0 =	seq.s32 s7, s2  }
0x1e: {  	s7 =	smul.u32 @!p0 $0xF7A, s2;
	p2 =	seq.s32 @!p0 s5, $0x0  }
0x1f: {  	s9 =	smul.u32 $0xF7A, s1;
	s8 =	simm.s32 @!p0 $0x1BF5;
	p2 =	por !p2, p0  }
0x20: {  	[sflag:s8] =	ssyncset.s32 @!p0 $0xFFFFF086;
	s6 =	sadd.s32 @!p0 s3, s7;
	s7 =	simm.s32 @!p0 $0x108  }
0x21: {  	s3 =	sadd.s32 s3, s9;
	s6 =	sadd.s32 @!p0 $0x88, s6;
	s7 =	simm.s32 @p2 $0x1082  }
0x22: {  	[simem:s7], [sflag:s8] =	dma.local @!p0 [hbm:s6], $0xF7A  }
0x23: {  	s9 =	sor.u32 $0xD0000000, s2;
	s6 =	simm.s32 $0x108;
	_ =	swait.ge @!p0 [sflag:s8], $0x0  }
0x24: {  	s3 =	sadd.s32 $0x88, s3;
	s6 =	simm.s32 @!p1 $0x1082;
	[sflag:s4] =	ssyncset.s32 $0xFFFFF086  }
0x25: {  	[simem:s6], [sflag:s4] =	dma.local [hbm:s3], $0xF7A  }
0x26: {  	[smem:$0x3F9B] =	sst s1;
	(tag) =	ssettag s2;
	_ =	strace s9  }
0x27: {  	s1 =	sld [smem:$0x3FAB]  }
0x28: {  	s2 =	sld [smem:$0x3FAC]  }
0x29: {  	s4 =	sld [smem:$0x3FAE]  }
0x2a: {  	p0 =	seq.s32 s5, $0x0;
	s5 =	sld [smem:$0x3FAF]  }
0x2b: {  	s6 =	sld [smem:$0x3FB0]  }
0x2c: {  	s7 =	sld [smem:$0x3FB1]  }
0x2d: {  	s3 =	simm.s32 $0x108;
	s8 =	sld [smem:$0x3FB2]  }
0x2e: {  	s3 =	simm.s32 @!p0 $0x1082;
	s9 =	sld [smem:$0x3FB3]  }
0x2f: {  	lr =	sadd.s32 s0, s3;
	s0 =	sld [smem:$0x3FAA]  }
0x30: {  	s3 =	sld [smem:$0x3FAD]  }
0x31: {  	[smem:$0x3FB6] =	sst s10  }
0x32: {  	s10 =	sld [smem:$0x3FB4];
	_ =	sdelay $0x3  }
0x33: {  	p0 =	seq.s32 s10, $0x1;
	s10 =	sld [smem:$0x3FB6];
	_ =	sdelay $0x3  }
0x34: {  	[smem:$0x3FB6] =	sst s10  }
0x35: {  	s10 =	sld [smem:$0x3FB5];
	_ =	sdelay $0x3  }
0x36: {  	p1 =	seq.s32 s10, $0x1;
	s10 =	sld [smem:$0x3FB6];
	_ =	sdelay $0x3  }
0x37: {  	[smem:$0x3FB6] =	sst s10  }
0x38: {  	s10 =	sld [smem:$0x3FB7]  }
0x39: {  	_ = 	snop;
	(pc) =	sbr.ind lr, $3  }
0x3a: {  	_ = 	snop  }
0x3b: {  	_ = 	snop  }
0x3c: {  	p2 =	seq.s32 s10, $0x1;
	s10 =	sld [smem:$0x3FB6]  }
0x3d: {  	_ =	shalt  }
0x3e: {  	_ =	shalt  }
0x3f: {  	_ =	shalt  }
0x40: {  	_ =	shalt  }
0x41: {  	_ =	shalt  }
0x42: {  	_ =	shalt  }
0x43: {  	_ =	shalt  }
0x44: {  	_ =	shalt  }
0x45: {  	_ =	shalt  }
0x46: {  	_ =	shalt  }
0x47: {  	_ =	shalt  }
0x48: {  	_ =	shalt  }
0x49: {  	_ =	shalt  }
0x4a: {  	_ =	shalt  }
0x4b: {  	_ =	shalt  }
0x4c: {  	_ =	shalt  }
0x4d: {  	_ =	shalt  }
0x4e: {  	_ =	shalt  }
0x4f: {  	_ =	shalt  }
0x50: {  	_ =	shalt  }
0x51: {  	_ =	shalt  }
0x52: {  	_ =	shalt  }
0x53: {  	_ =	shalt  }
0x54: {  	_ =	shalt  }
0x55: {  	_ =	shalt  }
0x56: {  	_ =	shalt  }
0x57: {  	_ =	shalt  }
0x58: {  	_ =	shalt  }
0x59: {  	_ =	shalt  }
0x5a: {  	_ =	shalt  }
0x5b: {  	_ =	shalt  }
0x5c: {  	_ =	shalt  }
0x5d: {  	_ =	shalt  }
0x5e: {  	_ =	shalt  }
0x5f: {  	_ =	shalt  }
0x60: {  	_ =	shalt  }
0x61: {  	_ =	shalt  }
0x62: {  	_ =	shalt  }
0x63: {  	_ =	shalt  }
0x64: {  	_ =	shalt  }
0x65: {  	_ =	shalt  }
0x66: {  	_ =	shalt  }
0x67: {  	_ =	shalt  }
0x68: {  	_ =	shalt  }
0x69: {  	_ =	shalt  }
0x6a: {  	_ =	shalt  }
0x6b: {  	_ =	shalt  }
0x6c: {  	_ =	shalt  }
0x6d: {  	_ =	shalt  }
0x6e: {  	_ =	shalt  }
0x6f: {  	_ =	shalt  }
0x70: {  	_ =	shalt  }
0x71: {  	_ =	shalt  }
0x72: {  	_ =	shalt  }
0x73: {  	_ =	shalt  }
0x74: {  	_ =	shalt  }
0x75: {  	_ =	shalt  }
0x76: {  	_ =	shalt  }
0x77: {  	_ =	shalt  }
0x78: {  	_ =	shalt  }
0x79: {  	_ =	shalt  }
0x7a: {  	_ =	shalt  }
0x7b: {  	_ =	shalt  }
0x7c: {  	_ =	shalt  }
0x7d: {  	_ =	shalt  }
0x7e: {  	_ =	shalt  }
0x7f: {  	_ =	shalt  }
0x80: {  	_ =	shalt  }
0x81: {  	_ =	shalt  }
0x82: {  	_ =	shalt  }
0x83: {  	_ =	shalt  }
0x84: {  	_ =	shalt  }
0x85: {  	_ =	shalt  }
0x86: {  	_ =	shalt  }
0x87: {  	_ =	shalt  }
.Lfunc_end0:
.L_simem_size_0:
called_computation.1_lowered:
.L_overlay_start_0:
0x88: {  	s2 =	sld [smem:$0x3FD9]  }
0x89: {  	s3 =	sld [smem:$0x3FFE];
	_ =	sdelay $0x1  }
0x8a: {  	s1 =	srdreg.scid  }
0x8b: {  	s0 =	sand.u32 $0x1, s1  }
0x8c: {  	s17 =	sshll.u32 s0, $0xA;
	s2 =	sadd.s32 s3, s2  }
0x8d: {  	s2 =	sadd.s32 s2, s17  }
0x8e: {  	[smem:$0x3FC2] =	sst s2  }
0x8f: {  	_ = 	snop  }
0x90: {  	s2 =	sld [smem:$0x3FD0];
	(tm) =	ssettm $0x1  }
0x91: {  	s18 =	sld [smem:$0x3FFB];
	_ =	sdelay $0x3  }
0x92: {  	_ =	strace s18  }
0x93: {  	s3 =	sld [smem:$0x3FFC];
	_ =	sdelay $0x3  }
0x94: {  	_ =	strace s3  }
0x95: {  	s3 =	sld [smem:$0x3FFD];
	_ =	sdelay $0x3  }
0x96: {  	_ =	strace s3  }
0x97: {  	_ =	strace $0x8FFFFFFF  }
0x98: {  	s19 =	sld [smem:$0x3FDB];
	_ =	sdelay $0x1  }
0x99: {  	s4 =	simm.s32 $_scs_section_size  }
0x9a: {  	s5 =	simm.s32 $_size__tile_overlayer_lowered;
	s6 =	simm.s32 $_tile_overlayer_lowered  }
0x9b: {  	s22 =	simm.s32 $0x1BFF;
	s21 =	sshll.u32 s6, $0x1;
	s3 =	sadd.s32 s4, s19  }
0x9c: {  	s7 =	simm.s32 $0x0;
	s20 =	sshll.u32 s5, $0x1;
	s5 =	sadd.s32 s21, s3  }
0x9d: {  	[timem:s7], [sflag:s22] =	dma.local [hbm:s5], s20  }
0x9e: {  	_ =	swait.ge [sflag:s22], s20  }
0x9f: {  	s4 =	ssub.s32 $0x0, s20;
	[sflag:s22] =	ssyncset.done $0x0  }
0xa0: {  	[sflag:s22] =	ssyncadd.s32 s4;
	_ =	sdelay $0x1  }
0xa1: {  	s23 =	simm.s32 $0x1B8B  }
0xa2: {  	_ =	swait.ge [sflag:s23], $0x1  }
0xa3: {  	[sflag:s23] =	ssyncset.done $0x0  }
0xa4: {  	s25 =	simm.s32 $0x1B8E;
	s24 =	sld [smem:$0x3FFE];
	[sflag:s23] =	ssyncadd.s32 $0xFFFFFFFF  }
0xa5: {  	s26 =	simm.s32 $execute0_lowered;
	[smem:$0x3FD2] =	sst s25  }
0xa6: {  	s5 =	sshll.u32 s26, $0x1;
	_ =	strace $0x80000046;
	[dreg:$0x1] =	wrdreg $0xFFFFFFFF  }
0xa7: {  	s28 =	simm.s32 $_size_execute0_lowered;
	s3 =	sadd.s32 s3, s5;
	[dreg:$0x0] =	wrdreg $0x0  }
0xa8: {  	s5 =	sshll.u32 s28, $0x1;
	[dreg:$0x2] =	wrdreg s3  }
0xa9: {  	[dreg:$0x3] =	wrdreg s5  }
0xaa: {  	[dreg:$0x4] =	wrdreg $0xC0  }
0xab: {  	_ =	task [dreg:s7], $0x5FFFF  }
0xac: {  	[dreg:$0x1] =	wrdreg $0xFFFFFFFF  }
0xad: {  	[dreg:$0x0] =	wrdreg $0x60  }
0xae: {  	[dreg:$0x2] =	wrdreg s2  }
0xaf: {  	[dreg:$0x3] =	wrdreg s24  }
0xb0: {  	[dreg:$0x4] =	wrdreg $0x9  }
0xb1: {  	_ =	task.clear_ibuf [dreg:s7], $0x5FFFF;
	_ =	strace $0x90000046  }
0xb2: {  	s29 =	simm.s32 $0x9;
	_ =	strace $0x80000048  }
0xb3: {  	_ =	swait.ge [sflag:s29], $0x1  }
0xb4: {  	[sflag:s29] =	ssyncadd.s32 $0xFFFFFFFF  }
0xb5: {  	_ =	strace $0x90000048  }
0xb6: {  	_ =	sfence  }
0xb7: {  	s30 =	sld [smem:$0x0];
	_ =	sdelay $0x2  }
0xb8: {  	s31 =	sshll.u32 s1, $0xD;
	s1 =	sshrl.u32 s1, $0x2  }
0xb9: {  	s3 =	sand.u32 $0x4000, s31;
	s1 =	sadd.s32 s1, s30  }
0xba: {  	s0 =	sor.u32 s3, s0;
	s1 =	sshll.u32 s1, $0x11  }
0xbb: {  	s0 =	sor.u32 s1, s0  }
0xbc: {  	s0 =	sadd.s32 $0x8F2B, s0  }
0xbd: {  	[sflag:s0] =	ssyncadd.remote.s32 $0x1  }
0xbe: {  	_ =	sfence.sel $0xFFFF  }
0xbf: {  	[dreg:$0x0] =	wrdreg $0xFFFFFFFF;
	(pc) =	sbr.abs _section_cstart, $3  }
0xc0: {  	[dreg:$0x1] =	wrdreg $0xFFFFFFFF  }
0xc1: {  	_ =	task.clear_ibuf [dreg:s7], $0x2FFFF;
	_ =	strace $0x9FFFFFFF  }
0xc2: {  	(tm) =	ssettm $0x7FFFFFFF  }
0xc3: {  	_ =	shalt  }
tec
execute0_lowered:
.L_overlay_start_1:
0x0: {  	(tag) =	ssettag $0x1  }
0x1: {  	s1 =	rddreg [dreg:$0x0]  }
0x2: {  	s0 =	rddreg [dreg:$0x1]  }
0x3: {  	s2 =	simm.s32 $0x0;
	s3 =	srdreg.scid;
	s4 =	stileid.u32  }
0x4: {  	s26 =	simm.s32 $0x80;
	s15 =	simm.s32 $0x14100;
	s18 =	simm.s32 $0x14280  }
0x5: {  	s19 =	simm.s32 $0x5;
	s20 =	simm.s32 $0x3;
	s23 =	simm.s32 $0x1  }
0x6: {  	s24 =	simm.s32 $0x6;
	s25 =	simm.s32 $0x4;
	[smem:$0x7FF] =	sst s2  }
0x7: {  	s3 =	sand.u32 $0x1, s3;
	s10 =	sadd.s32 $0x1200, s0;
	s12 =	sadd.s32 $0x21200, s0  }
0x8: {  	s9 =	sshll.u32 s4, $0x1;
	s6 =	sadd.s32 $0x81200, s0;
	s11 =	sadd.s32 $0x300, s1  }
0x9: {  	_ =	strace $0x80000047;
	s7 =	ssub.s32 $0x2, s3;
	s3 =	sor.u32 s3, s9  }
0xa: {  	s5 =	smov.u32 s10;
	s8 =	sshrl.u32 s7, $0x1;
	s30 =	sshll.u32 s3, $0xC  }
0xb: {  	s29 =	ssub.s32 s7, s8;
	s7 =	sshll.u32 s3, $0x6;
	s31 =	sadd.s32 s10, s30  }
0xc: {  	s3 =	smul.u32 $0x3000, s3;
	[dreg:$0x3] =	wrdreg s31;
	s4 =	sadd.s32 $0x10, s31  }
0xd: {  	v2 =	vlaneseq.u32;
	s9 =	sadd.s32 $0x100, s1;
	s0 =	smax.u32 s29, $0x1;
	[dreg:$0x4] =	wrdreg s4  }
0xe: {  	vm0 =	vmmov $0xffff;
	v1 =	vshrl.u32 v2, $0x3;
	s16 =	smov.u32 s12;
	s3 =	sadd.s32 s12, s3;
	[dreg:$0x6] =	wrdreg s0  }
0xf: {  	v0 =	vand.u32 $0x7, v2;
	v2 =	vor.u32 $0x8, v2;
	v1 =	vmul.u32 $0x8, v1;
	s10 =	sadd.s32 $0x200, s1;
	s4 =	simm.s32 $0x0;
	[dreg:$0x5] =	wrdreg s3  }
.LBB2_1:
0x10: {  	[dreg:$0x7] =	wrdreg s4  }
0x11: {  	s0 =	rddreg [dreg:$0x3];
	s4 =	simm.s32 $0x9  }
0x12: {  	[tilespmem:s2], [sflag:$0x9] =	stream.linear.gather [hbm4b:s0+s2], $0x80, $0x38;
	[tilespmem:$0x14C00] =	vst v63  }
0x13: {  	_ =	swait.ge [sflag:s4], $0x80  }
0x14: {  	[sflag:s4] =	ssyncset.done $0x0  }
0x15: {  	[sflag:s4] =	ssyncadd.s32 $0xFFFFFF80  }
0x16: {  	v3 =	vld [tilespmem:$0x0];
	_ =	sdelay $0x4  }
0x17: {  	v4 =	vshll.u32 v3, $0x3  }
0x18: {  	v3 =	vand.u32 $0x7, v3;
	v4 =	vand.u32 $0xFFFFFFC0, v4  }
0x19: {  	v3 =	vor.u32 v3, v4  }
0x1a: {  	v4 =	vperm.xlane v3, v0;
	_ =	sdelay $0x1  }
0x1b: {  	v4 =	vadd.s32 v1, v4;
	_ =	sdelay $0x3  }
0x1c: {  	s8 =	simm.s32 $0x100  }
0x1d: {  	[tilespmem:s8], [sflag:$0x3] =	stream.indirect_vreg.gather [hbm4b:s1+s2], $0x80, v4, vm0, $0xb8;
	[tilespmem:$0x14C00] =	vst v63  }
0x1e: {  	s12 =	simm.s32 $0x900;
	v3 =	vperm.xlane v3, v2  }
0x1f: {  	[tilespmem:s12], [sflag:$0x3] =	stream.indirect_vreg.gather [hbm4b:s9+s2], $0x80, v4, vm0, $0xb8;
	[tilespmem:$0x14C00] =	vst v63  }
0x20: {  	s13 =	simm.s32 $0x1100;
	v3 =	vadd.s32 v1, v3  }
0x21: {  	[tilespmem:s13], [sflag:$0x3] =	stream.indirect_vreg.gather [hbm4b:s10+s2], $0x80, v4, vm0, $0xb8;
	[tilespmem:$0x14C00] =	vst v63  }
0x22: {  	s14 =	simm.s32 $0x1900  }
0x23: {  	[tilespmem:s14], [sflag:$0x3] =	stream.indirect_vreg.gather [hbm4b:s11+s2], $0x80, v4, vm0, $0xb8;
	[tilespmem:$0x14C00] =	vst v63  }
0x24: {  	s17 =	simm.s32 $0x2100  }
0x25: {  	[tilespmem:s17], [sflag:$0x3] =	stream.indirect_vreg.gather [hbm4b:s1+s2], $0x80, v3, vm0, $0xb8;
	[tilespmem:$0x14C00] =	vst v63  }
0x26: {  	s21 =	simm.s32 $0x2900  }
0x27: {  	[tilespmem:s21], [sflag:$0x3] =	stream.indirect_vreg.gather [hbm4b:s9+s2], $0x80, v3, vm0, $0xb8;
	[tilespmem:$0x14C00] =	vst v63  }
0x28: {  	s22 =	simm.s32 $0x3100  }
0x29: {  	[tilespmem:s22], [sflag:$0x3] =	stream.indirect_vreg.gather [hbm4b:s10+s2], $0x80, v3, vm0, $0xb8;
	[tilespmem:$0x14C00] =	vst v63  }
0x2a: {  	s28 =	simm.s32 $0x3900  }
0x2b: {  	[tilespmem:s28], [sflag:$0x3] =	stream.indirect_vreg.gather [hbm4b:s11+s2], $0x80, v3, vm0, $0xb8;
	[tilespmem:$0x14C00] =	vst v63  }
0x2c: {  	v3 =	vld [tilespmem:$0x10];
	_ =	sdelay $0x4  }
0x2d: {  	v62 =	vshll.u32 v3, $0x3  }
0x2e: {  	v3 =	vand.u32 $0x7, v3;
	v4 =	vand.u32 $0xFFFFFFC0, v62  }
0x2f: {  	v3 =	vor.u32 v3, v4  }
0x30: {  	v4 =	vperm.xlane v3, v0;
	_ =	sdelay $0x1  }
0x31: {  	v4 =	vadd.s32 v1, v4;
	_ =	sdelay $0x3  }
0x32: {  	s30 =	simm.s32 $0x4100  }
0x33: {  	[tilespmem:s30], [sflag:$0x3] =	stream.indirect_vreg.gather [hbm4b:s1+s2], $0x80, v4, vm0, $0xb8;
	[tilespmem:$0x14C00] =	vst v63  }
0x34: {  	s31 =	simm.s32 $0x4900;
	v3 =	vperm.xlane v3, v2  }
0x35: {  	[tilespmem:s31], [sflag:$0x3] =	stream.indirect_vreg.gather [hbm4b:s9+s2], $0x80, v4, vm0, $0xb8;
	[tilespmem:$0x14C00] =	vst v63  }
0x36: {  	s3 =	simm.s32 $0x5100;
	v3 =	vadd.s32 v1, v3  }
0x37: {  	[tilespmem:s3], [sflag:$0x3] =	stream.indirect_vreg.gather [hbm4b:s10+s2], $0x80, v4, vm0, $0xb8;
	[tilespmem:$0x14C00] =	vst v63  }
0x38: {  	s4 =	simm.s32 $0x5900  }
0x39: {  	[tilespmem:s4], [sflag:$0x3] =	stream.indirect_vreg.gather [hbm4b:s11+s2], $0x80, v4, vm0, $0xb8;
	[tilespmem:$0x14C00] =	vst v63  }
0x3a: {  	s8 =	simm.s32 $0x6100  }
0x3b: {  	[tilespmem:s8], [sflag:$0x3] =	stream.indirect_vreg.gather [hbm4b:s1+s2], $0x80, v3, vm0, $0xb8;
	[tilespmem:$0x14C00] =	vst v63  }
0x3c: {  	s12 =	simm.s32 $0x6900  }
0x3d: {  	[tilespmem:s12], [sflag:$0x3] =	stream.indirect_vreg.gather [hbm4b:s9+s2], $0x80, v3, vm0, $0xb8;
	[tilespmem:$0x14C00] =	vst v63  }
0x3e: {  	s13 =	simm.s32 $0x7100  }
0x3f: {  	[tilespmem:s13], [sflag:$0x3] =	stream.indirect_vreg.gather [hbm4b:s10+s2], $0x80, v3, vm0, $0xb8;
	[tilespmem:$0x14C00] =	vst v63  }
0x40: {  	s14 =	simm.s32 $0x7900  }
0x41: {  	[tilespmem:s14], [sflag:$0x3] =	stream.indirect_vreg.gather [hbm4b:s11+s2], $0x80, v3, vm0, $0xb8;
	[tilespmem:$0x14C00] =	vst v63  }
0x42: {  	v3 =	vld.msk [tilespmem:$0x20], $0xff;
	_ =	sdelay $0x4  }
0x43: {  	v63 =	vshll.u32 v3, $0x3  }
0x44: {  	v3 =	vand.u32 $0x7, v3;
	v4 =	vand.u32 $0xFFFFFFC0, v63  }
0x45: {  	v3 =	vor.u32 v3, v4  }
0x46: {  	v3 =	vperm.xlane v3, v0;
	_ =	sdelay $0x1  }
0x47: {  	v3 =	vadd.s32 v1, v3;
	_ =	sdelay $0x3  }
0x48: {  	s17 =	simm.s32 $0x8100  }
0x49: {  	[tilespmem:s17], [sflag:$0x3] =	stream.indirect_vreg.gather [hbm4b:s1+s2], $0x80, v3, vm0, $0xb8;
	[tilespmem:$0x14C00] =	vst v63  }
0x4a: {  	s21 =	simm.s32 $0x8900  }
0x4b: {  	[tilespmem:s21], [sflag:$0x3] =	stream.indirect_vreg.gather [hbm4b:s9+s2], $0x80, v3, vm0, $0xb8;
	[tilespmem:$0x14C00] =	vst v63  }
0x4c: {  	s22 =	simm.s32 $0x9100  }
0x4d: {  	[tilespmem:s22], [sflag:$0x3] =	stream.indirect_vreg.gather [hbm4b:s10+s2], $0x80, v3, vm0, $0xb8;
	[tilespmem:$0x14C00] =	vst v63  }
0x4e: {  	s28 =	simm.s32 $0x9900  }
0x4f: {  	[tilespmem:s28], [sflag:$0x3] =	stream.indirect_vreg.gather [hbm4b:s11+s2], $0x80, v3, vm0, $0xb8;
	[tilespmem:$0x14C00] =	vst v63  }
0x50: {  	s30 =	rddreg [dreg:$0x4]  }
0x51: {  	[tilespmem:s26], [sflag:$0x2] =	stream.linear.gather [hbm4b:s30+s2], $0x80, $0x38;
	[tilespmem:$0x14C00] =	vst v63  }
0x52: {  	s29 =	simm.s32 $0x0;
	s31 =	rddreg [dreg:$0x5]  }
0x53: {  	[tilespmem:s15], [sflag:$0x5] =	stream.linear.gather [hbm4b:s31+s2], $0x180, $0x38;
	[tilespmem:$0x14C00] =	vst v63  }
.LBB2_2:
0x54: {  	s0 =	simm.s32 $0x2  }
0x55: {  	_ =	swait.ge [sflag:s0], $0x80  }
0x56: {  	[sflag:s0] =	ssyncset.done $0x0  }
0x57: {  	[sflag:s0] =	ssyncadd.s32 $0xFFFFFF80  }
0x58: {  	v3 =	vld [tilespmem:$0x80];
	_ =	sdelay $0x4  }
0x59: {  	v4 =	vshll.u32 v3, $0x3  }
0x5a: {  	v3 =	vand.u32 $0x7, v3;
	v4 =	vand.u32 $0xFFFFFFC0, v4  }
0x5b: {  	v3 =	vor.u32 v3, v4  }
0x5c: {  	v4 =	vperm.xlane v3, v0;
	_ =	sdelay $0x1  }
0x5d: {  	v4 =	vadd.s32 v1, v4;
	_ =	sdelay $0x3  }
0x5e: {  	s4 =	simm.s32 $0xA100  }
0x5f: {  	[tilespmem:s4], [sflag:$0x4] =	stream.indirect_vreg.gather [hbm4b:s1+s2], $0x80, v4, vm0, $0xb8;
	[tilespmem:$0x14C00] =	vst v63  }
0x60: {  	s8 =	simm.s32 $0xA900;
	v3 =	vperm.xlane v3, v2  }
0x61: {  	[tilespmem:s8], [sflag:$0x4] =	stream.indirect_vreg.gather [hbm4b:s9+s2], $0x80, v4, vm0, $0xb8;
	[tilespmem:$0x14C00] =	vst v63  }
0x62: {  	s12 =	simm.s32 $0xB100;
	v3 =	vadd.s32 v1, v3  }
0x63: {  	[tilespmem:s12], [sflag:$0x4] =	stream.indirect_vreg.gather [hbm4b:s10+s2], $0x80, v4, vm0, $0xb8;
	[tilespmem:$0x14C00] =	vst v63  }
0x64: {  	s13 =	simm.s32 $0xB900  }
0x65: {  	[tilespmem:s13], [sflag:$0x4] =	stream.indirect_vreg.gather [hbm4b:s11+s2], $0x80, v4, vm0, $0xb8;
	[tilespmem:$0x14C00] =	vst v63  }
0x66: {  	s14 =	simm.s32 $0xC100  }
0x67: {  	[tilespmem:s14], [sflag:$0x4] =	stream.indirect_vreg.gather [hbm4b:s1+s2], $0x80, v3, vm0, $0xb8;
	[tilespmem:$0x14C00] =	vst v63  }
0x68: {  	s17 =	simm.s32 $0xC900  }
0x69: {  	[tilespmem:s17], [sflag:$0x4] =	stream.indirect_vreg.gather [hbm4b:s9+s2], $0x80, v3, vm0, $0xb8;
	[tilespmem:$0x14C00] =	vst v63  }
0x6a: {  	s21 =	simm.s32 $0xD100  }
0x6b: {  	[tilespmem:s21], [sflag:$0x4] =	stream.indirect_vreg.gather [hbm4b:s10+s2], $0x80, v3, vm0, $0xb8;
	[tilespmem:$0x14C00] =	vst v63  }
0x6c: {  	s22 =	simm.s32 $0xD900  }
0x6d: {  	[tilespmem:s22], [sflag:$0x4] =	stream.indirect_vreg.gather [hbm4b:s11+s2], $0x80, v3, vm0, $0xb8;
	[tilespmem:$0x14C00] =	vst v63  }
0x6e: {  	v3 =	vld [tilespmem:$0x90];
	_ =	sdelay $0x4  }
0x6f: {  	v4 =	vshll.u32 v3, $0x3  }
0x70: {  	v3 =	vand.u32 $0x7, v3;
	v4 =	vand.u32 $0xFFFFFFC0, v4  }
0x71: {  	v3 =	vor.u32 v3, v4  }
0x72: {  	v4 =	vperm.xlane v3, v0;
	_ =	sdelay $0x1  }
0x73: {  	v4 =	vadd.s32 v1, v4;
	_ =	sdelay $0x3  }
0x74: {  	s26 =	simm.s32 $0xE100  }
0x75: {  	[tilespmem:s26], [sflag:$0x4] =	stream.indirect_vreg.gather [hbm4b:s1+s2], $0x80, v4, vm0, $0xb8;
	[tilespmem:$0x14C00] =	vst v63  }
0x76: {  	s28 =	simm.s32 $0xE900;
	v3 =	vperm.xlane v3, v2  }
0x77: {  	[tilespmem:s28], [sflag:$0x4] =	stream.indirect_vreg.gather [hbm4b:s9+s2], $0x80, v4, vm0, $0xb8;
	[tilespmem:$0x14C00] =	vst v63  }
0x78: {  	s3 =	simm.s32 $0xF100;
	v3 =	vadd.s32 v1, v3  }
0x79: {  	[tilespmem:s3], [sflag:$0x4] =	stream.indirect_vreg.gather [hbm4b:s10+s2], $0x80, v4, vm0, $0xb8;
	[tilespmem:$0x14C00] =	vst v63  }
0x7a: {  	s4 =	simm.s32 $0xF900  }
0x7b: {  	[tilespmem:s4], [sflag:$0x4] =	stream.indirect_vreg.gather [hbm4b:s11+s2], $0x80, v4, vm0, $0xb8;
	[tilespmem:$0x14C00] =	vst v63  }
0x7c: {  	s8 =	simm.s32 $0x10100  }
0x7d: {  	[tilespmem:s8], [sflag:$0x4] =	stream.indirect_vreg.gather [hbm4b:s1+s2], $0x80, v3, vm0, $0xb8;
	[tilespmem:$0x14C00] =	vst v63  }
0x7e: {  	s12 =	simm.s32 $0x10900  }
0x7f: {  	[tilespmem:s12], [sflag:$0x4] =	stream.indirect_vreg.gather [hbm4b:s9+s2], $0x80, v3, vm0, $0xb8;
	[tilespmem:$0x14C00] =	vst v63  }
0x80: {  	s13 =	simm.s32 $0x11100  }
0x81: {  	[tilespmem:s13], [sflag:$0x4] =	stream.indirect_vreg.gather [hbm4b:s10+s2], $0x80, v3, vm0, $0xb8;
	[tilespmem:$0x14C00] =	vst v63  }
0x82: {  	s14 =	simm.s32 $0x11900  }
0x83: {  	[tilespmem:s14], [sflag:$0x4] =	stream.indirect_vreg.gather [hbm4b:s11+s2], $0x80, v3, vm0, $0xb8;
	[tilespmem:$0x14C00] =	vst v63  }
0x84: {  	v3 =	vld.msk [tilespmem:$0xA0], $0xff;
	_ =	sdelay $0x4  }
0x85: {  	v4 =	vshll.u32 v3, $0x3  }
0x86: {  	v3 =	vand.u32 $0x7, v3;
	v4 =	vand.u32 $0xFFFFFFC0, v4  }
0x87: {  	v3 =	vor.u32 v3, v4  }
0x88: {  	v3 =	vperm.xlane v3, v0;
	_ =	sdelay $0x1  }
0x89: {  	v3 =	vadd.s32 v1, v3;
	_ =	sdelay $0x1  }
0x8a: {  	s31 =	sshll.u32 s29, $0x1;
	s21 =	sshrl.u32 s29, $0x1  }
0x8b: {  	s0 =	sor.u32 s7, s21;
	s22 =	sand.u32 $0x2, s31  }
0x8c: {  	s17 =	simm.s32 $0x12100;
	s30 =	sor.u32 $0x1, s22;
	s26 =	smul.u32 $0x600, s0  }
0x8d: {  	[tilespmem:s17], [sflag:$0x4] =	stream.indirect_vreg.gather [hbm4b:s1+s2], $0x80, v3, vm0, $0xb8;
	[tilespmem:$0x14C00] =	vst v63  }
0x8e: {  	s3 =	simm.s32 $0x12900;
	s8 =	smul.u32 $0x180, s30  }
0x8f: {  	[tilespmem:s3], [sflag:$0x4] =	stream.indirect_vreg.gather [hbm4b:s9+s2], $0x80, v3, vm0, $0xb8;
	[tilespmem:$0x14C00] =	vst v63  }
0x90: {  	s4 =	simm.s32 $0x13100;
	s3 =	sadd.s32 s26, s8  }
0x91: {  	[tilespmem:s4], [sflag:$0x4] =	stream.indirect_vreg.gather [hbm4b:s10+s2], $0x80, v3, vm0, $0xb8;
	[tilespmem:$0x14C00] =	vst v63  }
0x92: {  	s28 =	simm.s32 $0x13900;
	s3 =	sshrl.u32 s3, $0x3  }
0x93: {  	[tilespmem:s28], [sflag:$0x4] =	stream.indirect_vreg.gather [hbm4b:s11+s2], $0x80, v3, vm0, $0xb8;
	[tilespmem:$0x14C00] =	vst v63  }
0x94: {  	s3 =	sadd.s32 s16, s3  }
0x95: {  	[tilespmem:s18], [sflag:$0x6] =	stream.linear.gather [hbm4b:s3+s2], $0x180, $0x38;
	[tilespmem:$0x14C00] =	vst v63  }
0x96: {  	p0 =	seq.s32 s29, $0x0;
	s12 =	smin.u32 s31, $0xFD;
	_ =	swait.ge [sflag:s19], $0x180  }
0x97: {  	s17 =	simm.s32 $0x0;
	s3 =	sadd.s32 $0x2, s12;
	[sflag:s19] =	ssyncset.done $0x0  }
0x98: {  	s13 =	sshrl.u32 s3, $0x2;
	s3 =	sand.u32 $0x3, s3;
	[sflag:s19] =	ssyncadd.s32 $0xFFFFFE80  }
0x99: {  	s12 =	sor.u32 s7, s13;
	s14 =	sshll.u32 s3, $0x4;
	_ =	swait.ge [sflag:s20], $0xA000  }
0x9a: {  	s13 =	sshll.u32 s12, $0x6;
	s8 =	sadd.s32 s5, s14;
	[sflag:s20] =	ssyncset.done $0x0  }
0x9b: {  	v3 =	vmov s17;
	s8 =	sadd.s32 s13, s8;
	s13 =	simm.s32 @!p0 $0x7;
	[sflag:s20] =	ssyncadd.s32 $0xFFFF6000  }
0x9c: {  	[tilespmem:s2], [sflag:$0x1] =	stream.linear.gather [hbm4b:s8+s2], $0x80, $0x38;
	[tilespmem:$0x14C00] =	vst v63  }
0x9d: {  	_ =	swait.ge @!p0 [sflag:s13], $0x400  }
0x9e: {  	[sflag:s13] =	ssyncset.done @!p0 $0x0  }
0x9f: {  	s21 =	sand.u32 $0xE000, s17;
	s8 =	sand.u32 $0x380, s17;
	[sflag:s13] =	ssyncadd.s32 @!p0 $0xFFFFFC00  }
0xa0: {  	s8 =	sor.u32 s8, s21;
	v12 =	vld.idx.msk [tilespmem:v3+s15+$0x0], $0xffff  }
0xa1: {  	v3 =	vld [tilespmem:s8+$0x170]  }
0xa2: {  	v4 =	vld [tilespmem:s8+$0x100]  }
0xa3: {  	v6 =	vld [tilespmem:s8+$0x110]  }
0xa4: {  	s22 =	simm.s32 $0x1;
	v8 =	vld [tilespmem:s8+$0x120]  }
0xa5: {  	v7 =	vmov s22;
	v9 =	vld [tilespmem:s8+$0x130]  }
0xa6: {  	v10 =	vld [tilespmem:s8+$0x140]  }
0xa7: {  	v15 =	vld [tilespmem:s8+$0x150]  }
0xa8: {  	s14 =	simm.s32 $0x400;
	s13 =	simm.s32 $0x80;
	v18 =	vld [tilespmem:s8+$0x160]  }
0xa9: {  	v5 =	vimm.f32 $0.0e+00;
	s28 =	simm.s32 $0x2;
	s17 =	sand.u32 $0xE000, s14;
	s26 =	sand.u32 $0x380, s13;
	v11 =	vmul.f32 v4, v12  }
0xaa: {  	v16 =	vmov s28;
	s17 =	sor.u32 s26, s17;
	v3 =	vmul.f32 v3, v12;
	v13 =	vmul.f32 v6, v12;
	v4 =	vld.idx.msk [tilespmem:v7+s15+$0x0], $0xffff  }
0xab: {  	v7 =	vmul.f32 v8, v12;
	v8 =	vmul.f32 v9, v12;
	v6 =	vadd.f32 v11, v5;
	v11 =	vld [tilespmem:s17+$0x170]  }
0xac: {  	v14 =	vld [tilespmem:s17+$0x100];
	v10 =	vmul.f32 v10, v12;
	v17 =	vmul.f32 v15, v12;
	v3 =	vadd.f32 v3, v5  }
0xad: {  	v18 =	vmul.f32 v18, v12;
	v9 =	vadd.f32 v13, v5;
	v7 =	vadd.f32 v7, v5;
	v13 =	vld [tilespmem:s17+$0x110]  }
0xae: {  	s22 =	simm.s32 $0x3;
	s30 =	sshll.u32 s30, $0x4;
	v15 =	vld [tilespmem:s17+$0x120];
	v12 =	vimm.f32 $0.0e+00;
	v8 =	vadd.f32 v8, v5;
	v10 =	vadd.f32 v10, v5  }
.LBB2_3:
0xaf: {  	p1 =	sne.s32 s22, $0x20;
	v19 =	vld [tilespmem:s17+$0x130];
	v5 =	vadd.f32 v17, v5  }
0xb0: {  	v17 =	vld [tilespmem:s17+$0x140];
	v11 =	vmul.f32 v11, v4;
	v12 =	vadd.f32 v18, v12;
	v18 =	vmov v4  }
0xb1: {  	s13 =	sadd.s32 $0x80, s13;
	s14 =	sadd.s32 $0x400, s14;
	v14 =	vmul.f32 v14, v18;
	v20 =	vld [tilespmem:s17+$0x150]  }
0xb2: {  	s8 =	sand.u32 $0xE000, s14;
	s21 =	sand.u32 $0x380, s13;
	v13 =	vmul.f32 v13, v18;
	v21 =	vld [tilespmem:s17+$0x160];
	v3 =	vadd.f32 v11, v3  }
.Ltmp0:
0xb3: {  	s17 =	sor.u32 s21, s8;
	v4 =	vld.idx.msk [tilespmem:v16+s15+$0x0], $0xffff;
	v6 =	vadd.f32 v14, v6;
	v15 =	vmul.f32 v15, v18;
	(pc) =	sbr.rel @p1 .LBB2_3-.Ltmp0, $4  }
0xb4: {  	v11 =	vld [tilespmem:s17+$0x170];
	v9 =	vadd.f32 v13, v9;
	v16 =	vmul.f32 v19, v18  }
0xb5: {  	v14 =	vld [tilespmem:s17+$0x100];
	v7 =	vadd.f32 v15, v7;
	v19 =	vmul.f32 v17, v18  }
0xb6: {  	v13 =	vld [tilespmem:s17+$0x110];
	v8 =	vadd.f32 v16, v8;
	v17 =	vmul.f32 v20, v18  }
0xb7: {  	v16 =	vmov s22;
	s22 =	sadd.s32 $0x1, s22;
	v15 =	vld [tilespmem:s17+$0x120];
	v10 =	vadd.f32 v19, v10;
	v18 =	vmul.f32 v21, v18  }
0xb8: {  	v19 =	vld [tilespmem:s17+$0x130]  }
0xb9: {  	v20 =	vld [tilespmem:s17+$0x140]  }
0xba: {  	v21 =	vld [tilespmem:s17+$0x150];
	s8 =	sadd.s32 $0x80, s13;
	s14 =	sadd.s32 $0x400, s14  }
0xbb: {  	v22 =	vld [tilespmem:s17+$0x160];
	s13 =	sand.u32 $0xE000, s14;
	s8 =	sand.u32 $0x380, s8  }
0xbc: {  	v16 =	vld.idx.msk [tilespmem:v16+s15+$0x0], $0xffff;
	s8 =	sor.u32 s8, s13  }
0xbd: {  	v23 =	vld [tilespmem:s8+$0x100]  }
0xbe: {  	v14 =	vmul.f32 v14, v4;
	v13 =	vmul.f32 v13, v4;
	v24 =	vld [tilespmem:s8+$0x110]  }
0xbf: {  	v5 =	vadd.f32 v17, v5;
	v12 =	vadd.f32 v18, v12;
	v17 =	vld [tilespmem:s8+$0x120];
	v15 =	vmul.f32 v15, v4  }
0xc0: {  	v6 =	vadd.f32 v14, v6;
	v14 =	vld [tilespmem:s8+$0x130];
	v9 =	vadd.f32 v13, v9;
	v13 =	vmul.f32 v19, v4  }
0xc1: {  	v11 =	vmul.f32 v11, v4;
	v18 =	vld [tilespmem:s8+$0x140];
	v7 =	vadd.f32 v15, v7;
	v15 =	vmul.f32 v20, v4  }
0xc2: {  	v20 =	vld [tilespmem:s8+$0x150];
	v8 =	vadd.f32 v13, v8;
	v13 =	vmul.f32 v21, v4;
	v19 =	vmul.f32 v23, v16  }
0xc3: {  	v63 =	vld [tilespmem:s8+$0x160];
	v4 =	vmul.f32 v22, v4;
	v10 =	vadd.f32 v15, v10;
	v15 =	vmul.f32 v24, v16  }
0xc4: {  	v17 =	vmul.f32 v17, v16;
	v5 =	vadd.f32 v13, v5;
	v13 =	vld [tilespmem:s8+$0x170];
	v6 =	vadd.f32 v19, v6  }
0xc5: {  	v4 =	vadd.f32 v4, v12;
	v12 =	vmul.f32 v14, v16;
	v9 =	vadd.f32 v15, v9  }
0xc6: {  	v14 =	vmul.f32 v18, v16;
	v7 =	vadd.f32 v17, v7;
	[tilespmem:$0x14400] =	vst v6  }
0xc7: {  	v8 =	vadd.f32 v12, v8;
	v12 =	vmul.f32 v20, v16;
	[tilespmem:$0x14410] =	vst v9  }
0xc8: {  	s21 =	simm.s32 $0x0;
	v3 =	vadd.f32 v11, v3;
	v9 =	vadd.f32 v14, v10;
	v10 =	vmul.f32 v63, v16;
	[tilespmem:$0x14420] =	vst v7  }
0xc9: {  	v6 =	vmov s21;
	v5 =	vadd.f32 v12, v5;
	[tilespmem:$0x14430] =	vst v8;
	v7 =	vmul.f32 v13, v16  }
0xca: {  	v6 =	vadd.s32 $0x28, v6;
	v4 =	vadd.f32 v10, v4;
	[tilespmem:$0x14440] =	vst v9  }
0xcb: {  	v6 =	vbroadcast v6, $0x0;
	[tilespmem:$0x14450] =	vst v5;
	v3 =	vadd.f32 v7, v3  }
0xcc: {  	s22 =	sand.u32 $0xE000, s21;
	s8 =	sand.u32 $0x380, s21;
	[tilespmem:$0x14460] =	vst v4  }
0xcd: {  	s8 =	sor.u32 s8, s22;
	[tilespmem:$0x14470] =	vst v3  }
0xce: {  	v3 =	vld [tilespmem:s8+$0x570]  }
0xcf: {  	v8 =	vld [tilespmem:s8+$0x510]  }
0xd0: {  	s26 =	simm.s32 $0x1;
	v10 =	vld [tilespmem:s8+$0x520]  }
0xd1: {  	v5 =	vmov s26;
	v4 =	vld.idx.msk [tilespmem:v6+s15+$0x0], $0xffff  }
0xd2: {  	v5 =	vadd.s32 $0x28, v5;
	v6 =	vld [tilespmem:s8+$0x500]  }
0xd3: {  	v9 =	vbroadcast v5, $0x0;
	v13 =	vld [tilespmem:s8+$0x530];
	_ =	sdelay $0x1  }
0xd4: {  	s28 =	simm.s32 $0x2  }
0xd5: {  	v19 =	vmov s28;
	v11 =	vld [tilespmem:s8+$0x540];
	v3 =	vmul.f32 v3, v4  }
0xd6: {  	s14 =	simm.s32 $0x400;
	s13 =	simm.s32 $0x80;
	v14 =	vimm.f32 $0.0e+00;
	v12 =	vld [tilespmem:s8+$0x550];
	v5 =	vmul.f32 v6, v4;
	v8 =	vmul.f32 v8, v4  }
0xd7: {  	s22 =	sand.u32 $0x380, s13;
	s21 =	sand.u32 $0xE000, s14;
	v7 =	vimm.f32 $0.0e+00;
	v15 =	vld [tilespmem:s8+$0x560];
	v17 =	vmul.f32 v10, v4;
	v18 =	vmul.f32 v13, v4  }
0xd8: {  	s17 =	sor.u32 s22, s21;
	v6 =	vld.idx.msk [tilespmem:v9+s15+$0x0], $0xffff;
	v13 =	vimm.f32 $0.0e+00;
	v9 =	vimm.f32 $0.0e+00;
	v3 =	vadd.f32 v3, v7  }
0xd9: {  	s22 =	simm.s32 $0x3;
	v16 =	vld [tilespmem:s17+$0x570];
	v10 =	vimm.f32 $0.0e+00;
	v5 =	vadd.f32 v5, v7;
	v8 =	vadd.f32 v8, v7  }
.LBB2_5:
0xda: {  	p1 =	sne.s32 s22, $0x20;
	v19 =	vadd.s32 $0x28, v19;
	v20 =	vld [tilespmem:s17+$0x500];
	v7 =	vadd.f32 v17, v7;
	v11 =	vmul.f32 v11, v4  }
0xdb: {  	v17 =	vbroadcast v19, $0x0;
	v19 =	vld [tilespmem:s17+$0x510];
	v14 =	vadd.f32 v18, v14;
	v12 =	vmul.f32 v12, v4  }
0xdc: {  	v18 =	vld [tilespmem:s17+$0x520];
	v13 =	vadd.f32 v11, v13;
	v15 =	vmul.f32 v15, v4  }
0xdd: {  	v21 =	vld [tilespmem:s17+$0x530];
	v9 =	vadd.f32 v12, v9  }
.Ltmp1:
0xde: {  	v4 =	vmov v6;
	v11 =	vld [tilespmem:s17+$0x540];
	v16 =	vmul.f32 v16, v6;
	v10 =	vadd.f32 v15, v10;
	(pc) =	sbr.rel @p1 .LBB2_5-.Ltmp1, $4  }
0xdf: {  	s13 =	sadd.s32 $0x80, s13;
	s14 =	sadd.s32 $0x400, s14;
	v20 =	vmul.f32 v20, v4;
	v12 =	vld [tilespmem:s17+$0x550]  }
0xe0: {  	s8 =	sand.u32 $0xE000, s14;
	s21 =	sand.u32 $0x380, s13;
	v22 =	vmul.f32 v19, v4;
	v15 =	vld [tilespmem:s17+$0x560];
	v3 =	vadd.f32 v16, v3  }
0xe1: {  	s17 =	sor.u32 s21, s8;
	v6 =	vld.idx.msk [tilespmem:v17+s15+$0x0], $0xffff;
	v5 =	vadd.f32 v20, v5;
	v17 =	vmul.f32 v18, v4  }
0xe2: {  	v19 =	vmov s22;
	s22 =	sadd.s32 $0x1, s22;
	v16 =	vld [tilespmem:s17+$0x570];
	v8 =	vadd.f32 v22, v8;
	v18 =	vmul.f32 v21, v4  }
0xe3: {  	v20 =	vld [tilespmem:s17+$0x500]  }
0xe4: {  	v19 =	vadd.s32 $0x28, v19;
	v21 =	vld [tilespmem:s17+$0x510]  }
0xe5: {  	v22 =	vld [tilespmem:s17+$0x520];
	v19 =	vbroadcast v19, $0x0  }
0xe6: {  	v23 =	vld [tilespmem:s17+$0x530]  }
0xe7: {  	v24 =	vld [tilespmem:s17+$0x540];
	s8 =	sadd.s32 $0x80, s13;
	s14 =	sadd.s32 $0x400, s14  }
0xe8: {  	v25 =	vld [tilespmem:s17+$0x550];
	s13 =	sand.u32 $0xE000, s14;
	s8 =	sand.u32 $0x380, s8  }
0xe9: {  	v26 =	vld [tilespmem:s17+$0x560];
	v11 =	vmul.f32 v11, v4;
	s8 =	sor.u32 s8, s13  }
0xea: {  	v7 =	vadd.f32 v17, v7;
	v12 =	vmul.f32 v12, v4;
	v4 =	vmul.f32 v15, v4;
	v15 =	vld [tilespmem:s8+$0x500]  }
0xeb: {  	v14 =	vadd.f32 v18, v14;
	v11 =	vadd.f32 v11, v13;
	v13 =	vmul.f32 v20, v6;
	v17 =	vld.idx.msk [tilespmem:v19+s15+$0x0], $0xffff  }
0xec: {  	v4 =	vadd.f32 v4, v10;
	v18 =	vmul.f32 v21, v6;
	v10 =	vmul.f32 v22, v6;
	v19 =	vld [tilespmem:s8+$0x510]  }
0xed: {  	v9 =	vadd.f32 v12, v9;
	v12 =	vld [tilespmem:s8+$0x520];
	v5 =	vadd.f32 v13, v5;
	v13 =	vmul.f32 v23, v6  }
0xee: {  	v8 =	vadd.f32 v18, v8;
	v18 =	vld [tilespmem:s8+$0x530];
	v7 =	vadd.f32 v10, v7;
	v10 =	vmul.f32 v24, v6  }
0xef: {  	v20 =	vld [tilespmem:s8+$0x540];
	v13 =	vadd.f32 v13, v14;
	v14 =	vmul.f32 v25, v6  }
0xf0: {  	v63 =	vld [tilespmem:s8+$0x550];
	v16 =	vmul.f32 v16, v6;
	v10 =	vadd.f32 v10, v11;
	v15 =	vmul.f32 v15, v17  }
0xf1: {  	v6 =	vmul.f32 v26, v6;
	v9 =	vadd.f32 v14, v9;
	v14 =	vld [tilespmem:s8+$0x570];
	v11 =	vmul.f32 v19, v17  }
0xf2: {  	v19 =	vld [tilespmem:s8+$0x560];
	v12 =	vmul.f32 v12, v17;
	v5 =	vadd.f32 v15, v5  }
0xf3: {  	v4 =	vadd.f32 v6, v4;
	v6 =	vadd.f32 v11, v8;
	v8 =	vmul.f32 v18, v17  }
0xf4: {  	v7 =	vadd.f32 v12, v7;
	v11 =	vmul.f32 v20, v17;
	[tilespmem:$0x14480] =	vst v5  }
0xf5: {  	v12 =	vmul.f32 v63, v17;
	v8 =	vadd.f32 v8, v13;
	[tilespmem:$0x14490] =	vst v6  }
0xf6: {  	s21 =	simm.s32 $0x0;
	v3 =	vadd.f32 v16, v3;
	v6 =	vadd.f32 v11, v10;
	[tilespmem:$0x144A0] =	vst v7;
	v7 =	vmul.f32 v14, v17  }
0xf7: {  	v5 =	vmov s21;
	v9 =	vadd.f32 v12, v9;
	v10 =	vmul.f32 v19, v17;
	[tilespmem:$0x144B0] =	vst v8  }
0xf8: {  	v5 =	vadd.s32 $0x50, v5;
	[tilespmem:$0x144C0] =	vst v6;
	v3 =	vadd.f32 v7, v3  }
0xf9: {  	v5 =	vbroadcast v5, $0x0;
	[tilespmem:$0x144D0] =	vst v9;
	v4 =	vadd.f32 v10, v4  }
0xfa: {  	s22 =	sand.u32 $0xE000, s21;
	s8 =	sand.u32 $0x380, s21;
	[tilespmem:$0x144F0] =	vst v3  }
0xfb: {  	s8 =	sor.u32 s8, s22;
	[tilespmem:$0x144E0] =	vst v4  }
0xfc: {  	v3 =	vld [tilespmem:s8+$0x970]  }
0xfd: {  	v6 =	vld [tilespmem:s8+$0x900]  }
0xfe: {  	v8 =	vld [tilespmem:s8+$0x910]  }
0xff: {  	s26 =	simm.s32 $0x1;
	v4 =	vld.idx.msk [tilespmem:v5+s15+$0x0], $0xffff  }
0x100: {  	v10 =	vld [tilespmem:s8+$0x920];
	v5 =	vmov s26  }
0x101: {  	v13 =	vld [tilespmem:s8+$0x930];
	v5 =	vadd.s32 $0x50, v5  }
0x102: {  	v9 =	vbroadcast v5, $0x0;
	_ =	sdelay $0x1  }
0x103: {  	s28 =	simm.s32 $0x2;
	s14 =	simm.s32 $0x400;
	s13 =	simm.s32 $0x80;
	v14 =	vimm.f32 $0.0e+00;
	v11 =	vld [tilespmem:s8+$0x940];
	v3 =	vmul.f32 v3, v4  }
0x104: {  	s22 =	sand.u32 $0x380, s13;
	s21 =	sand.u32 $0xE000, s14;
	v19 =	vmov s28;
	v12 =	vld [tilespmem:s8+$0x950];
	v5 =	vmul.f32 v6, v4;
	v8 =	vmul.f32 v8, v4  }
0x105: {  	s17 =	sor.u32 s22, s21;
	v7 =	vimm.f32 $0.0e+00;
	v15 =	vld [tilespmem:s8+$0x960];
	v17 =	vmul.f32 v10, v4;
	v18 =	vmul.f32 v13, v4  }
0x106: {  	v16 =	vld [tilespmem:s17+$0x970];
	v13 =	vimm.f32 $0.0e+00;
	v10 =	vimm.f32 $0.0e+00;
	v3 =	vadd.f32 v3, v7  }
0x107: {  	s22 =	simm.s32 $0x3;
	v5 =	vadd.f32 v5, v7;
	v8 =	vadd.f32 v8, v7;
	v6 =	vld.idx.msk [tilespmem:v9+s15+$0x0], $0xffff;
	v9 =	vimm.f32 $0.0e+00  }
.LBB2_7:
0x108: {  	p1 =	sne.s32 s22, $0x20;
	v19 =	vadd.s32 $0x50, v19;
	v20 =	vld [tilespmem:s17+$0x900];
	v7 =	vadd.f32 v17, v7;
	v11 =	vmul.f32 v11, v4  }
0x109: {  	v17 =	vbroadcast v19, $0x0;
	v19 =	vld [tilespmem:s17+$0x910];
	v14 =	vadd.f32 v18, v14;
	v12 =	vmul.f32 v12, v4  }
0x10a: {  	v18 =	vld [tilespmem:s17+$0x920];
	v13 =	vadd.f32 v11, v13;
	v15 =	vmul.f32 v15, v4  }
0x10b: {  	v21 =	vld [tilespmem:s17+$0x930];
	v9 =	vadd.f32 v12, v9  }
.Ltmp2:
0x10c: {  	v4 =	vmov v6;
	v11 =	vld [tilespmem:s17+$0x940];
	v16 =	vmul.f32 v16, v6;
	v10 =	vadd.f32 v15, v10;
	(pc) =	sbr.rel @p1 .LBB2_7-.Ltmp2, $4  }
0x10d: {  	s13 =	sadd.s32 $0x80, s13;
	s14 =	sadd.s32 $0x400, s14;
	v20 =	vmul.f32 v20, v4;
	v12 =	vld [tilespmem:s17+$0x950]  }
0x10e: {  	s8 =	sand.u32 $0xE000, s14;
	s21 =	sand.u32 $0x380, s13;
	v22 =	vmul.f32 v19, v4;
	v15 =	vld [tilespmem:s17+$0x960];
	v3 =	vadd.f32 v16, v3  }
0x10f: {  	s17 =	sor.u32 s21, s8;
	v6 =	vld.idx.msk [tilespmem:v17+s15+$0x0], $0xffff;
	v5 =	vadd.f32 v20, v5;
	v17 =	vmul.f32 v18, v4  }
0x110: {  	v19 =	vmov s22;
	s22 =	sadd.s32 $0x1, s22;
	v16 =	vld [tilespmem:s17+$0x970];
	v8 =	vadd.f32 v22, v8;
	v18 =	vmul.f32 v21, v4  }
0x111: {  	v20 =	vld [tilespmem:s17+$0x900]  }
0x112: {  	v19 =	vadd.s32 $0x50, v19;
	v21 =	vld [tilespmem:s17+$0x910]  }
0x113: {  	v22 =	vld [tilespmem:s17+$0x920];
	v19 =	vbroadcast v19, $0x0  }
0x114: {  	v23 =	vld [tilespmem:s17+$0x930]  }
0x115: {  	v24 =	vld [tilespmem:s17+$0x940];
	s8 =	sadd.s32 $0x80, s13;
	s14 =	sadd.s32 $0x400, s14  }
0x116: {  	v25 =	vld [tilespmem:s17+$0x950];
	s13 =	sand.u32 $0xE000, s14;
	s8 =	sand.u32 $0x380, s8  }
0x117: {  	v26 =	vld [tilespmem:s17+$0x960];
	v11 =	vmul.f32 v11, v4;
	s8 =	sor.u32 s8, s13  }
0x118: {  	v7 =	vadd.f32 v17, v7;
	v12 =	vmul.f32 v12, v4;
	v4 =	vmul.f32 v15, v4;
	v15 =	vld [tilespmem:s8+$0x900]  }
0x119: {  	v14 =	vadd.f32 v18, v14;
	v11 =	vadd.f32 v11, v13;
	v13 =	vmul.f32 v20, v6;
	v17 =	vld.idx.msk [tilespmem:v19+s15+$0x0], $0xffff  }
0x11a: {  	v4 =	vadd.f32 v4, v10;
	v18 =	vmul.f32 v21, v6;
	v10 =	vmul.f32 v22, v6;
	v19 =	vld [tilespmem:s8+$0x910]  }
0x11b: {  	v9 =	vadd.f32 v12, v9;
	v12 =	vld [tilespmem:s8+$0x920];
	v5 =	vadd.f32 v13, v5;
	v13 =	vmul.f32 v23, v6  }
0x11c: {  	v8 =	vadd.f32 v18, v8;
	v18 =	vld [tilespmem:s8+$0x930];
	v7 =	vadd.f32 v10, v7;
	v10 =	vmul.f32 v24, v6  }
0x11d: {  	v20 =	vld [tilespmem:s8+$0x940];
	v13 =	vadd.f32 v13, v14;
	v14 =	vmul.f32 v25, v6  }
0x11e: {  	v63 =	vld [tilespmem:s8+$0x950];
	v16 =	vmul.f32 v16, v6;
	v10 =	vadd.f32 v10, v11;
	v15 =	vmul.f32 v15, v17  }
0x11f: {  	v6 =	vmul.f32 v26, v6;
	v9 =	vadd.f32 v14, v9;
	v14 =	vld [tilespmem:s8+$0x970];
	v11 =	vmul.f32 v19, v17  }
0x120: {  	v19 =	vld [tilespmem:s8+$0x960];
	v12 =	vmul.f32 v12, v17;
	v5 =	vadd.f32 v15, v5  }
0x121: {  	v4 =	vadd.f32 v6, v4;
	v6 =	vadd.f32 v11, v8;
	v8 =	vmul.f32 v18, v17  }
0x122: {  	v7 =	vadd.f32 v12, v7;
	v11 =	vmul.f32 v20, v17;
	[tilespmem:$0x14500] =	vst v5  }
0x123: {  	v12 =	vmul.f32 v63, v17;
	v8 =	vadd.f32 v8, v13;
	[tilespmem:$0x14510] =	vst v6  }
0x124: {  	s21 =	simm.s32 $0x0;
	v3 =	vadd.f32 v16, v3;
	v6 =	vadd.f32 v11, v10;
	[tilespmem:$0x14520] =	vst v7;
	v7 =	vmul.f32 v14, v17  }
0x125: {  	v5 =	vmov s21;
	v9 =	vadd.f32 v12, v9;
	v10 =	vmul.f32 v19, v17;
	[tilespmem:$0x14530] =	vst v8  }
0x126: {  	v5 =	vadd.s32 $0x78, v5;
	[tilespmem:$0x14540] =	vst v6;
	v3 =	vadd.f32 v7, v3  }
0x127: {  	v5 =	vbroadcast v5, $0x0;
	[tilespmem:$0x14550] =	vst v9;
	v4 =	vadd.f32 v10, v4  }
0x128: {  	s22 =	sand.u32 $0xE000, s21;
	s8 =	sand.u32 $0x380, s21;
	[tilespmem:$0x14570] =	vst v3  }
0x129: {  	s8 =	sor.u32 s8, s22;
	[tilespmem:$0x14560] =	vst v4  }
0x12a: {  	v3 =	vld [tilespmem:s8+$0xD70]  }
0x12b: {  	v6 =	vld [tilespmem:s8+$0xD00]  }
0x12c: {  	v8 =	vld [tilespmem:s8+$0xD10]  }
0x12d: {  	s26 =	simm.s32 $0x1;
	v4 =	vld.idx.msk [tilespmem:v5+s15+$0x0], $0xffff  }
0x12e: {  	v10 =	vld [tilespmem:s8+$0xD20];
	v5 =	vmov s26  }
0x12f: {  	v13 =	vld [tilespmem:s8+$0xD30];
	v5 =	vadd.s32 $0x78, v5  }
0x130: {  	v9 =	vbroadcast v5, $0x0;
	_ =	sdelay $0x1  }
0x131: {  	s28 =	simm.s32 $0x2;
	s14 =	simm.s32 $0x400;
	s13 =	simm.s32 $0x80;
	v14 =	vimm.f32 $0.0e+00;
	v11 =	vld [tilespmem:s8+$0xD40];
	v3 =	vmul.f32 v3, v4  }
0x132: {  	s22 =	sand.u32 $0x380, s13;
	s21 =	sand.u32 $0xE000, s14;
	v19 =	vmov s28;
	v12 =	vld [tilespmem:s8+$0xD50];
	v5 =	vmul.f32 v6, v4;
	v8 =	vmul.f32 v8, v4  }
0x133: {  	s17 =	sor.u32 s22, s21;
	v7 =	vimm.f32 $0.0e+00;
	v15 =	vld [tilespmem:s8+$0xD60];
	v17 =	vmul.f32 v10, v4;
	v18 =	vmul.f32 v13, v4  }
0x134: {  	v16 =	vld [tilespmem:s17+$0xD70];
	v13 =	vimm.f32 $0.0e+00;
	v10 =	vimm.f32 $0.0e+00;
	v3 =	vadd.f32 v3, v7  }
0x135: {  	s22 =	simm.s32 $0x3;
	v5 =	vadd.f32 v5, v7;
	v8 =	vadd.f32 v8, v7;
	v6 =	vld.idx.msk [tilespmem:v9+s15+$0x0], $0xffff;
	v9 =	vimm.f32 $0.0e+00  }
.LBB2_9:
0x136: {  	p1 =	sne.s32 s22, $0x20;
	v19 =	vadd.s32 $0x78, v19;
	v20 =	vld [tilespmem:s17+$0xD00];
	v7 =	vadd.f32 v17, v7;
	v11 =	vmul.f32 v11, v4  }
0x137: {  	v17 =	vbroadcast v19, $0x0;
	v19 =	vld [tilespmem:s17+$0xD10];
	v14 =	vadd.f32 v18, v14;
	v12 =	vmul.f32 v12, v4  }
0x138: {  	v18 =	vld [tilespmem:s17+$0xD20];
	v13 =	vadd.f32 v11, v13;
	v15 =	vmul.f32 v15, v4  }
0x139: {  	v21 =	vld [tilespmem:s17+$0xD30];
	v9 =	vadd.f32 v12, v9  }
.Ltmp3:
0x13a: {  	v4 =	vmov v6;
	v11 =	vld [tilespmem:s17+$0xD40];
	v16 =	vmul.f32 v16, v6;
	v10 =	vadd.f32 v15, v10;
	(pc) =	sbr.rel @p1 .LBB2_9-.Ltmp3, $4  }
0x13b: {  	s13 =	sadd.s32 $0x80, s13;
	s14 =	sadd.s32 $0x400, s14;
	v20 =	vmul.f32 v20, v4;
	v12 =	vld [tilespmem:s17+$0xD50]  }
0x13c: {  	s8 =	sand.u32 $0xE000, s14;
	s21 =	sand.u32 $0x380, s13;
	v22 =	vmul.f32 v19, v4;
	v15 =	vld [tilespmem:s17+$0xD60];
	v3 =	vadd.f32 v16, v3  }
0x13d: {  	s17 =	sor.u32 s21, s8;
	v6 =	vld.idx.msk [tilespmem:v17+s15+$0x0], $0xffff;
	v5 =	vadd.f32 v20, v5;
	v17 =	vmul.f32 v18, v4  }
0x13e: {  	v19 =	vmov s22;
	s22 =	sadd.s32 $0x1, s22;
	v16 =	vld [tilespmem:s17+$0xD70];
	v8 =	vadd.f32 v22, v8;
	v18 =	vmul.f32 v21, v4  }
0x13f: {  	v20 =	vld [tilespmem:s17+$0xD00]  }
0x140: {  	v19 =	vadd.s32 $0x78, v19;
	v21 =	vld [tilespmem:s17+$0xD10]  }
0x141: {  	v22 =	vld [tilespmem:s17+$0xD20];
	v19 =	vbroadcast v19, $0x0  }
0x142: {  	v23 =	vld [tilespmem:s17+$0xD30]  }
0x143: {  	v24 =	vld [tilespmem:s17+$0xD40];
	s8 =	sadd.s32 $0x80, s13;
	s14 =	sadd.s32 $0x400, s14  }
0x144: {  	v25 =	vld [tilespmem:s17+$0xD50];
	s13 =	sand.u32 $0xE000, s14;
	s8 =	sand.u32 $0x380, s8  }
0x145: {  	v26 =	vld [tilespmem:s17+$0xD60];
	v11 =	vmul.f32 v11, v4;
	s8 =	sor.u32 s8, s13  }
0x146: {  	v7 =	vadd.f32 v17, v7;
	v12 =	vmul.f32 v12, v4;
	v4 =	vmul.f32 v15, v4;
	v15 =	vld [tilespmem:s8+$0xD00]  }
0x147: {  	v14 =	vadd.f32 v18, v14;
	v11 =	vadd.f32 v11, v13;
	v13 =	vmul.f32 v20, v6;
	v17 =	vld.idx.msk [tilespmem:v19+s15+$0x0], $0xffff  }
0x148: {  	v4 =	vadd.f32 v4, v10;
	v18 =	vmul.f32 v21, v6;
	v10 =	vmul.f32 v22, v6;
	v19 =	vld [tilespmem:s8+$0xD10]  }
0x149: {  	v9 =	vadd.f32 v12, v9;
	v12 =	vld [tilespmem:s8+$0xD20];
	v5 =	vadd.f32 v13, v5;
	v13 =	vmul.f32 v23, v6  }
0x14a: {  	v8 =	vadd.f32 v18, v8;
	v18 =	vld [tilespmem:s8+$0xD30];
	v7 =	vadd.f32 v10, v7;
	v10 =	vmul.f32 v24, v6  }
0x14b: {  	v20 =	vld [tilespmem:s8+$0xD40];
	v13 =	vadd.f32 v13, v14;
	v14 =	vmul.f32 v25, v6  }
0x14c: {  	v63 =	vld [tilespmem:s8+$0xD50];
	v16 =	vmul.f32 v16, v6;
	v10 =	vadd.f32 v10, v11;
	v15 =	vmul.f32 v15, v17  }
0x14d: {  	v6 =	vmul.f32 v26, v6;
	v9 =	vadd.f32 v14, v9;
	v14 =	vld [tilespmem:s8+$0xD70];
	v11 =	vmul.f32 v19, v17  }
0x14e: {  	v19 =	vld [tilespmem:s8+$0xD60];
	v12 =	vmul.f32 v12, v17;
	v5 =	vadd.f32 v15, v5  }
0x14f: {  	v4 =	vadd.f32 v6, v4;
	v6 =	vadd.f32 v11, v8;
	v8 =	vmul.f32 v18, v17  }
0x150: {  	v7 =	vadd.f32 v12, v7;
	v11 =	vmul.f32 v20, v17;
	[tilespmem:$0x14580] =	vst v5  }
0x151: {  	v12 =	vmul.f32 v63, v17;
	v8 =	vadd.f32 v8, v13;
	[tilespmem:$0x14590] =	vst v6  }
0x152: {  	s21 =	simm.s32 $0x0;
	v3 =	vadd.f32 v16, v3;
	v6 =	vadd.f32 v11, v10;
	[tilespmem:$0x145A0] =	vst v7;
	v7 =	vmul.f32 v14, v17  }
0x153: {  	v5 =	vmov s21;
	v9 =	vadd.f32 v12, v9;
	v10 =	vmul.f32 v19, v17;
	[tilespmem:$0x145B0] =	vst v8  }
0x154: {  	v5 =	vadd.s32 $0xA0, v5;
	[tilespmem:$0x145C0] =	vst v6;
	v3 =	vadd.f32 v7, v3  }
0x155: {  	v5 =	vbroadcast v5, $0x0;
	[tilespmem:$0x145D0] =	vst v9;
	v4 =	vadd.f32 v10, v4  }
0x156: {  	s22 =	sand.u32 $0xE000, s21;
	s8 =	sand.u32 $0x380, s21;
	[tilespmem:$0x145F0] =	vst v3  }
0x157: {  	s8 =	sor.u32 s8, s22;
	[tilespmem:$0x145E0] =	vst v4  }
0x158: {  	v3 =	vld [tilespmem:s8+$0x1170]  }
0x159: {  	v6 =	vld [tilespmem:s8+$0x1100]  }
0x15a: {  	v8 =	vld [tilespmem:s8+$0x1110]  }
0x15b: {  	s26 =	simm.s32 $0x1;
	v4 =	vld.idx.msk [tilespmem:v5+s15+$0x0], $0xffff  }
0x15c: {  	v10 =	vld [tilespmem:s8+$0x1120];
	v5 =	vmov s26  }
0x15d: {  	v13 =	vld [tilespmem:s8+$0x1130];
	v5 =	vadd.s32 $0xA0, v5  }
0x15e: {  	v9 =	vbroadcast v5, $0x0;
	_ =	sdelay $0x1  }
0x15f: {  	s28 =	simm.s32 $0x2;
	s14 =	simm.s32 $0x400;
	s13 =	simm.s32 $0x80;
	v14 =	vimm.f32 $0.0e+00;
	v11 =	vld [tilespmem:s8+$0x1140];
	v3 =	vmul.f32 v3, v4  }
0x160: {  	s22 =	sand.u32 $0x380, s13;
	s21 =	sand.u32 $0xE000, s14;
	v19 =	vmov s28;
	v12 =	vld [tilespmem:s8+$0x1150];
	v5 =	vmul.f32 v6, v4;
	v8 =	vmul.f32 v8, v4  }
0x161: {  	s17 =	sor.u32 s22, s21;
	v7 =	vimm.f32 $0.0e+00;
	v15 =	vld [tilespmem:s8+$0x1160];
	v17 =	vmul.f32 v10, v4;
	v18 =	vmul.f32 v13, v4  }
0x162: {  	v16 =	vld [tilespmem:s17+$0x1170];
	v13 =	vimm.f32 $0.0e+00;
	v10 =	vimm.f32 $0.0e+00;
	v3 =	vadd.f32 v3, v7  }
0x163: {  	s22 =	simm.s32 $0x3;
	v5 =	vadd.f32 v5, v7;
	v8 =	vadd.f32 v8, v7;
	v6 =	vld.idx.msk [tilespmem:v9+s15+$0x0], $0xffff;
	v9 =	vimm.f32 $0.0e+00  }
.LBB2_11:
0x164: {  	p1 =	sne.s32 s22, $0x20;
	v19 =	vadd.s32 $0xA0, v19;
	v20 =	vld [tilespmem:s17+$0x1100];
	v7 =	vadd.f32 v17, v7;
	v11 =	vmul.f32 v11, v4  }
0x165: {  	v17 =	vbroadcast v19, $0x0;
	v19 =	vld [tilespmem:s17+$0x1110];
	v14 =	vadd.f32 v18, v14;
	v12 =	vmul.f32 v12, v4  }
0x166: {  	v18 =	vld [tilespmem:s17+$0x1120];
	v13 =	vadd.f32 v11, v13;
	v15 =	vmul.f32 v15, v4  }
0x167: {  	v21 =	vld [tilespmem:s17+$0x1130];
	v9 =	vadd.f32 v12, v9  }
.Ltmp4:
0x168: {  	v4 =	vmov v6;
	v11 =	vld [tilespmem:s17+$0x1140];
	v16 =	vmul.f32 v16, v6;
	v10 =	vadd.f32 v15, v10;
	(pc) =	sbr.rel @p1 .LBB2_11-.Ltmp4, $4  }
0x169: {  	s13 =	sadd.s32 $0x80, s13;
	s14 =	sadd.s32 $0x400, s14;
	v20 =	vmul.f32 v20, v4;
	v12 =	vld [tilespmem:s17+$0x1150]  }
0x16a: {  	s8 =	sand.u32 $0xE000, s14;
	s21 =	sand.u32 $0x380, s13;
	v22 =	vmul.f32 v19, v4;
	v15 =	vld [tilespmem:s17+$0x1160];
	v3 =	vadd.f32 v16, v3  }
0x16b: {  	s17 =	sor.u32 s21, s8;
	v6 =	vld.idx.msk [tilespmem:v17+s15+$0x0], $0xffff;
	v5 =	vadd.f32 v20, v5;
	v17 =	vmul.f32 v18, v4  }
0x16c: {  	v19 =	vmov s22;
	s22 =	sadd.s32 $0x1, s22;
	v16 =	vld [tilespmem:s17+$0x1170];
	v8 =	vadd.f32 v22, v8;
	v18 =	vmul.f32 v21, v4  }
0x16d: {  	v20 =	vld [tilespmem:s17+$0x1100]  }
0x16e: {  	v19 =	vadd.s32 $0xA0, v19;
	v21 =	vld [tilespmem:s17+$0x1110]  }
0x16f: {  	v22 =	vld [tilespmem:s17+$0x1120];
	v19 =	vbroadcast v19, $0x0  }
0x170: {  	v23 =	vld [tilespmem:s17+$0x1130]  }
0x171: {  	v24 =	vld [tilespmem:s17+$0x1140];
	s8 =	sadd.s32 $0x80, s13;
	s14 =	sadd.s32 $0x400, s14  }
0x172: {  	v25 =	vld [tilespmem:s17+$0x1150];
	s13 =	sand.u32 $0xE000, s14;
	s8 =	sand.u32 $0x380, s8  }
0x173: {  	v26 =	vld [tilespmem:s17+$0x1160];
	v11 =	vmul.f32 v11, v4;
	s8 =	sor.u32 s8, s13  }
0x174: {  	v7 =	vadd.f32 v17, v7;
	v12 =	vmul.f32 v12, v4;
	v4 =	vmul.f32 v15, v4;
	v15 =	vld [tilespmem:s8+$0x1100]  }
0x175: {  	v14 =	vadd.f32 v18, v14;
	v11 =	vadd.f32 v11, v13;
	v13 =	vmul.f32 v20, v6;
	v17 =	vld.idx.msk [tilespmem:v19+s15+$0x0], $0xffff  }
0x176: {  	v4 =	vadd.f32 v4, v10;
	v18 =	vmul.f32 v21, v6;
	v10 =	vmul.f32 v22, v6;
	v19 =	vld [tilespmem:s8+$0x1110]  }
0x177: {  	v9 =	vadd.f32 v12, v9;
	v12 =	vld [tilespmem:s8+$0x1120];
	v5 =	vadd.f32 v13, v5;
	v13 =	vmul.f32 v23, v6  }
0x178: {  	v8 =	vadd.f32 v18, v8;
	v18 =	vld [tilespmem:s8+$0x1130];
	v7 =	vadd.f32 v10, v7;
	v10 =	vmul.f32 v24, v6  }
0x179: {  	v20 =	vld [tilespmem:s8+$0x1140];
	v13 =	vadd.f32 v13, v14;
	v14 =	vmul.f32 v25, v6  }
0x17a: {  	v63 =	vld [tilespmem:s8+$0x1150];
	v16 =	vmul.f32 v16, v6;
	v10 =	vadd.f32 v10, v11;
	v15 =	vmul.f32 v15, v17  }
0x17b: {  	v6 =	vmul.f32 v26, v6;
	v9 =	vadd.f32 v14, v9;
	v14 =	vld [tilespmem:s8+$0x1170];
	v11 =	vmul.f32 v19, v17  }
0x17c: {  	v19 =	vld [tilespmem:s8+$0x1160];
	v12 =	vmul.f32 v12, v17;
	v5 =	vadd.f32 v15, v5  }
0x17d: {  	v4 =	vadd.f32 v6, v4;
	v6 =	vadd.f32 v11, v8;
	v8 =	vmul.f32 v18, v17  }
0x17e: {  	v7 =	vadd.f32 v12, v7;
	v11 =	vmul.f32 v20, v17;
	[tilespmem:$0x14600] =	vst v5  }
0x17f: {  	v12 =	vmul.f32 v63, v17;
	v8 =	vadd.f32 v8, v13;
	[tilespmem:$0x14610] =	vst v6  }
0x180: {  	s21 =	simm.s32 $0x0;
	v3 =	vadd.f32 v16, v3;
	v6 =	vadd.f32 v11, v10;
	[tilespmem:$0x14620] =	vst v7;
	v7 =	vmul.f32 v14, v17  }
0x181: {  	v5 =	vmov s21;
	v9 =	vadd.f32 v12, v9;
	v10 =	vmul.f32 v19, v17;
	[tilespmem:$0x14630] =	vst v8  }
0x182: {  	v5 =	vadd.s32 $0xC8, v5;
	[tilespmem:$0x14640] =	vst v6;
	v3 =	vadd.f32 v7, v3  }
0x183: {  	v5 =	vbroadcast v5, $0x0;
	[tilespmem:$0x14650] =	vst v9;
	v4 =	vadd.f32 v10, v4  }
0x184: {  	s22 =	sand.u32 $0xE000, s21;
	s8 =	sand.u32 $0x380, s21;
	[tilespmem:$0x14670] =	vst v3  }
0x185: {  	s8 =	sor.u32 s8, s22;
	[tilespmem:$0x14660] =	vst v4  }
0x186: {  	v3 =	vld [tilespmem:s8+$0x1570]  }
0x187: {  	v6 =	vld [tilespmem:s8+$0x1500]  }
0x188: {  	v8 =	vld [tilespmem:s8+$0x1510]  }
0x189: {  	s26 =	simm.s32 $0x1;
	v4 =	vld.idx.msk [tilespmem:v5+s15+$0x0], $0xffff  }
0x18a: {  	v10 =	vld [tilespmem:s8+$0x1520];
	v5 =	vmov s26  }
0x18b: {  	v13 =	vld [tilespmem:s8+$0x1530];
	v5 =	vadd.s32 $0xC8, v5  }
0x18c: {  	v9 =	vbroadcast v5, $0x0;
	_ =	sdelay $0x1  }
0x18d: {  	s28 =	simm.s32 $0x2;
	s14 =	simm.s32 $0x400;
	s13 =	simm.s32 $0x80;
	v14 =	vimm.f32 $0.0e+00;
	v11 =	vld [tilespmem:s8+$0x1540];
	v3 =	vmul.f32 v3, v4  }
0x18e: {  	s22 =	sand.u32 $0x380, s13;
	s21 =	sand.u32 $0xE000, s14;
	v19 =	vmov s28;
	v12 =	vld [tilespmem:s8+$0x1550];
	v5 =	vmul.f32 v6, v4;
	v8 =	vmul.f32 v8, v4  }
0x18f: {  	s17 =	sor.u32 s22, s21;
	v7 =	vimm.f32 $0.0e+00;
	v15 =	vld [tilespmem:s8+$0x1560];
	v17 =	vmul.f32 v10, v4;
	v18 =	vmul.f32 v13, v4  }
0x190: {  	v16 =	vld [tilespmem:s17+$0x1570];
	v13 =	vimm.f32 $0.0e+00;
	v10 =	vimm.f32 $0.0e+00;
	v3 =	vadd.f32 v3, v7  }
0x191: {  	s22 =	simm.s32 $0x3;
	v5 =	vadd.f32 v5, v7;
	v8 =	vadd.f32 v8, v7;
	v6 =	vld.idx.msk [tilespmem:v9+s15+$0x0], $0xffff;
	v9 =	vimm.f32 $0.0e+00  }
.LBB2_13:
0x192: {  	p1 =	sne.s32 s22, $0x20;
	v19 =	vadd.s32 $0xC8, v19;
	v20 =	vld [tilespmem:s17+$0x1500];
	v7 =	vadd.f32 v17, v7;
	v11 =	vmul.f32 v11, v4  }
0x193: {  	v17 =	vbroadcast v19, $0x0;
	v19 =	vld [tilespmem:s17+$0x1510];
	v14 =	vadd.f32 v18, v14;
	v12 =	vmul.f32 v12, v4  }
0x194: {  	v18 =	vld [tilespmem:s17+$0x1520];
	v13 =	vadd.f32 v11, v13;
	v15 =	vmul.f32 v15, v4  }
0x195: {  	v21 =	vld [tilespmem:s17+$0x1530];
	v9 =	vadd.f32 v12, v9  }
.Ltmp5:
0x196: {  	v4 =	vmov v6;
	v11 =	vld [tilespmem:s17+$0x1540];
	v16 =	vmul.f32 v16, v6;
	v10 =	vadd.f32 v15, v10;
	(pc) =	sbr.rel @p1 .LBB2_13-.Ltmp5, $4  }
0x197: {  	s13 =	sadd.s32 $0x80, s13;
	s14 =	sadd.s32 $0x400, s14;
	v20 =	vmul.f32 v20, v4;
	v12 =	vld [tilespmem:s17+$0x1550]  }
0x198: {  	s8 =	sand.u32 $0xE000, s14;
	s21 =	sand.u32 $0x380, s13;
	v22 =	vmul.f32 v19, v4;
	v15 =	vld [tilespmem:s17+$0x1560];
	v3 =	vadd.f32 v16, v3  }
0x199: {  	s17 =	sor.u32 s21, s8;
	v6 =	vld.idx.msk [tilespmem:v17+s15+$0x0], $0xffff;
	v5 =	vadd.f32 v20, v5;
	v17 =	vmul.f32 v18, v4  }
0x19a: {  	v19 =	vmov s22;
	s22 =	sadd.s32 $0x1, s22;
	v16 =	vld [tilespmem:s17+$0x1570];
	v8 =	vadd.f32 v22, v8;
	v18 =	vmul.f32 v21, v4  }
0x19b: {  	v20 =	vld [tilespmem:s17+$0x1500]  }
0x19c: {  	v19 =	vadd.s32 $0xC8, v19;
	v21 =	vld [tilespmem:s17+$0x1510]  }
0x19d: {  	v22 =	vld [tilespmem:s17+$0x1520];
	v19 =	vbroadcast v19, $0x0  }
0x19e: {  	v23 =	vld [tilespmem:s17+$0x1530]  }
0x19f: {  	v24 =	vld [tilespmem:s17+$0x1540];
	s8 =	sadd.s32 $0x80, s13;
	s14 =	sadd.s32 $0x400, s14  }
0x1a0: {  	v25 =	vld [tilespmem:s17+$0x1550];
	s13 =	sand.u32 $0xE000, s14;
	s8 =	sand.u32 $0x380, s8  }
0x1a1: {  	v26 =	vld [tilespmem:s17+$0x1560];
	v11 =	vmul.f32 v11, v4;
	s8 =	sor.u32 s8, s13  }
0x1a2: {  	v7 =	vadd.f32 v17, v7;
	v12 =	vmul.f32 v12, v4;
	v4 =	vmul.f32 v15, v4;
	v15 =	vld [tilespmem:s8+$0x1500]  }
0x1a3: {  	v14 =	vadd.f32 v18, v14;
	v11 =	vadd.f32 v11, v13;
	v13 =	vmul.f32 v20, v6;
	v17 =	vld.idx.msk [tilespmem:v19+s15+$0x0], $0xffff  }
0x1a4: {  	v4 =	vadd.f32 v4, v10;
	v18 =	vmul.f32 v21, v6;
	v10 =	vmul.f32 v22, v6;
	v19 =	vld [tilespmem:s8+$0x1510]  }
0x1a5: {  	v9 =	vadd.f32 v12, v9;
	v12 =	vld [tilespmem:s8+$0x1520];
	v5 =	vadd.f32 v13, v5;
	v13 =	vmul.f32 v23, v6  }
0x1a6: {  	v8 =	vadd.f32 v18, v8;
	v18 =	vld [tilespmem:s8+$0x1530];
	v7 =	vadd.f32 v10, v7;
	v10 =	vmul.f32 v24, v6  }
0x1a7: {  	v20 =	vld [tilespmem:s8+$0x1540];
	v13 =	vadd.f32 v13, v14;
	v14 =	vmul.f32 v25, v6  }
0x1a8: {  	v63 =	vld [tilespmem:s8+$0x1550];
	v16 =	vmul.f32 v16, v6;
	v10 =	vadd.f32 v10, v11;
	v15 =	vmul.f32 v15, v17  }
0x1a9: {  	v6 =	vmul.f32 v26, v6;
	v9 =	vadd.f32 v14, v9;
	v14 =	vld [tilespmem:s8+$0x1570];
	v11 =	vmul.f32 v19, v17  }
0x1aa: {  	v19 =	vld [tilespmem:s8+$0x1560];
	v12 =	vmul.f32 v12, v17;
	v5 =	vadd.f32 v15, v5  }
0x1ab: {  	v4 =	vadd.f32 v6, v4;
	v6 =	vadd.f32 v11, v8;
	v8 =	vmul.f32 v18, v17  }
0x1ac: {  	v7 =	vadd.f32 v12, v7;
	v11 =	vmul.f32 v20, v17;
	[tilespmem:$0x14680] =	vst v5  }
0x1ad: {  	v12 =	vmul.f32 v63, v17;
	v8 =	vadd.f32 v8, v13;
	[tilespmem:$0x14690] =	vst v6  }
0x1ae: {  	s21 =	simm.s32 $0x0;
	v3 =	vadd.f32 v16, v3;
	v6 =	vadd.f32 v11, v10;
	[tilespmem:$0x146A0] =	vst v7;
	v7 =	vmul.f32 v14, v17  }
0x1af: {  	v5 =	vmov s21;
	v9 =	vadd.f32 v12, v9;
	v10 =	vmul.f32 v19, v17;
	[tilespmem:$0x146B0] =	vst v8  }
0x1b0: {  	v5 =	vadd.s32 $0xF0, v5;
	[tilespmem:$0x146C0] =	vst v6;
	v3 =	vadd.f32 v7, v3  }
0x1b1: {  	v5 =	vbroadcast v5, $0x0;
	[tilespmem:$0x146D0] =	vst v9;
	v4 =	vadd.f32 v10, v4  }
0x1b2: {  	s22 =	sand.u32 $0xE000, s21;
	s8 =	sand.u32 $0x380, s21;
	[tilespmem:$0x146F0] =	vst v3  }
0x1b3: {  	s8 =	sor.u32 s8, s22;
	[tilespmem:$0x146E0] =	vst v4  }
0x1b4: {  	v3 =	vld [tilespmem:s8+$0x1970]  }
0x1b5: {  	v6 =	vld [tilespmem:s8+$0x1900]  }
0x1b6: {  	v8 =	vld [tilespmem:s8+$0x1910]  }
0x1b7: {  	s26 =	simm.s32 $0x1;
	v4 =	vld.idx.msk [tilespmem:v5+s15+$0x0], $0xffff  }
0x1b8: {  	v10 =	vld [tilespmem:s8+$0x1920];
	v5 =	vmov s26  }
0x1b9: {  	v13 =	vld [tilespmem:s8+$0x1930];
	v5 =	vadd.s32 $0xF0, v5  }
0x1ba: {  	v9 =	vbroadcast v5, $0x0;
	_ =	sdelay $0x1  }
0x1bb: {  	s28 =	simm.s32 $0x2;
	s14 =	simm.s32 $0x400;
	s13 =	simm.s32 $0x80;
	v14 =	vimm.f32 $0.0e+00;
	v11 =	vld [tilespmem:s8+$0x1940];
	v3 =	vmul.f32 v3, v4  }
0x1bc: {  	s22 =	sand.u32 $0x380, s13;
	s21 =	sand.u32 $0xE000, s14;
	v19 =	vmov s28;
	v12 =	vld [tilespmem:s8+$0x1950];
	v5 =	vmul.f32 v6, v4;
	v8 =	vmul.f32 v8, v4  }
0x1bd: {  	s17 =	sor.u32 s22, s21;
	v7 =	vimm.f32 $0.0e+00;
	v15 =	vld [tilespmem:s8+$0x1960];
	v17 =	vmul.f32 v10, v4;
	v18 =	vmul.f32 v13, v4  }
0x1be: {  	v16 =	vld [tilespmem:s17+$0x1970];
	v13 =	vimm.f32 $0.0e+00;
	v10 =	vimm.f32 $0.0e+00;
	v3 =	vadd.f32 v3, v7  }
0x1bf: {  	s22 =	simm.s32 $0x3;
	v5 =	vadd.f32 v5, v7;
	v8 =	vadd.f32 v8, v7;
	v6 =	vld.idx.msk [tilespmem:v9+s15+$0x0], $0xffff;
	v9 =	vimm.f32 $0.0e+00  }
.LBB2_15:
0x1c0: {  	p1 =	sne.s32 s22, $0x20;
	v19 =	vadd.s32 $0xF0, v19;
	v20 =	vld [tilespmem:s17+$0x1900];
	v7 =	vadd.f32 v17, v7;
	v11 =	vmul.f32 v11, v4  }
0x1c1: {  	v17 =	vbroadcast v19, $0x0;
	v19 =	vld [tilespmem:s17+$0x1910];
	v14 =	vadd.f32 v18, v14;
	v12 =	vmul.f32 v12, v4  }
0x1c2: {  	v18 =	vld [tilespmem:s17+$0x1920];
	v13 =	vadd.f32 v11, v13;
	v15 =	vmul.f32 v15, v4  }
0x1c3: {  	v21 =	vld [tilespmem:s17+$0x1930];
	v9 =	vadd.f32 v12, v9  }
.Ltmp6:
0x1c4: {  	v4 =	vmov v6;
	v11 =	vld [tilespmem:s17+$0x1940];
	v16 =	vmul.f32 v16, v6;
	v10 =	vadd.f32 v15, v10;
	(pc) =	sbr.rel @p1 .LBB2_15-.Ltmp6, $4  }
0x1c5: {  	s13 =	sadd.s32 $0x80, s13;
	s14 =	sadd.s32 $0x400, s14;
	v20 =	vmul.f32 v20, v4;
	v12 =	vld [tilespmem:s17+$0x1950]  }
0x1c6: {  	s8 =	sand.u32 $0xE000, s14;
	s21 =	sand.u32 $0x380, s13;
	v22 =	vmul.f32 v19, v4;
	v15 =	vld [tilespmem:s17+$0x1960];
	v3 =	vadd.f32 v16, v3  }
0x1c7: {  	s17 =	sor.u32 s21, s8;
	v6 =	vld.idx.msk [tilespmem:v17+s15+$0x0], $0xffff;
	v5 =	vadd.f32 v20, v5;
	v17 =	vmul.f32 v18, v4  }
0x1c8: {  	v19 =	vmov s22;
	s22 =	sadd.s32 $0x1, s22;
	v16 =	vld [tilespmem:s17+$0x1970];
	v8 =	vadd.f32 v22, v8;
	v18 =	vmul.f32 v21, v4  }
0x1c9: {  	v20 =	vld [tilespmem:s17+$0x1900]  }
0x1ca: {  	v19 =	vadd.s32 $0xF0, v19;
	v21 =	vld [tilespmem:s17+$0x1910]  }
0x1cb: {  	v22 =	vld [tilespmem:s17+$0x1920];
	v19 =	vbroadcast v19, $0x0  }
0x1cc: {  	v23 =	vld [tilespmem:s17+$0x1930]  }
0x1cd: {  	v24 =	vld [tilespmem:s17+$0x1940];
	s8 =	sadd.s32 $0x80, s13;
	s14 =	sadd.s32 $0x400, s14  }
0x1ce: {  	v25 =	vld [tilespmem:s17+$0x1950];
	s13 =	sand.u32 $0xE000, s14;
	s8 =	sand.u32 $0x380, s8  }
0x1cf: {  	v26 =	vld [tilespmem:s17+$0x1960];
	v11 =	vmul.f32 v11, v4;
	s8 =	sor.u32 s8, s13  }
0x1d0: {  	v7 =	vadd.f32 v17, v7;
	v12 =	vmul.f32 v12, v4;
	v4 =	vmul.f32 v15, v4;
	v15 =	vld [tilespmem:s8+$0x1900]  }
0x1d1: {  	v14 =	vadd.f32 v18, v14;
	v11 =	vadd.f32 v11, v13;
	v13 =	vmul.f32 v20, v6;
	v17 =	vld.idx.msk [tilespmem:v19+s15+$0x0], $0xffff  }
0x1d2: {  	v4 =	vadd.f32 v4, v10;
	v18 =	vmul.f32 v21, v6;
	v10 =	vmul.f32 v22, v6;
	v19 =	vld [tilespmem:s8+$0x1910]  }
0x1d3: {  	v9 =	vadd.f32 v12, v9;
	v12 =	vld [tilespmem:s8+$0x1920];
	v5 =	vadd.f32 v13, v5;
	v13 =	vmul.f32 v23, v6  }
0x1d4: {  	v8 =	vadd.f32 v18, v8;
	v18 =	vld [tilespmem:s8+$0x1930];
	v7 =	vadd.f32 v10, v7;
	v10 =	vmul.f32 v24, v6  }
0x1d5: {  	v20 =	vld [tilespmem:s8+$0x1940];
	v13 =	vadd.f32 v13, v14;
	v14 =	vmul.f32 v25, v6  }
0x1d6: {  	v63 =	vld [tilespmem:s8+$0x1950];
	v16 =	vmul.f32 v16, v6;
	v10 =	vadd.f32 v10, v11;
	v15 =	vmul.f32 v15, v17  }
0x1d7: {  	v6 =	vmul.f32 v26, v6;
	v9 =	vadd.f32 v14, v9;
	v14 =	vld [tilespmem:s8+$0x1970];
	v11 =	vmul.f32 v19, v17  }
0x1d8: {  	v19 =	vld [tilespmem:s8+$0x1960];
	v12 =	vmul.f32 v12, v17;
	v5 =	vadd.f32 v15, v5  }
0x1d9: {  	v4 =	vadd.f32 v6, v4;
	v6 =	vadd.f32 v11, v8;
	v8 =	vmul.f32 v18, v17  }
0x1da: {  	v7 =	vadd.f32 v12, v7;
	v11 =	vmul.f32 v20, v17;
	[tilespmem:$0x14700] =	vst v5  }
0x1db: {  	v12 =	vmul.f32 v63, v17;
	v8 =	vadd.f32 v8, v13;
	[tilespmem:$0x14710] =	vst v6  }
0x1dc: {  	s17 =	simm.s32 $0x0;
	v3 =	vadd.f32 v16, v3;
	v6 =	vadd.f32 v11, v10;
	[tilespmem:$0x14720] =	vst v7;
	v7 =	vmul.f32 v14, v17  }
0x1dd: {  	v5 =	vmov s17;
	v9 =	vadd.f32 v12, v9;
	v10 =	vmul.f32 v19, v17;
	[tilespmem:$0x14730] =	vst v8  }
0x1de: {  	s8 =	sand.u32 $0x7, s17;
	v5 =	vadd.s32 $0x118, v5;
	[tilespmem:$0x14740] =	vst v6;
	v3 =	vadd.f32 v7, v3  }
0x1df: {  	s8 =	sshll.u32 s8, $0x7;
	v5 =	vbroadcast v5, $0x0;
	[tilespmem:$0x14750] =	vst v9;
	v4 =	vadd.f32 v10, v4  }
0x1e0: {  	s8 =	sadd.s32 $0x0, s8;
	[tilespmem:$0x14770] =	vst v3  }
0x1e1: {  	s21 =	sor.u32 $0x1C70, s8;
	[tilespmem:$0x14760] =	vst v4  }
0x1e2: {  	s22 =	sor.u32 $0x1C00, s8;
	v3 =	vld [tilespmem:s21+$0x100]  }
0x1e3: {  	s26 =	sor.u32 $0x1C10, s8;
	v6 =	vld [tilespmem:s22+$0x100]  }
0x1e4: {  	s13 =	simm.s32 $0x1;
	v8 =	vld [tilespmem:s26+$0x100]  }
0x1e5: {  	s4 =	sor.u32 $0x1C20, s8;
	v4 =	vld.idx.msk [tilespmem:v5+s15+$0x0], $0xffff;
	v5 =	vmov s13  }
0x1e6: {  	s21 =	sor.u32 $0x1C30, s8;
	v9 =	vld [tilespmem:s4+$0x100];
	v5 =	vadd.s32 $0x118, v5  }
0x1e7: {  	v10 =	vld [tilespmem:s21+$0x100];
	v5 =	vbroadcast v5, $0x0  }
0x1e8: {  	s22 =	sor.u32 $0x1C40, s8;
	s21 =	sand.u32 $0x7, s13  }
0x1e9: {  	v12 =	vimm.f32 $0.0e+00;
	v13 =	vimm.f32 $0.0e+00;
	s26 =	sor.u32 $0x1C50, s8;
	v14 =	vld [tilespmem:s22+$0x100];
	s21 =	sshll.u32 s21, $0x7  }
0x1ea: {  	v7 =	vimm.f32 $0.0e+00;
	s8 =	sor.u32 $0x1C60, s8;
	s22 =	simm.s32 $0x2;
	v15 =	vld [tilespmem:s26+$0x100];
	s17 =	sadd.s32 $0x400, s21;
	v3 =	vmul.f32 v3, v4;
	v6 =	vmul.f32 v6, v4  }
0x1eb: {  	v16 =	vld [tilespmem:s8+$0x100];
	v19 =	vmov s22;
	s4 =	sor.u32 $0x1C70, s17;
	v8 =	vmul.f32 v8, v4;
	v17 =	vmul.f32 v9, v4  }
0x1ec: {  	s14 =	simm.s32 $0x400;
	s22 =	simm.s32 $0x3;
	s8 =	sor.u32 $0x1C00, s17;
	v11 =	vld [tilespmem:s4+$0x100];
	v18 =	vmul.f32 v10, v4;
	v10 =	vimm.f32 $0.0e+00;
	v3 =	vadd.f32 v3, v7  }
0x1ed: {  	s28 =	sor.u32 $0x1C10, s17;
	s26 =	sor.u32 $0x1C20, s17;
	s21 =	sor.u32 $0x1C30, s17;
	v9 =	vimm.f32 $0.0e+00;
	v6 =	vadd.f32 v6, v7;
	v8 =	vadd.f32 v8, v7;
	v5 =	vld.idx.msk [tilespmem:v5+s15+$0x0], $0xffff  }
.LBB2_17:
0x1ee: {  	p1 =	sne.s32 s22, $0x20;
	v19 =	vadd.s32 $0x118, v19;
	v20 =	vld [tilespmem:s8+$0x100];
	s4 =	sor.u32 $0x1C40, s17;
	s8 =	sor.u32 $0x1C50, s17;
	v7 =	vadd.f32 v17, v7;
	v14 =	vmul.f32 v14, v4  }
0x1ef: {  	v17 =	vbroadcast v19, $0x0;
	v19 =	vld [tilespmem:s28+$0x100];
	s28 =	sor.u32 $0x1C60, s17;
	v10 =	vadd.f32 v18, v10;
	v15 =	vmul.f32 v15, v4  }
0x1f0: {  	v18 =	vld [tilespmem:s26+$0x100];
	v12 =	vadd.f32 v14, v12;
	v16 =	vmul.f32 v16, v4  }
0x1f1: {  	s13 =	sadd.s32 $0x1, s13;
	v21 =	vld [tilespmem:s21+$0x100];
	v13 =	vadd.f32 v15, v13  }
.Ltmp7:
0x1f2: {  	s17 =	sand.u32 $0x7, s13;
	v4 =	vmov v5;
	v14 =	vld [tilespmem:s4+$0x100];
	v11 =	vmul.f32 v11, v5;
	v9 =	vadd.f32 v16, v9;
	(pc) =	sbr.rel @p1 .LBB2_17-.Ltmp7, $4  }
0x1f3: {  	s14 =	sadd.s32 $0x400, s14;
	s4 =	sshll.u32 s17, $0x7;
	v20 =	vmul.f32 v20, v4;
	v15 =	vld [tilespmem:s8+$0x100]  }
0x1f4: {  	s17 =	sadd.s32 s4, s14;
	v22 =	vmul.f32 v19, v4;
	v16 =	vld [tilespmem:s28+$0x100];
	v3 =	vadd.f32 v11, v3  }
0x1f5: {  	s8 =	sor.u32 $0x1C00, s17;
	s28 =	sor.u32 $0x1C10, s17;
	s4 =	sor.u32 $0x1C70, s17;
	v5 =	vld.idx.msk [tilespmem:v17+s15+$0x0], $0xffff;
	v6 =	vadd.f32 v20, v6;
	v17 =	vmul.f32 v18, v4  }
0x1f6: {  	v19 =	vmov s22;
	s22 =	sadd.s32 $0x1, s22;
	s26 =	sor.u32 $0x1C20, s17;
	s21 =	sor.u32 $0x1C30, s17;
	v11 =	vld [tilespmem:s4+$0x100];
	v8 =	vadd.f32 v22, v8;
	v18 =	vmul.f32 v21, v4  }
0x1f7: {  	v20 =	vld [tilespmem:s8+$0x100]  }
0x1f8: {  	v19 =	vadd.s32 $0x118, v19;
	v21 =	vld [tilespmem:s28+$0x100]  }
0x1f9: {  	v23 =	vld [tilespmem:s21+$0x100];
	s21 =	sadd.s32 $0x1, s13;
	v19 =	vbroadcast v19, $0x0  }
0x1fa: {  	v22 =	vld [tilespmem:s26+$0x100];
	s4 =	sor.u32 $0x1C40, s17;
	s8 =	sand.u32 $0x7, s21  }
0x1fb: {  	s22 =	sor.u32 $0x1C50, s17;
	s14 =	sadd.s32 $0x400, s14;
	v24 =	vld [tilespmem:s4+$0x100];
	s8 =	sshll.u32 s8, $0x7  }
0x1fc: {  	s26 =	sor.u32 $0x1C60, s17;
	v25 =	vld [tilespmem:s22+$0x100];
	s8 =	sadd.s32 s8, s14  }
0x1fd: {  	v26 =	vld [tilespmem:s26+$0x100];
	s17 =	sor.u32 $0x1C00, s8  }
0x1fe: {  	v27 =	vld [tilespmem:s17+$0x100]  }
0x1ff: {  	v14 =	vmul.f32 v14, v4;
	v7 =	vadd.f32 v17, v7;
	s13 =	sor.u32 $0x1C10, s8;
	v19 =	vld.idx.msk [tilespmem:v19+s15+$0x0], $0xffff  }
0x200: {  	v15 =	vmul.f32 v15, v4;
	v10 =	vadd.f32 v18, v10;
	v41 =	vmul.f32 v16, v4;
	s21 =	sor.u32 $0x1C20, s8;
	v42 =	vld [tilespmem:s13+$0x100]  }
0x201: {  	v12 =	vadd.f32 v14, v12;
	s22 =	sor.u32 $0x1C30, s8;
	v11 =	vmul.f32 v11, v5;
	v43 =	vmul.f32 v20, v5;
	v44 =	vld [tilespmem:s21+$0x100]  }
0x202: {  	v13 =	vadd.f32 v15, v13;
	s26 =	sor.u32 $0x1C40, s8;
	v45 =	vmul.f32 v21, v5;
	v46 =	vmul.f32 v22, v5;
	v47 =	vld [tilespmem:s22+$0x100]  }
0x203: {  	v4 =	vadd.f32 v41, v9;
	v48 =	vmul.f32 v23, v5;
	v50 =	vld [tilespmem:s26+$0x100];
	s17 =	sor.u32 $0x1C60, s8;
	v49 =	vmul.f32 v24, v5  }
0x204: {  	s14 =	sor.u32 $0x1C50, s8;
	s8 =	sor.u32 $0x1C70, s8;
	v54 =	vld [tilespmem:s17+$0x100];
	v56 =	vmul.f32 v25, v5;
	v6 =	vadd.f32 v43, v6;
	v51 =	vmul.f32 v27, v19  }
0x205: {  	v55 =	vld [tilespmem:s8+$0x100];
	v57 =	vmul.f32 v26, v5;
	v8 =	vadd.f32 v45, v8;
	v53 =	vmul.f32 v42, v19  }
0x206: {  	v52 =	vld [tilespmem:s14+$0x100];
	v7 =	vadd.f32 v46, v7;
	v15 =	vmul.f32 v44, v19;
	v6 =	vadd.f32 v51, v6  }
0x207: {  	v10 =	vadd.f32 v48, v10;
	v18 =	vmul.f32 v47, v19;
	v8 =	vadd.f32 v53, v8  }
0x208: {  	v12 =	vadd.f32 v49, v12;
	v58 =	vmul.f32 v50, v19;
	v7 =	vadd.f32 v15, v7;
	[tilespmem:$0x14780] =	vst v6  }
0x209: {  	v4 =	vadd.f32 v57, v4;
	v62 =	vmul.f32 v54, v19;
	v10 =	vadd.f32 v18, v10;
	[tilespmem:$0x14790] =	vst v8  }
0x20a: {  	v3 =	vadd.f32 v11, v3;
	v63 =	vmul.f32 v55, v19;
	v61 =	vadd.f32 v58, v12;
	[tilespmem:$0x147A0] =	vst v7  }
0x20b: {  	v59 =	vadd.f32 v56, v13;
	v60 =	vmul.f32 v52, v19;
	v4 =	vadd.f32 v62, v4;
	[tilespmem:$0x147B0] =	vst v10  }
0x20c: {  	s21 =	sshll.u32 s29, $0x5;
	v3 =	vadd.f32 v63, v3;
	[tilespmem:$0x147C0] =	vst v61  }
0x20d: {  	s0 =	sshll.u32 s0, $0x9;
	s28 =	simm.s32 $0x200;
	s4 =	sand.u32 $0x20, s21;
	v6 =	vadd.f32 v60, v59;
	[tilespmem:$0x147E0] =	vst v4  }
0x20e: {  	p1 =	sne.s32 s29, $0x7F;
	s26 =	simm.s32 $0x80;
	s4 =	sadd.s32 s6, s4;
	[tilespmem:$0x147F0] =	vst v3  }
.Ltmp8:
0x20f: {  	s22 =	simm.s32 $0x14400;
	s4 =	sadd.s32 s0, s4;
	[tilespmem:$0x147D0] =	vst v6;
	(pc) =	sbr.rel @p1 .LBB2_20-.Ltmp8, $4  }
0x210: {  	[hbm4b:s4+s26] =	stream.strided.scatter [tilespmem:s22], [sflag:$0x7], $0x400, s28, s26, $0x38;
	[tilespmem:$0x14C00] =	vst v63  }
0x211: {  	_ =	swait.ge [sflag:s23], $0x80  }
0x212: {  	[sflag:s23] =	ssyncset.done $0x0  }
0x213: {  	[sflag:s23] =	ssyncadd.s32 $0xFFFFFF80  }
0x214: {  	_ =	swait.ge [sflag:s24], $0x180  }
.Ltmp9:
0x215: {  	[sflag:s24] =	ssyncset.done $0x0;
	(pc) =	sbr.rel .LBB2_21-.Ltmp9, $4  }
0x216: {  	[sflag:s24] =	ssyncadd.s32 $0xFFFFFE80  }
0x217: {  	_ =	swait.ge [sflag:s25], $0xA000  }
0x218: {  	[sflag:s25] =	ssyncset.done $0x0  }
0x219: {  	[sflag:s25] =	ssyncadd.s32 $0xFFFF6000  }
.LBB2_20:
0x21a: {  	v3 =	vld [tilespmem:$0x0];
	_ =	sdelay $0x4  }
0x21b: {  	v4 =	vshll.u32 v3, $0x3  }
0x21c: {  	v3 =	vand.u32 $0x7, v3;
	v4 =	vand.u32 $0xFFFFFFC0, v4  }
0x21d: {  	v3 =	vor.u32 v3, v4  }
0x21e: {  	v4 =	vperm.xlane v3, v0;
	_ =	sdelay $0x1  }
0x21f: {  	v4 =	vadd.s32 v1, v4;
	_ =	sdelay $0x3  }
0x220: {  	s4 =	simm.s32 $0x100  }
0x221: {  	[tilespmem:s4], [sflag:$0x3] =	stream.indirect_vreg.gather [hbm4b:s1+s2], $0x80, v4, vm0, $0xb8;
	[tilespmem:$0x14C00] =	vst v63  }
0x222: {  	s21 =	simm.s32 $0x900;
	v3 =	vperm.xlane v3, v2  }
0x223: {  	[tilespmem:s21], [sflag:$0x3] =	stream.indirect_vreg.gather [hbm4b:s9+s2], $0x80, v4, vm0, $0xb8;
	[tilespmem:$0x14C00] =	vst v63  }
0x224: {  	s22 =	simm.s32 $0x1100;
	v3 =	vadd.s32 v1, v3  }
0x225: {  	[tilespmem:s22], [sflag:$0x3] =	stream.indirect_vreg.gather [hbm4b:s10+s2], $0x80, v4, vm0, $0xb8;
	[tilespmem:$0x14C00] =	vst v63  }
0x226: {  	s8 =	simm.s32 $0x1900  }
0x227: {  	[tilespmem:s8], [sflag:$0x3] =	stream.indirect_vreg.gather [hbm4b:s11+s2], $0x80, v4, vm0, $0xb8;
	[tilespmem:$0x14C00] =	vst v63  }
0x228: {  	s13 =	simm.s32 $0x2100  }
0x229: {  	[tilespmem:s13], [sflag:$0x3] =	stream.indirect_vreg.gather [hbm4b:s1+s2], $0x80, v3, vm0, $0xb8;
	[tilespmem:$0x14C00] =	vst v63  }
0x22a: {  	s14 =	simm.s32 $0x2900  }
0x22b: {  	[tilespmem:s14], [sflag:$0x3] =	stream.indirect_vreg.gather [hbm4b:s9+s2], $0x80, v3, vm0, $0xb8;
	[tilespmem:$0x14C00] =	vst v63  }
0x22c: {  	s17 =	simm.s32 $0x3100  }
0x22d: {  	[tilespmem:s17], [sflag:$0x3] =	stream.indirect_vreg.gather [hbm4b:s10+s2], $0x80, v3, vm0, $0xb8;
	[tilespmem:$0x14C00] =	vst v63  }
0x22e: {  	s21 =	simm.s32 $0x3900  }
0x22f: {  	[tilespmem:s21], [sflag:$0x3] =	stream.indirect_vreg.gather [hbm4b:s11+s2], $0x80, v3, vm0, $0xb8;
	[tilespmem:$0x14C00] =	vst v63  }
0x230: {  	v3 =	vld [tilespmem:$0x10];
	_ =	sdelay $0x4  }
0x231: {  	v62 =	vshll.u32 v3, $0x3  }
0x232: {  	v3 =	vand.u32 $0x7, v3;
	v4 =	vand.u32 $0xFFFFFFC0, v62  }
0x233: {  	v3 =	vor.u32 v3, v4  }
0x234: {  	v4 =	vperm.xlane v3, v0;
	_ =	sdelay $0x1  }
0x235: {  	v4 =	vadd.s32 v1, v4;
	_ =	sdelay $0x3  }
0x236: {  	s22 =	simm.s32 $0x4100  }
0x237: {  	[tilespmem:s22], [sflag:$0x3] =	stream.indirect_vreg.gather [hbm4b:s1+s2], $0x80, v4, vm0, $0xb8;
	[tilespmem:$0x14C00] =	vst v63  }
0x238: {  	s8 =	simm.s32 $0x4900;
	v3 =	vperm.xlane v3, v2  }
0x239: {  	[tilespmem:s8], [sflag:$0x3] =	stream.indirect_vreg.gather [hbm4b:s9+s2], $0x80, v4, vm0, $0xb8;
	[tilespmem:$0x14C00] =	vst v63  }
0x23a: {  	s13 =	simm.s32 $0x5100;
	v3 =	vadd.s32 v1, v3  }
0x23b: {  	[tilespmem:s13], [sflag:$0x3] =	stream.indirect_vreg.gather [hbm4b:s10+s2], $0x80, v4, vm0, $0xb8;
	[tilespmem:$0x14C00] =	vst v63  }
0x23c: {  	s14 =	simm.s32 $0x5900  }
0x23d: {  	[tilespmem:s14], [sflag:$0x3] =	stream.indirect_vreg.gather [hbm4b:s11+s2], $0x80, v4, vm0, $0xb8;
	[tilespmem:$0x14C00] =	vst v63  }
0x23e: {  	s17 =	simm.s32 $0x6100  }
0x23f: {  	[tilespmem:s17], [sflag:$0x3] =	stream.indirect_vreg.gather [hbm4b:s1+s2], $0x80, v3, vm0, $0xb8;
	[tilespmem:$0x14C00] =	vst v63  }
0x240: {  	s21 =	simm.s32 $0x6900  }
0x241: {  	[tilespmem:s21], [sflag:$0x3] =	stream.indirect_vreg.gather [hbm4b:s9+s2], $0x80, v3, vm0, $0xb8;
	[tilespmem:$0x14C00] =	vst v63  }
0x242: {  	s22 =	simm.s32 $0x7100  }
0x243: {  	[tilespmem:s22], [sflag:$0x3] =	stream.indirect_vreg.gather [hbm4b:s10+s2], $0x80, v3, vm0, $0xb8;
	[tilespmem:$0x14C00] =	vst v63  }
0x244: {  	s8 =	simm.s32 $0x7900  }
0x245: {  	[tilespmem:s8], [sflag:$0x3] =	stream.indirect_vreg.gather [hbm4b:s11+s2], $0x80, v3, vm0, $0xb8;
	[tilespmem:$0x14C00] =	vst v63  }
0x246: {  	v3 =	vld.msk [tilespmem:$0x20], $0xff;
	_ =	sdelay $0x4  }
0x247: {  	v63 =	vshll.u32 v3, $0x3  }
0x248: {  	v3 =	vand.u32 $0x7, v3;
	v4 =	vand.u32 $0xFFFFFFC0, v63  }
0x249: {  	v3 =	vor.u32 v3, v4  }
0x24a: {  	v3 =	vperm.xlane v3, v0;
	_ =	sdelay $0x1  }
0x24b: {  	v3 =	vadd.s32 v1, v3;
	_ =	sdelay $0x3  }
0x24c: {  	s3 =	smul.u32 $0x180, s3;
	s13 =	simm.s32 $0x8100  }
0x24d: {  	[tilespmem:s13], [sflag:$0x3] =	stream.indirect_vreg.gather [hbm4b:s1+s2], $0x80, v3, vm0, $0xb8;
	[tilespmem:$0x14C00] =	vst v63  }
0x24e: {  	s14 =	simm.s32 $0x8900;
	s17 =	smul.u32 $0x600, s12  }
0x24f: {  	[tilespmem:s14], [sflag:$0x3] =	stream.indirect_vreg.gather [hbm4b:s9+s2], $0x80, v3, vm0, $0xb8;
	[tilespmem:$0x14C00] =	vst v63  }
0x250: {  	s3 =	sadd.s32 s3, s17;
	s8 =	simm.s32 $0x9100  }
0x251: {  	[tilespmem:s8], [sflag:$0x3] =	stream.indirect_vreg.gather [hbm4b:s10+s2], $0x80, v3, vm0, $0xb8;
	[tilespmem:$0x14C00] =	vst v63  }
0x252: {  	s21 =	simm.s32 $0x9900;
	s3 =	sshrl.u32 s3, $0x3  }
0x253: {  	[tilespmem:s21], [sflag:$0x3] =	stream.indirect_vreg.gather [hbm4b:s11+s2], $0x80, v3, vm0, $0xb8;
	[tilespmem:$0x14C00] =	vst v63  }
0x254: {  	s3 =	sadd.s32 s16, s3;
	s22 =	smin.u32 s31, $0xFC  }
0x255: {  	[tilespmem:s15], [sflag:$0x5] =	stream.linear.gather [hbm4b:s3+s2], $0x180, $0x38;
	[tilespmem:$0x14C00] =	vst v63  }
0x256: {  	s3 =	sadd.s32 $0x3, s22;
	_ =	swait.ge [sflag:s24], $0x180  }
0x257: {  	s31 =	sshrl.u32 s3, $0x2;
	[sflag:s24] =	ssyncset.done $0x0  }
.Ltmp10:
0x258: {  	s3 =	sshll.u32 s3, $0x4;
	[sflag:s24] =	ssyncadd.s32 $0xFFFFFE80;
	(pc) =	sbr.rel @p0 .LBB2_22-.Ltmp10, $4  }
0x259: {  	s4 =	sadd.s32 s7, s31;
	s3 =	sand.u32 $0x30, s3;
	_ =	swait.ge [sflag:s25], $0xA000  }
0x25a: {  	s4 =	sshll.u32 s4, $0x6;
	s3 =	sadd.s32 s5, s3;
	[sflag:s25] =	ssyncset.done $0x0  }
0x25b: {  	s3 =	sadd.s32 s4, s3;
	[sflag:s25] =	ssyncadd.s32 $0xFFFF6000  }
0x25c: {  	[tilespmem:s26], [sflag:$0x2] =	stream.linear.gather [hbm4b:s3+s2], $0x80, $0x38;
	[tilespmem:$0x14C00] =	vst v63  }
.LBB2_21:
0x25d: {  	s3 =	simm.s32 $0x8  }
0x25e: {  	_ =	swait.ge [sflag:s3], $0x400  }
0x25f: {  	[sflag:s3] =	ssyncset.done $0x0  }
0x260: {  	[sflag:s3] =	ssyncadd.s32 $0xFFFFFC00  }
.LBB2_22:
0x261: {  	s3 =	simm.s32 $0x0  }
0x262: {  	v3 =	vmov s3;
	s4 =	sand.u32 $0xE000, s3;
	s3 =	sand.u32 $0x380, s3  }
0x263: {  	s4 =	sor.u32 s3, s4  }
0x264: {  	v4 =	vld [tilespmem:s4+$0xA100]  }
0x265: {  	v6 =	vld [tilespmem:s4+$0xA110]  }
0x266: {  	v8 =	vld [tilespmem:s4+$0xA120]  }
0x267: {  	v12 =	vld.idx.msk [tilespmem:v3+s18+$0x0], $0xffff  }
0x268: {  	s22 =	simm.s32 $0x1;
	v3 =	vld [tilespmem:s4+$0xA170]  }
0x269: {  	v7 =	vmov s22;
	v9 =	vld [tilespmem:s4+$0xA130]  }
0x26a: {  	v13 =	vld [tilespmem:s4+$0xA140]  }
0x26b: {  	v14 =	vld [tilespmem:s4+$0xA150]  }
0x26c: {  	s12 =	simm.s32 $0x400;
	s3 =	simm.s32 $0x80;
	v18 =	vld [tilespmem:s4+$0xA160]  }
0x26d: {  	s8 =	sand.u32 $0xE000, s12;
	s13 =	sand.u32 $0x380, s3;
	v3 =	vmul.f32 v3, v12;
	v10 =	vmul.f32 v4, v12  }
0x26e: {  	v5 =	vimm.f32 $0.0e+00;
	s31 =	simm.s32 $0x2;
	s13 =	sor.u32 s13, s8;
	v15 =	vmul.f32 v6, v12;
	v4 =	vld.idx.msk [tilespmem:v7+s18+$0x0], $0xffff;
	v7 =	vmul.f32 v8, v12  }
0x26f: {  	v16 =	vmov s31;
	v11 =	vld [tilespmem:s13+$0xA170];
	v8 =	vmul.f32 v9, v12;
	v9 =	vmul.f32 v13, v12  }
0x270: {  	v17 =	vmul.f32 v14, v12;
	v6 =	vadd.f32 v10, v5;
	v10 =	vadd.f32 v15, v5;
	v15 =	vld [tilespmem:s13+$0xA100]  }
0x271: {  	v13 =	vld [tilespmem:s13+$0xA110];
	v18 =	vmul.f32 v18, v12;
	v3 =	vadd.f32 v3, v5;
	v7 =	vadd.f32 v7, v5  }
0x272: {  	s14 =	simm.s32 $0x3;
	v14 =	vld [tilespmem:s13+$0xA120];
	v12 =	vimm.f32 $0.0e+00;
	v8 =	vadd.f32 v8, v5;
	v9 =	vadd.f32 v9, v5  }
.LBB2_23:
0x273: {  	p0 =	sne.s32 s14, $0x20;
	v19 =	vld [tilespmem:s13+$0xA130];
	v5 =	vadd.f32 v17, v5  }
0x274: {  	v17 =	vld [tilespmem:s13+$0xA140];
	v11 =	vmul.f32 v11, v4;
	v12 =	vadd.f32 v18, v12;
	v18 =	vmov v4  }
0x275: {  	s3 =	sadd.s32 $0x80, s3;
	s12 =	sadd.s32 $0x400, s12;
	v15 =	vmul.f32 v15, v18;
	v20 =	vld [tilespmem:s13+$0xA150]  }
0x276: {  	s4 =	sand.u32 $0xE000, s12;
	s8 =	sand.u32 $0x380, s3;
	v13 =	vmul.f32 v13, v18;
	v21 =	vld [tilespmem:s13+$0xA160];
	v3 =	vadd.f32 v11, v3  }
.Ltmp11:
0x277: {  	s13 =	sor.u32 s8, s4;
	v4 =	vld.idx.msk [tilespmem:v16+s18+$0x0], $0xffff;
	v6 =	vadd.f32 v15, v6;
	v14 =	vmul.f32 v14, v18;
	(pc) =	sbr.rel @p0 .LBB2_23-.Ltmp11, $4  }
0x278: {  	v11 =	vld [tilespmem:s13+$0xA170];
	v10 =	vadd.f32 v13, v10;
	v16 =	vmul.f32 v19, v18  }
0x279: {  	v15 =	vld [tilespmem:s13+$0xA100];
	v7 =	vadd.f32 v14, v7;
	v19 =	vmul.f32 v17, v18  }
0x27a: {  	v13 =	vld [tilespmem:s13+$0xA110];
	v8 =	vadd.f32 v16, v8;
	v17 =	vmul.f32 v20, v18  }
0x27b: {  	v16 =	vmov s14;
	s14 =	sadd.s32 $0x1, s14;
	v14 =	vld [tilespmem:s13+$0xA120];
	v9 =	vadd.f32 v19, v9;
	v18 =	vmul.f32 v21, v18  }
0x27c: {  	v19 =	vld [tilespmem:s13+$0xA130]  }
0x27d: {  	v20 =	vld [tilespmem:s13+$0xA140]  }
0x27e: {  	v21 =	vld [tilespmem:s13+$0xA150];
	s3 =	sadd.s32 $0x80, s3;
	s4 =	sadd.s32 $0x400, s12  }
0x27f: {  	v22 =	vld [tilespmem:s13+$0xA160];
	s4 =	sand.u32 $0xE000, s4;
	s3 =	sand.u32 $0x380, s3  }
0x280: {  	v16 =	vld.idx.msk [tilespmem:v16+s18+$0x0], $0xffff;
	s3 =	sor.u32 s3, s4  }
0x281: {  	v23 =	vld [tilespmem:s3+$0xA100]  }
0x282: {  	v15 =	vmul.f32 v15, v4;
	v13 =	vmul.f32 v13, v4;
	v24 =	vld [tilespmem:s3+$0xA110]  }
0x283: {  	v5 =	vadd.f32 v17, v5;
	v12 =	vadd.f32 v18, v12;
	v17 =	vld [tilespmem:s3+$0xA120];
	v14 =	vmul.f32 v14, v4  }
0x284: {  	v6 =	vadd.f32 v15, v6;
	v15 =	vld [tilespmem:s3+$0xA130];
	v10 =	vadd.f32 v13, v10;
	v13 =	vmul.f32 v19, v4  }
0x285: {  	v11 =	vmul.f32 v11, v4;
	v18 =	vld [tilespmem:s3+$0xA140];
	v7 =	vadd.f32 v14, v7;
	v14 =	vmul.f32 v20, v4  }
0x286: {  	v20 =	vld [tilespmem:s3+$0xA150];
	v8 =	vadd.f32 v13, v8;
	v13 =	vmul.f32 v21, v4;
	v19 =	vmul.f32 v23, v16  }
0x287: {  	v63 =	vld [tilespmem:s3+$0xA160];
	v4 =	vmul.f32 v22, v4;
	v9 =	vadd.f32 v14, v9;
	v14 =	vmul.f32 v24, v16  }
0x288: {  	v17 =	vmul.f32 v17, v16;
	v5 =	vadd.f32 v13, v5;
	v13 =	vld [tilespmem:s3+$0xA170];
	v6 =	vadd.f32 v19, v6  }
0x289: {  	v4 =	vadd.f32 v4, v12;
	v12 =	vmul.f32 v15, v16;
	v10 =	vadd.f32 v14, v10  }
0x28a: {  	v7 =	vadd.f32 v17, v7;
	v14 =	vmul.f32 v18, v16;
	[tilespmem:$0x14800] =	vst v6  }
0x28b: {  	v8 =	vadd.f32 v12, v8;
	v12 =	vmul.f32 v20, v16;
	[tilespmem:$0x14810] =	vst v10  }
0x28c: {  	s17 =	simm.s32 $0x0;
	v3 =	vadd.f32 v11, v3;
	v9 =	vadd.f32 v14, v9;
	v10 =	vmul.f32 v63, v16;
	[tilespmem:$0x14820] =	vst v7  }
0x28d: {  	v6 =	vmov s17;
	v5 =	vadd.f32 v12, v5;
	[tilespmem:$0x14830] =	vst v8;
	v7 =	vmul.f32 v13, v16  }
0x28e: {  	v6 =	vadd.s32 $0x28, v6;
	v4 =	vadd.f32 v10, v4;
	[tilespmem:$0x14840] =	vst v9  }
0x28f: {  	v6 =	vbroadcast v6, $0x0;
	[tilespmem:$0x14850] =	vst v5;
	v3 =	vadd.f32 v7, v3  }
0x290: {  	s21 =	sand.u32 $0xE000, s17;
	s3 =	sand.u32 $0x380, s17;
	[tilespmem:$0x14860] =	vst v4  }
0x291: {  	s4 =	sor.u32 s3, s21;
	[tilespmem:$0x14870] =	vst v3  }
0x292: {  	v3 =	vld [tilespmem:s4+$0xA570]  }
0x293: {  	v8 =	vld [tilespmem:s4+$0xA510]  }
0x294: {  	s22 =	simm.s32 $0x1;
	v10 =	vld [tilespmem:s4+$0xA520]  }
0x295: {  	v5 =	vmov s22;
	v4 =	vld.idx.msk [tilespmem:v6+s18+$0x0], $0xffff  }
0x296: {  	v5 =	vadd.s32 $0x28, v5;
	v6 =	vld [tilespmem:s4+$0xA500]  }
0x297: {  	v9 =	vbroadcast v5, $0x0;
	v13 =	vld [tilespmem:s4+$0xA530];
	_ =	sdelay $0x1  }
0x298: {  	s8 =	simm.s32 $0x2  }
0x299: {  	v19 =	vmov s8;
	v11 =	vld [tilespmem:s4+$0xA540];
	v3 =	vmul.f32 v3, v4  }
0x29a: {  	s12 =	simm.s32 $0x400;
	s3 =	simm.s32 $0x80;
	v14 =	vimm.f32 $0.0e+00;
	v12 =	vld [tilespmem:s4+$0xA550];
	v5 =	vmul.f32 v6, v4;
	v8 =	vmul.f32 v8, v4  }
0x29b: {  	s31 =	sand.u32 $0xE000, s12;
	s14 =	sand.u32 $0x380, s3;
	v7 =	vimm.f32 $0.0e+00;
	v15 =	vld [tilespmem:s4+$0xA560];
	v17 =	vmul.f32 v10, v4;
	v18 =	vmul.f32 v13, v4  }
0x29c: {  	s13 =	sor.u32 s14, s31;
	v6 =	vld.idx.msk [tilespmem:v9+s18+$0x0], $0xffff;
	v13 =	vimm.f32 $0.0e+00;
	v9 =	vimm.f32 $0.0e+00;
	v3 =	vadd.f32 v3, v7  }
0x29d: {  	s14 =	simm.s32 $0x3;
	v16 =	vld [tilespmem:s13+$0xA570];
	v10 =	vimm.f32 $0.0e+00;
	v5 =	vadd.f32 v5, v7;
	v8 =	vadd.f32 v8, v7  }
.LBB2_25:
0x29e: {  	p0 =	sne.s32 s14, $0x20;
	v19 =	vadd.s32 $0x28, v19;
	v20 =	vld [tilespmem:s13+$0xA500];
	v7 =	vadd.f32 v17, v7;
	v11 =	vmul.f32 v11, v4  }
0x29f: {  	v17 =	vbroadcast v19, $0x0;
	v19 =	vld [tilespmem:s13+$0xA510];
	v14 =	vadd.f32 v18, v14;
	v12 =	vmul.f32 v12, v4  }
0x2a0: {  	v18 =	vld [tilespmem:s13+$0xA520];
	v13 =	vadd.f32 v11, v13;
	v15 =	vmul.f32 v15, v4  }
0x2a1: {  	v21 =	vld [tilespmem:s13+$0xA530];
	v9 =	vadd.f32 v12, v9  }
.Ltmp12:
0x2a2: {  	v4 =	vmov v6;
	v11 =	vld [tilespmem:s13+$0xA540];
	v16 =	vmul.f32 v16, v6;
	v10 =	vadd.f32 v15, v10;
	(pc) =	sbr.rel @p0 .LBB2_25-.Ltmp12, $4  }
0x2a3: {  	s3 =	sadd.s32 $0x80, s3;
	s12 =	sadd.s32 $0x400, s12;
	v20 =	vmul.f32 v20, v4;
	v12 =	vld [tilespmem:s13+$0xA550]  }
0x2a4: {  	s4 =	sand.u32 $0xE000, s12;
	s8 =	sand.u32 $0x380, s3;
	v22 =	vmul.f32 v19, v4;
	v15 =	vld [tilespmem:s13+$0xA560];
	v3 =	vadd.f32 v16, v3  }
0x2a5: {  	s13 =	sor.u32 s8, s4;
	v6 =	vld.idx.msk [tilespmem:v17+s18+$0x0], $0xffff;
	v5 =	vadd.f32 v20, v5;
	v17 =	vmul.f32 v18, v4  }
0x2a6: {  	v19 =	vmov s14;
	s14 =	sadd.s32 $0x1, s14;
	v16 =	vld [tilespmem:s13+$0xA570];
	v8 =	vadd.f32 v22, v8;
	v18 =	vmul.f32 v21, v4  }
0x2a7: {  	v20 =	vld [tilespmem:s13+$0xA500]  }
0x2a8: {  	v19 =	vadd.s32 $0x28, v19;
	v21 =	vld [tilespmem:s13+$0xA510]  }
0x2a9: {  	v22 =	vld [tilespmem:s13+$0xA520];
	v19 =	vbroadcast v19, $0x0  }
0x2aa: {  	v23 =	vld [tilespmem:s13+$0xA530]  }
0x2ab: {  	v24 =	vld [tilespmem:s13+$0xA540];
	s3 =	sadd.s32 $0x80, s3;
	s4 =	sadd.s32 $0x400, s12  }
0x2ac: {  	v25 =	vld [tilespmem:s13+$0xA550];
	s4 =	sand.u32 $0xE000, s4;
	s3 =	sand.u32 $0x380, s3  }
0x2ad: {  	v26 =	vld [tilespmem:s13+$0xA560];
	v11 =	vmul.f32 v11, v4;
	s3 =	sor.u32 s3, s4  }
0x2ae: {  	v7 =	vadd.f32 v17, v7;
	v12 =	vmul.f32 v12, v4;
	v4 =	vmul.f32 v15, v4;
	v15 =	vld [tilespmem:s3+$0xA500]  }
0x2af: {  	v14 =	vadd.f32 v18, v14;
	v11 =	vadd.f32 v11, v13;
	v13 =	vmul.f32 v20, v6;
	v17 =	vld.idx.msk [tilespmem:v19+s18+$0x0], $0xffff  }
0x2b0: {  	v4 =	vadd.f32 v4, v10;
	v18 =	vmul.f32 v21, v6;
	v10 =	vmul.f32 v22, v6;
	v19 =	vld [tilespmem:s3+$0xA510]  }
0x2b1: {  	v9 =	vadd.f32 v12, v9;
	v12 =	vld [tilespmem:s3+$0xA520];
	v5 =	vadd.f32 v13, v5;
	v13 =	vmul.f32 v23, v6  }
0x2b2: {  	v8 =	vadd.f32 v18, v8;
	v18 =	vld [tilespmem:s3+$0xA530];
	v7 =	vadd.f32 v10, v7;
	v10 =	vmul.f32 v24, v6  }
0x2b3: {  	v20 =	vld [tilespmem:s3+$0xA540];
	v13 =	vadd.f32 v13, v14;
	v14 =	vmul.f32 v25, v6  }
0x2b4: {  	v63 =	vld [tilespmem:s3+$0xA550];
	v16 =	vmul.f32 v16, v6;
	v10 =	vadd.f32 v10, v11;
	v15 =	vmul.f32 v15, v17  }
0x2b5: {  	v6 =	vmul.f32 v26, v6;
	v9 =	vadd.f32 v14, v9;
	v14 =	vld [tilespmem:s3+$0xA570];
	v11 =	vmul.f32 v19, v17  }
0x2b6: {  	v19 =	vld [tilespmem:s3+$0xA560];
	v12 =	vmul.f32 v12, v17;
	v5 =	vadd.f32 v15, v5  }
0x2b7: {  	v4 =	vadd.f32 v6, v4;
	v6 =	vadd.f32 v11, v8;
	v8 =	vmul.f32 v18, v17  }
0x2b8: {  	v7 =	vadd.f32 v12, v7;
	v11 =	vmul.f32 v20, v17;
	[tilespmem:$0x14880] =	vst v5  }
0x2b9: {  	v12 =	vmul.f32 v63, v17;
	v8 =	vadd.f32 v8, v13;
	[tilespmem:$0x14890] =	vst v6  }
0x2ba: {  	s17 =	simm.s32 $0x0;
	v3 =	vadd.f32 v16, v3;
	v6 =	vadd.f32 v11, v10;
	[tilespmem:$0x148A0] =	vst v7;
	v7 =	vmul.f32 v14, v17  }
0x2bb: {  	v5 =	vmov s17;
	v9 =	vadd.f32 v12, v9;
	v10 =	vmul.f32 v19, v17;
	[tilespmem:$0x148B0] =	vst v8  }
0x2bc: {  	v5 =	vadd.s32 $0x50, v5;
	[tilespmem:$0x148C0] =	vst v6;
	v3 =	vadd.f32 v7, v3  }
0x2bd: {  	v5 =	vbroadcast v5, $0x0;
	[tilespmem:$0x148D0] =	vst v9;
	v4 =	vadd.f32 v10, v4  }
0x2be: {  	s21 =	sand.u32 $0xE000, s17;
	s3 =	sand.u32 $0x380, s17;
	[tilespmem:$0x148F0] =	vst v3  }
0x2bf: {  	s4 =	sor.u32 s3, s21;
	[tilespmem:$0x148E0] =	vst v4  }
0x2c0: {  	v3 =	vld [tilespmem:s4+$0xA970]  }
0x2c1: {  	v6 =	vld [tilespmem:s4+$0xA900]  }
0x2c2: {  	v8 =	vld [tilespmem:s4+$0xA910]  }
0x2c3: {  	s22 =	simm.s32 $0x1;
	v4 =	vld.idx.msk [tilespmem:v5+s18+$0x0], $0xffff  }
0x2c4: {  	v10 =	vld [tilespmem:s4+$0xA920];
	v5 =	vmov s22  }
0x2c5: {  	v13 =	vld [tilespmem:s4+$0xA930];
	v5 =	vadd.s32 $0x50, v5  }
0x2c6: {  	v9 =	vbroadcast v5, $0x0;
	_ =	sdelay $0x1  }
0x2c7: {  	s8 =	simm.s32 $0x2;
	s12 =	simm.s32 $0x400;
	s3 =	simm.s32 $0x80;
	v14 =	vimm.f32 $0.0e+00;
	v11 =	vld [tilespmem:s4+$0xA940];
	v3 =	vmul.f32 v3, v4  }
0x2c8: {  	s31 =	sand.u32 $0xE000, s12;
	s14 =	sand.u32 $0x380, s3;
	v19 =	vmov s8;
	v12 =	vld [tilespmem:s4+$0xA950];
	v5 =	vmul.f32 v6, v4;
	v8 =	vmul.f32 v8, v4  }
0x2c9: {  	s13 =	sor.u32 s14, s31;
	v7 =	vimm.f32 $0.0e+00;
	v15 =	vld [tilespmem:s4+$0xA960];
	v17 =	vmul.f32 v10, v4;
	v18 =	vmul.f32 v13, v4  }
0x2ca: {  	v16 =	vld [tilespmem:s13+$0xA970];
	v13 =	vimm.f32 $0.0e+00;
	v10 =	vimm.f32 $0.0e+00;
	v3 =	vadd.f32 v3, v7  }
0x2cb: {  	s14 =	simm.s32 $0x3;
	v5 =	vadd.f32 v5, v7;
	v8 =	vadd.f32 v8, v7;
	v6 =	vld.idx.msk [tilespmem:v9+s18+$0x0], $0xffff;
	v9 =	vimm.f32 $0.0e+00  }
.LBB2_27:
0x2cc: {  	p0 =	sne.s32 s14, $0x20;
	v19 =	vadd.s32 $0x50, v19;
	v20 =	vld [tilespmem:s13+$0xA900];
	v7 =	vadd.f32 v17, v7;
	v11 =	vmul.f32 v11, v4  }
0x2cd: {  	v17 =	vbroadcast v19, $0x0;
	v19 =	vld [tilespmem:s13+$0xA910];
	v14 =	vadd.f32 v18, v14;
	v12 =	vmul.f32 v12, v4  }
0x2ce: {  	v18 =	vld [tilespmem:s13+$0xA920];
	v13 =	vadd.f32 v11, v13;
	v15 =	vmul.f32 v15, v4  }
0x2cf: {  	v21 =	vld [tilespmem:s13+$0xA930];
	v9 =	vadd.f32 v12, v9  }
.Ltmp13:
0x2d0: {  	v4 =	vmov v6;
	v11 =	vld [tilespmem:s13+$0xA940];
	v16 =	vmul.f32 v16, v6;
	v10 =	vadd.f32 v15, v10;
	(pc) =	sbr.rel @p0 .LBB2_27-.Ltmp13, $4  }
0x2d1: {  	s3 =	sadd.s32 $0x80, s3;
	s12 =	sadd.s32 $0x400, s12;
	v20 =	vmul.f32 v20, v4;
	v12 =	vld [tilespmem:s13+$0xA950]  }
0x2d2: {  	s4 =	sand.u32 $0xE000, s12;
	s8 =	sand.u32 $0x380, s3;
	v22 =	vmul.f32 v19, v4;
	v15 =	vld [tilespmem:s13+$0xA960];
	v3 =	vadd.f32 v16, v3  }
0x2d3: {  	s13 =	sor.u32 s8, s4;
	v6 =	vld.idx.msk [tilespmem:v17+s18+$0x0], $0xffff;
	v5 =	vadd.f32 v20, v5;
	v17 =	vmul.f32 v18, v4  }
0x2d4: {  	v19 =	vmov s14;
	s14 =	sadd.s32 $0x1, s14;
	v16 =	vld [tilespmem:s13+$0xA970];
	v8 =	vadd.f32 v22, v8;
	v18 =	vmul.f32 v21, v4  }
0x2d5: {  	v20 =	vld [tilespmem:s13+$0xA900]  }
0x2d6: {  	v19 =	vadd.s32 $0x50, v19;
	v21 =	vld [tilespmem:s13+$0xA910]  }
0x2d7: {  	v22 =	vld [tilespmem:s13+$0xA920];
	v19 =	vbroadcast v19, $0x0  }
0x2d8: {  	v23 =	vld [tilespmem:s13+$0xA930]  }
0x2d9: {  	v24 =	vld [tilespmem:s13+$0xA940];
	s3 =	sadd.s32 $0x80, s3;
	s4 =	sadd.s32 $0x400, s12  }
0x2da: {  	v25 =	vld [tilespmem:s13+$0xA950];
	s4 =	sand.u32 $0xE000, s4;
	s3 =	sand.u32 $0x380, s3  }
0x2db: {  	v26 =	vld [tilespmem:s13+$0xA960];
	v11 =	vmul.f32 v11, v4;
	s3 =	sor.u32 s3, s4  }
0x2dc: {  	v7 =	vadd.f32 v17, v7;
	v12 =	vmul.f32 v12, v4;
	v4 =	vmul.f32 v15, v4;
	v15 =	vld [tilespmem:s3+$0xA900]  }
0x2dd: {  	v14 =	vadd.f32 v18, v14;
	v11 =	vadd.f32 v11, v13;
	v13 =	vmul.f32 v20, v6;
	v17 =	vld.idx.msk [tilespmem:v19+s18+$0x0], $0xffff  }
0x2de: {  	v4 =	vadd.f32 v4, v10;
	v18 =	vmul.f32 v21, v6;
	v10 =	vmul.f32 v22, v6;
	v19 =	vld [tilespmem:s3+$0xA910]  }
0x2df: {  	v9 =	vadd.f32 v12, v9;
	v12 =	vld [tilespmem:s3+$0xA920];
	v5 =	vadd.f32 v13, v5;
	v13 =	vmul.f32 v23, v6  }
0x2e0: {  	v8 =	vadd.f32 v18, v8;
	v18 =	vld [tilespmem:s3+$0xA930];
	v7 =	vadd.f32 v10, v7;
	v10 =	vmul.f32 v24, v6  }
0x2e1: {  	v20 =	vld [tilespmem:s3+$0xA940];
	v13 =	vadd.f32 v13, v14;
	v14 =	vmul.f32 v25, v6  }
0x2e2: {  	v63 =	vld [tilespmem:s3+$0xA950];
	v16 =	vmul.f32 v16, v6;
	v10 =	vadd.f32 v10, v11;
	v15 =	vmul.f32 v15, v17  }
0x2e3: {  	v6 =	vmul.f32 v26, v6;
	v9 =	vadd.f32 v14, v9;
	v14 =	vld [tilespmem:s3+$0xA970];
	v11 =	vmul.f32 v19, v17  }
0x2e4: {  	v19 =	vld [tilespmem:s3+$0xA960];
	v12 =	vmul.f32 v12, v17;
	v5 =	vadd.f32 v15, v5  }
0x2e5: {  	v4 =	vadd.f32 v6, v4;
	v6 =	vadd.f32 v11, v8;
	v8 =	vmul.f32 v18, v17  }
0x2e6: {  	v7 =	vadd.f32 v12, v7;
	v11 =	vmul.f32 v20, v17;
	[tilespmem:$0x14900] =	vst v5  }
0x2e7: {  	v12 =	vmul.f32 v63, v17;
	v8 =	vadd.f32 v8, v13;
	[tilespmem:$0x14910] =	vst v6  }
0x2e8: {  	s17 =	simm.s32 $0x0;
	v3 =	vadd.f32 v16, v3;
	v6 =	vadd.f32 v11, v10;
	[tilespmem:$0x14920] =	vst v7;
	v7 =	vmul.f32 v14, v17  }
0x2e9: {  	v5 =	vmov s17;
	v9 =	vadd.f32 v12, v9;
	v10 =	vmul.f32 v19, v17;
	[tilespmem:$0x14930] =	vst v8  }
0x2ea: {  	v5 =	vadd.s32 $0x78, v5;
	[tilespmem:$0x14940] =	vst v6;
	v3 =	vadd.f32 v7, v3  }
0x2eb: {  	v5 =	vbroadcast v5, $0x0;
	[tilespmem:$0x14950] =	vst v9;
	v4 =	vadd.f32 v10, v4  }
0x2ec: {  	s21 =	sand.u32 $0xE000, s17;
	s3 =	sand.u32 $0x380, s17;
	[tilespmem:$0x14970] =	vst v3  }
0x2ed: {  	s4 =	sor.u32 s3, s21;
	[tilespmem:$0x14960] =	vst v4  }
0x2ee: {  	v3 =	vld [tilespmem:s4+$0xAD70]  }
0x2ef: {  	v6 =	vld [tilespmem:s4+$0xAD00]  }
0x2f0: {  	v8 =	vld [tilespmem:s4+$0xAD10]  }
0x2f1: {  	s22 =	simm.s32 $0x1;
	v4 =	vld.idx.msk [tilespmem:v5+s18+$0x0], $0xffff  }
0x2f2: {  	v10 =	vld [tilespmem:s4+$0xAD20];
	v5 =	vmov s22  }
0x2f3: {  	v13 =	vld [tilespmem:s4+$0xAD30];
	v5 =	vadd.s32 $0x78, v5  }
0x2f4: {  	v9 =	vbroadcast v5, $0x0;
	_ =	sdelay $0x1  }
0x2f5: {  	s8 =	simm.s32 $0x2;
	s12 =	simm.s32 $0x400;
	s3 =	simm.s32 $0x80;
	v14 =	vimm.f32 $0.0e+00;
	v11 =	vld [tilespmem:s4+$0xAD40];
	v3 =	vmul.f32 v3, v4  }
0x2f6: {  	s31 =	sand.u32 $0xE000, s12;
	s14 =	sand.u32 $0x380, s3;
	v19 =	vmov s8;
	v12 =	vld [tilespmem:s4+$0xAD50];
	v5 =	vmul.f32 v6, v4;
	v8 =	vmul.f32 v8, v4  }
0x2f7: {  	s13 =	sor.u32 s14, s31;
	v7 =	vimm.f32 $0.0e+00;
	v15 =	vld [tilespmem:s4+$0xAD60];
	v17 =	vmul.f32 v10, v4;
	v18 =	vmul.f32 v13, v4  }
0x2f8: {  	v16 =	vld [tilespmem:s13+$0xAD70];
	v13 =	vimm.f32 $0.0e+00;
	v10 =	vimm.f32 $0.0e+00;
	v3 =	vadd.f32 v3, v7  }
0x2f9: {  	s14 =	simm.s32 $0x3;
	v5 =	vadd.f32 v5, v7;
	v8 =	vadd.f32 v8, v7;
	v6 =	vld.idx.msk [tilespmem:v9+s18+$0x0], $0xffff;
	v9 =	vimm.f32 $0.0e+00  }
.LBB2_29:
0x2fa: {  	p0 =	sne.s32 s14, $0x20;
	v19 =	vadd.s32 $0x78, v19;
	v20 =	vld [tilespmem:s13+$0xAD00];
	v7 =	vadd.f32 v17, v7;
	v11 =	vmul.f32 v11, v4  }
0x2fb: {  	v17 =	vbroadcast v19, $0x0;
	v19 =	vld [tilespmem:s13+$0xAD10];
	v14 =	vadd.f32 v18, v14;
	v12 =	vmul.f32 v12, v4  }
0x2fc: {  	v18 =	vld [tilespmem:s13+$0xAD20];
	v13 =	vadd.f32 v11, v13;
	v15 =	vmul.f32 v15, v4  }
0x2fd: {  	v21 =	vld [tilespmem:s13+$0xAD30];
	v9 =	vadd.f32 v12, v9  }
.Ltmp14:
0x2fe: {  	v4 =	vmov v6;
	v11 =	vld [tilespmem:s13+$0xAD40];
	v16 =	vmul.f32 v16, v6;
	v10 =	vadd.f32 v15, v10;
	(pc) =	sbr.rel @p0 .LBB2_29-.Ltmp14, $4  }
0x2ff: {  	s3 =	sadd.s32 $0x80, s3;
	s12 =	sadd.s32 $0x400, s12;
	v20 =	vmul.f32 v20, v4;
	v12 =	vld [tilespmem:s13+$0xAD50]  }
0x300: {  	s4 =	sand.u32 $0xE000, s12;
	s8 =	sand.u32 $0x380, s3;
	v22 =	vmul.f32 v19, v4;
	v15 =	vld [tilespmem:s13+$0xAD60];
	v3 =	vadd.f32 v16, v3  }
0x301: {  	s13 =	sor.u32 s8, s4;
	v6 =	vld.idx.msk [tilespmem:v17+s18+$0x0], $0xffff;
	v5 =	vadd.f32 v20, v5;
	v17 =	vmul.f32 v18, v4  }
0x302: {  	v19 =	vmov s14;
	s14 =	sadd.s32 $0x1, s14;
	v16 =	vld [tilespmem:s13+$0xAD70];
	v8 =	vadd.f32 v22, v8;
	v18 =	vmul.f32 v21, v4  }
0x303: {  	v20 =	vld [tilespmem:s13+$0xAD00]  }
0x304: {  	v19 =	vadd.s32 $0x78, v19;
	v21 =	vld [tilespmem:s13+$0xAD10]  }
0x305: {  	v22 =	vld [tilespmem:s13+$0xAD20];
	v19 =	vbroadcast v19, $0x0  }
0x306: {  	v23 =	vld [tilespmem:s13+$0xAD30]  }
0x307: {  	v24 =	vld [tilespmem:s13+$0xAD40];
	s3 =	sadd.s32 $0x80, s3;
	s4 =	sadd.s32 $0x400, s12  }
0x308: {  	v25 =	vld [tilespmem:s13+$0xAD50];
	s4 =	sand.u32 $0xE000, s4;
	s3 =	sand.u32 $0x380, s3  }
0x309: {  	v26 =	vld [tilespmem:s13+$0xAD60];
	v11 =	vmul.f32 v11, v4;
	s3 =	sor.u32 s3, s4  }
0x30a: {  	v7 =	vadd.f32 v17, v7;
	v12 =	vmul.f32 v12, v4;
	v4 =	vmul.f32 v15, v4;
	v15 =	vld [tilespmem:s3+$0xAD00]  }
0x30b: {  	v14 =	vadd.f32 v18, v14;
	v11 =	vadd.f32 v11, v13;
	v13 =	vmul.f32 v20, v6;
	v17 =	vld.idx.msk [tilespmem:v19+s18+$0x0], $0xffff  }
0x30c: {  	v4 =	vadd.f32 v4, v10;
	v18 =	vmul.f32 v21, v6;
	v10 =	vmul.f32 v22, v6;
	v19 =	vld [tilespmem:s3+$0xAD10]  }
0x30d: {  	v9 =	vadd.f32 v12, v9;
	v12 =	vld [tilespmem:s3+$0xAD20];
	v5 =	vadd.f32 v13, v5;
	v13 =	vmul.f32 v23, v6  }
0x30e: {  	v8 =	vadd.f32 v18, v8;
	v18 =	vld [tilespmem:s3+$0xAD30];
	v7 =	vadd.f32 v10, v7;
	v10 =	vmul.f32 v24, v6  }
0x30f: {  	v20 =	vld [tilespmem:s3+$0xAD40];
	v13 =	vadd.f32 v13, v14;
	v14 =	vmul.f32 v25, v6  }
0x310: {  	v63 =	vld [tilespmem:s3+$0xAD50];
	v16 =	vmul.f32 v16, v6;
	v10 =	vadd.f32 v10, v11;
	v15 =	vmul.f32 v15, v17  }
0x311: {  	v6 =	vmul.f32 v26, v6;
	v9 =	vadd.f32 v14, v9;
	v14 =	vld [tilespmem:s3+$0xAD70];
	v11 =	vmul.f32 v19, v17  }
0x312: {  	v19 =	vld [tilespmem:s3+$0xAD60];
	v12 =	vmul.f32 v12, v17;
	v5 =	vadd.f32 v15, v5  }
0x313: {  	v4 =	vadd.f32 v6, v4;
	v6 =	vadd.f32 v11, v8;
	v8 =	vmul.f32 v18, v17  }
0x314: {  	v7 =	vadd.f32 v12, v7;
	v11 =	vmul.f32 v20, v17;
	[tilespmem:$0x14980] =	vst v5  }
0x315: {  	v12 =	vmul.f32 v63, v17;
	v8 =	vadd.f32 v8, v13;
	[tilespmem:$0x14990] =	vst v6  }
0x316: {  	s17 =	simm.s32 $0x0;
	v3 =	vadd.f32 v16, v3;
	v6 =	vadd.f32 v11, v10;
	[tilespmem:$0x149A0] =	vst v7;
	v7 =	vmul.f32 v14, v17  }
0x317: {  	v5 =	vmov s17;
	v9 =	vadd.f32 v12, v9;
	v10 =	vmul.f32 v19, v17;
	[tilespmem:$0x149B0] =	vst v8  }
0x318: {  	v5 =	vadd.s32 $0xA0, v5;
	[tilespmem:$0x149C0] =	vst v6;
	v3 =	vadd.f32 v7, v3  }
0x319: {  	v5 =	vbroadcast v5, $0x0;
	[tilespmem:$0x149D0] =	vst v9;
	v4 =	vadd.f32 v10, v4  }
0x31a: {  	s21 =	sand.u32 $0xE000, s17;
	s3 =	sand.u32 $0x380, s17;
	[tilespmem:$0x149F0] =	vst v3  }
0x31b: {  	s4 =	sor.u32 s3, s21;
	[tilespmem:$0x149E0] =	vst v4  }
0x31c: {  	v3 =	vld [tilespmem:s4+$0xB170]  }
0x31d: {  	v6 =	vld [tilespmem:s4+$0xB100]  }
0x31e: {  	v8 =	vld [tilespmem:s4+$0xB110]  }
0x31f: {  	s22 =	simm.s32 $0x1;
	v4 =	vld.idx.msk [tilespmem:v5+s18+$0x0], $0xffff  }
0x320: {  	v10 =	vld [tilespmem:s4+$0xB120];
	v5 =	vmov s22  }
0x321: {  	v13 =	vld [tilespmem:s4+$0xB130];
	v5 =	vadd.s32 $0xA0, v5  }
0x322: {  	v9 =	vbroadcast v5, $0x0;
	_ =	sdelay $0x1  }
0x323: {  	s8 =	simm.s32 $0x2;
	s12 =	simm.s32 $0x400;
	s3 =	simm.s32 $0x80;
	v14 =	vimm.f32 $0.0e+00;
	v11 =	vld [tilespmem:s4+$0xB140];
	v3 =	vmul.f32 v3, v4  }
0x324: {  	s31 =	sand.u32 $0xE000, s12;
	s14 =	sand.u32 $0x380, s3;
	v19 =	vmov s8;
	v12 =	vld [tilespmem:s4+$0xB150];
	v5 =	vmul.f32 v6, v4;
	v8 =	vmul.f32 v8, v4  }
0x325: {  	s13 =	sor.u32 s14, s31;
	v7 =	vimm.f32 $0.0e+00;
	v15 =	vld [tilespmem:s4+$0xB160];
	v17 =	vmul.f32 v10, v4;
	v18 =	vmul.f32 v13, v4  }
0x326: {  	v16 =	vld [tilespmem:s13+$0xB170];
	v13 =	vimm.f32 $0.0e+00;
	v10 =	vimm.f32 $0.0e+00;
	v3 =	vadd.f32 v3, v7  }
0x327: {  	s14 =	simm.s32 $0x3;
	v5 =	vadd.f32 v5, v7;
	v8 =	vadd.f32 v8, v7;
	v6 =	vld.idx.msk [tilespmem:v9+s18+$0x0], $0xffff;
	v9 =	vimm.f32 $0.0e+00  }
.LBB2_31:
0x328: {  	p0 =	sne.s32 s14, $0x20;
	v19 =	vadd.s32 $0xA0, v19;
	v20 =	vld [tilespmem:s13+$0xB100];
	v7 =	vadd.f32 v17, v7;
	v11 =	vmul.f32 v11, v4  }
0x329: {  	v17 =	vbroadcast v19, $0x0;
	v19 =	vld [tilespmem:s13+$0xB110];
	v14 =	vadd.f32 v18, v14;
	v12 =	vmul.f32 v12, v4  }
0x32a: {  	v18 =	vld [tilespmem:s13+$0xB120];
	v13 =	vadd.f32 v11, v13;
	v15 =	vmul.f32 v15, v4  }
0x32b: {  	v21 =	vld [tilespmem:s13+$0xB130];
	v9 =	vadd.f32 v12, v9  }
.Ltmp15:
0x32c: {  	v4 =	vmov v6;
	v11 =	vld [tilespmem:s13+$0xB140];
	v16 =	vmul.f32 v16, v6;
	v10 =	vadd.f32 v15, v10;
	(pc) =	sbr.rel @p0 .LBB2_31-.Ltmp15, $4  }
0x32d: {  	s3 =	sadd.s32 $0x80, s3;
	s12 =	sadd.s32 $0x400, s12;
	v20 =	vmul.f32 v20, v4;
	v12 =	vld [tilespmem:s13+$0xB150]  }
0x32e: {  	s4 =	sand.u32 $0xE000, s12;
	s8 =	sand.u32 $0x380, s3;
	v22 =	vmul.f32 v19, v4;
	v15 =	vld [tilespmem:s13+$0xB160];
	v3 =	vadd.f32 v16, v3  }
0x32f: {  	s13 =	sor.u32 s8, s4;
	v6 =	vld.idx.msk [tilespmem:v17+s18+$0x0], $0xffff;
	v5 =	vadd.f32 v20, v5;
	v17 =	vmul.f32 v18, v4  }
0x330: {  	v19 =	vmov s14;
	s14 =	sadd.s32 $0x1, s14;
	v16 =	vld [tilespmem:s13+$0xB170];
	v8 =	vadd.f32 v22, v8;
	v18 =	vmul.f32 v21, v4  }
0x331: {  	v20 =	vld [tilespmem:s13+$0xB100]  }
0x332: {  	v19 =	vadd.s32 $0xA0, v19;
	v21 =	vld [tilespmem:s13+$0xB110]  }
0x333: {  	v22 =	vld [tilespmem:s13+$0xB120];
	v19 =	vbroadcast v19, $0x0  }
0x334: {  	v23 =	vld [tilespmem:s13+$0xB130]  }
0x335: {  	v24 =	vld [tilespmem:s13+$0xB140];
	s3 =	sadd.s32 $0x80, s3;
	s4 =	sadd.s32 $0x400, s12  }
0x336: {  	v25 =	vld [tilespmem:s13+$0xB150];
	s4 =	sand.u32 $0xE000, s4;
	s3 =	sand.u32 $0x380, s3  }
0x337: {  	v26 =	vld [tilespmem:s13+$0xB160];
	v11 =	vmul.f32 v11, v4;
	s3 =	sor.u32 s3, s4  }
0x338: {  	v7 =	vadd.f32 v17, v7;
	v12 =	vmul.f32 v12, v4;
	v4 =	vmul.f32 v15, v4;
	v15 =	vld [tilespmem:s3+$0xB100]  }
0x339: {  	v14 =	vadd.f32 v18, v14;
	v11 =	vadd.f32 v11, v13;
	v13 =	vmul.f32 v20, v6;
	v17 =	vld.idx.msk [tilespmem:v19+s18+$0x0], $0xffff  }
0x33a: {  	v4 =	vadd.f32 v4, v10;
	v18 =	vmul.f32 v21, v6;
	v10 =	vmul.f32 v22, v6;
	v19 =	vld [tilespmem:s3+$0xB110]  }
0x33b: {  	v9 =	vadd.f32 v12, v9;
	v12 =	vld [tilespmem:s3+$0xB120];
	v5 =	vadd.f32 v13, v5;
	v13 =	vmul.f32 v23, v6  }
0x33c: {  	v8 =	vadd.f32 v18, v8;
	v18 =	vld [tilespmem:s3+$0xB130];
	v7 =	vadd.f32 v10, v7;
	v10 =	vmul.f32 v24, v6  }
0x33d: {  	v20 =	vld [tilespmem:s3+$0xB140];
	v13 =	vadd.f32 v13, v14;
	v14 =	vmul.f32 v25, v6  }
0x33e: {  	v63 =	vld [tilespmem:s3+$0xB150];
	v16 =	vmul.f32 v16, v6;
	v10 =	vadd.f32 v10, v11;
	v15 =	vmul.f32 v15, v17  }
0x33f: {  	v6 =	vmul.f32 v26, v6;
	v9 =	vadd.f32 v14, v9;
	v14 =	vld [tilespmem:s3+$0xB170];
	v11 =	vmul.f32 v19, v17  }
0x340: {  	v19 =	vld [tilespmem:s3+$0xB160];
	v12 =	vmul.f32 v12, v17;
	v5 =	vadd.f32 v15, v5  }
0x341: {  	v4 =	vadd.f32 v6, v4;
	v6 =	vadd.f32 v11, v8;
	v8 =	vmul.f32 v18, v17  }
0x342: {  	v7 =	vadd.f32 v12, v7;
	v11 =	vmul.f32 v20, v17;
	[tilespmem:$0x14A00] =	vst v5  }
0x343: {  	v12 =	vmul.f32 v63, v17;
	v8 =	vadd.f32 v8, v13;
	[tilespmem:$0x14A10] =	vst v6  }
0x344: {  	s17 =	simm.s32 $0x0;
	v3 =	vadd.f32 v16, v3;
	v6 =	vadd.f32 v11, v10;
	[tilespmem:$0x14A20] =	vst v7;
	v7 =	vmul.f32 v14, v17  }
0x345: {  	v5 =	vmov s17;
	v9 =	vadd.f32 v12, v9;
	v10 =	vmul.f32 v19, v17;
	[tilespmem:$0x14A30] =	vst v8  }
0x346: {  	v5 =	vadd.s32 $0xC8, v5;
	[tilespmem:$0x14A40] =	vst v6;
	v3 =	vadd.f32 v7, v3  }
0x347: {  	v5 =	vbroadcast v5, $0x0;
	[tilespmem:$0x14A50] =	vst v9;
	v4 =	vadd.f32 v10, v4  }
0x348: {  	s21 =	sand.u32 $0xE000, s17;
	s3 =	sand.u32 $0x380, s17;
	[tilespmem:$0x14A70] =	vst v3  }
0x349: {  	s4 =	sor.u32 s3, s21;
	[tilespmem:$0x14A60] =	vst v4  }
0x34a: {  	v3 =	vld [tilespmem:s4+$0xB570]  }
0x34b: {  	v6 =	vld [tilespmem:s4+$0xB500]  }
0x34c: {  	v8 =	vld [tilespmem:s4+$0xB510]  }
0x34d: {  	s22 =	simm.s32 $0x1;
	v4 =	vld.idx.msk [tilespmem:v5+s18+$0x0], $0xffff  }
0x34e: {  	v10 =	vld [tilespmem:s4+$0xB520];
	v5 =	vmov s22  }
0x34f: {  	v13 =	vld [tilespmem:s4+$0xB530];
	v5 =	vadd.s32 $0xC8, v5  }
0x350: {  	v9 =	vbroadcast v5, $0x0;
	_ =	sdelay $0x1  }
0x351: {  	s8 =	simm.s32 $0x2;
	s12 =	simm.s32 $0x400;
	s3 =	simm.s32 $0x80;
	v14 =	vimm.f32 $0.0e+00;
	v11 =	vld [tilespmem:s4+$0xB540];
	v3 =	vmul.f32 v3, v4  }
0x352: {  	s31 =	sand.u32 $0xE000, s12;
	s14 =	sand.u32 $0x380, s3;
	v19 =	vmov s8;
	v12 =	vld [tilespmem:s4+$0xB550];
	v5 =	vmul.f32 v6, v4;
	v8 =	vmul.f32 v8, v4  }
0x353: {  	s13 =	sor.u32 s14, s31;
	v7 =	vimm.f32 $0.0e+00;
	v15 =	vld [tilespmem:s4+$0xB560];
	v17 =	vmul.f32 v10, v4;
	v18 =	vmul.f32 v13, v4  }
0x354: {  	v16 =	vld [tilespmem:s13+$0xB570];
	v13 =	vimm.f32 $0.0e+00;
	v10 =	vimm.f32 $0.0e+00;
	v3 =	vadd.f32 v3, v7  }
0x355: {  	s14 =	simm.s32 $0x3;
	v5 =	vadd.f32 v5, v7;
	v8 =	vadd.f32 v8, v7;
	v6 =	vld.idx.msk [tilespmem:v9+s18+$0x0], $0xffff;
	v9 =	vimm.f32 $0.0e+00  }
.LBB2_33:
0x356: {  	p0 =	sne.s32 s14, $0x20;
	v19 =	vadd.s32 $0xC8, v19;
	v20 =	vld [tilespmem:s13+$0xB500];
	v7 =	vadd.f32 v17, v7;
	v11 =	vmul.f32 v11, v4  }
0x357: {  	v17 =	vbroadcast v19, $0x0;
	v19 =	vld [tilespmem:s13+$0xB510];
	v14 =	vadd.f32 v18, v14;
	v12 =	vmul.f32 v12, v4  }
0x358: {  	v18 =	vld [tilespmem:s13+$0xB520];
	v13 =	vadd.f32 v11, v13;
	v15 =	vmul.f32 v15, v4  }
0x359: {  	v21 =	vld [tilespmem:s13+$0xB530];
	v9 =	vadd.f32 v12, v9  }
.Ltmp16:
0x35a: {  	v4 =	vmov v6;
	v11 =	vld [tilespmem:s13+$0xB540];
	v16 =	vmul.f32 v16, v6;
	v10 =	vadd.f32 v15, v10;
	(pc) =	sbr.rel @p0 .LBB2_33-.Ltmp16, $4  }
0x35b: {  	s3 =	sadd.s32 $0x80, s3;
	s12 =	sadd.s32 $0x400, s12;
	v20 =	vmul.f32 v20, v4;
	v12 =	vld [tilespmem:s13+$0xB550]  }
0x35c: {  	s4 =	sand.u32 $0xE000, s12;
	s8 =	sand.u32 $0x380, s3;
	v22 =	vmul.f32 v19, v4;
	v15 =	vld [tilespmem:s13+$0xB560];
	v3 =	vadd.f32 v16, v3  }
0x35d: {  	s13 =	sor.u32 s8, s4;
	v6 =	vld.idx.msk [tilespmem:v17+s18+$0x0], $0xffff;
	v5 =	vadd.f32 v20, v5;
	v17 =	vmul.f32 v18, v4  }
0x35e: {  	v19 =	vmov s14;
	s14 =	sadd.s32 $0x1, s14;
	v16 =	vld [tilespmem:s13+$0xB570];
	v8 =	vadd.f32 v22, v8;
	v18 =	vmul.f32 v21, v4  }
0x35f: {  	v20 =	vld [tilespmem:s13+$0xB500]  }
0x360: {  	v19 =	vadd.s32 $0xC8, v19;
	v21 =	vld [tilespmem:s13+$0xB510]  }
0x361: {  	v22 =	vld [tilespmem:s13+$0xB520];
	v19 =	vbroadcast v19, $0x0  }
0x362: {  	v23 =	vld [tilespmem:s13+$0xB530]  }
0x363: {  	v24 =	vld [tilespmem:s13+$0xB540];
	s3 =	sadd.s32 $0x80, s3;
	s4 =	sadd.s32 $0x400, s12  }
0x364: {  	v25 =	vld [tilespmem:s13+$0xB550];
	s4 =	sand.u32 $0xE000, s4;
	s3 =	sand.u32 $0x380, s3  }
0x365: {  	v26 =	vld [tilespmem:s13+$0xB560];
	v11 =	vmul.f32 v11, v4;
	s3 =	sor.u32 s3, s4  }
0x366: {  	v7 =	vadd.f32 v17, v7;
	v12 =	vmul.f32 v12, v4;
	v4 =	vmul.f32 v15, v4;
	v15 =	vld [tilespmem:s3+$0xB500]  }
0x367: {  	v14 =	vadd.f32 v18, v14;
	v11 =	vadd.f32 v11, v13;
	v13 =	vmul.f32 v20, v6;
	v17 =	vld.idx.msk [tilespmem:v19+s18+$0x0], $0xffff  }
0x368: {  	v4 =	vadd.f32 v4, v10;
	v18 =	vmul.f32 v21, v6;
	v10 =	vmul.f32 v22, v6;
	v19 =	vld [tilespmem:s3+$0xB510]  }
0x369: {  	v9 =	vadd.f32 v12, v9;
	v12 =	vld [tilespmem:s3+$0xB520];
	v5 =	vadd.f32 v13, v5;
	v13 =	vmul.f32 v23, v6  }
0x36a: {  	v8 =	vadd.f32 v18, v8;
	v18 =	vld [tilespmem:s3+$0xB530];
	v7 =	vadd.f32 v10, v7;
	v10 =	vmul.f32 v24, v6  }
0x36b: {  	v20 =	vld [tilespmem:s3+$0xB540];
	v13 =	vadd.f32 v13, v14;
	v14 =	vmul.f32 v25, v6  }
0x36c: {  	v63 =	vld [tilespmem:s3+$0xB550];
	v16 =	vmul.f32 v16, v6;
	v10 =	vadd.f32 v10, v11;
	v15 =	vmul.f32 v15, v17  }
0x36d: {  	v6 =	vmul.f32 v26, v6;
	v9 =	vadd.f32 v14, v9;
	v14 =	vld [tilespmem:s3+$0xB570];
	v11 =	vmul.f32 v19, v17  }
0x36e: {  	v19 =	vld [tilespmem:s3+$0xB560];
	v12 =	vmul.f32 v12, v17;
	v5 =	vadd.f32 v15, v5  }
0x36f: {  	v4 =	vadd.f32 v6, v4;
	v6 =	vadd.f32 v11, v8;
	v8 =	vmul.f32 v18, v17  }
0x370: {  	v7 =	vadd.f32 v12, v7;
	v11 =	vmul.f32 v20, v17;
	[tilespmem:$0x14A80] =	vst v5  }
0x371: {  	v12 =	vmul.f32 v63, v17;
	v8 =	vadd.f32 v8, v13;
	[tilespmem:$0x14A90] =	vst v6  }
0x372: {  	s17 =	simm.s32 $0x0;
	v3 =	vadd.f32 v16, v3;
	v6 =	vadd.f32 v11, v10;
	[tilespmem:$0x14AA0] =	vst v7;
	v7 =	vmul.f32 v14, v17  }
0x373: {  	v5 =	vmov s17;
	v9 =	vadd.f32 v12, v9;
	v10 =	vmul.f32 v19, v17;
	[tilespmem:$0x14AB0] =	vst v8  }
0x374: {  	v5 =	vadd.s32 $0xF0, v5;
	[tilespmem:$0x14AC0] =	vst v6;
	v3 =	vadd.f32 v7, v3  }
0x375: {  	v5 =	vbroadcast v5, $0x0;
	[tilespmem:$0x14AD0] =	vst v9;
	v4 =	vadd.f32 v10, v4  }
0x376: {  	s21 =	sand.u32 $0xE000, s17;
	s3 =	sand.u32 $0x380, s17;
	[tilespmem:$0x14AF0] =	vst v3  }
0x377: {  	s4 =	sor.u32 s3, s21;
	[tilespmem:$0x14AE0] =	vst v4  }
0x378: {  	v3 =	vld [tilespmem:s4+$0xB970]  }
0x379: {  	v6 =	vld [tilespmem:s4+$0xB900]  }
0x37a: {  	v8 =	vld [tilespmem:s4+$0xB910]  }
0x37b: {  	s22 =	simm.s32 $0x1;
	v4 =	vld.idx.msk [tilespmem:v5+s18+$0x0], $0xffff  }
0x37c: {  	v10 =	vld [tilespmem:s4+$0xB920];
	v5 =	vmov s22  }
0x37d: {  	v13 =	vld [tilespmem:s4+$0xB930];
	v5 =	vadd.s32 $0xF0, v5  }
0x37e: {  	v9 =	vbroadcast v5, $0x0;
	_ =	sdelay $0x1  }
0x37f: {  	s8 =	simm.s32 $0x2;
	s12 =	simm.s32 $0x400;
	s3 =	simm.s32 $0x80;
	v14 =	vimm.f32 $0.0e+00;
	v11 =	vld [tilespmem:s4+$0xB940];
	v3 =	vmul.f32 v3, v4  }
0x380: {  	s31 =	sand.u32 $0xE000, s12;
	s14 =	sand.u32 $0x380, s3;
	v19 =	vmov s8;
	v12 =	vld [tilespmem:s4+$0xB950];
	v5 =	vmul.f32 v6, v4;
	v8 =	vmul.f32 v8, v4  }
0x381: {  	s13 =	sor.u32 s14, s31;
	v7 =	vimm.f32 $0.0e+00;
	v15 =	vld [tilespmem:s4+$0xB960];
	v17 =	vmul.f32 v10, v4;
	v18 =	vmul.f32 v13, v4  }
0x382: {  	v16 =	vld [tilespmem:s13+$0xB970];
	v13 =	vimm.f32 $0.0e+00;
	v10 =	vimm.f32 $0.0e+00;
	v3 =	vadd.f32 v3, v7  }
0x383: {  	s14 =	simm.s32 $0x3;
	v5 =	vadd.f32 v5, v7;
	v8 =	vadd.f32 v8, v7;
	v6 =	vld.idx.msk [tilespmem:v9+s18+$0x0], $0xffff;
	v9 =	vimm.f32 $0.0e+00  }
.LBB2_35:
0x384: {  	p0 =	sne.s32 s14, $0x20;
	v19 =	vadd.s32 $0xF0, v19;
	v20 =	vld [tilespmem:s13+$0xB900];
	v7 =	vadd.f32 v17, v7;
	v11 =	vmul.f32 v11, v4  }
0x385: {  	v17 =	vbroadcast v19, $0x0;
	v19 =	vld [tilespmem:s13+$0xB910];
	v14 =	vadd.f32 v18, v14;
	v12 =	vmul.f32 v12, v4  }
0x386: {  	v18 =	vld [tilespmem:s13+$0xB920];
	v13 =	vadd.f32 v11, v13;
	v15 =	vmul.f32 v15, v4  }
0x387: {  	v21 =	vld [tilespmem:s13+$0xB930];
	v9 =	vadd.f32 v12, v9  }
.Ltmp17:
0x388: {  	v4 =	vmov v6;
	v11 =	vld [tilespmem:s13+$0xB940];
	v16 =	vmul.f32 v16, v6;
	v10 =	vadd.f32 v15, v10;
	(pc) =	sbr.rel @p0 .LBB2_35-.Ltmp17, $4  }
0x389: {  	s3 =	sadd.s32 $0x80, s3;
	s12 =	sadd.s32 $0x400, s12;
	v20 =	vmul.f32 v20, v4;
	v12 =	vld [tilespmem:s13+$0xB950]  }
0x38a: {  	s4 =	sand.u32 $0xE000, s12;
	s8 =	sand.u32 $0x380, s3;
	v22 =	vmul.f32 v19, v4;
	v15 =	vld [tilespmem:s13+$0xB960];
	v3 =	vadd.f32 v16, v3  }
0x38b: {  	s13 =	sor.u32 s8, s4;
	v6 =	vld.idx.msk [tilespmem:v17+s18+$0x0], $0xffff;
	v5 =	vadd.f32 v20, v5;
	v17 =	vmul.f32 v18, v4  }
0x38c: {  	v19 =	vmov s14;
	s14 =	sadd.s32 $0x1, s14;
	v16 =	vld [tilespmem:s13+$0xB970];
	v8 =	vadd.f32 v22, v8;
	v18 =	vmul.f32 v21, v4  }
0x38d: {  	v20 =	vld [tilespmem:s13+$0xB900]  }
0x38e: {  	v19 =	vadd.s32 $0xF0, v19;
	v21 =	vld [tilespmem:s13+$0xB910]  }
0x38f: {  	v22 =	vld [tilespmem:s13+$0xB920];
	v19 =	vbroadcast v19, $0x0  }
0x390: {  	v23 =	vld [tilespmem:s13+$0xB930]  }
0x391: {  	v24 =	vld [tilespmem:s13+$0xB940];
	s3 =	sadd.s32 $0x80, s3;
	s4 =	sadd.s32 $0x400, s12  }
0x392: {  	v25 =	vld [tilespmem:s13+$0xB950];
	s4 =	sand.u32 $0xE000, s4;
	s3 =	sand.u32 $0x380, s3  }
0x393: {  	v26 =	vld [tilespmem:s13+$0xB960];
	v11 =	vmul.f32 v11, v4;
	s3 =	sor.u32 s3, s4  }
0x394: {  	v7 =	vadd.f32 v17, v7;
	v12 =	vmul.f32 v12, v4;
	v4 =	vmul.f32 v15, v4;
	v15 =	vld [tilespmem:s3+$0xB900]  }
0x395: {  	v14 =	vadd.f32 v18, v14;
	v11 =	vadd.f32 v11, v13;
	v13 =	vmul.f32 v20, v6;
	v17 =	vld.idx.msk [tilespmem:v19+s18+$0x0], $0xffff  }
0x396: {  	v4 =	vadd.f32 v4, v10;
	v18 =	vmul.f32 v21, v6;
	v10 =	vmul.f32 v22, v6;
	v19 =	vld [tilespmem:s3+$0xB910]  }
0x397: {  	v9 =	vadd.f32 v12, v9;
	v12 =	vld [tilespmem:s3+$0xB920];
	v5 =	vadd.f32 v13, v5;
	v13 =	vmul.f32 v23, v6  }
0x398: {  	v8 =	vadd.f32 v18, v8;
	v18 =	vld [tilespmem:s3+$0xB930];
	v7 =	vadd.f32 v10, v7;
	v10 =	vmul.f32 v24, v6  }
0x399: {  	v20 =	vld [tilespmem:s3+$0xB940];
	v13 =	vadd.f32 v13, v14;
	v14 =	vmul.f32 v25, v6  }
0x39a: {  	v63 =	vld [tilespmem:s3+$0xB950];
	v16 =	vmul.f32 v16, v6;
	v10 =	vadd.f32 v10, v11;
	v15 =	vmul.f32 v15, v17  }
0x39b: {  	v6 =	vmul.f32 v26, v6;
	v9 =	vadd.f32 v14, v9;
	v14 =	vld [tilespmem:s3+$0xB970];
	v11 =	vmul.f32 v19, v17  }
0x39c: {  	v19 =	vld [tilespmem:s3+$0xB960];
	v12 =	vmul.f32 v12, v17;
	v5 =	vadd.f32 v15, v5  }
0x39d: {  	v4 =	vadd.f32 v6, v4;
	v6 =	vadd.f32 v11, v8;
	v8 =	vmul.f32 v18, v17  }
0x39e: {  	v7 =	vadd.f32 v12, v7;
	v11 =	vmul.f32 v20, v17;
	[tilespmem:$0x14B00] =	vst v5  }
0x39f: {  	v12 =	vmul.f32 v63, v17;
	v8 =	vadd.f32 v8, v13;
	[tilespmem:$0x14B10] =	vst v6  }
0x3a0: {  	s17 =	simm.s32 $0x0;
	v3 =	vadd.f32 v16, v3;
	v6 =	vadd.f32 v11, v10;
	[tilespmem:$0x14B20] =	vst v7;
	v7 =	vmul.f32 v14, v17  }
0x3a1: {  	v5 =	vmov s17;
	v9 =	vadd.f32 v12, v9;
	v10 =	vmul.f32 v19, v17;
	[tilespmem:$0x14B30] =	vst v8  }
0x3a2: {  	s3 =	sand.u32 $0x7, s17;
	v5 =	vadd.s32 $0x118, v5;
	[tilespmem:$0x14B40] =	vst v6;
	v3 =	vadd.f32 v7, v3  }
0x3a3: {  	s3 =	sshll.u32 s3, $0x7;
	v5 =	vbroadcast v5, $0x0;
	[tilespmem:$0x14B50] =	vst v9;
	v4 =	vadd.f32 v10, v4  }
0x3a4: {  	s4 =	sadd.s32 $0x0, s3;
	[tilespmem:$0x14B70] =	vst v3  }
0x3a5: {  	s8 =	sor.u32 $0x1C70, s4;
	[tilespmem:$0x14B60] =	vst v4  }
0x3a6: {  	s21 =	sor.u32 $0x1C00, s4;
	v3 =	vld [tilespmem:s8+$0xA100]  }
0x3a7: {  	s22 =	sor.u32 $0x1C10, s4;
	v6 =	vld [tilespmem:s21+$0xA100]  }
0x3a8: {  	s3 =	simm.s32 $0x1;
	v8 =	vld [tilespmem:s22+$0xA100]  }
0x3a9: {  	s31 =	sor.u32 $0x1C20, s4;
	v4 =	vld.idx.msk [tilespmem:v5+s18+$0x0], $0xffff;
	v5 =	vmov s3  }
0x3aa: {  	s13 =	sor.u32 $0x1C30, s4;
	v9 =	vld [tilespmem:s31+$0xA100];
	v5 =	vadd.s32 $0x118, v5  }
0x3ab: {  	v10 =	vld [tilespmem:s13+$0xA100];
	v5 =	vbroadcast v5, $0x0  }
0x3ac: {  	s14 =	sor.u32 $0x1C40, s4;
	s21 =	sand.u32 $0x7, s3  }
0x3ad: {  	s17 =	sor.u32 $0x1C50, s4;
	v12 =	vimm.f32 $0.0e+00;
	v13 =	vimm.f32 $0.0e+00;
	v14 =	vld [tilespmem:s14+$0xA100];
	s13 =	sshll.u32 s21, $0x7  }
0x3ae: {  	s4 =	sor.u32 $0x1C60, s4;
	v7 =	vimm.f32 $0.0e+00;
	s22 =	simm.s32 $0x2;
	v15 =	vld [tilespmem:s17+$0xA100];
	s13 =	sadd.s32 $0x400, s13;
	v3 =	vmul.f32 v3, v4;
	v6 =	vmul.f32 v6, v4  }
0x3af: {  	v16 =	vld [tilespmem:s4+$0xA100];
	v19 =	vmov s22;
	s31 =	sor.u32 $0x1C70, s13;
	v8 =	vmul.f32 v8, v4;
	v17 =	vmul.f32 v9, v4  }
0x3b0: {  	s12 =	simm.s32 $0x400;
	s14 =	simm.s32 $0x3;
	s8 =	sor.u32 $0x1C00, s13;
	v11 =	vld [tilespmem:s31+$0xA100];
	v18 =	vmul.f32 v10, v4;
	v10 =	vimm.f32 $0.0e+00;
	v3 =	vadd.f32 v3, v7  }
0x3b1: {  	s17 =	sor.u32 $0x1C10, s13;
	s22 =	sor.u32 $0x1C20, s13;
	s21 =	sor.u32 $0x1C30, s13;
	v9 =	vimm.f32 $0.0e+00;
	v6 =	vadd.f32 v6, v7;
	v8 =	vadd.f32 v8, v7;
	v5 =	vld.idx.msk [tilespmem:v5+s18+$0x0], $0xffff  }
.LBB2_37:
0x3b2: {  	p0 =	sne.s32 s14, $0x20;
	v19 =	vadd.s32 $0x118, v19;
	v20 =	vld [tilespmem:s8+$0xA100];
	s4 =	sor.u32 $0x1C40, s13;
	s8 =	sor.u32 $0x1C50, s13;
	v7 =	vadd.f32 v17, v7;
	v14 =	vmul.f32 v14, v4  }
0x3b3: {  	v17 =	vbroadcast v19, $0x0;
	v19 =	vld [tilespmem:s17+$0xA100];
	s17 =	sor.u32 $0x1C60, s13;
	v10 =	vadd.f32 v18, v10;
	v15 =	vmul.f32 v15, v4  }
0x3b4: {  	v18 =	vld [tilespmem:s22+$0xA100];
	v12 =	vadd.f32 v14, v12;
	v16 =	vmul.f32 v16, v4  }
0x3b5: {  	s3 =	sadd.s32 $0x1, s3;
	v21 =	vld [tilespmem:s21+$0xA100];
	v13 =	vadd.f32 v15, v13  }
.Ltmp18:
0x3b6: {  	s13 =	sand.u32 $0x7, s3;
	v4 =	vmov v5;
	v14 =	vld [tilespmem:s4+$0xA100];
	v11 =	vmul.f32 v11, v5;
	v9 =	vadd.f32 v16, v9;
	(pc) =	sbr.rel @p0 .LBB2_37-.Ltmp18, $4  }
0x3b7: {  	s12 =	sadd.s32 $0x400, s12;
	s4 =	sshll.u32 s13, $0x7;
	v20 =	vmul.f32 v20, v4;
	v15 =	vld [tilespmem:s8+$0xA100]  }
0x3b8: {  	s13 =	sadd.s32 s4, s12;
	v22 =	vmul.f32 v19, v4;
	v16 =	vld [tilespmem:s17+$0xA100];
	v3 =	vadd.f32 v11, v3  }
0x3b9: {  	s8 =	sor.u32 $0x1C00, s13;
	s17 =	sor.u32 $0x1C10, s13;
	s4 =	sor.u32 $0x1C70, s13;
	v5 =	vld.idx.msk [tilespmem:v17+s18+$0x0], $0xffff;
	v6 =	vadd.f32 v20, v6;
	v17 =	vmul.f32 v18, v4  }
0x3ba: {  	v19 =	vmov s14;
	s14 =	sadd.s32 $0x1, s14;
	s22 =	sor.u32 $0x1C20, s13;
	s21 =	sor.u32 $0x1C30, s13;
	v11 =	vld [tilespmem:s4+$0xA100];
	v8 =	vadd.f32 v22, v8;
	v18 =	vmul.f32 v21, v4  }
0x3bb: {  	v20 =	vld [tilespmem:s8+$0xA100]  }
0x3bc: {  	v19 =	vadd.s32 $0x118, v19;
	v21 =	vld [tilespmem:s17+$0xA100]  }
0x3bd: {  	v22 =	vld [tilespmem:s22+$0xA100];
	s3 =	sadd.s32 $0x1, s3;
	v19 =	vbroadcast v19, $0x0  }
0x3be: {  	s4 =	sor.u32 $0x1C40, s13;
	v23 =	vld [tilespmem:s21+$0xA100];
	s3 =	sand.u32 $0x7, s3  }
0x3bf: {  	s21 =	sor.u32 $0x1C50, s13;
	s31 =	sadd.s32 $0x400, s12;
	v24 =	vld [tilespmem:s4+$0xA100];
	s3 =	sshll.u32 s3, $0x7  }
0x3c0: {  	s22 =	sor.u32 $0x1C60, s13;
	v25 =	vld [tilespmem:s21+$0xA100];
	s3 =	sadd.s32 s3, s31  }
0x3c1: {  	v26 =	vld [tilespmem:s22+$0xA100];
	s12 =	sor.u32 $0x1C00, s3  }
0x3c2: {  	v27 =	vld [tilespmem:s12+$0xA100]  }
0x3c3: {  	v14 =	vmul.f32 v14, v4;
	v7 =	vadd.f32 v17, v7;
	s8 =	sor.u32 $0x1C10, s3;
	v19 =	vld.idx.msk [tilespmem:v19+s18+$0x0], $0xffff  }
0x3c4: {  	v15 =	vmul.f32 v15, v4;
	v10 =	vadd.f32 v18, v10;
	v41 =	vmul.f32 v16, v4;
	s13 =	sor.u32 $0x1C20, s3;
	v42 =	vld [tilespmem:s8+$0xA100]  }
0x3c5: {  	v12 =	vadd.f32 v14, v12;
	s14 =	sor.u32 $0x1C30, s3;
	v11 =	vmul.f32 v11, v5;
	v43 =	vmul.f32 v20, v5;
	v44 =	vld [tilespmem:s13+$0xA100]  }
0x3c6: {  	v13 =	vadd.f32 v15, v13;
	s17 =	sor.u32 $0x1C40, s3;
	v45 =	vmul.f32 v21, v5;
	v46 =	vmul.f32 v22, v5;
	v47 =	vld [tilespmem:s14+$0xA100]  }
0x3c7: {  	v4 =	vadd.f32 v41, v9;
	s22 =	sor.u32 $0x1C60, s3;
	v48 =	vmul.f32 v23, v5;
	v50 =	vld [tilespmem:s17+$0xA100];
	v49 =	vmul.f32 v24, v5  }
0x3c8: {  	s21 =	sor.u32 $0x1C50, s3;
	s3 =	sor.u32 $0x1C70, s3;
	v54 =	vld [tilespmem:s22+$0xA100];
	v56 =	vmul.f32 v25, v5;
	v6 =	vadd.f32 v43, v6;
	v51 =	vmul.f32 v27, v19  }
0x3c9: {  	v55 =	vld [tilespmem:s3+$0xA100];
	v57 =	vmul.f32 v26, v5;
	v8 =	vadd.f32 v45, v8;
	v53 =	vmul.f32 v42, v19  }
0x3ca: {  	v52 =	vld [tilespmem:s21+$0xA100];
	v7 =	vadd.f32 v46, v7;
	v15 =	vmul.f32 v44, v19;
	v6 =	vadd.f32 v51, v6  }
0x3cb: {  	v10 =	vadd.f32 v48, v10;
	v18 =	vmul.f32 v47, v19;
	v8 =	vadd.f32 v53, v8  }
0x3cc: {  	v12 =	vadd.f32 v49, v12;
	v58 =	vmul.f32 v50, v19;
	v7 =	vadd.f32 v15, v7;
	[tilespmem:$0x14B80] =	vst v6  }
0x3cd: {  	v4 =	vadd.f32 v57, v4;
	v62 =	vmul.f32 v54, v19;
	v10 =	vadd.f32 v18, v10;
	[tilespmem:$0x14B90] =	vst v8  }
0x3ce: {  	s29 =	sadd.s32 $0x1, s29;
	v3 =	vadd.f32 v11, v3;
	v63 =	vmul.f32 v55, v19;
	v61 =	vadd.f32 v58, v12;
	[tilespmem:$0x14BA0] =	vst v7  }
0x3cf: {  	p0 =	sne.s32 s29, $0x80;
	v59 =	vadd.f32 v56, v13;
	v60 =	vmul.f32 v52, v19;
	v4 =	vadd.f32 v62, v4;
	[tilespmem:$0x14BB0] =	vst v10  }
.Ltmp19:
0x3d0: {  	v3 =	vadd.f32 v63, v3;
	[tilespmem:$0x14BC0] =	vst v61;
	(pc) =	sbr.rel @p0 .LBB2_2-.Ltmp19, $4  }
0x3d1: {  	v6 =	vadd.f32 v60, v59;
	[tilespmem:$0x14BE0] =	vst v4  }
0x3d2: {  	s0 =	sadd.s32 s6, s0;
	[tilespmem:$0x14BF0] =	vst v3  }
0x3d3: {  	s0 =	sadd.s32 s30, s0;
	s31 =	simm.s32 $0x14800;
	[tilespmem:$0x14BD0] =	vst v6  }
0x3d4: {  	[hbm4b:s0+s26] =	stream.strided.scatter [tilespmem:s31], [sflag:$0x8], $0x400, s28, s26, $0x38;
	[tilespmem:$0x14C00] =	vst v63  }
0x3d5: {  	s0 =	simm.s32 $0x7  }
0x3d6: {  	_ =	swait.ge [sflag:s0], $0x400  }
0x3d7: {  	[sflag:s0] =	ssyncset.done $0x0  }
0x3d8: {  	s3 =	simm.s32 $0x8;
	[sflag:s0] =	ssyncadd.s32 $0xFFFFFC00  }
0x3d9: {  	_ =	swait.ge [sflag:s3], $0x400  }
0x3da: {  	s4 =	rddreg [dreg:$0x7]  }
0x3db: {  	s31 =	rddreg [dreg:$0x6];
	s4 =	sadd.s32 $0x1, s4  }
0x3dc: {  	p0 =	sne.s32 s4, s31  }
.Ltmp20:
0x3dd: {  	_ = 	snop;
	(pc) =	sbr.rel @p0 .LBB2_1-.Ltmp20, $3  }
0x3de: {  	_ =	sdelay $0x1  }
0x3df: {  	[sflag:s3] =	ssyncset.done $0x0  }
0x3e0: {  	[sflag:s3] =	ssyncadd.s32 $0xFFFFFC00  }
0x3e1: {  	_ =	sfence.sel $0x180000  }
0x3e2: {  	[bflag:$0x0] =	sbarrier.arrive $0xFFFF  }
0x3e3: {  	_ =	strace $0x90000047  }
0x3e4: {  	s0 =	stileid.u32;
	[bflag:$0x2] =	sbarrier.arrive $0xFFFF  }
0x3e5: {  	p0 =	sne.s32 s0, $0x0;
	s0 =	rddreg [dreg:$0x2]  }
0x3e6: {  	s0 =	sadd.s32 @!p0 $0x100000, s0  }
0x3e7: {  	[sflag:s0] =	ssyncadd.tile.s32 @!p0 $0x1;
	_ =	shalt  }
.Lfunc_end2:
_tile_overlayer_lowered:
.L_overlay_start_2:
0x3e8: {  	(tag) =	ssettag $0x2  }
0x3e9: {  	s0 =	rddreg [dreg:$0x0];
	s2 =	stileid.u32  }
0x3ea: {  	s1 =	rddreg [dreg:$0x1];
	p0 =	sne.s32 s2, $0x0  }
0x3eb: {  	s3 =	rddreg [dreg:$0x2];
	[bflag:$0x3] =	sbarrier.arrive $0xFFFF;
	s2 =	simm.s32 @!p0 $0x1C09  }
0x3ec: {  	[timem:s3], [sflag:s2] =	dma.local @!p0 [hbm:s0], s1  }
0x3ed: {  	s0 =	simm.s32 @!p0 $0x9  }
0x3ee: {  	_ =	swait.ge @!p0 [sflag:s0], s1  }
0x3ef: {  	s1 =	ssub.s32 @!p0 $0x0, s1;
	[sflag:s0] =	ssyncset.done @!p0 $0x0  }
0x3f0: {  	[sflag:s0] =	ssyncadd.s32 @!p0 s1  }
0x3f1: {  	[bflag:$0x3] =	sbarrier.arrive $0xFFFF  }
0x3f2: {  	_ =	shalt  }

// kernel: sparse-core-data-format-call.cloned.1.call-start
scs
called_computation_lowered:
.L_overlay_start_0:
0x0: {  	s1 =	sld [smem:$0x3FD9]  }
0x1: {  	s2 =	sld [smem:$0x3FFE];
	_ =	sdelay $0x1  }
0x2: {  	s3 =	srdreg.scid  }
0x3: {  	s0 =	sand.u32 $0x1, s3  }
0x4: {  	s17 =	sshll.u32 s0, $0xA;
	s1 =	sadd.s32 s2, s1  }
0x5: {  	s1 =	sadd.s32 s1, s17  }
0x6: {  	[smem:$0x3FC2] =	sst s1  }
0x7: {  	_ = 	snop  }
0x8: {  	(tm) =	ssettm $0x1  }
0x9: {  	s18 =	sld [smem:$0x3FFB];
	_ =	sdelay $0x3  }
0xa: {  	_ =	strace s18  }
0xb: {  	s1 =	sld [smem:$0x3FFC];
	_ =	sdelay $0x3  }
0xc: {  	_ =	strace s1  }
0xd: {  	s1 =	sld [smem:$0x3FFD];
	_ =	sdelay $0x3  }
0xe: {  	_ =	strace s1  }
0xf: {  	_ =	strace $0x8FFFFFFF  }
0x10: {  	s19 =	sld [smem:$0x3FDB];
	_ =	sdelay $0x1  }
0x11: {  	s20 =	simm.s32 $_scs_section_size  }
0x12: {  	s4 =	simm.s32 $_size__tile_overlayer_lowered;
	s5 =	simm.s32 $_tile_overlayer_lowered  }
0x13: {  	s23 =	simm.s32 $0x1BFF;
	s22 =	sshll.u32 s5, $0x1;
	s1 =	sadd.s32 s20, s19  }
0x14: {  	s6 =	simm.s32 $0x0;
	s21 =	sshll.u32 s4, $0x1;
	s4 =	sadd.s32 s22, s1  }
0x15: {  	[timem:s6], [sflag:s23] =	dma.local [hbm:s4], s21  }
0x16: {  	_ =	swait.ge [sflag:s23], s21  }
0x17: {  	s2 =	ssub.s32 $0x0, s21;
	[sflag:s23] =	ssyncset.done $0x0  }
0x18: {  	[sflag:s23] =	ssyncadd.s32 s2;
	_ =	sdelay $0x1  }
0x19: {  	s24 =	simm.s32 $0x1B8B  }
0x1a: {  	_ =	swait.ge [sflag:s24], $0x1  }
0x1b: {  	[sflag:s24] =	ssyncset.done $0x0  }
0x1c: {  	s26 =	simm.s32 $0x1B8E;
	s25 =	sld [smem:$0x3FFE];
	[sflag:s24] =	ssyncadd.s32 $0xFFFFFFFF  }
0x1d: {  	s27 =	simm.s32 $execute0_lowered;
	[smem:$0x3FD2] =	sst s26  }
0x1e: {  	s4 =	sshll.u32 s27, $0x1;
	_ =	strace $0x80000049;
	[dreg:$0x1] =	wrdreg $0xFFFFFFFF  }
0x1f: {  	s28 =	simm.s32 $_size_execute0_lowered;
	s1 =	sadd.s32 s1, s4;
	[dreg:$0x0] =	wrdreg $0x0  }
0x20: {  	s4 =	sshll.u32 s28, $0x1;
	[dreg:$0x2] =	wrdreg s1  }
0x21: {  	[dreg:$0x3] =	wrdreg s4  }
0x22: {  	[dreg:$0x4] =	wrdreg $0xC0  }
0x23: {  	_ =	task [dreg:s6], $0x5FFFF  }
0x24: {  	[dreg:$0x1] =	wrdreg $0xFFFFFFFF  }
0x25: {  	[dreg:$0x0] =	wrdreg $0x60  }
0x26: {  	[dreg:$0x2] =	wrdreg s25  }
0x27: {  	[dreg:$0x3] =	wrdreg $0x9  }
0x28: {  	_ =	task.clear_ibuf [dreg:s6], $0x4FFFF;
	_ =	strace $0x90000049  }
0x29: {  	s29 =	simm.s32 $0x9;
	_ =	strace $0x8000004B  }
0x2a: {  	_ =	swait.ge [sflag:s29], $0x1  }
0x2b: {  	[sflag:s29] =	ssyncadd.s32 $0xFFFFFFFF  }
0x2c: {  	_ =	strace $0x9000004B  }
0x2d: {  	_ =	sfence  }
0x2e: {  	s30 =	sld [smem:$0x0];
	_ =	sdelay $0x2  }
0x2f: {  	s31 =	sshll.u32 s3, $0xD;
	s3 =	sshrl.u32 s3, $0x2  }
0x30: {  	s2 =	sand.u32 $0x4000, s31;
	s1 =	sadd.s32 s3, s30  }
0x31: {  	s0 =	sor.u32 s2, s0;
	s1 =	sshll.u32 s1, $0x11  }
0x32: {  	s0 =	sor.u32 s1, s0  }
0x33: {  	s0 =	sadd.s32 $0x8F2B, s0  }
0x34: {  	[sflag:s0] =	ssyncadd.remote.s32 $0x1  }
0x35: {  	_ =	sfence.sel $0xFFFF  }
0x36: {  	[dreg:$0x0] =	wrdreg $0xFFFFFFFF;
	(pc) =	sbr.abs _section_cstart, $3  }
0x37: {  	[dreg:$0x1] =	wrdreg $0xFFFFFFFF  }
0x38: {  	_ =	task.clear_ibuf [dreg:s6], $0x2FFFF;
	_ =	strace $0x9FFFFFFF  }
0x39: {  	(tm) =	ssettm $0x7FFFFFFF  }
tec
execute0_lowered:
.L_overlay_start_1:
0x0: {  	(tag) =	ssettag $0x1  }
0x1: {  	s1 =	rddreg [dreg:$0x0]  }
0x2: {  	s0 =	rddreg [dreg:$0x1]  }
0x3: {  	_ =	strace $0x8000004A;
	s4 =	srdreg.scid;
	s6 =	simm.s32 $0x2  }
0x4: {  	s12 =	simm.s32 $0x0;
	p0 =	por $0x0, $0x0;
	s13 =	simm.s32 $0x0  }
0x5: {  	s15 =	simm.s32 $0x0;
	s14 =	simm.s32 $0x0;
	s8 =	simm.s32 $0x0  }
.Ltmp0:
0x6: {  	s9 =	simm.s32 $0x0;
	s10 =	simm.s32 $0x0;
	(pc) =	sbr.rel .LBB1_1-.Ltmp0, $4  }
0x7: {  	s2 =	sadd.s32 $0x81200, s1;
	s3 =	sadd.s32 $0x181200, s1;
	s5 =	sshll.u32 s4, $0x4  }
0x8: {  	s1 =	stileid.u32;
	s4 =	simm.s32 $0x1;
	s5 =	sand.u32 $0x10, s5  }
0x9: {  	s7 =	simm.s32 $0x0;
	[sflag:s4] =	ssyncpa.u1 $0x0;
	s5 =	sor.u32 s1, s5  }
0xa: {  	[sflag:s6] =	ssyncpa.u1 $0x0;
	s6 =	simm.s32 $0x2000;
	s11 =	smov.u32 s5  }
.LBB1_7:
0xb: {  	s16 =	sadd.s32 $0x200, s8  }
0xc: {  	s12 =	sadd.s32 $0x4, s9;
	s17 =	smov.u32 s9;
	p2 =	sgt.s32 s16, $0x3FF  }
0xd: {  	s17 =	smov.u32 @p2 s12  }
0xe: {  	s18 =	smov.u32 s10;
	s12 =	sadd.s32 $0x8, s10;
	p3 =	sgt.s32 s17, $0x3  }
0xf: {  	s18 =	smov.u32 @p3 s12  }
0x10: {  	s19 =	smov.u32 s11;
	s12 =	sadd.s32 $0x20, s11;
	p4 =	sgt.s32 s18, $0x7  }
0x11: {  	p1 =	slt.u32 s7, $0x2;
	s19 =	smov.u32 @p4 s12  }
0x12: {  	s7 =	sadd.s32 $0x1, s7;
	s16 =	simm.s32 @p2 $0x0;
	p2 =	sgt.s32 s19, $0xFF  }
0x13: {  	s20 =	simm.s32 @!p1 $0x2;
	s19 =	smov.u32 @p2 s5;
	p2 =	sne.s32 s7, $0x12  }
.Ltmp1:
0x14: {  	s13 =	smov.u32 s9;
	_ =	swait.ge @!p1 [sflag:s20], $0x4000;
	(pc) =	sbr.rel @!p2 .LBB1_8-.Ltmp1, $4  }
0x15: {  	s15 =	smov.u32 s10;
	s14 =	smov.u32 s11;
	[sflag:s20] =	ssyncset.done @!p1 $0x0  }
0x16: {  	p0 =	por !p0, !p0;
	s17 =	simm.s32 @p3 $0x0;
	[sflag:s20] =	ssyncadd.s32 @!p1 $0xFFFFC000  }
0x17: {  	s9 =	smov.u32 s17;
	s18 =	simm.s32 @p4 $0x0;
	s12 =	smov.u32 s8  }
0x18: {  	s8 =	smov.u32 s16;
	s10 =	smov.u32 s18;
	s11 =	smov.u32 s19  }
.LBB1_1:
0x19: {  	p1 =	sgt.u32 s7, $0xF  }
0x1a: {  	s16 =	sxor.u32 @!p1 $0xFFFFFFFF, s7;
	s17 =	sshll.u32 @!p1 s9, $0x7  }
0x1b: {  	s18 =	sand.u32 @!p1 $0x78, s8;
	s19 =	sshll.u32 @!p1 s8, $0x2;
	s20 =	sshrl.u32 @!p1 s8, $0x1  }
0x1c: {  	s17 =	sand.u32 @!p1 $0x180, s17;
	s16 =	sshll.u32 @!p1 s16, $0xE;
	s19 =	sand.u32 @!p1 $0x200, s19  }
0x1d: {  	s20 =	sand.u32 @!p1 $0x180, s20;
	s17 =	sor.u32 @!p1 s17, s18;
	s18 =	sshll.u32 @!p1 s11, $0xC  }
0x1e: {  	s17 =	sor.u32 @!p1 s19, s17;
	s19 =	sshll.u32 @!p1 s10, $0x9;
	s18 =	sadd.s32 @!p1 s2, s18  }
0x1f: {  	s16 =	sand.u32 @!p1 $0x4000, s16;
	s18 =	sadd.s32 @!p1 s19, s18;
	s19 =	sand.u32 @!p1 $0x7, s8  }
0x20: {  	s17 =	sshrl.u32 @!p1 s17, $0x3;
	s18 =	sadd.s32 @!p1 s20, s18;
	s19 =	sshll.u32 @!p1 s19, $0x12  }
0x21: {  	s17 =	sadd.s32 @!p1 s17, s18;
	s18 =	sor.u32 @!p1 $0x800, s19;
	s19 =	simm.s32 @!p1 $0x1000  }
0x22: {  	[tilespmem:s16], [sflag:$0x1] =	stream.strided.gather @!p1 [hbm4b:s17+s18], $0x4000, s19, s18, $0x38;
	[tilespmem:$0x10000] =	vst v63  }
0x23: {  	p1 =	seq.s32 s7, $0x0  }
0x24: {  	p2 =	seq.s32 @!p1 s7, $0x11  }
0x25: {  	p1 =	por p1, p2  }
.Ltmp2:
0x26: {  	_ = 	snop;
	(pc) =	sbr.rel @p1 .LBB1_7-.Ltmp2, $1  }
0x27: {  	_ =	sdelay $0x3  }
0x28: {  	s16 =	simm.s32 $0x1  }
0x29: {  	_ =	swait.ge [sflag:s4], $0x4000;
	s31 =	sshll.u32 s7, $0xE;
	s16 =	simm.s32 @!p0 $0x0  }
0x2a: {  	s20 =	simm.s32 $0x0;
	s21 =	simm.s32 $0x0;
	s16 =	sshll.u32 s16, $0x10  }
0x2b: {  	s22 =	simm.s32 $0x0;
	[sflag:s4] =	ssyncset.done $0x0;
	s19 =	sshrl.u32 s16, $0x2  }
0x2c: {  	[sflag:s4] =	ssyncadd.s32 $0xFFFFC000;
	s16 =	sand.u32 $0x4000, s31;
	s17 =	sor.u32 $0x400, s19  }
0x2d: {  	s18 =	sor.u32 $0x8000, s19;
	s16 =	sor.u32 $0x8000, s16;
	s19 =	sadd.s32 $0x8C00, s19  }
.LBB1_3:
0x2e: {  	v0 =	vmov s18;
	v1 =	vld [tilespmem:s17+$0x270]  }
0x2f: {  	v2 =	vld [tilespmem:s17+$0xFFFFFC10]  }
0x30: {  	v3 =	vld [tilespmem:s17+$0xFFFFFC20]  }
0x31: {  	s23 =	sshll.u32 s21, $0x2;
	s24 =	sand.u32 $0x3, s20;
	v4 =	vld [tilespmem:s17+$0xFFFFFC30]  }
0x32: {  	v5 =	vld [tilespmem:s17+$0xFFFFFC40];
	s25 =	sand.u32 $0xFFFFF800, s23;
	s24 =	sshll.u32 s24, $0x9;
	s23 =	simm.s32 $0x0  }
0x33: {  	v6 =	vld [tilespmem:s17+$0xFFFFFC50];
	s24 =	sor.u32 s24, s25;
	[tilespmem:v0+s23+$0xC70 ss:$0x1] =	vst.idx.msk $0xffff, v1  }
0x34: {  	v7 =	vld [tilespmem:s17+$0x220];
	s24 =	sshrl.u32 s24, $0x2;
	[tilespmem:v0+s23+$0x10 ss:$0x1] =	vst.idx.msk $0xffff, v2  }
0x35: {  	v8 =	vld [tilespmem:s17+$0x230];
	s24 =	sadd.s32 s24, s19;
	[tilespmem:v0+s23+$0x20 ss:$0x1] =	vst.idx.msk $0xffff, v3  }
0x36: {  	v1 =	vmov s24;
	[tilespmem:v0+s23+$0x30 ss:$0x1] =	vst.idx.msk $0xffff, v4;
	v4 =	vld [tilespmem:s17+$0xFFFFFE00]  }
0x37: {  	[tilespmem:v0+s23+$0x40 ss:$0x1] =	vst.idx.msk $0xffff, v5;
	v5 =	vld [tilespmem:s17+$0xFFFFFE10]  }
0x38: {  	[tilespmem:v0+s23+$0x50 ss:$0x1] =	vst.idx.msk $0xffff, v6;
	v6 =	vld [tilespmem:s17+$0xFFFFFE20]  }
0x39: {  	v2 =	vld [tilespmem:s17+$0xFFFFFC60];
	[tilespmem:v0+s23+$0xC20 ss:$0x1] =	vst.idx.msk $0xffff, v7  }
0x3a: {  	v3 =	vld [tilespmem:s17+$0xFFFFFC70];
	[tilespmem:v0+s23+$0xC30 ss:$0x1] =	vst.idx.msk $0xffff, v8  }
0x3b: {  	[tilespmem:v1+s23+$0xFFFFF800 ss:$0x1] =	vst.idx.msk $0xffff, v4;
	v4 =	vld [tilespmem:s17+$0xFFFFFE50]  }
0x3c: {  	[tilespmem:v0+s23+$0x410 ss:$0x1] =	vst.idx.msk $0xffff, v5;
	v5 =	vld [tilespmem:s17+$0xFFFFFE60]  }
0x3d: {  	[tilespmem:v0+s23+$0x420 ss:$0x1] =	vst.idx.msk $0xffff, v6;
	v6 =	vld [tilespmem:s17+$0xFFFFFE70]  }
0x3e: {  	[tilespmem:v0+s23+$0x60 ss:$0x1] =	vst.idx.msk $0xffff, v2;
	v2 =	vld [tilespmem:s17+$0xFFFFFE30]  }
0x3f: {  	[tilespmem:v0+s23+$0x70 ss:$0x1] =	vst.idx.msk $0xffff, v3;
	v3 =	vld [tilespmem:s17+$0xFFFFFE40]  }
0x40: {  	[tilespmem:v0+s23+$0x450 ss:$0x1] =	vst.idx.msk $0xffff, v4;
	v4 =	vld [tilespmem:s17+$0x20]  }
0x41: {  	[tilespmem:v0+s23+$0x460 ss:$0x1] =	vst.idx.msk $0xffff, v5;
	v5 =	vld [tilespmem:s17+$0x30]  }
0x42: {  	[tilespmem:v0+s23+$0x470 ss:$0x1] =	vst.idx.msk $0xffff, v6;
	v6 =	vld [tilespmem:s17+$0x40]  }
0x43: {  	[tilespmem:v0+s23+$0x430 ss:$0x1] =	vst.idx.msk $0xffff, v2;
	v2 =	vld [tilespmem:s17+$0x0]  }
0x44: {  	[tilespmem:v0+s23+$0x440 ss:$0x1] =	vst.idx.msk $0xffff, v3;
	v3 =	vld [tilespmem:s17+$0x10]  }
0x45: {  	[tilespmem:v0+s23+$0x820 ss:$0x1] =	vst.idx.msk $0xffff, v4;
	v4 =	vld [tilespmem:s17+$0x70]  }
0x46: {  	[tilespmem:v0+s23+$0x830 ss:$0x1] =	vst.idx.msk $0xffff, v5;
	v5 =	vld [tilespmem:s17+$0x200]  }
0x47: {  	[tilespmem:v0+s23+$0x840 ss:$0x1] =	vst.idx.msk $0xffff, v6;
	v6 =	vld [tilespmem:s17+$0x210]  }
0x48: {  	[tilespmem:v1+s23+$0xFFFFFC00 ss:$0x1] =	vst.idx.msk $0xffff, v2;
	v2 =	vld [tilespmem:s17+$0x50]  }
0x49: {  	[tilespmem:v0+s23+$0x810 ss:$0x1] =	vst.idx.msk $0xffff, v3;
	v3 =	vld [tilespmem:s17+$0x60]  }
0x4a: {  	[tilespmem:v0+s23+$0x870 ss:$0x1] =	vst.idx.msk $0xffff, v4;
	v4 =	vld [tilespmem:s17+$0x240]  }
0x4b: {  	[tilespmem:v1+s23+$0x0 ss:$0x1] =	vst.idx.msk $0xffff, v5;
	v5 =	vld [tilespmem:s17+$0x250]  }
0x4c: {  	[tilespmem:v0+s23+$0xC10 ss:$0x1] =	vst.idx.msk $0xffff, v6;
	v6 =	vld [tilespmem:s17+$0x260]  }
0x4d: {  	s24 =	sadd.s32 $0x80, s17;
	[tilespmem:v0+s23+$0x850 ss:$0x1] =	vst.idx.msk $0xffff, v2;
	v2 =	vld [tilespmem:s17+$0xFFFFFC00]  }
0x4e: {  	s26 =	simm.s32 $0x8000;
	s25 =	simm.s32 $0x4000;
	[tilespmem:v0+s23+$0x860 ss:$0x1] =	vst.idx.msk $0xffff, v3;
	v3 =	vld [tilespmem:s24+$0x270]  }
.LBB1_4:
0x4f: {  	p1 =	sne.s32 s26, $0xC000;
	v7 =	vld [tilespmem:s24+$0xFFFFFC10];
	[tilespmem:v0+s23+$0xC40 ss:$0x1] =	vst.idx.msk $0xffff, v4  }
0x50: {  	v4 =	vld [tilespmem:s24+$0xFFFFFC20];
	[tilespmem:v0+s23+$0xC50 ss:$0x1] =	vst.idx.msk $0xffff, v5  }
0x51: {  	v5 =	vld [tilespmem:s24+$0xFFFFFC30];
	[tilespmem:v0+s23+$0xC60 ss:$0x1] =	vst.idx.msk $0xffff, v6  }
0x52: {  	v6 =	vld [tilespmem:s24+$0xFFFFFC40];
	[tilespmem:v0+s23+$0x0 ss:$0x1] =	vst.idx.msk $0xffff, v2;
	s23 =	sshra.s32 s25, $0x2;
	s25 =	smov.u32 s26  }
0x53: {  	v2 =	vld [tilespmem:s24+$0xFFFFFC50];
	[tilespmem:v0+s23+$0xC70 ss:$0x1] =	vst.idx.msk $0xffff, v3  }
0x54: {  	[tilespmem:v0+s23+$0x10 ss:$0x1] =	vst.idx.msk $0xffff, v7;
	v3 =	vld [tilespmem:s24+$0xFFFFFC60]  }
0x55: {  	[tilespmem:v0+s23+$0x20 ss:$0x1] =	vst.idx.msk $0xffff, v4;
	v4 =	vld [tilespmem:s24+$0xFFFFFC70]  }
0x56: {  	[tilespmem:v0+s23+$0x30 ss:$0x1] =	vst.idx.msk $0xffff, v5;
	v5 =	vld [tilespmem:s24+$0xFFFFFE00]  }
0x57: {  	[tilespmem:v0+s23+$0x40 ss:$0x1] =	vst.idx.msk $0xffff, v6;
	v6 =	vld [tilespmem:s24+$0xFFFFFE10]  }
0x58: {  	[tilespmem:v0+s23+$0x50 ss:$0x1] =	vst.idx.msk $0xffff, v2;
	v2 =	vld [tilespmem:s24+$0xFFFFFE20]  }
0x59: {  	[tilespmem:v0+s23+$0x60 ss:$0x1] =	vst.idx.msk $0xffff, v3;
	v3 =	vld [tilespmem:s24+$0xFFFFFE30]  }
0x5a: {  	[tilespmem:v0+s23+$0x70 ss:$0x1] =	vst.idx.msk $0xffff, v4;
	v4 =	vld [tilespmem:s24+$0xFFFFFE40]  }
0x5b: {  	[tilespmem:v1+s23+$0xFFFFF800 ss:$0x1] =	vst.idx.msk $0xffff, v5;
	v5 =	vld [tilespmem:s24+$0xFFFFFE50]  }
0x5c: {  	[tilespmem:v0+s23+$0x410 ss:$0x1] =	vst.idx.msk $0xffff, v6;
	v6 =	vld [tilespmem:s24+$0xFFFFFE60]  }
0x5d: {  	[tilespmem:v0+s23+$0x420 ss:$0x1] =	vst.idx.msk $0xffff, v2;
	v2 =	vld [tilespmem:s24+$0xFFFFFE70]  }
0x5e: {  	[tilespmem:v0+s23+$0x430 ss:$0x1] =	vst.idx.msk $0xffff, v3;
	v3 =	vld [tilespmem:s24+$0x0]  }
0x5f: {  	[tilespmem:v0+s23+$0x440 ss:$0x1] =	vst.idx.msk $0xffff, v4;
	v4 =	vld [tilespmem:s24+$0x10]  }
0x60: {  	[tilespmem:v0+s23+$0x450 ss:$0x1] =	vst.idx.msk $0xffff, v5;
	v5 =	vld [tilespmem:s24+$0x20]  }
0x61: {  	[tilespmem:v0+s23+$0x460 ss:$0x1] =	vst.idx.msk $0xffff, v6;
	v6 =	vld [tilespmem:s24+$0x30]  }
0x62: {  	[tilespmem:v0+s23+$0x470 ss:$0x1] =	vst.idx.msk $0xffff, v2;
	v2 =	vld [tilespmem:s24+$0x40]  }
0x63: {  	[tilespmem:v1+s23+$0xFFFFFC00 ss:$0x1] =	vst.idx.msk $0xffff, v3;
	v3 =	vld [tilespmem:s24+$0x50]  }
0x64: {  	[tilespmem:v0+s23+$0x810 ss:$0x1] =	vst.idx.msk $0xffff, v4;
	v4 =	vld [tilespmem:s24+$0x60]  }
0x65: {  	[tilespmem:v0+s23+$0x820 ss:$0x1] =	vst.idx.msk $0xffff, v5;
	v5 =	vld [tilespmem:s24+$0x70]  }
0x66: {  	[tilespmem:v0+s23+$0x830 ss:$0x1] =	vst.idx.msk $0xffff, v6;
	v6 =	vld [tilespmem:s24+$0x200]  }
0x67: {  	[tilespmem:v0+s23+$0x840 ss:$0x1] =	vst.idx.msk $0xffff, v2;
	v2 =	vld [tilespmem:s24+$0x210]  }
0x68: {  	[tilespmem:v0+s23+$0x850 ss:$0x1] =	vst.idx.msk $0xffff, v3;
	v3 =	vld [tilespmem:s24+$0x220]  }
0x69: {  	[tilespmem:v0+s23+$0x860 ss:$0x1] =	vst.idx.msk $0xffff, v4;
	v7 =	vld [tilespmem:s24+$0x230]  }
.Ltmp3:
0x6a: {  	[tilespmem:v0+s23+$0x870 ss:$0x1] =	vst.idx.msk $0xffff, v5;
	v4 =	vld [tilespmem:s24+$0x240];
	(pc) =	sbr.rel @p1 .LBB1_4-.Ltmp3, $4  }
0x6b: {  	[tilespmem:v1+s23+$0x0 ss:$0x1] =	vst.idx.msk $0xffff, v6;
	v5 =	vld [tilespmem:s24+$0x250]  }
0x6c: {  	[tilespmem:v0+s23+$0xC10 ss:$0x1] =	vst.idx.msk $0xffff, v2;
	v6 =	vld [tilespmem:s24+$0x260]  }
0x6d: {  	v2 =	vld [tilespmem:s24+$0xFFFFFC00];
	[tilespmem:v0+s23+$0xC20 ss:$0x1] =	vst.idx.msk $0xffff, v3;
	s24 =	sadd.s32 $0x80, s24  }
0x6e: {  	s26 =	sadd.s32 $0x4000, s26;
	v3 =	vld [tilespmem:s24+$0x270];
	[tilespmem:v0+s23+$0xC30 ss:$0x1] =	vst.idx.msk $0xffff, v7  }
0x6f: {  	_ =	sdelay $0x3  }
0x70: {  	v7 =	vld [tilespmem:s24+$0xFFFFFC10];
	[tilespmem:v0+s23+$0xC40 ss:$0x1] =	vst.idx.msk $0xffff, v4  }
0x71: {  	v34 =	vld [tilespmem:s24+$0xFFFFFC20];
	[tilespmem:v0+s23+$0xC50 ss:$0x1] =	vst.idx.msk $0xffff, v5  }
0x72: {  	v35 =	vld [tilespmem:s24+$0xFFFFFC30];
	[tilespmem:v0+s23+$0xC60 ss:$0x1] =	vst.idx.msk $0xffff, v6  }
0x73: {  	s25 =	sshra.s32 s25, $0x2;
	v36 =	vld [tilespmem:s24+$0xFFFFFC40];
	[tilespmem:v0+s23+$0x0 ss:$0x1] =	vst.idx.msk $0xffff, v2  }
0x74: {  	v37 =	vld [tilespmem:s24+$0xFFFFFC50];
	[tilespmem:v0+s25+$0xC70 ss:$0x1] =	vst.idx.msk $0xffff, v3  }
0x75: {  	v38 =	vld [tilespmem:s24+$0xFFFFFC60];
	[tilespmem:v0+s25+$0x10 ss:$0x1] =	vst.idx.msk $0xffff, v7  }
0x76: {  	v39 =	vld [tilespmem:s24+$0xFFFFFC70];
	[tilespmem:v0+s25+$0x20 ss:$0x1] =	vst.idx.msk $0xffff, v34  }
0x77: {  	v40 =	vld [tilespmem:s24+$0xFFFFFE00];
	[tilespmem:v0+s25+$0x30 ss:$0x1] =	vst.idx.msk $0xffff, v35  }
0x78: {  	v41 =	vld [tilespmem:s24+$0xFFFFFE10];
	[tilespmem:v0+s25+$0x40 ss:$0x1] =	vst.idx.msk $0xffff, v36  }
0x79: {  	v42 =	vld [tilespmem:s24+$0xFFFFFE20];
	[tilespmem:v0+s25+$0x50 ss:$0x1] =	vst.idx.msk $0xffff, v37  }
0x7a: {  	v43 =	vld [tilespmem:s24+$0xFFFFFE30];
	[tilespmem:v0+s25+$0x60 ss:$0x1] =	vst.idx.msk $0xffff, v38  }
0x7b: {  	v44 =	vld [tilespmem:s24+$0xFFFFFE40];
	[tilespmem:v0+s25+$0x70 ss:$0x1] =	vst.idx.msk $0xffff, v39  }
0x7c: {  	v45 =	vld [tilespmem:s24+$0xFFFFFE50];
	[tilespmem:v1+s25+$0xFFFFF800 ss:$0x1] =	vst.idx.msk $0xffff, v40  }
0x7d: {  	v46 =	vld [tilespmem:s24+$0xFFFFFE60];
	[tilespmem:v0+s25+$0x410 ss:$0x1] =	vst.idx.msk $0xffff, v41  }
0x7e: {  	v47 =	vld [tilespmem:s24+$0xFFFFFE70];
	[tilespmem:v0+s25+$0x420 ss:$0x1] =	vst.idx.msk $0xffff, v42  }
0x7f: {  	v48 =	vld [tilespmem:s24+$0x0];
	[tilespmem:v0+s25+$0x430 ss:$0x1] =	vst.idx.msk $0xffff, v43  }
0x80: {  	v49 =	vld [tilespmem:s24+$0x10];
	[tilespmem:v0+s25+$0x440 ss:$0x1] =	vst.idx.msk $0xffff, v44  }
0x81: {  	v50 =	vld [tilespmem:s24+$0x20];
	[tilespmem:v0+s25+$0x450 ss:$0x1] =	vst.idx.msk $0xffff, v45  }
0x82: {  	v51 =	vld [tilespmem:s24+$0x30];
	[tilespmem:v0+s25+$0x460 ss:$0x1] =	vst.idx.msk $0xffff, v46  }
0x83: {  	v52 =	vld [tilespmem:s24+$0x40];
	[tilespmem:v0+s25+$0x470 ss:$0x1] =	vst.idx.msk $0xffff, v47  }
0x84: {  	v53 =	vld [tilespmem:s24+$0x50];
	[tilespmem:v1+s25+$0xFFFFFC00 ss:$0x1] =	vst.idx.msk $0xffff, v48  }
0x85: {  	v54 =	vld [tilespmem:s24+$0x60];
	[tilespmem:v0+s25+$0x810 ss:$0x1] =	vst.idx.msk $0xffff, v49  }
0x86: {  	v55 =	vld [tilespmem:s24+$0x70];
	[tilespmem:v0+s25+$0x820 ss:$0x1] =	vst.idx.msk $0xffff, v50  }
0x87: {  	v56 =	vld [tilespmem:s24+$0x200];
	[tilespmem:v0+s25+$0x830 ss:$0x1] =	vst.idx.msk $0xffff, v51  }
0x88: {  	v57 =	vld [tilespmem:s24+$0x210];
	[tilespmem:v0+s25+$0x840 ss:$0x1] =	vst.idx.msk $0xffff, v52  }
0x89: {  	v58 =	vld [tilespmem:s24+$0x220];
	[tilespmem:v0+s25+$0x850 ss:$0x1] =	vst.idx.msk $0xffff, v53  }
0x8a: {  	v59 =	vld [tilespmem:s24+$0x230];
	[tilespmem:v0+s25+$0x860 ss:$0x1] =	vst.idx.msk $0xffff, v54  }
0x8b: {  	v60 =	vld [tilespmem:s24+$0x240];
	[tilespmem:v0+s25+$0x870 ss:$0x1] =	vst.idx.msk $0xffff, v55  }
0x8c: {  	v61 =	vld [tilespmem:s24+$0x250];
	[tilespmem:v1+s25+$0x0 ss:$0x1] =	vst.idx.msk $0xffff, v56  }
0x8d: {  	v62 =	vld [tilespmem:s24+$0x260];
	s22 =	sadd.s32 $0x1, s22;
	[tilespmem:v0+s25+$0xC10 ss:$0x1] =	vst.idx.msk $0xffff, v57  }
0x8e: {  	v63 =	vld [tilespmem:s24+$0xFFFFFC00];
	p1 =	sne.s32 s22, $0x8;
	[tilespmem:v0+s25+$0xC20 ss:$0x1] =	vst.idx.msk $0xffff, v58  }
.Ltmp4:
0x8f: {  	[tilespmem:v0+s25+$0xC30 ss:$0x1] =	vst.idx.msk $0xffff, v59;
	(pc) =	sbr.rel @p1 .LBB1_3-.Ltmp4, $4  }
0x90: {  	[tilespmem:v0+s25+$0xC40 ss:$0x1] =	vst.idx.msk $0xffff, v60  }
0x91: {  	[tilespmem:v0+s25+$0xC50 ss:$0x1] =	vst.idx.msk $0xffff, v61  }
0x92: {  	s17 =	sadd.s32 $0x800, s17;
	[tilespmem:v0+s25+$0xC60 ss:$0x1] =	vst.idx.msk $0xffff, v62  }
0x93: {  	s21 =	sadd.s32 $0x80, s21;
	s20 =	sadd.s32 $0x1, s20;
	s18 =	sadd.s32 $0x80, s18;
	[tilespmem:v0+s25+$0x0 ss:$0x1] =	vst.idx.msk $0xffff, v63  }
0x94: {  	s15 =	sshll.u32 s15, $0x7;
	s17 =	sand.u32 $0x78, s12  }
0x95: {  	s14 =	sshll.u32 s14, $0xC;
	s13 =	sshll.u32 s13, $0xA;
	s29 =	sand.u32 $0x380, s12  }
.Ltmp5:
0x96: {  	s15 =	sand.u32 $0x380, s15;
	s14 =	sadd.s32 s3, s14;
	(pc) =	sbr.rel .LBB1_7-.Ltmp5, $4  }
0x97: {  	s30 =	sand.u32 $0x7, s12;
	s15 =	sor.u32 s15, s17;
	s13 =	sadd.s32 s13, s14  }
0x98: {  	s12 =	sshll.u32 s30, $0x12;
	s31 =	sshrl.u32 s15, $0x3;
	s13 =	sadd.s32 s29, s13  }
0x99: {  	s12 =	sor.u32 $0x1000, s12;
	s13 =	sadd.s32 s31, s13  }
0x9a: {  	[hbm4b:s13+s12] =	stream.strided.scatter [tilespmem:s16], [sflag:$0x2], $0x4000, s6, s12, $0x38;
	[tilespmem:$0x10000] =	vst v63  }
.LBB1_8:
0x9b: {  	_ =	sfence.sel $0x180000  }
0x9c: {  	s2 =	simm.s32 $0x1;
	[bflag:$0x0] =	sbarrier.arrive $0xFFFF  }
0x9d: {  	s31 =	simm.s32 $0x2;
	[sflag:s2] =	ssyncpa.u1 $0x1  }
0x9e: {  	[sflag:s31] =	ssyncpa.u1 $0x1  }
0x9f: {  	p0 =	sne.s32 s1, $0x0;
	_ =	strace $0x9000004A  }
0xa0: {  	s0 =	sadd.s32 @!p0 $0x100000, s0;
	[bflag:$0x2] =	sbarrier.arrive $0xFFFF  }
0xa1: {  	[sflag:s0] =	ssyncadd.tile.s32 @!p0 $0x1;
	_ =	shalt  }
.Lfunc_end1:
_tile_overlayer_lowered:
.L_overlay_start_2:
0xa2: {  	(tag) =	ssettag $0x2  }
0xa3: {  	s0 =	rddreg [dreg:$0x0];
	s2 =	stileid.u32  }
0xa4: {  	s1 =	rddreg [dreg:$0x1];
	p0 =	sne.s32 s2, $0x0  }
0xa5: {  	s3 =	rddreg [dreg:$0x2];
	[bflag:$0x3] =	sbarrier.arrive $0xFFFF;
	s2 =	simm.s32 @!p0 $0x1C01  }
0xa6: {  	[timem:s3], [sflag:s2] =	dma.local @!p0 [hbm:s0], s1  }
0xa7: {  	s0 =	simm.s32 @!p0 $0x1  }
0xa8: {  	_ =	swait.ge @!p0 [sflag:s0], s1  }
0xa9: {  	s1 =	ssub.s32 @!p0 $0x0, s1;
	[sflag:s0] =	ssyncset.done @!p0 $0x0  }
0xaa: {  	[sflag:s0] =	ssyncadd.s32 @!p0 s1  }
0xab: {  	[bflag:$0x3] =	sbarrier.arrive $0xFFFF  }
0xac: {  	_ =	shalt  }

</sc_bundles>
